<compile_context>
chip_gen: v7x
topology: tpu7x:2x2x1
jax: 0.10.2.dev20260603
libtpu: 0.0.44.dev20260713+nightly
codegen_flags: <defaults>
</compile_context>

<pallas_src>
import functools

import jax
import jax.numpy as jnp
from jax import lax
from jax.experimental import pallas as pl
from jax.experimental.pallas import tpu as pltpu
from jax.experimental.pallas import tpu_sc as plsc

N_NODES = 10000
N_EDGES = 320000
NG = 16
D = 128
NC, NS, L = 2, 16, 16
NW = NC * NS
EPW = N_EDGES // NW
CH = 80
NCHE = EPW // CH
NPAD = 10240

_f32 = jnp.float32



def _cnn_pool_body(p_ref, wf_ref, bc_ref, out_ref):
    y = jnp.dot(p_ref[...], wf_ref[...], preferred_element_type=_f32)
    y = jnp.maximum(y + bc_ref[...], 0.0)
    s = jnp.sum(y, axis=0) * (1.0 / 12544.0)
    out_ref[...] = s.reshape(1, 1, 16)


def _cnn_pool(patches, wf, bc):
    return pl.pallas_call(
        _cnn_pool_body,
        grid=(NG,),
        in_specs=[
            pl.BlockSpec((12544, 32), lambda g: (g, 0)),
            pl.BlockSpec((32, 16), lambda g: (0, 0)),
            pl.BlockSpec((1, 16), lambda g: (0, 0)),
        ],
        out_specs=pl.BlockSpec((1, 1, 16), lambda g: (g, 0, 0)),
        out_shape=jax.ShapeDtypeStruct((NG, 1, 16), _f32),
    )(patches, wf, bc)


def _prep0_body(pool_ref, wfc_ref, bfc_ref, et_ref, nt_ref, ae_ref, ag_ref,
                vg_ref, as_ref, ad_ref, be_ref, g0_ref, tc_ref, tns_ref,
                tnd_ref, tgv_ref):
    g0 = jnp.dot(pool_ref[...], wfc_ref[...], preferred_element_type=_f32) + bfc_ref[...]
    g0_ref[...] = g0
    te = jnp.dot(et_ref[...], ae_ref[...], preferred_element_type=_f32)
    tg = jnp.dot(g0, ag_ref[...], preferred_element_type=_f32)
    tc = te[:, None, :] + tg[None, :, :]
    tc_ref[...] = tc.reshape(256, D) + be_ref[...]
    tns_ref[...] = jnp.dot(nt_ref[...], as_ref[...], preferred_element_type=_f32)
    tnd_ref[...] = jnp.dot(nt_ref[...], ad_ref[...], preferred_element_type=_f32)
    tgv_ref[...] = jnp.dot(g0, vg_ref[...], preferred_element_type=_f32)


def _prep0(pooled, wfc, bfc, et, nt, ae, ag, vg, a_s, a_d, be):
    return pl.pallas_call(
        _prep0_body,
        out_shape=(
            jax.ShapeDtypeStruct((NG, D), _f32),
            jax.ShapeDtypeStruct((256, D), _f32),
            jax.ShapeDtypeStruct((32, D), _f32),
            jax.ShapeDtypeStruct((32, D), _f32),
            jax.ShapeDtypeStruct((NG, D), _f32),
        ),
    )(pooled, wfc, bfc, et, nt, ae, ag, vg, a_s, a_d, be)


def _gprep_body(g_ref, ag_ref, vg_ref, tge_ref, tgv_ref):
    tge_ref[...] = jnp.dot(g_ref[...], ag_ref[...], preferred_element_type=_f32)
    tgv_ref[...] = jnp.dot(g_ref[...], vg_ref[...], preferred_element_type=_f32)


def _gprep(g, ag, vg):
    return pl.pallas_call(
        _gprep_body,
        out_shape=(jax.ShapeDtypeStruct((NG, D), _f32),
                   jax.ShapeDtypeStruct((NG, D), _f32)),
    )(g, ag, vg)


def _ea_body(e_ref, gie_ref, w_ref, b_ref, out_ref):
    gv = gie_ref[0, 0, :]
    oh = (gv[:, None] == lax.broadcasted_iota(jnp.int32, (1000, NG), 1)).astype(_f32)
    x = jnp.concatenate([e_ref[...], oh], axis=1)
    out_ref[...] = jnp.dot(x, w_ref[...], preferred_element_type=_f32) + b_ref[...]


def _ea(e_prev, gie3, wcat, be):
    return pl.pallas_call(
        _ea_body,
        grid=(N_EDGES // 1000,),
        in_specs=[
            pl.BlockSpec((1000, D), lambda i: (i, 0)),
            pl.BlockSpec((1, 1, 1000), lambda i: (i, 0, 0)),
            pl.BlockSpec((D + NG, D), lambda i: (0, 0)),
            pl.BlockSpec((1, D), lambda i: (0, 0)),
        ],
        out_specs=pl.BlockSpec((1000, D), lambda i: (i, 0)),
        out_shape=jax.ShapeDtypeStruct((N_EDGES, D), _f32),
    )(e_prev, gie3, wcat, be)


def _nprep_body(n_ref, as_ref, ad_ref, ps_ref, pd_ref):
    ps_ref[...] = jnp.dot(n_ref[...], as_ref[...], preferred_element_type=_f32)
    pd_ref[...] = jnp.dot(n_ref[...], ad_ref[...], preferred_element_type=_f32)


def _nprep(n, a_s, a_d):
    return pl.pallas_call(
        _nprep_body,
        grid=(N_NODES // 1000,),
        in_specs=[
            pl.BlockSpec((1000, D), lambda i: (i, 0)),
            pl.BlockSpec((D, D), lambda i: (0, 0)),
            pl.BlockSpec((D, D), lambda i: (0, 0)),
        ],
        out_specs=(pl.BlockSpec((1000, D), lambda i: (i, 0)),
                   pl.BlockSpec((1000, D), lambda i: (i, 0))),
        out_shape=(jax.ShapeDtypeStruct((N_NODES, D), _f32),
                   jax.ShapeDtypeStruct((N_NODES, D), _f32)),
    )(n, a_s, a_d)


def _nv_body(n_ref, a0_ref, a1_ref, gin_ref, vn_ref, ve_ref, tgv_ref, bv_ref,
             out_ref, agg_ref):
    gv = gin_ref[0, 0, :]
    oh = (gv[:, None] == lax.broadcasted_iota(jnp.int32, (1000, NG), 1)).astype(_f32)
    x = jnp.dot(n_ref[...], vn_ref[...], preferred_element_type=_f32)
    x += jnp.dot(a0_ref[...] + a1_ref[...], ve_ref[...], preferred_element_type=_f32)
    x += jnp.dot(oh, tgv_ref[...], preferred_element_type=_f32)
    nn = jnp.maximum(x + bv_ref[...], 0.0)
    out_ref[...] = nn

    @pl.when(pl.program_id(0) == 0)
    def _():
        agg_ref[...] = jnp.zeros_like(agg_ref)

    agg_ref[...] += lax.dot_general(oh, nn, (((0,), (0,)), ((), ())),
                                    preferred_element_type=_f32)


def _nv(n, a0, a1, gin3, vn, ve, tgv, bv):
    return pl.pallas_call(
        _nv_body,
        grid=(N_NODES // 1000,),
        in_specs=[
            pl.BlockSpec((1000, D), lambda i: (i, 0)),
            pl.BlockSpec((1000, D), lambda i: (i, 0)),
            pl.BlockSpec((1000, D), lambda i: (i, 0)),
            pl.BlockSpec((1, 1, 1000), lambda i: (i, 0, 0)),
            pl.BlockSpec((D, D), lambda i: (0, 0)),
            pl.BlockSpec((D, D), lambda i: (0, 0)),
            pl.BlockSpec((NG, D), lambda i: (0, 0)),
            pl.BlockSpec((1, D), lambda i: (0, 0)),
        ],
        out_specs=(pl.BlockSpec((1000, D), lambda i: (i, 0)),
                   pl.BlockSpec((NG, D), lambda i: (0, 0))),
        out_shape=(jax.ShapeDtypeStruct((N_NODES, D), _f32),
                   jax.ShapeDtypeStruct((NG, D), _f32)),
    )(n, a0, a1, gin3, vn, ve, tgv, bv)


def _gv_body(g_ref, an_ref, e0_ref, e1_ref, wg_ref, bg_ref, out_ref):
    x = jnp.concatenate([g_ref[...], an_ref[...], e0_ref[...] + e1_ref[...]],
                        axis=1)
    y = jnp.dot(x, wg_ref[...], preferred_element_type=_f32) + bg_ref[...]
    out_ref[...] = jnp.maximum(y, 0.0)


def _gv(g, aggn, ge0, ge1, wg, bg):
    return pl.pallas_call(
        _gv_body,
        out_shape=jax.ShapeDtypeStruct((NG, D), _f32),
    )(g, aggn, ge0, ge1, wg, bg)



def _sc_mesh():
    return plsc.VectorSubcoreMesh(core_axis_name="c", subcore_axis_name="s",
                                  num_cores=NC)


def _make_gather(B, T):
    nch = B // (NW * CH)

    @functools.partial(
        pl.kernel,
        out_type=jax.ShapeDtypeStruct((B, D), _f32),
        mesh=_sc_mesh(),
        scratch_types=[
            pltpu.VMEM((CH,), jnp.int32),
            pltpu.VMEM((CH, D), _f32),
            pltpu.SemaphoreType.DMA,
        ],
    )
    def k(table_h, idx_h, out_h, idx_v, rows_v, sem):
        wid = lax.axis_index("s") * NC + lax.axis_index("c")
        bpw = nch * CH

        def body(i, carry):
            base = wid * bpw + i * CH
            pltpu.sync_copy(idx_h.at[pl.ds(base, CH)], idx_v)
            pltpu.async_copy(table_h.at[idx_v], rows_v, sem).wait()
            pltpu.sync_copy(rows_v, out_h.at[pl.ds(base, CH)])
            return carry

        lax.fori_loop(0, nch, body, 0)

    return k


def _make_edge_stage():
    @functools.partial(
        pl.kernel,
        out_type=(
            jax.ShapeDtypeStruct((N_EDGES, D), _f32),
            jax.ShapeDtypeStruct((NC, N_NODES, D), _f32),
            jax.ShapeDtypeStruct((NC, NG, D), _f32),
        ),
        mesh=_sc_mesh(),
        scratch_types=[
            pltpu.VMEM((CH, D), _f32),
            pltpu.VMEM((CH, D), _f32),
            pltpu.VMEM((CH, D), _f32),
            pltpu.VMEM((CH, D), _f32),
            pltpu.VMEM((CH,), jnp.int32),
            pltpu.VMEM((2, CH), jnp.int32),
            pltpu.VMEM_SHARED((N_NODES, D), _f32),
            pltpu.VMEM_SHARED((NG, D), _f32),
            pltpu.SemaphoreType.DMA,
            pltpu.SemaphoreType.DMA,
        ],
    )
    def k(ea_h, src_h, dst_h, gie_h, ps_h, pd_h, zeros_h,
          eout_h, aggn_h, aggg_h,
          ea_v, ps_v, pd_v, en_v, sidx_v, scidx_v, aggn_s, aggg_s, sem1, sem2):
        c = lax.axis_index("c")
        s = lax.axis_index("s")
        wid = s * NC + c

        @pl.when(s == 0)
        def _init():
            pltpu.sync_copy(zeros_h, aggn_s)
            pltpu.sync_copy(zeros_h.at[pl.ds(0, NG)], aggg_s)

        plsc.subcore_barrier()

        def body(i, carry):
            base = wid * EPW + i * CH
            ia = [
                pltpu.async_copy(src_h.at[pl.ds(base, CH)], sidx_v, sem1),
                pltpu.async_copy(dst_h.at[pl.ds(base, CH)], scidx_v.at[0],
                                 sem1),
                pltpu.async_copy(gie_h.at[pl.ds(base, CH)], scidx_v.at[1],
                                 sem1),
                pltpu.async_copy(ea_h.at[pl.ds(base, CH)], ea_v, sem1),
            ]
            for cp in ia:
                cp.wait()
            cp1 = pltpu.async_copy(ps_h.at[sidx_v], ps_v, sem1)
            cp2 = pltpu.async_copy(pd_h.at[scidx_v.at[0]], pd_v, sem2)
            cp1.wait()
            cp2.wait()

            def row(r, rc):
                for cb in range(D // L):
                    sl = (r, pl.ds(cb * L, L))
                    en_v[sl] = jnp.maximum(ea_v[sl] + ps_v[sl] + pd_v[sl], 0.0)
                return rc

            lax.fori_loop(0, CH, row, 0)
            ob = [
                pltpu.async_copy(en_v, eout_h.at[pl.ds(base, CH)], sem1),
                pltpu.async_copy(en_v, aggn_s.at[scidx_v.at[0]], sem2,
                                 add=True),
                pltpu.async_copy(en_v, aggg_s.at[scidx_v.at[1]], sem2,
                                 add=True),
            ]
            for cp in ob:
                cp.wait()
            return carry

        lax.fori_loop(0, NCHE, body, 0)
        plsc.subcore_barrier()

        @pl.when(s < 10)
        def _out_n():
            pltpu.sync_copy(aggn_s.at[pl.ds(s * 1000, 1000)],
                            aggn_h.at[c, pl.ds(s * 1000, 1000)])

        @pl.when(s == 0)
        def _out_g():
            pltpu.sync_copy(aggg_s, aggg_h.at[c])

    return k



def _build_patches(image_stack):
    x = jnp.pad(image_stack, ((0, 0), (0, 0), (0, 1), (0, 1)))
    sl = []
    for di in range(3):
        for dj in range(3):
            sl.append(lax.slice(x, (0, 0, di, dj), (NG, 3, di + 223, dj + 223),
                                (1, 1, 2, 2)))
    p = jnp.stack(sl, axis=-1)
    p = p.transpose(0, 2, 3, 1, 4).reshape(NG, 12544, 27)
    p = jnp.pad(p, ((0, 0), (0, 0), (0, 5)))
    return p.reshape(NG * 12544, 32)


def _pad_w(w, rows, cols):
    return jnp.pad(w, ((0, rows - w.shape[0]), (0, cols - w.shape[1])))


def kernel(image_stack, node_categories, edge_categories, edge_connections,
           graph_idx_of_node, graph_idx_of_edge, node_table, edge_table,
           Wconv, bconv, Wfc, bfc, W_e0, b_e0, W_v0, b_v0, W_g0, b_g0,
           W_e1, b_e1, W_v1, b_v1, W_g1, b_g1, W_e2, b_e2, W_v2, b_v2,
           W_g2, b_g2):
    src = edge_connections[0].astype(jnp.int32)
    dst = edge_connections[1].astype(jnp.int32)
    gie = graph_idx_of_edge.astype(jnp.int32)
    gin = graph_idx_of_node.astype(jnp.int32)
    ec = edge_categories.astype(jnp.int32)
    nc_ = node_categories.astype(jnp.int32)

    gie3 = gie.reshape(N_EDGES // 1000, 1, 1000)
    gin3 = gin.reshape(N_NODES // 1000, 1, 1000)
    zeros_big = jnp.zeros((N_NODES, D), _f32)

    W_e2p = _pad_w(W_e2, 512, D)
    b_e2p = jnp.pad(b_e2, (0, D - 1))
    V_n2 = _pad_w(W_v2[:D], D, D)
    V_e2 = _pad_w(W_v2[D:D + 1], D, D)
    V_g2 = _pad_w(W_v2[D + 1:], D, D)
    bv2p = jnp.pad(b_v2, (0, D - 1))
    G_g2 = W_g2[:D]
    G_n2 = _pad_w(W_g2[D:D + 1], D, D)
    G_e2 = _pad_w(W_g2[D + 1:D + 2], D, D)

    layers = []
    for (We, be, Wv, bv, Wg, bg) in ((W_e0, b_e0, W_v0, b_v0, W_g0, b_g0),
                                     (W_e1, b_e1, W_v1, b_v1, W_g1, b_g1)):
        layers.append(dict(
            A_e=We[:D], A_s=We[D:2 * D], A_d=We[2 * D:3 * D], A_g=We[3 * D:],
            be=be.reshape(1, D),
            V_n=Wv[:D], V_e=Wv[D:2 * D], V_g=Wv[2 * D:], bv=bv.reshape(1, D),
            Wgcat=jnp.concatenate([Wg[:D], Wg[D:2 * D], Wg[2 * D:]], axis=0),
            bg=bg.reshape(1, D)))
    layers.append(dict(
        A_e=W_e2p[:D], A_s=W_e2p[D:2 * D], A_d=W_e2p[2 * D:3 * D],
        A_g=W_e2p[3 * D:], be=b_e2p.reshape(1, D),
        V_n=V_n2, V_e=V_e2, V_g=V_g2, bv=bv2p.reshape(1, D),
        Wgcat=jnp.concatenate([G_g2, G_n2, G_e2], axis=0),
        bg=b_g2.reshape(1, D)))

    patches = _build_patches(image_stack)
    wf = jnp.pad(Wconv.reshape(16, 27).T, ((0, 5), (0, 0)))
    pooled = _cnn_pool(patches, wf, bconv.reshape(1, 16)).reshape(NG, 16)
    g, tcomb, tns, tnd, tgv0 = _prep0(
        pooled, Wfc, bfc.reshape(1, D), edge_table, node_table,
        layers[0]["A_e"], layers[0]["A_g"], layers[0]["V_g"],
        layers[0]["A_s"], layers[0]["A_d"], layers[0]["be"])

    gather_e = _make_gather(N_EDGES, 256)
    gather_n = _make_gather(NPAD, 32)
    edge_stage = _make_edge_stage()

    idx0 = ec * NG + gie
    ncp = jnp.pad(nc_, (0, NPAD - N_NODES))
    ea0 = gather_e(tcomb, idx0)
    ps = gather_n(tns, ncp)
    pd = gather_n(tnd, ncp)
    n = gather_n(node_table.astype(_f32), ncp)[:N_NODES]

    e_prev = None
    for i, lay in enumerate(layers):
        if i == 0:
            ea = ea0
            tgv = tgv0
        else:
            tge, tgv = _gprep(g, lay["A_g"], lay["V_g"])
            wcat = jnp.concatenate([lay["A_e"], tge], axis=0)
            ea = _ea(e_prev, gie3, wcat, lay["be"])
            ps, pd = _nprep(n, lay["A_s"], lay["A_d"])
        e_new, aggn, aggg = edge_stage(ea, src, dst, gie, ps, pd, zeros_big)
        n_new, agg_gn = _nv(n, aggn[0], aggn[1], gin3, lay["V_n"], lay["V_e"],
                            tgv, lay["bv"])
        g = _gv(g, agg_gn, aggg[0], aggg[1], lay["Wgcat"], lay["bg"])
        n, e_prev = n_new, e_new

    return (g, n[:, :1], e_prev[:, :1])

# --- scband reference (transcript-rebuilt; emitter-appended) ---
"""Pipeline reference for scband-graph-net-42133629173923 (READ-ONLY COPY).

The authoritative reference and input builder live on the scoring server;
editing this copy changes nothing except your own understanding.
"""

import jax, jax.numpy as jnp
import numpy as np

N_NODES = 10000
N_EDGES = 320000
N_GRAPHS = 16
NUM_ROOM = 32
NUM_BEHAV = 16
D = 128


def setup_inputs(seed: int = 0):
    key = jax.random.key(seed)
    ks = jax.random.split(key, 40)
    s = 0.05
    inp = {}
    inp["image_stack"] = jax.random.normal(ks[0], (N_GRAPHS, 3, 224, 224), dtype=jnp.float32)
    inp["node_categories"] = jax.random.randint(ks[1], (N_NODES,), 0, NUM_ROOM)
    inp["edge_categories"] = jax.random.randint(ks[2], (N_EDGES,), 0, NUM_BEHAV)
    inp["edge_connections"] = jax.random.randint(ks[3], (2, N_EDGES), 0, N_NODES)
    inp["graph_idx_of_node"] = jnp.sort(jax.random.randint(ks[4], (N_NODES,), 0, N_GRAPHS))
    inp["graph_idx_of_edge"] = jnp.sort(jax.random.randint(ks[5], (N_EDGES,), 0, N_GRAPHS))
    inp["node_table"] = jax.random.normal(ks[6], (NUM_ROOM, D), dtype=jnp.float32) * s
    inp["edge_table"] = jax.random.normal(ks[7], (NUM_BEHAV, D), dtype=jnp.float32) * s
    inp["Wconv"] = jax.random.normal(ks[8], (16, 3, 3, 3), dtype=jnp.float32) * s
    inp["bconv"] = jnp.zeros((16,), dtype=jnp.float32)
    inp["Wfc"] = jax.random.normal(ks[9], (16, D), dtype=jnp.float32) * s
    inp["bfc"] = jnp.zeros((D,), dtype=jnp.float32)
    dims = [(D, D, D, D, D, D), (D, D, D, D, D, D), (D, D, D, D, 1, 1)]
    k = 10
    for i, (gi, ni, ei, go, no, eo) in enumerate(dims):
        inp["W_e%d" % i] = jax.random.normal(ks[k], (ei + 2 * ni + gi, eo), dtype=jnp.float32) * s; k += 1
        inp["b_e%d" % i] = jnp.zeros((eo,), dtype=jnp.float32)
        inp["W_v%d" % i] = jax.random.normal(ks[k], (ni + eo + gi, no), dtype=jnp.float32) * s; k += 1
        inp["b_v%d" % i] = jnp.zeros((no,), dtype=jnp.float32)
        inp["W_g%d" % i] = jax.random.normal(ks[k], (gi + no + eo, go), dtype=jnp.float32) * s; k += 1
        inp["b_g%d" % i] = jnp.zeros((go,), dtype=jnp.float32)
    return inp


def _cnn(img, Wconv, bconv, Wfc, bfc):
    y = jax.lax.conv_general_dilated(img, Wconv, window_strides=(2, 2), padding="SAME", dimension_numbers=("NCHW", "OIHW", "NCHW"))
    y = jax.nn.relu(y + bconv[None, :, None, None])
    y = jnp.mean(y, axis=(2, 3))
    return y @ Wfc + bfc


def _gn_block(g, n, e, src, dst, gi_n, gi_e, We, be, Wv, bv, Wg, bg):
    e_new = jax.nn.relu(jnp.concatenate([e, n[src], n[dst], g[gi_e]], axis=-1) @ We + be)
    agg_e_node = jax.ops.segment_sum(e_new, dst, num_segments=n.shape[0])
    n_new = jax.nn.relu(jnp.concatenate([n, agg_e_node, g[gi_n]], axis=-1) @ Wv + bv)
    agg_n = jax.ops.segment_sum(n_new, gi_n, num_segments=g.shape[0])
    agg_e = jax.ops.segment_sum(e_new, gi_e, num_segments=g.shape[0])
    g_new = jax.nn.relu(jnp.concatenate([g, agg_n, agg_e], axis=-1) @ Wg + bg)
    return g_new, n_new, e_new


def reference(image_stack, node_categories, edge_categories, edge_connections, graph_idx_of_node, graph_idx_of_edge, node_table, edge_table, Wconv, bconv, Wfc, bfc, W_e0, b_e0, W_v0, b_v0, W_g0, b_g0, W_e1, b_e1, W_v1, b_v1, W_g1, b_g1, W_e2, b_e2, W_v2, b_v2, W_g2, b_g2):
    g = _cnn(image_stack, Wconv, bconv, Wfc, bfc)
    n = jnp.take(node_table, node_categories, axis=0)
    e = jnp.take(edge_table, edge_categories, axis=0)
    src, dst = edge_connections[0], edge_connections[1]
    layers = [(W_e0, b_e0, W_v0, b_v0, W_g0, b_g0), (W_e1, b_e1, W_v1, b_v1, W_g1, b_g1), (W_e2, b_e2, W_v2, b_v2, W_g2, b_g2)]
    for We, be, Wv, bv, Wg, bg in layers:
        g, n, e = _gn_block(g, n, e, src, dst, graph_idx_of_node, graph_idx_of_edge, We, be, Wv, bv, Wg, bg)
    return (g, n, e)

if __name__ == "__main__":
    import jax
    _d = setup_inputs()
    print(jax.jit(kernel)(*tuple(_d.values())))

</pallas_src>

<mosaic_0001>
#map = affine_map<(d0, d1) -> (0, 0)>
#map1 = affine_map<(d0, d1) -> (0)>
module attributes {stable_mosaic.version = 14 : i64} {
  func.func @k(%arg0: i32, %arg1: i32, %arg2: memref<256x128xf32, #tpu.memory_space<hbm>>, %arg3: memref<320000xi32, #tpu.memory_space<hbm>>, %arg4: memref<320000x128xf32, #tpu.memory_space<hbm>>, %arg5: memref<80xi32, #tpu.memory_space<vmem>>, %arg6: memref<80x128xf32, #tpu.memory_space<vmem>>, %arg7: memref<!tpu.dma_semaphore, #tpu.memory_space<semaphore_mem>>) attributes {dimension_semantics = [#tpu.dimension_semantics<core_parallel>, #tpu.dimension_semantics<subcore_parallel>], iteration_bounds = array<i64: 2, 16>, scalar_prefetch = 0 : i64, scratch_operands = 3 : i64, tpu.core_type = #tpu.core_type<sc_vector_subcore>, window_params = [{transform_indices = #map}, {transform_indices = #map1}, {transform_indices = #map}]} {
    %mul3A = arith.constant 2 : i32
    %mul3A_0 = arith.muli %arg1, %mul3A : i32
    %add3A = arith.addi %mul3A_0, %arg0 : i32
    %scan3A = arith.constant 0 : i32
    %scan3A_1 = arith.constant 0 : i32
    %scan3A_2 = arith.constant 125 : i32
    %scan3A_3 = arith.addi %scan3A_1, %scan3A_2 : i32
    %scan3A_4 = arith.constant 1 : i32
    scf.for %scan3A_6 = %scan3A_1 to %scan3A_3 step %scan3A_4  : i32 {
      %mul3A_7 = arith.constant 10000 : i32
      %mul3A_8 = arith.muli %add3A, %mul3A_7 : i32
      %mul3A_9 = arith.constant 80 : i32
      %mul3A_10 = arith.muli %scan3A_6, %mul3A_9 : i32
      %add3A_11 = arith.addi %mul3A_8, %mul3A_10 : i32
      "tpu.region"() ({
        %run_scoped3A = tpu.sem_alloc : memref<!tpu.dma_semaphore, #tpu.memory_space<semaphore_mem>>
        %dma_start3A_16 = tpu.memref_slice %arg3[%add3A_11] : memref<320000xi32, #tpu.memory_space<hbm>> -> memref<80xi32, #tpu.memory_space<hbm>>
        %dma_start3A_17 = tpu.memref_slice %arg3[%add3A_11] : memref<320000xi32, #tpu.memory_space<hbm>> -> memref<80xi32, #tpu.memory_space<hbm>>
        tpu.enqueue_dma source(%dma_start3A_17 : memref<80xi32, #tpu.memory_space<hbm>>) target(%arg5 : memref<80xi32, #tpu.memory_space<vmem>>) target_semaphore(%run_scoped3A : memref<!tpu.dma_semaphore, #tpu.memory_space<semaphore_mem>>)
        %dma_wait3A_18 = tpu.memref_slice %arg3[%add3A_11] : memref<320000xi32, #tpu.memory_space<hbm>> -> memref<80xi32, #tpu.memory_space<hbm>>
        %dma_wait3A_19 = tpu.memref_slice %arg3[%add3A_11] : memref<320000xi32, #tpu.memory_space<hbm>> -> memref<80xi32, #tpu.memory_space<hbm>>
        tpu.wait_dma2 semaphore(%run_scoped3A : memref<!tpu.dma_semaphore, #tpu.memory_space<semaphore_mem>>) src(%dma_wait3A_19 : memref<80xi32, #tpu.memory_space<hbm>>) dst(%arg5 : memref<80xi32, #tpu.memory_space<vmem>>)
        tpu.yield
      }) : () -> ()
      %dma_start3A = arith.constant 0 : i32
      %dma_start3A_12 = arith.constant 0 : i32
      %dma_start3A_13 = tpu.memref_slice %arg2[%dma_start3A, %dma_start3A_12] : memref<256x128xf32, #tpu.memory_space<hbm>> -> memref<256x128xf32, #tpu.memory_space<hbm>>
      tpu.enqueue_indirect_dma source(%dma_start3A_13 : memref<256x128xf32, #tpu.memory_space<hbm>>) target(%arg6 : memref<80x128xf32, #tpu.memory_space<vmem>>) offsets(%arg5 : memref<80xi32, #tpu.memory_space<vmem>>) semaphore(%arg7 : memref<!tpu.dma_semaphore, #tpu.memory_space<semaphore_mem>>)
      %dma_wait3A = arith.constant 0 : i32
      %dma_wait3A_14 = arith.constant 0 : i32
      %dma_wait3A_15 = tpu.memref_slice %arg2[%dma_wait3A, %dma_wait3A_14] : memref<256x128xf32, #tpu.memory_space<hbm>> -> memref<256x128xf32, #tpu.memory_space<hbm>>
      tpu.wait_indirect_dma semaphore(%arg7 : memref<!tpu.dma_semaphore, #tpu.memory_space<semaphore_mem>>) src(%dma_wait3A_15 : memref<256x128xf32, #tpu.memory_space<hbm>>) dst(%arg6 : memref<80x128xf32, #tpu.memory_space<vmem>>)
      "tpu.region"() ({
        %run_scoped3A = tpu.sem_alloc : memref<!tpu.dma_semaphore, #tpu.memory_space<semaphore_mem>>
        %dma_start3A_16 = arith.constant 0 : i32
        %dma_start3A_17 = tpu.memref_slice %arg4[%add3A_11, %dma_start3A_16] : memref<320000x128xf32, #tpu.memory_space<hbm>> -> memref<80x128xf32, #tpu.memory_space<hbm>>
        %dma_start3A_18 = arith.constant 0 : i32
        %dma_start3A_19 = tpu.memref_slice %arg4[%add3A_11, %dma_start3A_18] : memref<320000x128xf32, #tpu.memory_space<hbm>> -> memref<80x128xf32, #tpu.memory_space<hbm>>
        tpu.enqueue_dma source(%arg6 : memref<80x128xf32, #tpu.memory_space<vmem>>) target(%dma_start3A_19 : memref<80x128xf32, #tpu.memory_space<hbm>>) target_semaphore(%run_scoped3A : memref<!tpu.dma_semaphore, #tpu.memory_space<semaphore_mem>>)
        %dma_wait3A_20 = arith.constant 0 : i32
        %dma_wait3A_21 = tpu.memref_slice %arg4[%add3A_11, %dma_wait3A_20] : memref<320000x128xf32, #tpu.memory_space<hbm>> -> memref<80x128xf32, #tpu.memory_space<hbm>>
        %dma_wait3A_22 = arith.constant 0 : i32
        %dma_wait3A_23 = tpu.memref_slice %arg4[%add3A_11, %dma_wait3A_22] : memref<320000x128xf32, #tpu.memory_space<hbm>> -> memref<80x128xf32, #tpu.memory_space<hbm>>
        tpu.wait_dma2 semaphore(%run_scoped3A : memref<!tpu.dma_semaphore, #tpu.memory_space<semaphore_mem>>) src(%arg6 : memref<80x128xf32, #tpu.memory_space<vmem>>) dst(%dma_wait3A_23 : memref<80x128xf32, #tpu.memory_space<hbm>>)
        tpu.yield
      }) : () -> ()
    }
    %scan3A_5 = arith.constant 125 : i32
    return
  }
}

#map = affine_map<(d0, d1) -> (0, 0)>
#map1 = affine_map<(d0, d1) -> (0)>
module attributes {stable_mosaic.version = 14 : i64} {
  func.func @k(%arg0: i32, %arg1: i32, %arg2: memref<32x128xf32, #tpu.memory_space<hbm>>, %arg3: memref<10240xi32, #tpu.memory_space<hbm>>, %arg4: memref<10240x128xf32, #tpu.memory_space<hbm>>, %arg5: memref<80xi32, #tpu.memory_space<vmem>>, %arg6: memref<80x128xf32, #tpu.memory_space<vmem>>, %arg7: memref<!tpu.dma_semaphore, #tpu.memory_space<semaphore_mem>>) attributes {dimension_semantics = [#tpu.dimension_semantics<core_parallel>, #tpu.dimension_semantics<subcore_parallel>], iteration_bounds = array<i64: 2, 16>, scalar_prefetch = 0 : i64, scratch_operands = 3 : i64, tpu.core_type = #tpu.core_type<sc_vector_subcore>, window_params = [{transform_indices = #map}, {transform_indices = #map1}, {transform_indices = #map}]} {
    %mul3A = arith.constant 2 : i32
    %mul3A_0 = arith.muli %arg1, %mul3A : i32
    %add3A = arith.addi %mul3A_0, %arg0 : i32
    %scan3A = arith.constant 0 : i32
    %scan3A_1 = arith.constant 0 : i32
    %scan3A_2 = arith.constant 4 : i32
    %scan3A_3 = arith.addi %scan3A_1, %scan3A_2 : i32
    %scan3A_4 = arith.constant 1 : i32
    scf.for %scan3A_6 = %scan3A_1 to %scan3A_3 step %scan3A_4  : i32 {
      %mul3A_7 = arith.constant 320 : i32
      %mul3A_8 = arith.muli %add3A, %mul3A_7 : i32
      %mul3A_9 = arith.constant 80 : i32
      %mul3A_10 = arith.muli %scan3A_6, %mul3A_9 : i32
      %add3A_11 = arith.addi %mul3A_8, %mul3A_10 : i32
      "tpu.region"() ({
        %run_scoped3A = tpu.sem_alloc : memref<!tpu.dma_semaphore, #tpu.memory_space<semaphore_mem>>
        %dma_start3A_16 = tpu.memref_slice %arg3[%add3A_11] : memref<10240xi32, #tpu.memory_space<hbm>> -> memref<80xi32, #tpu.memory_space<hbm>>
        %dma_start3A_17 = tpu.memref_slice %arg3[%add3A_11] : memref<10240xi32, #tpu.memory_space<hbm>> -> memref<80xi32, #tpu.memory_space<hbm>>
        tpu.enqueue_dma source(%dma_start3A_17 : memref<80xi32, #tpu.memory_space<hbm>>) target(%arg5 : memref<80xi32, #tpu.memory_space<vmem>>) target_semaphore(%run_scoped3A : memref<!tpu.dma_semaphore, #tpu.memory_space<semaphore_mem>>)
        %dma_wait3A_18 = tpu.memref_slice %arg3[%add3A_11] : memref<10240xi32, #tpu.memory_space<hbm>> -> memref<80xi32, #tpu.memory_space<hbm>>
        %dma_wait3A_19 = tpu.memref_slice %arg3[%add3A_11] : memref<10240xi32, #tpu.memory_space<hbm>> -> memref<80xi32, #tpu.memory_space<hbm>>
        tpu.wait_dma2 semaphore(%run_scoped3A : memref<!tpu.dma_semaphore, #tpu.memory_space<semaphore_mem>>) src(%dma_wait3A_19 : memref<80xi32, #tpu.memory_space<hbm>>) dst(%arg5 : memref<80xi32, #tpu.memory_space<vmem>>)
        tpu.yield
      }) : () -> ()
      %dma_start3A = arith.constant 0 : i32
      %dma_start3A_12 = arith.constant 0 : i32
      %dma_start3A_13 = tpu.memref_slice %arg2[%dma_start3A, %dma_start3A_12] : memref<32x128xf32, #tpu.memory_space<hbm>> -> memref<32x128xf32, #tpu.memory_space<hbm>>
      tpu.enqueue_indirect_dma source(%dma_start3A_13 : memref<32x128xf32, #tpu.memory_space<hbm>>) target(%arg6 : memref<80x128xf32, #tpu.memory_space<vmem>>) offsets(%arg5 : memref<80xi32, #tpu.memory_space<vmem>>) semaphore(%arg7 : memref<!tpu.dma_semaphore, #tpu.memory_space<semaphore_mem>>)
      %dma_wait3A = arith.constant 0 : i32
      %dma_wait3A_14 = arith.constant 0 : i32
      %dma_wait3A_15 = tpu.memref_slice %arg2[%dma_wait3A, %dma_wait3A_14] : memref<32x128xf32, #tpu.memory_space<hbm>> -> memref<32x128xf32, #tpu.memory_space<hbm>>
      tpu.wait_indirect_dma semaphore(%arg7 : memref<!tpu.dma_semaphore, #tpu.memory_space<semaphore_mem>>) src(%dma_wait3A_15 : memref<32x128xf32, #tpu.memory_space<hbm>>) dst(%arg6 : memref<80x128xf32, #tpu.memory_space<vmem>>)
      "tpu.region"() ({
        %run_scoped3A = tpu.sem_alloc : memref<!tpu.dma_semaphore, #tpu.memory_space<semaphore_mem>>
        %dma_start3A_16 = arith.constant 0 : i32
        %dma_start3A_17 = tpu.memref_slice %arg4[%add3A_11, %dma_start3A_16] : memref<10240x128xf32, #tpu.memory_space<hbm>> -> memref<80x128xf32, #tpu.memory_space<hbm>>
        %dma_start3A_18 = arith.constant 0 : i32
        %dma_start3A_19 = tpu.memref_slice %arg4[%add3A_11, %dma_start3A_18] : memref<10240x128xf32, #tpu.memory_space<hbm>> -> memref<80x128xf32, #tpu.memory_space<hbm>>
        tpu.enqueue_dma source(%arg6 : memref<80x128xf32, #tpu.memory_space<vmem>>) target(%dma_start3A_19 : memref<80x128xf32, #tpu.memory_space<hbm>>) target_semaphore(%run_scoped3A : memref<!tpu.dma_semaphore, #tpu.memory_space<semaphore_mem>>)
        %dma_wait3A_20 = arith.constant 0 : i32
        %dma_wait3A_21 = tpu.memref_slice %arg4[%add3A_11, %dma_wait3A_20] : memref<10240x128xf32, #tpu.memory_space<hbm>> -> memref<80x128xf32, #tpu.memory_space<hbm>>
        %dma_wait3A_22 = arith.constant 0 : i32
        %dma_wait3A_23 = tpu.memref_slice %arg4[%add3A_11, %dma_wait3A_22] : memref<10240x128xf32, #tpu.memory_space<hbm>> -> memref<80x128xf32, #tpu.memory_space<hbm>>
        tpu.wait_dma2 semaphore(%run_scoped3A : memref<!tpu.dma_semaphore, #tpu.memory_space<semaphore_mem>>) src(%arg6 : memref<80x128xf32, #tpu.memory_space<vmem>>) dst(%dma_wait3A_23 : memref<80x128xf32, #tpu.memory_space<hbm>>)
        tpu.yield
      }) : () -> ()
    }
    %scan3A_5 = arith.constant 4 : i32
    return
  }
}

#map = affine_map<(d0, d1) -> (0, 0)>
#map1 = affine_map<(d0, d1) -> (0)>
module attributes {stable_mosaic.version = 14 : i64} {
  func.func @k(%arg0: i32, %arg1: i32, %arg2: memref<32x128xf32, #tpu.memory_space<hbm>>, %arg3: memref<10240xi32, #tpu.memory_space<hbm>>, %arg4: memref<10240x128xf32, #tpu.memory_space<hbm>>, %arg5: memref<80xi32, #tpu.memory_space<vmem>>, %arg6: memref<80x128xf32, #tpu.memory_space<vmem>>, %arg7: memref<!tpu.dma_semaphore, #tpu.memory_space<semaphore_mem>>) attributes {dimension_semantics = [#tpu.dimension_semantics<core_parallel>, #tpu.dimension_semantics<subcore_parallel>], iteration_bounds = array<i64: 2, 16>, scalar_prefetch = 0 : i64, scratch_operands = 3 : i64, tpu.core_type = #tpu.core_type<sc_vector_subcore>, window_params = [{transform_indices = #map}, {transform_indices = #map1}, {transform_indices = #map}]} {
    %mul3A = arith.constant 2 : i32
    %mul3A_0 = arith.muli %arg1, %mul3A : i32
    %add3A = arith.addi %mul3A_0, %arg0 : i32
    %scan3A = arith.constant 0 : i32
    %scan3A_1 = arith.constant 0 : i32
    %scan3A_2 = arith.constant 4 : i32
    %scan3A_3 = arith.addi %scan3A_1, %scan3A_2 : i32
    %scan3A_4 = arith.constant 1 : i32
    scf.for %scan3A_6 = %scan3A_1 to %scan3A_3 step %scan3A_4  : i32 {
      %mul3A_7 = arith.constant 320 : i32
      %mul3A_8 = arith.muli %add3A, %mul3A_7 : i32
      %mul3A_9 = arith.constant 80 : i32
      %mul3A_10 = arith.muli %scan3A_6, %mul3A_9 : i32
      %add3A_11 = arith.addi %mul3A_8, %mul3A_10 : i32
      "tpu.region"() ({
        %run_scoped3A = tpu.sem_alloc : memref<!tpu.dma_semaphore, #tpu.memory_space<semaphore_mem>>
        %dma_start3A_16 = tpu.memref_slice %arg3[%add3A_11] : memref<10240xi32, #tpu.memory_space<hbm>> -> memref<80xi32, #tpu.memory_space<hbm>>
        %dma_start3A_17 = tpu.memref_slice %arg3[%add3A_11] : memref<10240xi32, #tpu.memory_space<hbm>> -> memref<80xi32, #tpu.memory_space<hbm>>
        tpu.enqueue_dma source(%dma_start3A_17 : memref<80xi32, #tpu.memory_space<hbm>>) target(%arg5 : memref<80xi32, #tpu.memory_space<vmem>>) target_semaphore(%run_scoped3A : memref<!tpu.dma_semaphore, #tpu.memory_space<semaphore_mem>>)
        %dma_wait3A_18 = tpu.memref_slice %arg3[%add3A_11] : memref<10240xi32, #tpu.memory_space<hbm>> -> memref<80xi32, #tpu.memory_space<hbm>>
        %dma_wait3A_19 = tpu.memref_slice %arg3[%add3A_11] : memref<10240xi32, #tpu.memory_space<hbm>> -> memref<80xi32, #tpu.memory_space<hbm>>
        tpu.wait_dma2 semaphore(%run_scoped3A : memref<!tpu.dma_semaphore, #tpu.memory_space<semaphore_mem>>) src(%dma_wait3A_19 : memref<80xi32, #tpu.memory_space<hbm>>) dst(%arg5 : memref<80xi32, #tpu.memory_space<vmem>>)
        tpu.yield
      }) : () -> ()
      %dma_start3A = arith.constant 0 : i32
      %dma_start3A_12 = arith.constant 0 : i32
      %dma_start3A_13 = tpu.memref_slice %arg2[%dma_start3A, %dma_start3A_12] : memref<32x128xf32, #tpu.memory_space<hbm>> -> memref<32x128xf32, #tpu.memory_space<hbm>>
      tpu.enqueue_indirect_dma source(%dma_start3A_13 : memref<32x128xf32, #tpu.memory_space<hbm>>) target(%arg6 : memref<80x128xf32, #tpu.memory_space<vmem>>) offsets(%arg5 : memref<80xi32, #tpu.memory_space<vmem>>) semaphore(%arg7 : memref<!tpu.dma_semaphore, #tpu.memory_space<semaphore_mem>>)
      %dma_wait3A = arith.constant 0 : i32
      %dma_wait3A_14 = arith.constant 0 : i32
      %dma_wait3A_15 = tpu.memref_slice %arg2[%dma_wait3A, %dma_wait3A_14] : memref<32x128xf32, #tpu.memory_space<hbm>> -> memref<32x128xf32, #tpu.memory_space<hbm>>
      tpu.wait_indirect_dma semaphore(%arg7 : memref<!tpu.dma_semaphore, #tpu.memory_space<semaphore_mem>>) src(%dma_wait3A_15 : memref<32x128xf32, #tpu.memory_space<hbm>>) dst(%arg6 : memref<80x128xf32, #tpu.memory_space<vmem>>)
      "tpu.region"() ({
        %run_scoped3A = tpu.sem_alloc : memref<!tpu.dma_semaphore, #tpu.memory_space<semaphore_mem>>
        %dma_start3A_16 = arith.constant 0 : i32
        %dma_start3A_17 = tpu.memref_slice %arg4[%add3A_11, %dma_start3A_16] : memref<10240x128xf32, #tpu.memory_space<hbm>> -> memref<80x128xf32, #tpu.memory_space<hbm>>
        %dma_start3A_18 = arith.constant 0 : i32
        %dma_start3A_19 = tpu.memref_slice %arg4[%add3A_11, %dma_start3A_18] : memref<10240x128xf32, #tpu.memory_space<hbm>> -> memref<80x128xf32, #tpu.memory_space<hbm>>
        tpu.enqueue_dma source(%arg6 : memref<80x128xf32, #tpu.memory_space<vmem>>) target(%dma_start3A_19 : memref<80x128xf32, #tpu.memory_space<hbm>>) target_semaphore(%run_scoped3A : memref<!tpu.dma_semaphore, #tpu.memory_space<semaphore_mem>>)
        %dma_wait3A_20 = arith.constant 0 : i32
        %dma_wait3A_21 = tpu.memref_slice %arg4[%add3A_11, %dma_wait3A_20] : memref<10240x128xf32, #tpu.memory_space<hbm>> -> memref<80x128xf32, #tpu.memory_space<hbm>>
        %dma_wait3A_22 = arith.constant 0 : i32
        %dma_wait3A_23 = tpu.memref_slice %arg4[%add3A_11, %dma_wait3A_22] : memref<10240x128xf32, #tpu.memory_space<hbm>> -> memref<80x128xf32, #tpu.memory_space<hbm>>
        tpu.wait_dma2 semaphore(%run_scoped3A : memref<!tpu.dma_semaphore, #tpu.memory_space<semaphore_mem>>) src(%arg6 : memref<80x128xf32, #tpu.memory_space<vmem>>) dst(%dma_wait3A_23 : memref<80x128xf32, #tpu.memory_space<hbm>>)
        tpu.yield
      }) : () -> ()
    }
    %scan3A_5 = arith.constant 4 : i32
    return
  }
}

#map = affine_map<(d0, d1) -> (0, 0)>
#map1 = affine_map<(d0, d1) -> (0)>
module attributes {stable_mosaic.version = 14 : i64} {
  func.func @k(%arg0: i32, %arg1: i32, %arg2: memref<32x128xf32, #tpu.memory_space<hbm>>, %arg3: memref<10240xi32, #tpu.memory_space<hbm>>, %arg4: memref<10240x128xf32, #tpu.memory_space<hbm>>, %arg5: memref<80xi32, #tpu.memory_space<vmem>>, %arg6: memref<80x128xf32, #tpu.memory_space<vmem>>, %arg7: memref<!tpu.dma_semaphore, #tpu.memory_space<semaphore_mem>>) attributes {dimension_semantics = [#tpu.dimension_semantics<core_parallel>, #tpu.dimension_semantics<subcore_parallel>], iteration_bounds = array<i64: 2, 16>, scalar_prefetch = 0 : i64, scratch_operands = 3 : i64, tpu.core_type = #tpu.core_type<sc_vector_subcore>, window_params = [{transform_indices = #map}, {transform_indices = #map1}, {transform_indices = #map}]} {
    %mul3A = arith.constant 2 : i32
    %mul3A_0 = arith.muli %arg1, %mul3A : i32
    %add3A = arith.addi %mul3A_0, %arg0 : i32
    %scan3A = arith.constant 0 : i32
    %scan3A_1 = arith.constant 0 : i32
    %scan3A_2 = arith.constant 4 : i32
    %scan3A_3 = arith.addi %scan3A_1, %scan3A_2 : i32
    %scan3A_4 = arith.constant 1 : i32
    scf.for %scan3A_6 = %scan3A_1 to %scan3A_3 step %scan3A_4  : i32 {
      %mul3A_7 = arith.constant 320 : i32
      %mul3A_8 = arith.muli %add3A, %mul3A_7 : i32
      %mul3A_9 = arith.constant 80 : i32
      %mul3A_10 = arith.muli %scan3A_6, %mul3A_9 : i32
      %add3A_11 = arith.addi %mul3A_8, %mul3A_10 : i32
      "tpu.region"() ({
        %run_scoped3A = tpu.sem_alloc : memref<!tpu.dma_semaphore, #tpu.memory_space<semaphore_mem>>
        %dma_start3A_16 = tpu.memref_slice %arg3[%add3A_11] : memref<10240xi32, #tpu.memory_space<hbm>> -> memref<80xi32, #tpu.memory_space<hbm>>
        %dma_start3A_17 = tpu.memref_slice %arg3[%add3A_11] : memref<10240xi32, #tpu.memory_space<hbm>> -> memref<80xi32, #tpu.memory_space<hbm>>
        tpu.enqueue_dma source(%dma_start3A_17 : memref<80xi32, #tpu.memory_space<hbm>>) target(%arg5 : memref<80xi32, #tpu.memory_space<vmem>>) target_semaphore(%run_scoped3A : memref<!tpu.dma_semaphore, #tpu.memory_space<semaphore_mem>>)
        %dma_wait3A_18 = tpu.memref_slice %arg3[%add3A_11] : memref<10240xi32, #tpu.memory_space<hbm>> -> memref<80xi32, #tpu.memory_space<hbm>>
        %dma_wait3A_19 = tpu.memref_slice %arg3[%add3A_11] : memref<10240xi32, #tpu.memory_space<hbm>> -> memref<80xi32, #tpu.memory_space<hbm>>
        tpu.wait_dma2 semaphore(%run_scoped3A : memref<!tpu.dma_semaphore, #tpu.memory_space<semaphore_mem>>) src(%dma_wait3A_19 : memref<80xi32, #tpu.memory_space<hbm>>) dst(%arg5 : memref<80xi32, #tpu.memory_space<vmem>>)
        tpu.yield
      }) : () -> ()
      %dma_start3A = arith.constant 0 : i32
      %dma_start3A_12 = arith.constant 0 : i32
      %dma_start3A_13 = tpu.memref_slice %arg2[%dma_start3A, %dma_start3A_12] : memref<32x128xf32, #tpu.memory_space<hbm>> -> memref<32x128xf32, #tpu.memory_space<hbm>>
      tpu.enqueue_indirect_dma source(%dma_start3A_13 : memref<32x128xf32, #tpu.memory_space<hbm>>) target(%arg6 : memref<80x128xf32, #tpu.memory_space<vmem>>) offsets(%arg5 : memref<80xi32, #tpu.memory_space<vmem>>) semaphore(%arg7 : memref<!tpu.dma_semaphore, #tpu.memory_space<semaphore_mem>>)
      %dma_wait3A = arith.constant 0 : i32
      %dma_wait3A_14 = arith.constant 0 : i32
      %dma_wait3A_15 = tpu.memref_slice %arg2[%dma_wait3A, %dma_wait3A_14] : memref<32x128xf32, #tpu.memory_space<hbm>> -> memref<32x128xf32, #tpu.memory_space<hbm>>
      tpu.wait_indirect_dma semaphore(%arg7 : memref<!tpu.dma_semaphore, #tpu.memory_space<semaphore_mem>>) src(%dma_wait3A_15 : memref<32x128xf32, #tpu.memory_space<hbm>>) dst(%arg6 : memref<80x128xf32, #tpu.memory_space<vmem>>)
      "tpu.region"() ({
        %run_scoped3A = tpu.sem_alloc : memref<!tpu.dma_semaphore, #tpu.memory_space<semaphore_mem>>
        %dma_start3A_16 = arith.constant 0 : i32
        %dma_start3A_17 = tpu.memref_slice %arg4[%add3A_11, %dma_start3A_16] : memref<10240x128xf32, #tpu.memory_space<hbm>> -> memref<80x128xf32, #tpu.memory_space<hbm>>
        %dma_start3A_18 = arith.constant 0 : i32
        %dma_start3A_19 = tpu.memref_slice %arg4[%add3A_11, %dma_start3A_18] : memref<10240x128xf32, #tpu.memory_space<hbm>> -> memref<80x128xf32, #tpu.memory_space<hbm>>
        tpu.enqueue_dma source(%arg6 : memref<80x128xf32, #tpu.memory_space<vmem>>) target(%dma_start3A_19 : memref<80x128xf32, #tpu.memory_space<hbm>>) target_semaphore(%run_scoped3A : memref<!tpu.dma_semaphore, #tpu.memory_space<semaphore_mem>>)
        %dma_wait3A_20 = arith.constant 0 : i32
        %dma_wait3A_21 = tpu.memref_slice %arg4[%add3A_11, %dma_wait3A_20] : memref<10240x128xf32, #tpu.memory_space<hbm>> -> memref<80x128xf32, #tpu.memory_space<hbm>>
        %dma_wait3A_22 = arith.constant 0 : i32
        %dma_wait3A_23 = tpu.memref_slice %arg4[%add3A_11, %dma_wait3A_22] : memref<10240x128xf32, #tpu.memory_space<hbm>> -> memref<80x128xf32, #tpu.memory_space<hbm>>
        tpu.wait_dma2 semaphore(%run_scoped3A : memref<!tpu.dma_semaphore, #tpu.memory_space<semaphore_mem>>) src(%arg6 : memref<80x128xf32, #tpu.memory_space<vmem>>) dst(%dma_wait3A_23 : memref<80x128xf32, #tpu.memory_space<hbm>>)
        tpu.yield
      }) : () -> ()
    }
    %scan3A_5 = arith.constant 4 : i32
    return
  }
}

#map = affine_map<(d0, d1) -> (0, 0)>
#map1 = affine_map<(d0, d1) -> (0)>
#map2 = affine_map<(d0, d1) -> (0, 0, 0)>
module attributes {stable_mosaic.version = 14 : i64} {
  func.func @k(%arg0: i32, %arg1: i32, %arg2: memref<320000x128xf32, #tpu.memory_space<hbm>>, %arg3: memref<320000xi32, #tpu.memory_space<hbm>>, %arg4: memref<320000xi32, #tpu.memory_space<hbm>>, %arg5: memref<320000xi32, #tpu.memory_space<hbm>>, %arg6: memref<10240x128xf32, #tpu.memory_space<hbm>>, %arg7: memref<10240x128xf32, #tpu.memory_space<hbm>>, %arg8: memref<10000x128xf32, #tpu.memory_space<hbm>>, %arg9: memref<320000x128xf32, #tpu.memory_space<hbm>>, %arg10: memref<2x10000x128xf32, #tpu.memory_space<hbm>>, %arg11: memref<2x16x128xf32, #tpu.memory_space<hbm>>, %arg12: memref<80x128xf32, #tpu.memory_space<vmem>>, %arg13: memref<80x128xf32, #tpu.memory_space<vmem>>, %arg14: memref<80x128xf32, #tpu.memory_space<vmem>>, %arg15: memref<80x128xf32, #tpu.memory_space<vmem>>, %arg16: memref<80xi32, #tpu.memory_space<vmem>>, %arg17: memref<2x80xi32, #tpu.memory_space<vmem>>, %arg18: memref<10000x128xf32, #tpu.memory_space<vmem_shared>>, %arg19: memref<16x128xf32, #tpu.memory_space<vmem_shared>>, %arg20: memref<!tpu.dma_semaphore, #tpu.memory_space<semaphore_mem>>, %arg21: memref<!tpu.dma_semaphore, #tpu.memory_space<semaphore_mem>>) attributes {dimension_semantics = [#tpu.dimension_semantics<core_parallel>, #tpu.dimension_semantics<subcore_parallel>], iteration_bounds = array<i64: 2, 16>, scalar_prefetch = 0 : i64, scratch_operands = 10 : i64, tpu.core_type = #tpu.core_type<sc_vector_subcore>, window_params = [{transform_indices = #map}, {transform_indices = #map1}, {transform_indices = #map1}, {transform_indices = #map1}, {transform_indices = #map}, {transform_indices = #map}, {transform_indices = #map}, {transform_indices = #map}, {transform_indices = #map2}, {transform_indices = #map2}]} {
    %mul3A = arith.constant 2 : i32
    %mul3A_0 = arith.muli %arg1, %mul3A : i32
    %add3A = arith.addi %mul3A_0, %arg0 : i32
    %eq3A = arith.constant 0 : i32
    %eq3A_1 = arith.cmpi eq, %arg1, %eq3A : i32
    %convert_element_type3A = arith.extui %eq3A_1 : i1 to i32
    %cond3A = arith.constant 0 : i32
    %cond3A_2 = arith.cmpi ne, %convert_element_type3A, %cond3A : i32
    scf.if %cond3A_2 {
      "tpu.region"() ({
        %run_scoped3A = tpu.sem_alloc : memref<!tpu.dma_semaphore, #tpu.memory_space<semaphore_mem>>
        tpu.enqueue_dma source(%arg8 : memref<10000x128xf32, #tpu.memory_space<hbm>>) target(%arg18 : memref<10000x128xf32, #tpu.memory_space<vmem_shared>>) target_semaphore(%run_scoped3A : memref<!tpu.dma_semaphore, #tpu.memory_space<semaphore_mem>>)
        tpu.wait_dma2 semaphore(%run_scoped3A : memref<!tpu.dma_semaphore, #tpu.memory_space<semaphore_mem>>) src(%arg8 : memref<10000x128xf32, #tpu.memory_space<hbm>>) dst(%arg18 : memref<10000x128xf32, #tpu.memory_space<vmem_shared>>)
        tpu.yield
      }) : () -> ()
      "tpu.region"() ({
        %run_scoped3A = tpu.sem_alloc : memref<!tpu.dma_semaphore, #tpu.memory_space<semaphore_mem>>
        %dma_start3A = arith.constant 0 : i32
        %dma_start3A_18 = arith.constant 0 : i32
        %dma_start3A_19 = tpu.memref_slice %arg8[%dma_start3A, %dma_start3A_18] : memref<10000x128xf32, #tpu.memory_space<hbm>> -> memref<16x128xf32, #tpu.memory_space<hbm>>
        tpu.enqueue_dma source(%dma_start3A_19 : memref<16x128xf32, #tpu.memory_space<hbm>>) target(%arg19 : memref<16x128xf32, #tpu.memory_space<vmem_shared>>) target_semaphore(%run_scoped3A : memref<!tpu.dma_semaphore, #tpu.memory_space<semaphore_mem>>)
        %dma_wait3A = arith.constant 0 : i32
        %dma_wait3A_20 = arith.constant 0 : i32
        %dma_wait3A_21 = tpu.memref_slice %arg8[%dma_wait3A, %dma_wait3A_20] : memref<10000x128xf32, #tpu.memory_space<hbm>> -> memref<16x128xf32, #tpu.memory_space<hbm>>
        tpu.wait_dma2 semaphore(%run_scoped3A : memref<!tpu.dma_semaphore, #tpu.memory_space<semaphore_mem>>) src(%dma_wait3A_21 : memref<16x128xf32, #tpu.memory_space<hbm>>) dst(%arg19 : memref<16x128xf32, #tpu.memory_space<vmem_shared>>)
        tpu.yield
      }) : () -> ()
    } else {
    }
    %barrier3A = arith.constant 0 : index
    tpu.barrier barrier_id(%barrier3A)
    %scan3A = arith.constant 0 : i32
    %scan3A_3 = arith.constant 0 : i32
    %scan3A_4 = arith.constant 125 : i32
    %scan3A_5 = arith.addi %scan3A_3, %scan3A_4 : i32
    %scan3A_6 = arith.constant 1 : i32
    scf.for %scan3A_18 = %scan3A_3 to %scan3A_5 step %scan3A_6  : i32 {
      %mul3A_19 = arith.constant 10000 : i32
      %mul3A_20 = arith.muli %add3A, %mul3A_19 : i32
      %mul3A_21 = arith.constant 80 : i32
      %mul3A_22 = arith.muli %scan3A_18, %mul3A_21 : i32
      %add3A_23 = arith.addi %mul3A_20, %mul3A_22 : i32
      %dma_start3A = tpu.memref_slice %arg3[%add3A_23] : memref<320000xi32, #tpu.memory_space<hbm>> -> memref<80xi32, #tpu.memory_space<hbm>>
      %dma_start3A_24 = tpu.memref_slice %arg3[%add3A_23] : memref<320000xi32, #tpu.memory_space<hbm>> -> memref<80xi32, #tpu.memory_space<hbm>>
      tpu.enqueue_dma source(%dma_start3A_24 : memref<80xi32, #tpu.memory_space<hbm>>) target(%arg16 : memref<80xi32, #tpu.memory_space<vmem>>) target_semaphore(%arg20 : memref<!tpu.dma_semaphore, #tpu.memory_space<semaphore_mem>>)
      %dma_start3A_25 = arith.constant 0 : i32
      %dma_start3A_26 = arith.constant 0 : i32
      %dma_start3A_27 = tpu.memref_slice %arg17[%dma_start3A_25, %dma_start3A_26] : memref<2x80xi32, #tpu.memory_space<vmem>> -> memref<1x80xi32, #tpu.memory_space<vmem>>
      %dma_start3A_28 = tpu.memref_squeeze %dma_start3A_27 : memref<1x80xi32, #tpu.memory_space<vmem>> -> memref<80xi32, #tpu.memory_space<vmem>>
      %dma_start3A_29 = tpu.memref_slice %arg4[%add3A_23] : memref<320000xi32, #tpu.memory_space<hbm>> -> memref<80xi32, #tpu.memory_space<hbm>>
      %dma_start3A_30 = arith.constant 0 : i32
      %dma_start3A_31 = tpu.memref_slice %arg17[%dma_start3A_25, %dma_start3A_30] : memref<2x80xi32, #tpu.memory_space<vmem>> -> memref<1x80xi32, #tpu.memory_space<vmem>>
      %dma_start3A_32 = tpu.memref_squeeze %dma_start3A_31 : memref<1x80xi32, #tpu.memory_space<vmem>> -> memref<80xi32, #tpu.memory_space<vmem>>
      %dma_start3A_33 = tpu.memref_slice %arg4[%add3A_23] : memref<320000xi32, #tpu.memory_space<hbm>> -> memref<80xi32, #tpu.memory_space<hbm>>
      tpu.enqueue_dma source(%dma_start3A_33 : memref<80xi32, #tpu.memory_space<hbm>>) target(%dma_start3A_32 : memref<80xi32, #tpu.memory_space<vmem>>) target_semaphore(%arg20 : memref<!tpu.dma_semaphore, #tpu.memory_space<semaphore_mem>>)
      %dma_start3A_34 = arith.constant 1 : i32
      %dma_start3A_35 = arith.constant 0 : i32
      %dma_start3A_36 = tpu.memref_slice %arg17[%dma_start3A_34, %dma_start3A_35] : memref<2x80xi32, #tpu.memory_space<vmem>> -> memref<1x80xi32, #tpu.memory_space<vmem>>
      %dma_start3A_37 = tpu.memref_squeeze %dma_start3A_36 : memref<1x80xi32, #tpu.memory_space<vmem>> -> memref<80xi32, #tpu.memory_space<vmem>>
      %dma_start3A_38 = tpu.memref_slice %arg5[%add3A_23] : memref<320000xi32, #tpu.memory_space<hbm>> -> memref<80xi32, #tpu.memory_space<hbm>>
      %dma_start3A_39 = arith.constant 0 : i32
      %dma_start3A_40 = tpu.memref_slice %arg17[%dma_start3A_34, %dma_start3A_39] : memref<2x80xi32, #tpu.memory_space<vmem>> -> memref<1x80xi32, #tpu.memory_space<vmem>>
      %dma_start3A_41 = tpu.memref_squeeze %dma_start3A_40 : memref<1x80xi32, #tpu.memory_space<vmem>> -> memref<80xi32, #tpu.memory_space<vmem>>
      %dma_start3A_42 = tpu.memref_slice %arg5[%add3A_23] : memref<320000xi32, #tpu.memory_space<hbm>> -> memref<80xi32, #tpu.memory_space<hbm>>
      tpu.enqueue_dma source(%dma_start3A_42 : memref<80xi32, #tpu.memory_space<hbm>>) target(%dma_start3A_41 : memref<80xi32, #tpu.memory_space<vmem>>) target_semaphore(%arg20 : memref<!tpu.dma_semaphore, #tpu.memory_space<semaphore_mem>>)
      %dma_start3A_43 = arith.constant 0 : i32
      %dma_start3A_44 = tpu.memref_slice %arg2[%add3A_23, %dma_start3A_43] : memref<320000x128xf32, #tpu.memory_space<hbm>> -> memref<80x128xf32, #tpu.memory_space<hbm>>
      %dma_start3A_45 = arith.constant 0 : i32
      %dma_start3A_46 = tpu.memref_slice %arg2[%add3A_23, %dma_start3A_45] : memref<320000x128xf32, #tpu.memory_space<hbm>> -> memref<80x128xf32, #tpu.memory_space<hbm>>
      tpu.enqueue_dma source(%dma_start3A_46 : memref<80x128xf32, #tpu.memory_space<hbm>>) target(%arg12 : memref<80x128xf32, #tpu.memory_space<vmem>>) target_semaphore(%arg20 : memref<!tpu.dma_semaphore, #tpu.memory_space<semaphore_mem>>)
      %dma_wait3A = tpu.memref_slice %arg3[%add3A_23] : memref<320000xi32, #tpu.memory_space<hbm>> -> memref<80xi32, #tpu.memory_space<hbm>>
      %dma_wait3A_47 = tpu.memref_slice %arg3[%add3A_23] : memref<320000xi32, #tpu.memory_space<hbm>> -> memref<80xi32, #tpu.memory_space<hbm>>
      tpu.wait_dma2 semaphore(%arg20 : memref<!tpu.dma_semaphore, #tpu.memory_space<semaphore_mem>>) src(%dma_wait3A_47 : memref<80xi32, #tpu.memory_space<hbm>>) dst(%arg16 : memref<80xi32, #tpu.memory_space<vmem>>)
      %dma_wait3A_48 = arith.constant 0 : i32
      %dma_wait3A_49 = arith.constant 0 : i32
      %dma_wait3A_50 = tpu.memref_slice %arg17[%dma_wait3A_48, %dma_wait3A_49] : memref<2x80xi32, #tpu.memory_space<vmem>> -> memref<1x80xi32, #tpu.memory_space<vmem>>
      %dma_wait3A_51 = tpu.memref_squeeze %dma_wait3A_50 : memref<1x80xi32, #tpu.memory_space<vmem>> -> memref<80xi32, #tpu.memory_space<vmem>>
      %dma_wait3A_52 = tpu.memref_slice %arg4[%add3A_23] : memref<320000xi32, #tpu.memory_space<hbm>> -> memref<80xi32, #tpu.memory_space<hbm>>
      %dma_wait3A_53 = arith.constant 0 : i32
      %dma_wait3A_54 = tpu.memref_slice %arg17[%dma_wait3A_48, %dma_wait3A_53] : memref<2x80xi32, #tpu.memory_space<vmem>> -> memref<1x80xi32, #tpu.memory_space<vmem>>
      %dma_wait3A_55 = tpu.memref_squeeze %dma_wait3A_54 : memref<1x80xi32, #tpu.memory_space<vmem>> -> memref<80xi32, #tpu.memory_space<vmem>>
      %dma_wait3A_56 = tpu.memref_slice %arg4[%add3A_23] : memref<320000xi32, #tpu.memory_space<hbm>> -> memref<80xi32, #tpu.memory_space<hbm>>
      tpu.wait_dma2 semaphore(%arg20 : memref<!tpu.dma_semaphore, #tpu.memory_space<semaphore_mem>>) src(%dma_wait3A_56 : memref<80xi32, #tpu.memory_space<hbm>>) dst(%dma_wait3A_55 : memref<80xi32, #tpu.memory_space<vmem>>)
      %dma_wait3A_57 = arith.constant 1 : i32
      %dma_wait3A_58 = arith.constant 0 : i32
      %dma_wait3A_59 = tpu.memref_slice %arg17[%dma_wait3A_57, %dma_wait3A_58] : memref<2x80xi32, #tpu.memory_space<vmem>> -> memref<1x80xi32, #tpu.memory_space<vmem>>
      %dma_wait3A_60 = tpu.memref_squeeze %dma_wait3A_59 : memref<1x80xi32, #tpu.memory_space<vmem>> -> memref<80xi32, #tpu.memory_space<vmem>>
      %dma_wait3A_61 = tpu.memref_slice %arg5[%add3A_23] : memref<320000xi32, #tpu.memory_space<hbm>> -> memref<80xi32, #tpu.memory_space<hbm>>
      %dma_wait3A_62 = arith.constant 0 : i32
      %dma_wait3A_63 = tpu.memref_slice %arg17[%dma_wait3A_57, %dma_wait3A_62] : memref<2x80xi32, #tpu.memory_space<vmem>> -> memref<1x80xi32, #tpu.memory_space<vmem>>
      %dma_wait3A_64 = tpu.memref_squeeze %dma_wait3A_63 : memref<1x80xi32, #tpu.memory_space<vmem>> -> memref<80xi32, #tpu.memory_space<vmem>>
      %dma_wait3A_65 = tpu.memref_slice %arg5[%add3A_23] : memref<320000xi32, #tpu.memory_space<hbm>> -> memref<80xi32, #tpu.memory_space<hbm>>
      tpu.wait_dma2 semaphore(%arg20 : memref<!tpu.dma_semaphore, #tpu.memory_space<semaphore_mem>>) src(%dma_wait3A_65 : memref<80xi32, #tpu.memory_space<hbm>>) dst(%dma_wait3A_64 : memref<80xi32, #tpu.memory_space<vmem>>)
      %dma_wait3A_66 = arith.constant 0 : i32
      %dma_wait3A_67 = tpu.memref_slice %arg2[%add3A_23, %dma_wait3A_66] : memref<320000x128xf32, #tpu.memory_space<hbm>> -> memref<80x128xf32, #tpu.memory_space<hbm>>
      %dma_wait3A_68 = arith.constant 0 : i32
      %dma_wait3A_69 = tpu.memref_slice %arg2[%add3A_23, %dma_wait3A_68] : memref<320000x128xf32, #tpu.memory_space<hbm>> -> memref<80x128xf32, #tpu.memory_space<hbm>>
      tpu.wait_dma2 semaphore(%arg20 : memref<!tpu.dma_semaphore, #tpu.memory_space<semaphore_mem>>) src(%dma_wait3A_69 : memref<80x128xf32, #tpu.memory_space<hbm>>) dst(%arg12 : memref<80x128xf32, #tpu.memory_space<vmem>>)
      %dma_start3A_70 = arith.constant 0 : i32
      %dma_start3A_71 = arith.constant 0 : i32
      %dma_start3A_72 = tpu.memref_slice %arg6[%dma_start3A_70, %dma_start3A_71] : memref<10240x128xf32, #tpu.memory_space<hbm>> -> memref<10240x128xf32, #tpu.memory_space<hbm>>
      tpu.enqueue_indirect_dma source(%dma_start3A_72 : memref<10240x128xf32, #tpu.memory_space<hbm>>) target(%arg13 : memref<80x128xf32, #tpu.memory_space<vmem>>) offsets(%arg16 : memref<80xi32, #tpu.memory_space<vmem>>) semaphore(%arg20 : memref<!tpu.dma_semaphore, #tpu.memory_space<semaphore_mem>>)
      %dma_start3A_73 = arith.constant 0 : i32
      %dma_start3A_74 = arith.constant 0 : i32
      %dma_start3A_75 = tpu.memref_slice %arg17[%dma_start3A_73, %dma_start3A_74] : memref<2x80xi32, #tpu.memory_space<vmem>> -> memref<1x80xi32, #tpu.memory_space<vmem>>
      %dma_start3A_76 = tpu.memref_squeeze %dma_start3A_75 : memref<1x80xi32, #tpu.memory_space<vmem>> -> memref<80xi32, #tpu.memory_space<vmem>>
      %dma_start3A_77 = arith.constant 0 : i32
      %dma_start3A_78 = arith.constant 0 : i32
      %dma_start3A_79 = tpu.memref_slice %arg7[%dma_start3A_77, %dma_start3A_78] : memref<10240x128xf32, #tpu.memory_space<hbm>> -> memref<10240x128xf32, #tpu.memory_space<hbm>>
      tpu.enqueue_indirect_dma source(%dma_start3A_79 : memref<10240x128xf32, #tpu.memory_space<hbm>>) target(%arg14 : memref<80x128xf32, #tpu.memory_space<vmem>>) offsets(%dma_start3A_76 : memref<80xi32, #tpu.memory_space<vmem>>) semaphore(%arg21 : memref<!tpu.dma_semaphore, #tpu.memory_space<semaphore_mem>>)
      %dma_wait3A_80 = arith.constant 0 : i32
      %dma_wait3A_81 = arith.constant 0 : i32
      %dma_wait3A_82 = tpu.memref_slice %arg6[%dma_wait3A_80, %dma_wait3A_81] : memref<10240x128xf32, #tpu.memory_space<hbm>> -> memref<10240x128xf32, #tpu.memory_space<hbm>>
      tpu.wait_indirect_dma semaphore(%arg20 : memref<!tpu.dma_semaphore, #tpu.memory_space<semaphore_mem>>) src(%dma_wait3A_82 : memref<10240x128xf32, #tpu.memory_space<hbm>>) dst(%arg13 : memref<80x128xf32, #tpu.memory_space<vmem>>)
      %dma_wait3A_83 = arith.constant 0 : i32
      %dma_wait3A_84 = arith.constant 0 : i32
      %dma_wait3A_85 = tpu.memref_slice %arg17[%dma_wait3A_83, %dma_wait3A_84] : memref<2x80xi32, #tpu.memory_space<vmem>> -> memref<1x80xi32, #tpu.memory_space<vmem>>
      %dma_wait3A_86 = tpu.memref_squeeze %dma_wait3A_85 : memref<1x80xi32, #tpu.memory_space<vmem>> -> memref<80xi32, #tpu.memory_space<vmem>>
      %dma_wait3A_87 = arith.constant 0 : i32
      %dma_wait3A_88 = arith.constant 0 : i32
      %dma_wait3A_89 = tpu.memref_slice %arg7[%dma_wait3A_87, %dma_wait3A_88] : memref<10240x128xf32, #tpu.memory_space<hbm>> -> memref<10240x128xf32, #tpu.memory_space<hbm>>
      tpu.wait_indirect_dma semaphore(%arg21 : memref<!tpu.dma_semaphore, #tpu.memory_space<semaphore_mem>>) src(%dma_wait3A_89 : memref<10240x128xf32, #tpu.memory_space<hbm>>) dst(%arg14 : memref<80x128xf32, #tpu.memory_space<vmem>>)
      %scan3A_90 = arith.constant 0 : i32
      %scan3A_91 = arith.constant 0 : i32
      %scan3A_92 = arith.constant 80 : i32
      %scan3A_93 = arith.addi %scan3A_91, %scan3A_92 : i32
      %scan3A_94 = arith.constant 1 : i32
      scf.for %scan3A_132 = %scan3A_91 to %scan3A_93 step %scan3A_94  : i32 {
        %get3A = arith.index_cast %scan3A_132 : i32 to index
        %get3A_133 = arith.constant 0 : index
        %get3A_134 = tpu.vector_load %arg12[%get3A, %get3A_133] {strides = array<i32>} : memref<80x128xf32, #tpu.memory_space<vmem>>, vector<1x16xf32>,
        %get3A_135 = vector.shape_cast %get3A_134 : vector<1x16xf32> to vector<16xf32>
        %get3A_136 = arith.index_cast %scan3A_132 : i32 to index
        %get3A_137 = arith.constant 0 : index
        %get3A_138 = tpu.vector_load %arg13[%get3A_136, %get3A_137] {strides = array<i32>} : memref<80x128xf32, #tpu.memory_space<vmem>>, vector<1x16xf32>,
        %get3A_139 = vector.shape_cast %get3A_138 : vector<1x16xf32> to vector<16xf32>
        %add3A_140 = arith.addf %get3A_135, %get3A_139 : vector<16xf32>
        %get3A_141 = arith.index_cast %scan3A_132 : i32 to index
        %get3A_142 = arith.constant 0 : index
        %get3A_143 = tpu.vector_load %arg14[%get3A_141, %get3A_142] {strides = array<i32>} : memref<80x128xf32, #tpu.memory_space<vmem>>, vector<1x16xf32>,
        %get3A_144 = vector.shape_cast %get3A_143 : vector<1x16xf32> to vector<16xf32>
        %add3A_145 = arith.addf %add3A_140, %get3A_144 : vector<16xf32>
        %max3A = arith.constant 0.000000e+00 : f32
        %max3A_146 = vector.broadcast %max3A : f32 to vector<16xf32>
        %max3A_147 = arith.maximumf %add3A_145, %max3A_146 : vector<16xf32>
        %swap3A = arith.index_cast %scan3A_132 : i32 to index
        %swap3A_148 = arith.constant 0 : index
        %swap3A_149 = tpu.vector_load %arg15[%swap3A, %swap3A_148] {strides = array<i32>} : memref<80x128xf32, #tpu.memory_space<vmem>>, vector<1x16xf32>,
        %swap3A_150 = vector.shape_cast %swap3A_149 : vector<1x16xf32> to vector<16xf32>
        %swap3A_151 = vector.shape_cast %max3A_147 : vector<16xf32> to vector<1x16xf32>
        tpu.vector_store %arg15[%swap3A, %swap3A_148], %swap3A_151 {strides = array<i32>} : memref<80x128xf32, #tpu.memory_space<vmem>>, vector<1x16xf32>,
        %get3A_152 = arith.index_cast %scan3A_132 : i32 to index
        %get3A_153 = arith.constant 16 : index
        %get3A_154 = tpu.vector_load %arg12[%get3A_152, %get3A_153] {strides = array<i32>} : memref<80x128xf32, #tpu.memory_space<vmem>>, vector<1x16xf32>,
        %get3A_155 = vector.shape_cast %get3A_154 : vector<1x16xf32> to vector<16xf32>
        %get3A_156 = arith.index_cast %scan3A_132 : i32 to index
        %get3A_157 = arith.constant 16 : index
        %get3A_158 = tpu.vector_load %arg13[%get3A_156, %get3A_157] {strides = array<i32>} : memref<80x128xf32, #tpu.memory_space<vmem>>, vector<1x16xf32>,
        %get3A_159 = vector.shape_cast %get3A_158 : vector<1x16xf32> to vector<16xf32>
        %add3A_160 = arith.addf %get3A_155, %get3A_159 : vector<16xf32>
        %get3A_161 = arith.index_cast %scan3A_132 : i32 to index
        %get3A_162 = arith.constant 16 : index
        %get3A_163 = tpu.vector_load %arg14[%get3A_161, %get3A_162] {strides = array<i32>} : memref<80x128xf32, #tpu.memory_space<vmem>>, vector<1x16xf32>,
        %get3A_164 = vector.shape_cast %get3A_163 : vector<1x16xf32> to vector<16xf32>
        %add3A_165 = arith.addf %add3A_160, %get3A_164 : vector<16xf32>
        %max3A_166 = arith.constant 0.000000e+00 : f32
        %max3A_167 = vector.broadcast %max3A_166 : f32 to vector<16xf32>
        %max3A_168 = arith.maximumf %add3A_165, %max3A_167 : vector<16xf32>
        %swap3A_169 = arith.index_cast %scan3A_132 : i32 to index
        %swap3A_170 = arith.constant 16 : index
        %swap3A_171 = tpu.vector_load %arg15[%swap3A_169, %swap3A_170] {strides = array<i32>} : memref<80x128xf32, #tpu.memory_space<vmem>>, vector<1x16xf32>,
        %swap3A_172 = vector.shape_cast %swap3A_171 : vector<1x16xf32> to vector<16xf32>
        %swap3A_173 = vector.shape_cast %max3A_168 : vector<16xf32> to vector<1x16xf32>
        tpu.vector_store %arg15[%swap3A_169, %swap3A_170], %swap3A_173 {strides = array<i32>} : memref<80x128xf32, #tpu.memory_space<vmem>>, vector<1x16xf32>,
        %get3A_174 = arith.index_cast %scan3A_132 : i32 to index
        %get3A_175 = arith.constant 32 : index
        %get3A_176 = tpu.vector_load %arg12[%get3A_174, %get3A_175] {strides = array<i32>} : memref<80x128xf32, #tpu.memory_space<vmem>>, vector<1x16xf32>,
        %get3A_177 = vector.shape_cast %get3A_176 : vector<1x16xf32> to vector<16xf32>
        %get3A_178 = arith.index_cast %scan3A_132 : i32 to index
        %get3A_179 = arith.constant 32 : index
        %get3A_180 = tpu.vector_load %arg13[%get3A_178, %get3A_179] {strides = array<i32>} : memref<80x128xf32, #tpu.memory_space<vmem>>, vector<1x16xf32>,
        %get3A_181 = vector.shape_cast %get3A_180 : vector<1x16xf32> to vector<16xf32>
        %add3A_182 = arith.addf %get3A_177, %get3A_181 : vector<16xf32>
        %get3A_183 = arith.index_cast %scan3A_132 : i32 to index
        %get3A_184 = arith.constant 32 : index
        %get3A_185 = tpu.vector_load %arg14[%get3A_183, %get3A_184] {strides = array<i32>} : memref<80x128xf32, #tpu.memory_space<vmem>>, vector<1x16xf32>,
        %get3A_186 = vector.shape_cast %get3A_185 : vector<1x16xf32> to vector<16xf32>
        %add3A_187 = arith.addf %add3A_182, %get3A_186 : vector<16xf32>
        %max3A_188 = arith.constant 0.000000e+00 : f32
        %max3A_189 = vector.broadcast %max3A_188 : f32 to vector<16xf32>
        %max3A_190 = arith.maximumf %add3A_187, %max3A_189 : vector<16xf32>
        %swap3A_191 = arith.index_cast %scan3A_132 : i32 to index
        %swap3A_192 = arith.constant 32 : index
        %swap3A_193 = tpu.vector_load %arg15[%swap3A_191, %swap3A_192] {strides = array<i32>} : memref<80x128xf32, #tpu.memory_space<vmem>>, vector<1x16xf32>,
        %swap3A_194 = vector.shape_cast %swap3A_193 : vector<1x16xf32> to vector<16xf32>
        %swap3A_195 = vector.shape_cast %max3A_190 : vector<16xf32> to vector<1x16xf32>
        tpu.vector_store %arg15[%swap3A_191, %swap3A_192], %swap3A_195 {strides = array<i32>} : memref<80x128xf32, #tpu.memory_space<vmem>>, vector<1x16xf32>,
        %get3A_196 = arith.index_cast %scan3A_132 : i32 to index
        %get3A_197 = arith.constant 48 : index
        %get3A_198 = tpu.vector_load %arg12[%get3A_196, %get3A_197] {strides = array<i32>} : memref<80x128xf32, #tpu.memory_space<vmem>>, vector<1x16xf32>,
        %get3A_199 = vector.shape_cast %get3A_198 : vector<1x16xf32> to vector<16xf32>
        %get3A_200 = arith.index_cast %scan3A_132 : i32 to index
        %get3A_201 = arith.constant 48 : index
        %get3A_202 = tpu.vector_load %arg13[%get3A_200, %get3A_201] {strides = array<i32>} : memref<80x128xf32, #tpu.memory_space<vmem>>, vector<1x16xf32>,
        %get3A_203 = vector.shape_cast %get3A_202 : vector<1x16xf32> to vector<16xf32>
        %add3A_204 = arith.addf %get3A_199, %get3A_203 : vector<16xf32>
        %get3A_205 = arith.index_cast %scan3A_132 : i32 to index
        %get3A_206 = arith.constant 48 : index
        %get3A_207 = tpu.vector_load %arg14[%get3A_205, %get3A_206] {strides = array<i32>} : memref<80x128xf32, #tpu.memory_space<vmem>>, vector<1x16xf32>,
        %get3A_208 = vector.shape_cast %get3A_207 : vector<1x16xf32> to vector<16xf32>
        %add3A_209 = arith.addf %add3A_204, %get3A_208 : vector<16xf32>
        %max3A_210 = arith.constant 0.000000e+00 : f32
        %max3A_211 = vector.broadcast %max3A_210 : f32 to vector<16xf32>
        %max3A_212 = arith.maximumf %add3A_209, %max3A_211 : vector<16xf32>
        %swap3A_213 = arith.index_cast %scan3A_132 : i32 to index
        %swap3A_214 = arith.constant 48 : index
        %swap3A_215 = tpu.vector_load %arg15[%swap3A_213, %swap3A_214] {strides = array<i32>} : memref<80x128xf32, #tpu.memory_space<vmem>>, vector<1x16xf32>,
        %swap3A_216 = vector.shape_cast %swap3A_215 : vector<1x16xf32> to vector<16xf32>
        %swap3A_217 = vector.shape_cast %max3A_212 : vector<16xf32> to vector<1x16xf32>
        tpu.vector_store %arg15[%swap3A_213, %swap3A_214], %swap3A_217 {strides = array<i32>} : memref<80x128xf32, #tpu.memory_space<vmem>>, vector<1x16xf32>,
        %get3A_218 = arith.index_cast %scan3A_132 : i32 to index
        %get3A_219 = arith.constant 64 : index
        %get3A_220 = tpu.vector_load %arg12[%get3A_218, %get3A_219] {strides = array<i32>} : memref<80x128xf32, #tpu.memory_space<vmem>>, vector<1x16xf32>,
        %get3A_221 = vector.shape_cast %get3A_220 : vector<1x16xf32> to vector<16xf32>
        %get3A_222 = arith.index_cast %scan3A_132 : i32 to index
        %get3A_223 = arith.constant 64 : index
        %get3A_224 = tpu.vector_load %arg13[%get3A_222, %get3A_223] {strides = array<i32>} : memref<80x128xf32, #tpu.memory_space<vmem>>, vector<1x16xf32>,
        %get3A_225 = vector.shape_cast %get3A_224 : vector<1x16xf32> to vector<16xf32>
        %add3A_226 = arith.addf %get3A_221, %get3A_225 : vector<16xf32>
        %get3A_227 = arith.index_cast %scan3A_132 : i32 to index
        %get3A_228 = arith.constant 64 : index
        %get3A_229 = tpu.vector_load %arg14[%get3A_227, %get3A_228] {strides = array<i32>} : memref<80x128xf32, #tpu.memory_space<vmem>>, vector<1x16xf32>,
        %get3A_230 = vector.shape_cast %get3A_229 : vector<1x16xf32> to vector<16xf32>
        %add3A_231 = arith.addf %add3A_226, %get3A_230 : vector<16xf32>
        %max3A_232 = arith.constant 0.000000e+00 : f32
        %max3A_233 = vector.broadcast %max3A_232 : f32 to vector<16xf32>
        %max3A_234 = arith.maximumf %add3A_231, %max3A_233 : vector<16xf32>
        %swap3A_235 = arith.index_cast %scan3A_132 : i32 to index
        %swap3A_236 = arith.constant 64 : index
        %swap3A_237 = tpu.vector_load %arg15[%swap3A_235, %swap3A_236] {strides = array<i32>} : memref<80x128xf32, #tpu.memory_space<vmem>>, vector<1x16xf32>,
        %swap3A_238 = vector.shape_cast %swap3A_237 : vector<1x16xf32> to vector<16xf32>
        %swap3A_239 = vector.shape_cast %max3A_234 : vector<16xf32> to vector<1x16xf32>
        tpu.vector_store %arg15[%swap3A_235, %swap3A_236], %swap3A_239 {strides = array<i32>} : memref<80x128xf32, #tpu.memory_space<vmem>>, vector<1x16xf32>,
        %get3A_240 = arith.index_cast %scan3A_132 : i32 to index
        %get3A_241 = arith.constant 80 : index
        %get3A_242 = tpu.vector_load %arg12[%get3A_240, %get3A_241] {strides = array<i32>} : memref<80x128xf32, #tpu.memory_space<vmem>>, vector<1x16xf32>,
        %get3A_243 = vector.shape_cast %get3A_242 : vector<1x16xf32> to vector<16xf32>
        %get3A_244 = arith.index_cast %scan3A_132 : i32 to index
        %get3A_245 = arith.constant 80 : index
        %get3A_246 = tpu.vector_load %arg13[%get3A_244, %get3A_245] {strides = array<i32>} : memref<80x128xf32, #tpu.memory_space<vmem>>, vector<1x16xf32>,
        %get3A_247 = vector.shape_cast %get3A_246 : vector<1x16xf32> to vector<16xf32>
        %add3A_248 = arith.addf %get3A_243, %get3A_247 : vector<16xf32>
        %get3A_249 = arith.index_cast %scan3A_132 : i32 to index
        %get3A_250 = arith.constant 80 : index
        %get3A_251 = tpu.vector_load %arg14[%get3A_249, %get3A_250] {strides = array<i32>} : memref<80x128xf32, #tpu.memory_space<vmem>>, vector<1x16xf32>,
        %get3A_252 = vector.shape_cast %get3A_251 : vector<1x16xf32> to vector<16xf32>
        %add3A_253 = arith.addf %add3A_248, %get3A_252 : vector<16xf32>
        %max3A_254 = arith.constant 0.000000e+00 : f32
        %max3A_255 = vector.broadcast %max3A_254 : f32 to vector<16xf32>
        %max3A_256 = arith.maximumf %add3A_253, %max3A_255 : vector<16xf32>
        %swap3A_257 = arith.index_cast %scan3A_132 : i32 to index
        %swap3A_258 = arith.constant 80 : index
        %swap3A_259 = tpu.vector_load %arg15[%swap3A_257, %swap3A_258] {strides = array<i32>} : memref<80x128xf32, #tpu.memory_space<vmem>>, vector<1x16xf32>,
        %swap3A_260 = vector.shape_cast %swap3A_259 : vector<1x16xf32> to vector<16xf32>
        %swap3A_261 = vector.shape_cast %max3A_256 : vector<16xf32> to vector<1x16xf32>
        tpu.vector_store %arg15[%swap3A_257, %swap3A_258], %swap3A_261 {strides = array<i32>} : memref<80x128xf32, #tpu.memory_space<vmem>>, vector<1x16xf32>,
        %get3A_262 = arith.index_cast %scan3A_132 : i32 to index
        %get3A_263 = arith.constant 96 : index
        %get3A_264 = tpu.vector_load %arg12[%get3A_262, %get3A_263] {strides = array<i32>} : memref<80x128xf32, #tpu.memory_space<vmem>>, vector<1x16xf32>,
        %get3A_265 = vector.shape_cast %get3A_264 : vector<1x16xf32> to vector<16xf32>
        %get3A_266 = arith.index_cast %scan3A_132 : i32 to index
        %get3A_267 = arith.constant 96 : index
        %get3A_268 = tpu.vector_load %arg13[%get3A_266, %get3A_267] {strides = array<i32>} : memref<80x128xf32, #tpu.memory_space<vmem>>, vector<1x16xf32>,
        %get3A_269 = vector.shape_cast %get3A_268 : vector<1x16xf32> to vector<16xf32>
        %add3A_270 = arith.addf %get3A_265, %get3A_269 : vector<16xf32>
        %get3A_271 = arith.index_cast %scan3A_132 : i32 to index
        %get3A_272 = arith.constant 96 : index
        %get3A_273 = tpu.vector_load %arg14[%get3A_271, %get3A_272] {strides = array<i32>} : memref<80x128xf32, #tpu.memory_space<vmem>>, vector<1x16xf32>,
        %get3A_274 = vector.shape_cast %get3A_273 : vector<1x16xf32> to vector<16xf32>
        %add3A_275 = arith.addf %add3A_270, %get3A_274 : vector<16xf32>
        %max3A_276 = arith.constant 0.000000e+00 : f32
        %max3A_277 = vector.broadcast %max3A_276 : f32 to vector<16xf32>
        %max3A_278 = arith.maximumf %add3A_275, %max3A_277 : vector<16xf32>
        %swap3A_279 = arith.index_cast %scan3A_132 : i32 to index
        %swap3A_280 = arith.constant 96 : index
        %swap3A_281 = tpu.vector_load %arg15[%swap3A_279, %swap3A_280] {strides = array<i32>} : memref<80x128xf32, #tpu.memory_space<vmem>>, vector<1x16xf32>,
        %swap3A_282 = vector.shape_cast %swap3A_281 : vector<1x16xf32> to vector<16xf32>
        %swap3A_283 = vector.shape_cast %max3A_278 : vector<16xf32> to vector<1x16xf32>
        tpu.vector_store %arg15[%swap3A_279, %swap3A_280], %swap3A_283 {strides = array<i32>} : memref<80x128xf32, #tpu.memory_space<vmem>>, vector<1x16xf32>,
        %get3A_284 = arith.index_cast %scan3A_132 : i32 to index
        %get3A_285 = arith.constant 112 : index
        %get3A_286 = tpu.vector_load %arg12[%get3A_284, %get3A_285] {strides = array<i32>} : memref<80x128xf32, #tpu.memory_space<vmem>>, vector<1x16xf32>,
        %get3A_287 = vector.shape_cast %get3A_286 : vector<1x16xf32> to vector<16xf32>
        %get3A_288 = arith.index_cast %scan3A_132 : i32 to index
        %get3A_289 = arith.constant 112 : index
        %get3A_290 = tpu.vector_load %arg13[%get3A_288, %get3A_289] {strides = array<i32>} : memref<80x128xf32, #tpu.memory_space<vmem>>, vector<1x16xf32>,
        %get3A_291 = vector.shape_cast %get3A_290 : vector<1x16xf32> to vector<16xf32>
        %add3A_292 = arith.addf %get3A_287, %get3A_291 : vector<16xf32>
        %get3A_293 = arith.index_cast %scan3A_132 : i32 to index
        %get3A_294 = arith.constant 112 : index
        %get3A_295 = tpu.vector_load %arg14[%get3A_293, %get3A_294] {strides = array<i32>} : memref<80x128xf32, #tpu.memory_space<vmem>>, vector<1x16xf32>,
        %get3A_296 = vector.shape_cast %get3A_295 : vector<1x16xf32> to vector<16xf32>
        %add3A_297 = arith.addf %add3A_292, %get3A_296 : vector<16xf32>
        %max3A_298 = arith.constant 0.000000e+00 : f32
        %max3A_299 = vector.broadcast %max3A_298 : f32 to vector<16xf32>
        %max3A_300 = arith.maximumf %add3A_297, %max3A_299 : vector<16xf32>
        %swap3A_301 = arith.index_cast %scan3A_132 : i32 to index
        %swap3A_302 = arith.constant 112 : index
        %swap3A_303 = tpu.vector_load %arg15[%swap3A_301, %swap3A_302] {strides = array<i32>} : memref<80x128xf32, #tpu.memory_space<vmem>>, vector<1x16xf32>,
        %swap3A_304 = vector.shape_cast %swap3A_303 : vector<1x16xf32> to vector<16xf32>
        %swap3A_305 = vector.shape_cast %max3A_300 : vector<16xf32> to vector<1x16xf32>
        tpu.vector_store %arg15[%swap3A_301, %swap3A_302], %swap3A_305 {strides = array<i32>} : memref<80x128xf32, #tpu.memory_space<vmem>>, vector<1x16xf32>,
      }
      %scan3A_95 = arith.constant 80 : i32
      %dma_start3A_96 = arith.constant 0 : i32
      %dma_start3A_97 = tpu.memref_slice %arg9[%add3A_23, %dma_start3A_96] : memref<320000x128xf32, #tpu.memory_space<hbm>> -> memref<80x128xf32, #tpu.memory_space<hbm>>
      %dma_start3A_98 = arith.constant 0 : i32
      %dma_start3A_99 = tpu.memref_slice %arg9[%add3A_23, %dma_start3A_98] : memref<320000x128xf32, #tpu.memory_space<hbm>> -> memref<80x128xf32, #tpu.memory_space<hbm>>
      tpu.enqueue_dma source(%arg15 : memref<80x128xf32, #tpu.memory_space<vmem>>) target(%dma_start3A_99 : memref<80x128xf32, #tpu.memory_space<hbm>>) target_semaphore(%arg20 : memref<!tpu.dma_semaphore, #tpu.memory_space<semaphore_mem>>)
      %dma_start3A_100 = arith.constant 0 : i32
      %dma_start3A_101 = arith.constant 0 : i32
      %dma_start3A_102 = tpu.memref_slice %arg17[%dma_start3A_100, %dma_start3A_101] : memref<2x80xi32, #tpu.memory_space<vmem>> -> memref<1x80xi32, #tpu.memory_space<vmem>>
      %dma_start3A_103 = tpu.memref_squeeze %dma_start3A_102 : memref<1x80xi32, #tpu.memory_space<vmem>> -> memref<80xi32, #tpu.memory_space<vmem>>
      %dma_start3A_104 = arith.constant 0 : i32
      %dma_start3A_105 = arith.constant 0 : i32
      %dma_start3A_106 = tpu.memref_slice %arg18[%dma_start3A_104, %dma_start3A_105] : memref<10000x128xf32, #tpu.memory_space<vmem_shared>> -> memref<10000x128xf32, #tpu.memory_space<vmem_shared>>
      tpu.enqueue_indirect_dma source(%arg15 : memref<80x128xf32, #tpu.memory_space<vmem>>) target(%dma_start3A_106 : memref<10000x128xf32, #tpu.memory_space<vmem_shared>>) offsets(%dma_start3A_103 : memref<80xi32, #tpu.memory_space<vmem>>) semaphore(%arg21 : memref<!tpu.dma_semaphore, #tpu.memory_space<semaphore_mem>>) {add = true}
      %dma_start3A_107 = arith.constant 1 : i32
      %dma_start3A_108 = arith.constant 0 : i32
      %dma_start3A_109 = tpu.memref_slice %arg17[%dma_start3A_107, %dma_start3A_108] : memref<2x80xi32, #tpu.memory_space<vmem>> -> memref<1x80xi32, #tpu.memory_space<vmem>>
      %dma_start3A_110 = tpu.memref_squeeze %dma_start3A_109 : memref<1x80xi32, #tpu.memory_space<vmem>> -> memref<80xi32, #tpu.memory_space<vmem>>
      %dma_start3A_111 = arith.constant 0 : i32
      %dma_start3A_112 = arith.constant 0 : i32
      %dma_start3A_113 = tpu.memref_slice %arg19[%dma_start3A_111, %dma_start3A_112] : memref<16x128xf32, #tpu.memory_space<vmem_shared>> -> memref<16x128xf32, #tpu.memory_space<vmem_shared>>
      tpu.enqueue_indirect_dma source(%arg15 : memref<80x128xf32, #tpu.memory_space<vmem>>) target(%dma_start3A_113 : memref<16x128xf32, #tpu.memory_space<vmem_shared>>) offsets(%dma_start3A_110 : memref<80xi32, #tpu.memory_space<vmem>>) semaphore(%arg21 : memref<!tpu.dma_semaphore, #tpu.memory_space<semaphore_mem>>) {add = true}
      %dma_wait3A_114 = arith.constant 0 : i32
      %dma_wait3A_115 = tpu.memref_slice %arg9[%add3A_23, %dma_wait3A_114] : memref<320000x128xf32, #tpu.memory_space<hbm>> -> memref<80x128xf32, #tpu.memory_space<hbm>>
      %dma_wait3A_116 = arith.constant 0 : i32
      %dma_wait3A_117 = tpu.memref_slice %arg9[%add3A_23, %dma_wait3A_116] : memref<320000x128xf32, #tpu.memory_space<hbm>> -> memref<80x128xf32, #tpu.memory_space<hbm>>
      tpu.wait_dma2 semaphore(%arg20 : memref<!tpu.dma_semaphore, #tpu.memory_space<semaphore_mem>>) src(%arg15 : memref<80x128xf32, #tpu.memory_space<vmem>>) dst(%dma_wait3A_117 : memref<80x128xf32, #tpu.memory_space<hbm>>)
      %dma_wait3A_118 = arith.constant 0 : i32
      %dma_wait3A_119 = arith.constant 0 : i32
      %dma_wait3A_120 = tpu.memref_slice %arg17[%dma_wait3A_118, %dma_wait3A_119] : memref<2x80xi32, #tpu.memory_space<vmem>> -> memref<1x80xi32, #tpu.memory_space<vmem>>
      %dma_wait3A_121 = tpu.memref_squeeze %dma_wait3A_120 : memref<1x80xi32, #tpu.memory_space<vmem>> -> memref<80xi32, #tpu.memory_space<vmem>>
      %dma_wait3A_122 = arith.constant 0 : i32
      %dma_wait3A_123 = arith.constant 0 : i32
      %dma_wait3A_124 = tpu.memref_slice %arg18[%dma_wait3A_122, %dma_wait3A_123] : memref<10000x128xf32, #tpu.memory_space<vmem_shared>> -> memref<10000x128xf32, #tpu.memory_space<vmem_shared>>
      tpu.wait_indirect_dma semaphore(%arg21 : memref<!tpu.dma_semaphore, #tpu.memory_space<semaphore_mem>>) src(%arg15 : memref<80x128xf32, #tpu.memory_space<vmem>>) dst(%dma_wait3A_124 : memref<10000x128xf32, #tpu.memory_space<vmem_shared>>)
      %dma_wait3A_125 = arith.constant 1 : i32
      %dma_wait3A_126 = arith.constant 0 : i32
      %dma_wait3A_127 = tpu.memref_slice %arg17[%dma_wait3A_125, %dma_wait3A_126] : memref<2x80xi32, #tpu.memory_space<vmem>> -> memref<1x80xi32, #tpu.memory_space<vmem>>
      %dma_wait3A_128 = tpu.memref_squeeze %dma_wait3A_127 : memref<1x80xi32, #tpu.memory_space<vmem>> -> memref<80xi32, #tpu.memory_space<vmem>>
      %dma_wait3A_129 = arith.constant 0 : i32
      %dma_wait3A_130 = arith.constant 0 : i32
      %dma_wait3A_131 = tpu.memref_slice %arg19[%dma_wait3A_129, %dma_wait3A_130] : memref<16x128xf32, #tpu.memory_space<vmem_shared>> -> memref<16x128xf32, #tpu.memory_space<vmem_shared>>
      tpu.wait_indirect_dma semaphore(%arg21 : memref<!tpu.dma_semaphore, #tpu.memory_space<semaphore_mem>>) src(%arg15 : memref<80x128xf32, #tpu.memory_space<vmem>>) dst(%dma_wait3A_131 : memref<16x128xf32, #tpu.memory_space<vmem_shared>>)
    }
    %scan3A_7 = arith.constant 125 : i32
    %barrier3A_8 = arith.constant 0 : index
    tpu.barrier barrier_id(%barrier3A_8)
    %lt3A = arith.constant 10 : i32
    %lt3A_9 = arith.cmpi slt, %arg1, %lt3A : i32
    %convert_element_type3A_10 = arith.extui %lt3A_9 : i1 to i32
    %cond3A_11 = arith.constant 0 : i32
    %cond3A_12 = arith.cmpi ne, %convert_element_type3A_10, %cond3A_11 : i32
    scf.if %cond3A_12 {
      %mul3A_18 = arith.constant 1000 : i32
      %mul3A_19 = arith.muli %arg1, %mul3A_18 : i32
      %mul3A_20 = arith.constant 1000 : i32
      %mul3A_21 = arith.muli %arg1, %mul3A_20 : i32
      "tpu.region"() ({
        %run_scoped3A = tpu.sem_alloc : memref<!tpu.dma_semaphore, #tpu.memory_space<semaphore_mem>>
        %dma_start3A = arith.constant 0 : i32
        %dma_start3A_22 = tpu.memref_slice %arg10[%arg0, %mul3A_21, %dma_start3A] : memref<2x10000x128xf32, #tpu.memory_space<hbm>> -> memref<1x1000x128xf32, #tpu.memory_space<hbm>>
        %dma_start3A_23 = tpu.memref_squeeze %dma_start3A_22 : memref<1x1000x128xf32, #tpu.memory_space<hbm>> -> memref<1000x128xf32, #tpu.memory_space<hbm>>
        %dma_start3A_24 = arith.constant 0 : i32
        %dma_start3A_25 = tpu.memref_slice %arg18[%mul3A_19, %dma_start3A_24] : memref<10000x128xf32, #tpu.memory_space<vmem_shared>> -> memref<1000x128xf32, #tpu.memory_space<vmem_shared>>
        tpu.enqueue_dma source(%dma_start3A_25 : memref<1000x128xf32, #tpu.memory_space<vmem_shared>>) target(%dma_start3A_23 : memref<1000x128xf32, #tpu.memory_space<hbm>>) target_semaphore(%run_scoped3A : memref<!tpu.dma_semaphore, #tpu.memory_space<semaphore_mem>>)
        %dma_wait3A = arith.constant 0 : i32
        %dma_wait3A_26 = tpu.memref_slice %arg10[%arg0, %mul3A_21, %dma_wait3A] : memref<2x10000x128xf32, #tpu.memory_space<hbm>> -> memref<1x1000x128xf32, #tpu.memory_space<hbm>>
        %dma_wait3A_27 = tpu.memref_squeeze %dma_wait3A_26 : memref<1x1000x128xf32, #tpu.memory_space<hbm>> -> memref<1000x128xf32, #tpu.memory_space<hbm>>
        %dma_wait3A_28 = arith.constant 0 : i32
        %dma_wait3A_29 = tpu.memref_slice %arg18[%mul3A_19, %dma_wait3A_28] : memref<10000x128xf32, #tpu.memory_space<vmem_shared>> -> memref<1000x128xf32, #tpu.memory_space<vmem_shared>>
        tpu.wait_dma2 semaphore(%run_scoped3A : memref<!tpu.dma_semaphore, #tpu.memory_space<semaphore_mem>>) src(%dma_wait3A_29 : memref<1000x128xf32, #tpu.memory_space<vmem_shared>>) dst(%dma_wait3A_27 : memref<1000x128xf32, #tpu.memory_space<hbm>>)
        tpu.yield
      }) : () -> ()
    } else {
    }
    %eq3A_13 = arith.constant 0 : i32
    %eq3A_14 = arith.cmpi eq, %arg1, %eq3A_13 : i32
    %convert_element_type3A_15 = arith.extui %eq3A_14 : i1 to i32
    %cond3A_16 = arith.constant 0 : i32
    %cond3A_17 = arith.cmpi ne, %convert_element_type3A_15, %cond3A_16 : i32
    scf.if %cond3A_17 {
      "tpu.region"() ({
        %run_scoped3A = tpu.sem_alloc : memref<!tpu.dma_semaphore, #tpu.memory_space<semaphore_mem>>
        %dma_start3A = arith.constant 0 : i32
        %dma_start3A_18 = arith.constant 0 : i32
        %dma_start3A_19 = tpu.memref_slice %arg11[%arg0, %dma_start3A, %dma_start3A_18] : memref<2x16x128xf32, #tpu.memory_space<hbm>> -> memref<1x16x128xf32, #tpu.memory_space<hbm>>
        %dma_start3A_20 = tpu.memref_squeeze %dma_start3A_19 : memref<1x16x128xf32, #tpu.memory_space<hbm>> -> memref<16x128xf32, #tpu.memory_space<hbm>>
        tpu.enqueue_dma source(%arg19 : memref<16x128xf32, #tpu.memory_space<vmem_shared>>) target(%dma_start3A_20 : memref<16x128xf32, #tpu.memory_space<hbm>>) target_semaphore(%run_scoped3A : memref<!tpu.dma_semaphore, #tpu.memory_space<semaphore_mem>>)
        %dma_wait3A = arith.constant 0 : i32
        %dma_wait3A_21 = arith.constant 0 : i32
        %dma_wait3A_22 = tpu.memref_slice %arg11[%arg0, %dma_wait3A, %dma_wait3A_21] : memref<2x16x128xf32, #tpu.memory_space<hbm>> -> memref<1x16x128xf32, #tpu.memory_space<hbm>>
        %dma_wait3A_23 = tpu.memref_squeeze %dma_wait3A_22 : memref<1x16x128xf32, #tpu.memory_space<hbm>> -> memref<16x128xf32, #tpu.memory_space<hbm>>
        tpu.wait_dma2 semaphore(%run_scoped3A : memref<!tpu.dma_semaphore, #tpu.memory_space<semaphore_mem>>) src(%arg19 : memref<16x128xf32, #tpu.memory_space<vmem_shared>>) dst(%dma_wait3A_23 : memref<16x128xf32, #tpu.memory_space<hbm>>)
        tpu.yield
      }) : () -> ()
    } else {
    }
    return
  }
}

#map = affine_map<(d0, d1) -> (0, 0)>
#map1 = affine_map<(d0, d1) -> (0)>
#map2 = affine_map<(d0, d1) -> (0, 0, 0)>
module attributes {stable_mosaic.version = 14 : i64} {
  func.func @k(%arg0: i32, %arg1: i32, %arg2: memref<320000x128xf32, #tpu.memory_space<hbm>>, %arg3: memref<320000xi32, #tpu.memory_space<hbm>>, %arg4: memref<320000xi32, #tpu.memory_space<hbm>>, %arg5: memref<320000xi32, #tpu.memory_space<hbm>>, %arg6: memref<10000x128xf32, #tpu.memory_space<hbm>>, %arg7: memref<10000x128xf32, #tpu.memory_space<hbm>>, %arg8: memref<10000x128xf32, #tpu.memory_space<hbm>>, %arg9: memref<320000x128xf32, #tpu.memory_space<hbm>>, %arg10: memref<2x10000x128xf32, #tpu.memory_space<hbm>>, %arg11: memref<2x16x128xf32, #tpu.memory_space<hbm>>, %arg12: memref<80x128xf32, #tpu.memory_space<vmem>>, %arg13: memref<80x128xf32, #tpu.memory_space<vmem>>, %arg14: memref<80x128xf32, #tpu.memory_space<vmem>>, %arg15: memref<80x128xf32, #tpu.memory_space<vmem>>, %arg16: memref<80xi32, #tpu.memory_space<vmem>>, %arg17: memref<2x80xi32, #tpu.memory_space<vmem>>, %arg18: memref<10000x128xf32, #tpu.memory_space<vmem_shared>>, %arg19: memref<16x128xf32, #tpu.memory_space<vmem_shared>>, %arg20: memref<!tpu.dma_semaphore, #tpu.memory_space<semaphore_mem>>, %arg21: memref<!tpu.dma_semaphore, #tpu.memory_space<semaphore_mem>>) attributes {dimension_semantics = [#tpu.dimension_semantics<core_parallel>, #tpu.dimension_semantics<subcore_parallel>], iteration_bounds = array<i64: 2, 16>, scalar_prefetch = 0 : i64, scratch_operands = 10 : i64, tpu.core_type = #tpu.core_type<sc_vector_subcore>, window_params = [{transform_indices = #map}, {transform_indices = #map1}, {transform_indices = #map1}, {transform_indices = #map1}, {transform_indices = #map}, {transform_indices = #map}, {transform_indices = #map}, {transform_indices = #map}, {transform_indices = #map2}, {transform_indices = #map2}]} {
    %mul3A = arith.constant 2 : i32
    %mul3A_0 = arith.muli %arg1, %mul3A : i32
    %add3A = arith.addi %mul3A_0, %arg0 : i32
    %eq3A = arith.constant 0 : i32
    %eq3A_1 = arith.cmpi eq, %arg1, %eq3A : i32
    %convert_element_type3A = arith.extui %eq3A_1 : i1 to i32
    %cond3A = arith.constant 0 : i32
    %cond3A_2 = arith.cmpi ne, %convert_element_type3A, %cond3A : i32
    scf.if %cond3A_2 {
      "tpu.region"() ({
        %run_scoped3A = tpu.sem_alloc : memref<!tpu.dma_semaphore, #tpu.memory_space<semaphore_mem>>
        tpu.enqueue_dma source(%arg8 : memref<10000x128xf32, #tpu.memory_space<hbm>>) target(%arg18 : memref<10000x128xf32, #tpu.memory_space<vmem_shared>>) target_semaphore(%run_scoped3A : memref<!tpu.dma_semaphore, #tpu.memory_space<semaphore_mem>>)
        tpu.wait_dma2 semaphore(%run_scoped3A : memref<!tpu.dma_semaphore, #tpu.memory_space<semaphore_mem>>) src(%arg8 : memref<10000x128xf32, #tpu.memory_space<hbm>>) dst(%arg18 : memref<10000x128xf32, #tpu.memory_space<vmem_shared>>)
        tpu.yield
      }) : () -> ()
      "tpu.region"() ({
        %run_scoped3A = tpu.sem_alloc : memref<!tpu.dma_semaphore, #tpu.memory_space<semaphore_mem>>
        %dma_start3A = arith.constant 0 : i32
        %dma_start3A_18 = arith.constant 0 : i32
        %dma_start3A_19 = tpu.memref_slice %arg8[%dma_start3A, %dma_start3A_18] : memref<10000x128xf32, #tpu.memory_space<hbm>> -> memref<16x128xf32, #tpu.memory_space<hbm>>
        tpu.enqueue_dma source(%dma_start3A_19 : memref<16x128xf32, #tpu.memory_space<hbm>>) target(%arg19 : memref<16x128xf32, #tpu.memory_space<vmem_shared>>) target_semaphore(%run_scoped3A : memref<!tpu.dma_semaphore, #tpu.memory_space<semaphore_mem>>)
        %dma_wait3A = arith.constant 0 : i32
        %dma_wait3A_20 = arith.constant 0 : i32
        %dma_wait3A_21 = tpu.memref_slice %arg8[%dma_wait3A, %dma_wait3A_20] : memref<10000x128xf32, #tpu.memory_space<hbm>> -> memref<16x128xf32, #tpu.memory_space<hbm>>
        tpu.wait_dma2 semaphore(%run_scoped3A : memref<!tpu.dma_semaphore, #tpu.memory_space<semaphore_mem>>) src(%dma_wait3A_21 : memref<16x128xf32, #tpu.memory_space<hbm>>) dst(%arg19 : memref<16x128xf32, #tpu.memory_space<vmem_shared>>)
        tpu.yield
      }) : () -> ()
    } else {
    }
    %barrier3A = arith.constant 0 : index
    tpu.barrier barrier_id(%barrier3A)
    %scan3A = arith.constant 0 : i32
    %scan3A_3 = arith.constant 0 : i32
    %scan3A_4 = arith.constant 125 : i32
    %scan3A_5 = arith.addi %scan3A_3, %scan3A_4 : i32
    %scan3A_6 = arith.constant 1 : i32
    scf.for %scan3A_18 = %scan3A_3 to %scan3A_5 step %scan3A_6  : i32 {
      %mul3A_19 = arith.constant 10000 : i32
      %mul3A_20 = arith.muli %add3A, %mul3A_19 : i32
      %mul3A_21 = arith.constant 80 : i32
      %mul3A_22 = arith.muli %scan3A_18, %mul3A_21 : i32
      %add3A_23 = arith.addi %mul3A_20, %mul3A_22 : i32
      %dma_start3A = tpu.memref_slice %arg3[%add3A_23] : memref<320000xi32, #tpu.memory_space<hbm>> -> memref<80xi32, #tpu.memory_space<hbm>>
      %dma_start3A_24 = tpu.memref_slice %arg3[%add3A_23] : memref<320000xi32, #tpu.memory_space<hbm>> -> memref<80xi32, #tpu.memory_space<hbm>>
      tpu.enqueue_dma source(%dma_start3A_24 : memref<80xi32, #tpu.memory_space<hbm>>) target(%arg16 : memref<80xi32, #tpu.memory_space<vmem>>) target_semaphore(%arg20 : memref<!tpu.dma_semaphore, #tpu.memory_space<semaphore_mem>>)
      %dma_start3A_25 = arith.constant 0 : i32
      %dma_start3A_26 = arith.constant 0 : i32
      %dma_start3A_27 = tpu.memref_slice %arg17[%dma_start3A_25, %dma_start3A_26] : memref<2x80xi32, #tpu.memory_space<vmem>> -> memref<1x80xi32, #tpu.memory_space<vmem>>
      %dma_start3A_28 = tpu.memref_squeeze %dma_start3A_27 : memref<1x80xi32, #tpu.memory_space<vmem>> -> memref<80xi32, #tpu.memory_space<vmem>>
      %dma_start3A_29 = tpu.memref_slice %arg4[%add3A_23] : memref<320000xi32, #tpu.memory_space<hbm>> -> memref<80xi32, #tpu.memory_space<hbm>>
      %dma_start3A_30 = arith.constant 0 : i32
      %dma_start3A_31 = tpu.memref_slice %arg17[%dma_start3A_25, %dma_start3A_30] : memref<2x80xi32, #tpu.memory_space<vmem>> -> memref<1x80xi32, #tpu.memory_space<vmem>>
      %dma_start3A_32 = tpu.memref_squeeze %dma_start3A_31 : memref<1x80xi32, #tpu.memory_space<vmem>> -> memref<80xi32, #tpu.memory_space<vmem>>
      %dma_start3A_33 = tpu.memref_slice %arg4[%add3A_23] : memref<320000xi32, #tpu.memory_space<hbm>> -> memref<80xi32, #tpu.memory_space<hbm>>
      tpu.enqueue_dma source(%dma_start3A_33 : memref<80xi32, #tpu.memory_space<hbm>>) target(%dma_start3A_32 : memref<80xi32, #tpu.memory_space<vmem>>) target_semaphore(%arg20 : memref<!tpu.dma_semaphore, #tpu.memory_space<semaphore_mem>>)
      %dma_start3A_34 = arith.constant 1 : i32
      %dma_start3A_35 = arith.constant 0 : i32
      %dma_start3A_36 = tpu.memref_slice %arg17[%dma_start3A_34, %dma_start3A_35] : memref<2x80xi32, #tpu.memory_space<vmem>> -> memref<1x80xi32, #tpu.memory_space<vmem>>
      %dma_start3A_37 = tpu.memref_squeeze %dma_start3A_36 : memref<1x80xi32, #tpu.memory_space<vmem>> -> memref<80xi32, #tpu.memory_space<vmem>>
      %dma_start3A_38 = tpu.memref_slice %arg5[%add3A_23] : memref<320000xi32, #tpu.memory_space<hbm>> -> memref<80xi32, #tpu.memory_space<hbm>>
      %dma_start3A_39 = arith.constant 0 : i32
      %dma_start3A_40 = tpu.memref_slice %arg17[%dma_start3A_34, %dma_start3A_39] : memref<2x80xi32, #tpu.memory_space<vmem>> -> memref<1x80xi32, #tpu.memory_space<vmem>>
      %dma_start3A_41 = tpu.memref_squeeze %dma_start3A_40 : memref<1x80xi32, #tpu.memory_space<vmem>> -> memref<80xi32, #tpu.memory_space<vmem>>
      %dma_start3A_42 = tpu.memref_slice %arg5[%add3A_23] : memref<320000xi32, #tpu.memory_space<hbm>> -> memref<80xi32, #tpu.memory_space<hbm>>
      tpu.enqueue_dma source(%dma_start3A_42 : memref<80xi32, #tpu.memory_space<hbm>>) target(%dma_start3A_41 : memref<80xi32, #tpu.memory_space<vmem>>) target_semaphore(%arg20 : memref<!tpu.dma_semaphore, #tpu.memory_space<semaphore_mem>>)
      %dma_start3A_43 = arith.constant 0 : i32
      %dma_start3A_44 = tpu.memref_slice %arg2[%add3A_23, %dma_start3A_43] : memref<320000x128xf32, #tpu.memory_space<hbm>> -> memref<80x128xf32, #tpu.memory_space<hbm>>
      %dma_start3A_45 = arith.constant 0 : i32
      %dma_start3A_46 = tpu.memref_slice %arg2[%add3A_23, %dma_start3A_45] : memref<320000x128xf32, #tpu.memory_space<hbm>> -> memref<80x128xf32, #tpu.memory_space<hbm>>
      tpu.enqueue_dma source(%dma_start3A_46 : memref<80x128xf32, #tpu.memory_space<hbm>>) target(%arg12 : memref<80x128xf32, #tpu.memory_space<vmem>>) target_semaphore(%arg20 : memref<!tpu.dma_semaphore, #tpu.memory_space<semaphore_mem>>)
      %dma_wait3A = tpu.memref_slice %arg3[%add3A_23] : memref<320000xi32, #tpu.memory_space<hbm>> -> memref<80xi32, #tpu.memory_space<hbm>>
      %dma_wait3A_47 = tpu.memref_slice %arg3[%add3A_23] : memref<320000xi32, #tpu.memory_space<hbm>> -> memref<80xi32, #tpu.memory_space<hbm>>
      tpu.wait_dma2 semaphore(%arg20 : memref<!tpu.dma_semaphore, #tpu.memory_space<semaphore_mem>>) src(%dma_wait3A_47 : memref<80xi32, #tpu.memory_space<hbm>>) dst(%arg16 : memref<80xi32, #tpu.memory_space<vmem>>)
      %dma_wait3A_48 = arith.constant 0 : i32
      %dma_wait3A_49 = arith.constant 0 : i32
      %dma_wait3A_50 = tpu.memref_slice %arg17[%dma_wait3A_48, %dma_wait3A_49] : memref<2x80xi32, #tpu.memory_space<vmem>> -> memref<1x80xi32, #tpu.memory_space<vmem>>
      %dma_wait3A_51 = tpu.memref_squeeze %dma_wait3A_50 : memref<1x80xi32, #tpu.memory_space<vmem>> -> memref<80xi32, #tpu.memory_space<vmem>>
      %dma_wait3A_52 = tpu.memref_slice %arg4[%add3A_23] : memref<320000xi32, #tpu.memory_space<hbm>> -> memref<80xi32, #tpu.memory_space<hbm>>
      %dma_wait3A_53 = arith.constant 0 : i32
      %dma_wait3A_54 = tpu.memref_slice %arg17[%dma_wait3A_48, %dma_wait3A_53] : memref<2x80xi32, #tpu.memory_space<vmem>> -> memref<1x80xi32, #tpu.memory_space<vmem>>
      %dma_wait3A_55 = tpu.memref_squeeze %dma_wait3A_54 : memref<1x80xi32, #tpu.memory_space<vmem>> -> memref<80xi32, #tpu.memory_space<vmem>>
      %dma_wait3A_56 = tpu.memref_slice %arg4[%add3A_23] : memref<320000xi32, #tpu.memory_space<hbm>> -> memref<80xi32, #tpu.memory_space<hbm>>
      tpu.wait_dma2 semaphore(%arg20 : memref<!tpu.dma_semaphore, #tpu.memory_space<semaphore_mem>>) src(%dma_wait3A_56 : memref<80xi32, #tpu.memory_space<hbm>>) dst(%dma_wait3A_55 : memref<80xi32, #tpu.memory_space<vmem>>)
      %dma_wait3A_57 = arith.constant 1 : i32
      %dma_wait3A_58 = arith.constant 0 : i32
      %dma_wait3A_59 = tpu.memref_slice %arg17[%dma_wait3A_57, %dma_wait3A_58] : memref<2x80xi32, #tpu.memory_space<vmem>> -> memref<1x80xi32, #tpu.memory_space<vmem>>
      %dma_wait3A_60 = tpu.memref_squeeze %dma_wait3A_59 : memref<1x80xi32, #tpu.memory_space<vmem>> -> memref<80xi32, #tpu.memory_space<vmem>>
      %dma_wait3A_61 = tpu.memref_slice %arg5[%add3A_23] : memref<320000xi32, #tpu.memory_space<hbm>> -> memref<80xi32, #tpu.memory_space<hbm>>
      %dma_wait3A_62 = arith.constant 0 : i32
      %dma_wait3A_63 = tpu.memref_slice %arg17[%dma_wait3A_57, %dma_wait3A_62] : memref<2x80xi32, #tpu.memory_space<vmem>> -> memref<1x80xi32, #tpu.memory_space<vmem>>
      %dma_wait3A_64 = tpu.memref_squeeze %dma_wait3A_63 : memref<1x80xi32, #tpu.memory_space<vmem>> -> memref<80xi32, #tpu.memory_space<vmem>>
      %dma_wait3A_65 = tpu.memref_slice %arg5[%add3A_23] : memref<320000xi32, #tpu.memory_space<hbm>> -> memref<80xi32, #tpu.memory_space<hbm>>
      tpu.wait_dma2 semaphore(%arg20 : memref<!tpu.dma_semaphore, #tpu.memory_space<semaphore_mem>>) src(%dma_wait3A_65 : memref<80xi32, #tpu.memory_space<hbm>>) dst(%dma_wait3A_64 : memref<80xi32, #tpu.memory_space<vmem>>)
      %dma_wait3A_66 = arith.constant 0 : i32
      %dma_wait3A_67 = tpu.memref_slice %arg2[%add3A_23, %dma_wait3A_66] : memref<320000x128xf32, #tpu.memory_space<hbm>> -> memref<80x128xf32, #tpu.memory_space<hbm>>
      %dma_wait3A_68 = arith.constant 0 : i32
      %dma_wait3A_69 = tpu.memref_slice %arg2[%add3A_23, %dma_wait3A_68] : memref<320000x128xf32, #tpu.memory_space<hbm>> -> memref<80x128xf32, #tpu.memory_space<hbm>>
      tpu.wait_dma2 semaphore(%arg20 : memref<!tpu.dma_semaphore, #tpu.memory_space<semaphore_mem>>) src(%dma_wait3A_69 : memref<80x128xf32, #tpu.memory_space<hbm>>) dst(%arg12 : memref<80x128xf32, #tpu.memory_space<vmem>>)
      %dma_start3A_70 = arith.constant 0 : i32
      %dma_start3A_71 = arith.constant 0 : i32
      %dma_start3A_72 = tpu.memref_slice %arg6[%dma_start3A_70, %dma_start3A_71] : memref<10000x128xf32, #tpu.memory_space<hbm>> -> memref<10000x128xf32, #tpu.memory_space<hbm>>
      tpu.enqueue_indirect_dma source(%dma_start3A_72 : memref<10000x128xf32, #tpu.memory_space<hbm>>) target(%arg13 : memref<80x128xf32, #tpu.memory_space<vmem>>) offsets(%arg16 : memref<80xi32, #tpu.memory_space<vmem>>) semaphore(%arg20 : memref<!tpu.dma_semaphore, #tpu.memory_space<semaphore_mem>>)
      %dma_start3A_73 = arith.constant 0 : i32
      %dma_start3A_74 = arith.constant 0 : i32
      %dma_start3A_75 = tpu.memref_slice %arg17[%dma_start3A_73, %dma_start3A_74] : memref<2x80xi32, #tpu.memory_space<vmem>> -> memref<1x80xi32, #tpu.memory_space<vmem>>
      %dma_start3A_76 = tpu.memref_squeeze %dma_start3A_75 : memref<1x80xi32, #tpu.memory_space<vmem>> -> memref<80xi32, #tpu.memory_space<vmem>>
      %dma_start3A_77 = arith.constant 0 : i32
      %dma_start3A_78 = arith.constant 0 : i32
      %dma_start3A_79 = tpu.memref_slice %arg7[%dma_start3A_77, %dma_start3A_78] : memref<10000x128xf32, #tpu.memory_space<hbm>> -> memref<10000x128xf32, #tpu.memory_space<hbm>>
      tpu.enqueue_indirect_dma source(%dma_start3A_79 : memref<10000x128xf32, #tpu.memory_space<hbm>>) target(%arg14 : memref<80x128xf32, #tpu.memory_space<vmem>>) offsets(%dma_start3A_76 : memref<80xi32, #tpu.memory_space<vmem>>) semaphore(%arg21 : memref<!tpu.dma_semaphore, #tpu.memory_space<semaphore_mem>>)
      %dma_wait3A_80 = arith.constant 0 : i32
      %dma_wait3A_81 = arith.constant 0 : i32
      %dma_wait3A_82 = tpu.memref_slice %arg6[%dma_wait3A_80, %dma_wait3A_81] : memref<10000x128xf32, #tpu.memory_space<hbm>> -> memref<10000x128xf32, #tpu.memory_space<hbm>>
      tpu.wait_indirect_dma semaphore(%arg20 : memref<!tpu.dma_semaphore, #tpu.memory_space<semaphore_mem>>) src(%dma_wait3A_82 : memref<10000x128xf32, #tpu.memory_space<hbm>>) dst(%arg13 : memref<80x128xf32, #tpu.memory_space<vmem>>)
      %dma_wait3A_83 = arith.constant 0 : i32
      %dma_wait3A_84 = arith.constant 0 : i32
      %dma_wait3A_85 = tpu.memref_slice %arg17[%dma_wait3A_83, %dma_wait3A_84] : memref<2x80xi32, #tpu.memory_space<vmem>> -> memref<1x80xi32, #tpu.memory_space<vmem>>
      %dma_wait3A_86 = tpu.memref_squeeze %dma_wait3A_85 : memref<1x80xi32, #tpu.memory_space<vmem>> -> memref<80xi32, #tpu.memory_space<vmem>>
      %dma_wait3A_87 = arith.constant 0 : i32
      %dma_wait3A_88 = arith.constant 0 : i32
      %dma_wait3A_89 = tpu.memref_slice %arg7[%dma_wait3A_87, %dma_wait3A_88] : memref<10000x128xf32, #tpu.memory_space<hbm>> -> memref<10000x128xf32, #tpu.memory_space<hbm>>
      tpu.wait_indirect_dma semaphore(%arg21 : memref<!tpu.dma_semaphore, #tpu.memory_space<semaphore_mem>>) src(%dma_wait3A_89 : memref<10000x128xf32, #tpu.memory_space<hbm>>) dst(%arg14 : memref<80x128xf32, #tpu.memory_space<vmem>>)
      %scan3A_90 = arith.constant 0 : i32
      %scan3A_91 = arith.constant 0 : i32
      %scan3A_92 = arith.constant 80 : i32
      %scan3A_93 = arith.addi %scan3A_91, %scan3A_92 : i32
      %scan3A_94 = arith.constant 1 : i32
      scf.for %scan3A_132 = %scan3A_91 to %scan3A_93 step %scan3A_94  : i32 {
        %get3A = arith.index_cast %scan3A_132 : i32 to index
        %get3A_133 = arith.constant 0 : index
        %get3A_134 = tpu.vector_load %arg12[%get3A, %get3A_133] {strides = array<i32>} : memref<80x128xf32, #tpu.memory_space<vmem>>, vector<1x16xf32>,
        %get3A_135 = vector.shape_cast %get3A_134 : vector<1x16xf32> to vector<16xf32>
        %get3A_136 = arith.index_cast %scan3A_132 : i32 to index
        %get3A_137 = arith.constant 0 : index
        %get3A_138 = tpu.vector_load %arg13[%get3A_136, %get3A_137] {strides = array<i32>} : memref<80x128xf32, #tpu.memory_space<vmem>>, vector<1x16xf32>,
        %get3A_139 = vector.shape_cast %get3A_138 : vector<1x16xf32> to vector<16xf32>
        %add3A_140 = arith.addf %get3A_135, %get3A_139 : vector<16xf32>
        %get3A_141 = arith.index_cast %scan3A_132 : i32 to index
        %get3A_142 = arith.constant 0 : index
        %get3A_143 = tpu.vector_load %arg14[%get3A_141, %get3A_142] {strides = array<i32>} : memref<80x128xf32, #tpu.memory_space<vmem>>, vector<1x16xf32>,
        %get3A_144 = vector.shape_cast %get3A_143 : vector<1x16xf32> to vector<16xf32>
        %add3A_145 = arith.addf %add3A_140, %get3A_144 : vector<16xf32>
        %max3A = arith.constant 0.000000e+00 : f32
        %max3A_146 = vector.broadcast %max3A : f32 to vector<16xf32>
        %max3A_147 = arith.maximumf %add3A_145, %max3A_146 : vector<16xf32>
        %swap3A = arith.index_cast %scan3A_132 : i32 to index
        %swap3A_148 = arith.constant 0 : index
        %swap3A_149 = tpu.vector_load %arg15[%swap3A, %swap3A_148] {strides = array<i32>} : memref<80x128xf32, #tpu.memory_space<vmem>>, vector<1x16xf32>,
        %swap3A_150 = vector.shape_cast %swap3A_149 : vector<1x16xf32> to vector<16xf32>
        %swap3A_151 = vector.shape_cast %max3A_147 : vector<16xf32> to vector<1x16xf32>
        tpu.vector_store %arg15[%swap3A, %swap3A_148], %swap3A_151 {strides = array<i32>} : memref<80x128xf32, #tpu.memory_space<vmem>>, vector<1x16xf32>,
        %get3A_152 = arith.index_cast %scan3A_132 : i32 to index
        %get3A_153 = arith.constant 16 : index
        %get3A_154 = tpu.vector_load %arg12[%get3A_152, %get3A_153] {strides = array<i32>} : memref<80x128xf32, #tpu.memory_space<vmem>>, vector<1x16xf32>,
        %get3A_155 = vector.shape_cast %get3A_154 : vector<1x16xf32> to vector<16xf32>
        %get3A_156 = arith.index_cast %scan3A_132 : i32 to index
        %get3A_157 = arith.constant 16 : index
        %get3A_158 = tpu.vector_load %arg13[%get3A_156, %get3A_157] {strides = array<i32>} : memref<80x128xf32, #tpu.memory_space<vmem>>, vector<1x16xf32>,
        %get3A_159 = vector.shape_cast %get3A_158 : vector<1x16xf32> to vector<16xf32>
        %add3A_160 = arith.addf %get3A_155, %get3A_159 : vector<16xf32>
        %get3A_161 = arith.index_cast %scan3A_132 : i32 to index
        %get3A_162 = arith.constant 16 : index
        %get3A_163 = tpu.vector_load %arg14[%get3A_161, %get3A_162] {strides = array<i32>} : memref<80x128xf32, #tpu.memory_space<vmem>>, vector<1x16xf32>,
        %get3A_164 = vector.shape_cast %get3A_163 : vector<1x16xf32> to vector<16xf32>
        %add3A_165 = arith.addf %add3A_160, %get3A_164 : vector<16xf32>
        %max3A_166 = arith.constant 0.000000e+00 : f32
        %max3A_167 = vector.broadcast %max3A_166 : f32 to vector<16xf32>
        %max3A_168 = arith.maximumf %add3A_165, %max3A_167 : vector<16xf32>
        %swap3A_169 = arith.index_cast %scan3A_132 : i32 to index
        %swap3A_170 = arith.constant 16 : index
        %swap3A_171 = tpu.vector_load %arg15[%swap3A_169, %swap3A_170] {strides = array<i32>} : memref<80x128xf32, #tpu.memory_space<vmem>>, vector<1x16xf32>,
        %swap3A_172 = vector.shape_cast %swap3A_171 : vector<1x16xf32> to vector<16xf32>
        %swap3A_173 = vector.shape_cast %max3A_168 : vector<16xf32> to vector<1x16xf32>
        tpu.vector_store %arg15[%swap3A_169, %swap3A_170], %swap3A_173 {strides = array<i32>} : memref<80x128xf32, #tpu.memory_space<vmem>>, vector<1x16xf32>,
        %get3A_174 = arith.index_cast %scan3A_132 : i32 to index
        %get3A_175 = arith.constant 32 : index
        %get3A_176 = tpu.vector_load %arg12[%get3A_174, %get3A_175] {strides = array<i32>} : memref<80x128xf32, #tpu.memory_space<vmem>>, vector<1x16xf32>,
        %get3A_177 = vector.shape_cast %get3A_176 : vector<1x16xf32> to vector<16xf32>
        %get3A_178 = arith.index_cast %scan3A_132 : i32 to index
        %get3A_179 = arith.constant 32 : index
        %get3A_180 = tpu.vector_load %arg13[%get3A_178, %get3A_179] {strides = array<i32>} : memref<80x128xf32, #tpu.memory_space<vmem>>, vector<1x16xf32>,
        %get3A_181 = vector.shape_cast %get3A_180 : vector<1x16xf32> to vector<16xf32>
        %add3A_182 = arith.addf %get3A_177, %get3A_181 : vector<16xf32>
        %get3A_183 = arith.index_cast %scan3A_132 : i32 to index
        %get3A_184 = arith.constant 32 : index
        %get3A_185 = tpu.vector_load %arg14[%get3A_183, %get3A_184] {strides = array<i32>} : memref<80x128xf32, #tpu.memory_space<vmem>>, vector<1x16xf32>,
        %get3A_186 = vector.shape_cast %get3A_185 : vector<1x16xf32> to vector<16xf32>
        %add3A_187 = arith.addf %add3A_182, %get3A_186 : vector<16xf32>
        %max3A_188 = arith.constant 0.000000e+00 : f32
        %max3A_189 = vector.broadcast %max3A_188 : f32 to vector<16xf32>
        %max3A_190 = arith.maximumf %add3A_187, %max3A_189 : vector<16xf32>
        %swap3A_191 = arith.index_cast %scan3A_132 : i32 to index
        %swap3A_192 = arith.constant 32 : index
        %swap3A_193 = tpu.vector_load %arg15[%swap3A_191, %swap3A_192] {strides = array<i32>} : memref<80x128xf32, #tpu.memory_space<vmem>>, vector<1x16xf32>,
        %swap3A_194 = vector.shape_cast %swap3A_193 : vector<1x16xf32> to vector<16xf32>
        %swap3A_195 = vector.shape_cast %max3A_190 : vector<16xf32> to vector<1x16xf32>
        tpu.vector_store %arg15[%swap3A_191, %swap3A_192], %swap3A_195 {strides = array<i32>} : memref<80x128xf32, #tpu.memory_space<vmem>>, vector<1x16xf32>,
        %get3A_196 = arith.index_cast %scan3A_132 : i32 to index
        %get3A_197 = arith.constant 48 : index
        %get3A_198 = tpu.vector_load %arg12[%get3A_196, %get3A_197] {strides = array<i32>} : memref<80x128xf32, #tpu.memory_space<vmem>>, vector<1x16xf32>,
        %get3A_199 = vector.shape_cast %get3A_198 : vector<1x16xf32> to vector<16xf32>
        %get3A_200 = arith.index_cast %scan3A_132 : i32 to index
        %get3A_201 = arith.constant 48 : index
        %get3A_202 = tpu.vector_load %arg13[%get3A_200, %get3A_201] {strides = array<i32>} : memref<80x128xf32, #tpu.memory_space<vmem>>, vector<1x16xf32>,
        %get3A_203 = vector.shape_cast %get3A_202 : vector<1x16xf32> to vector<16xf32>
        %add3A_204 = arith.addf %get3A_199, %get3A_203 : vector<16xf32>
        %get3A_205 = arith.index_cast %scan3A_132 : i32 to index
        %get3A_206 = arith.constant 48 : index
        %get3A_207 = tpu.vector_load %arg14[%get3A_205, %get3A_206] {strides = array<i32>} : memref<80x128xf32, #tpu.memory_space<vmem>>, vector<1x16xf32>,
        %get3A_208 = vector.shape_cast %get3A_207 : vector<1x16xf32> to vector<16xf32>
        %add3A_209 = arith.addf %add3A_204, %get3A_208 : vector<16xf32>
        %max3A_210 = arith.constant 0.000000e+00 : f32
        %max3A_211 = vector.broadcast %max3A_210 : f32 to vector<16xf32>
        %max3A_212 = arith.maximumf %add3A_209, %max3A_211 : vector<16xf32>
        %swap3A_213 = arith.index_cast %scan3A_132 : i32 to index
        %swap3A_214 = arith.constant 48 : index
        %swap3A_215 = tpu.vector_load %arg15[%swap3A_213, %swap3A_214] {strides = array<i32>} : memref<80x128xf32, #tpu.memory_space<vmem>>, vector<1x16xf32>,
        %swap3A_216 = vector.shape_cast %swap3A_215 : vector<1x16xf32> to vector<16xf32>
        %swap3A_217 = vector.shape_cast %max3A_212 : vector<16xf32> to vector<1x16xf32>
        tpu.vector_store %arg15[%swap3A_213, %swap3A_214], %swap3A_217 {strides = array<i32>} : memref<80x128xf32, #tpu.memory_space<vmem>>, vector<1x16xf32>,
        %get3A_218 = arith.index_cast %scan3A_132 : i32 to index
        %get3A_219 = arith.constant 64 : index
        %get3A_220 = tpu.vector_load %arg12[%get3A_218, %get3A_219] {strides = array<i32>} : memref<80x128xf32, #tpu.memory_space<vmem>>, vector<1x16xf32>,
        %get3A_221 = vector.shape_cast %get3A_220 : vector<1x16xf32> to vector<16xf32>
        %get3A_222 = arith.index_cast %scan3A_132 : i32 to index
        %get3A_223 = arith.constant 64 : index
        %get3A_224 = tpu.vector_load %arg13[%get3A_222, %get3A_223] {strides = array<i32>} : memref<80x128xf32, #tpu.memory_space<vmem>>, vector<1x16xf32>,
        %get3A_225 = vector.shape_cast %get3A_224 : vector<1x16xf32> to vector<16xf32>
        %add3A_226 = arith.addf %get3A_221, %get3A_225 : vector<16xf32>
        %get3A_227 = arith.index_cast %scan3A_132 : i32 to index
        %get3A_228 = arith.constant 64 : index
        %get3A_229 = tpu.vector_load %arg14[%get3A_227, %get3A_228] {strides = array<i32>} : memref<80x128xf32, #tpu.memory_space<vmem>>, vector<1x16xf32>,
        %get3A_230 = vector.shape_cast %get3A_229 : vector<1x16xf32> to vector<16xf32>
        %add3A_231 = arith.addf %add3A_226, %get3A_230 : vector<16xf32>
        %max3A_232 = arith.constant 0.000000e+00 : f32
        %max3A_233 = vector.broadcast %max3A_232 : f32 to vector<16xf32>
        %max3A_234 = arith.maximumf %add3A_231, %max3A_233 : vector<16xf32>
        %swap3A_235 = arith.index_cast %scan3A_132 : i32 to index
        %swap3A_236 = arith.constant 64 : index
        %swap3A_237 = tpu.vector_load %arg15[%swap3A_235, %swap3A_236] {strides = array<i32>} : memref<80x128xf32, #tpu.memory_space<vmem>>, vector<1x16xf32>,
        %swap3A_238 = vector.shape_cast %swap3A_237 : vector<1x16xf32> to vector<16xf32>
        %swap3A_239 = vector.shape_cast %max3A_234 : vector<16xf32> to vector<1x16xf32>
        tpu.vector_store %arg15[%swap3A_235, %swap3A_236], %swap3A_239 {strides = array<i32>} : memref<80x128xf32, #tpu.memory_space<vmem>>, vector<1x16xf32>,
        %get3A_240 = arith.index_cast %scan3A_132 : i32 to index
        %get3A_241 = arith.constant 80 : index
        %get3A_242 = tpu.vector_load %arg12[%get3A_240, %get3A_241] {strides = array<i32>} : memref<80x128xf32, #tpu.memory_space<vmem>>, vector<1x16xf32>,
        %get3A_243 = vector.shape_cast %get3A_242 : vector<1x16xf32> to vector<16xf32>
        %get3A_244 = arith.index_cast %scan3A_132 : i32 to index
        %get3A_245 = arith.constant 80 : index
        %get3A_246 = tpu.vector_load %arg13[%get3A_244, %get3A_245] {strides = array<i32>} : memref<80x128xf32, #tpu.memory_space<vmem>>, vector<1x16xf32>,
        %get3A_247 = vector.shape_cast %get3A_246 : vector<1x16xf32> to vector<16xf32>
        %add3A_248 = arith.addf %get3A_243, %get3A_247 : vector<16xf32>
        %get3A_249 = arith.index_cast %scan3A_132 : i32 to index
        %get3A_250 = arith.constant 80 : index
        %get3A_251 = tpu.vector_load %arg14[%get3A_249, %get3A_250] {strides = array<i32>} : memref<80x128xf32, #tpu.memory_space<vmem>>, vector<1x16xf32>,
        %get3A_252 = vector.shape_cast %get3A_251 : vector<1x16xf32> to vector<16xf32>
        %add3A_253 = arith.addf %add3A_248, %get3A_252 : vector<16xf32>
        %max3A_254 = arith.constant 0.000000e+00 : f32
        %max3A_255 = vector.broadcast %max3A_254 : f32 to vector<16xf32>
        %max3A_256 = arith.maximumf %add3A_253, %max3A_255 : vector<16xf32>
        %swap3A_257 = arith.index_cast %scan3A_132 : i32 to index
        %swap3A_258 = arith.constant 80 : index
        %swap3A_259 = tpu.vector_load %arg15[%swap3A_257, %swap3A_258] {strides = array<i32>} : memref<80x128xf32, #tpu.memory_space<vmem>>, vector<1x16xf32>,
        %swap3A_260 = vector.shape_cast %swap3A_259 : vector<1x16xf32> to vector<16xf32>
        %swap3A_261 = vector.shape_cast %max3A_256 : vector<16xf32> to vector<1x16xf32>
        tpu.vector_store %arg15[%swap3A_257, %swap3A_258], %swap3A_261 {strides = array<i32>} : memref<80x128xf32, #tpu.memory_space<vmem>>, vector<1x16xf32>,
        %get3A_262 = arith.index_cast %scan3A_132 : i32 to index
        %get3A_263 = arith.constant 96 : index
        %get3A_264 = tpu.vector_load %arg12[%get3A_262, %get3A_263] {strides = array<i32>} : memref<80x128xf32, #tpu.memory_space<vmem>>, vector<1x16xf32>,
        %get3A_265 = vector.shape_cast %get3A_264 : vector<1x16xf32> to vector<16xf32>
        %get3A_266 = arith.index_cast %scan3A_132 : i32 to index
        %get3A_267 = arith.constant 96 : index
        %get3A_268 = tpu.vector_load %arg13[%get3A_266, %get3A_267] {strides = array<i32>} : memref<80x128xf32, #tpu.memory_space<vmem>>, vector<1x16xf32>,
        %get3A_269 = vector.shape_cast %get3A_268 : vector<1x16xf32> to vector<16xf32>
        %add3A_270 = arith.addf %get3A_265, %get3A_269 : vector<16xf32>
        %get3A_271 = arith.index_cast %scan3A_132 : i32 to index
        %get3A_272 = arith.constant 96 : index
        %get3A_273 = tpu.vector_load %arg14[%get3A_271, %get3A_272] {strides = array<i32>} : memref<80x128xf32, #tpu.memory_space<vmem>>, vector<1x16xf32>,
        %get3A_274 = vector.shape_cast %get3A_273 : vector<1x16xf32> to vector<16xf32>
        %add3A_275 = arith.addf %add3A_270, %get3A_274 : vector<16xf32>
        %max3A_276 = arith.constant 0.000000e+00 : f32
        %max3A_277 = vector.broadcast %max3A_276 : f32 to vector<16xf32>
        %max3A_278 = arith.maximumf %add3A_275, %max3A_277 : vector<16xf32>
        %swap3A_279 = arith.index_cast %scan3A_132 : i32 to index
        %swap3A_280 = arith.constant 96 : index
        %swap3A_281 = tpu.vector_load %arg15[%swap3A_279, %swap3A_280] {strides = array<i32>} : memref<80x128xf32, #tpu.memory_space<vmem>>, vector<1x16xf32>,
        %swap3A_282 = vector.shape_cast %swap3A_281 : vector<1x16xf32> to vector<16xf32>
        %swap3A_283 = vector.shape_cast %max3A_278 : vector<16xf32> to vector<1x16xf32>
        tpu.vector_store %arg15[%swap3A_279, %swap3A_280], %swap3A_283 {strides = array<i32>} : memref<80x128xf32, #tpu.memory_space<vmem>>, vector<1x16xf32>,
        %get3A_284 = arith.index_cast %scan3A_132 : i32 to index
        %get3A_285 = arith.constant 112 : index
        %get3A_286 = tpu.vector_load %arg12[%get3A_284, %get3A_285] {strides = array<i32>} : memref<80x128xf32, #tpu.memory_space<vmem>>, vector<1x16xf32>,
        %get3A_287 = vector.shape_cast %get3A_286 : vector<1x16xf32> to vector<16xf32>
        %get3A_288 = arith.index_cast %scan3A_132 : i32 to index
        %get3A_289 = arith.constant 112 : index
        %get3A_290 = tpu.vector_load %arg13[%get3A_288, %get3A_289] {strides = array<i32>} : memref<80x128xf32, #tpu.memory_space<vmem>>, vector<1x16xf32>,
        %get3A_291 = vector.shape_cast %get3A_290 : vector<1x16xf32> to vector<16xf32>
        %add3A_292 = arith.addf %get3A_287, %get3A_291 : vector<16xf32>
        %get3A_293 = arith.index_cast %scan3A_132 : i32 to index
        %get3A_294 = arith.constant 112 : index
        %get3A_295 = tpu.vector_load %arg14[%get3A_293, %get3A_294] {strides = array<i32>} : memref<80x128xf32, #tpu.memory_space<vmem>>, vector<1x16xf32>,
        %get3A_296 = vector.shape_cast %get3A_295 : vector<1x16xf32> to vector<16xf32>
        %add3A_297 = arith.addf %add3A_292, %get3A_296 : vector<16xf32>
        %max3A_298 = arith.constant 0.000000e+00 : f32
        %max3A_299 = vector.broadcast %max3A_298 : f32 to vector<16xf32>
        %max3A_300 = arith.maximumf %add3A_297, %max3A_299 : vector<16xf32>
        %swap3A_301 = arith.index_cast %scan3A_132 : i32 to index
        %swap3A_302 = arith.constant 112 : index
        %swap3A_303 = tpu.vector_load %arg15[%swap3A_301, %swap3A_302] {strides = array<i32>} : memref<80x128xf32, #tpu.memory_space<vmem>>, vector<1x16xf32>,
        %swap3A_304 = vector.shape_cast %swap3A_303 : vector<1x16xf32> to vector<16xf32>
        %swap3A_305 = vector.shape_cast %max3A_300 : vector<16xf32> to vector<1x16xf32>
        tpu.vector_store %arg15[%swap3A_301, %swap3A_302], %swap3A_305 {strides = array<i32>} : memref<80x128xf32, #tpu.memory_space<vmem>>, vector<1x16xf32>,
      }
      %scan3A_95 = arith.constant 80 : i32
      %dma_start3A_96 = arith.constant 0 : i32
      %dma_start3A_97 = tpu.memref_slice %arg9[%add3A_23, %dma_start3A_96] : memref<320000x128xf32, #tpu.memory_space<hbm>> -> memref<80x128xf32, #tpu.memory_space<hbm>>
      %dma_start3A_98 = arith.constant 0 : i32
      %dma_start3A_99 = tpu.memref_slice %arg9[%add3A_23, %dma_start3A_98] : memref<320000x128xf32, #tpu.memory_space<hbm>> -> memref<80x128xf32, #tpu.memory_space<hbm>>
      tpu.enqueue_dma source(%arg15 : memref<80x128xf32, #tpu.memory_space<vmem>>) target(%dma_start3A_99 : memref<80x128xf32, #tpu.memory_space<hbm>>) target_semaphore(%arg20 : memref<!tpu.dma_semaphore, #tpu.memory_space<semaphore_mem>>)
      %dma_start3A_100 = arith.constant 0 : i32
      %dma_start3A_101 = arith.constant 0 : i32
      %dma_start3A_102 = tpu.memref_slice %arg17[%dma_start3A_100, %dma_start3A_101] : memref<2x80xi32, #tpu.memory_space<vmem>> -> memref<1x80xi32, #tpu.memory_space<vmem>>
      %dma_start3A_103 = tpu.memref_squeeze %dma_start3A_102 : memref<1x80xi32, #tpu.memory_space<vmem>> -> memref<80xi32, #tpu.memory_space<vmem>>
      %dma_start3A_104 = arith.constant 0 : i32
      %dma_start3A_105 = arith.constant 0 : i32
      %dma_start3A_106 = tpu.memref_slice %arg18[%dma_start3A_104, %dma_start3A_105] : memref<10000x128xf32, #tpu.memory_space<vmem_shared>> -> memref<10000x128xf32, #tpu.memory_space<vmem_shared>>
      tpu.enqueue_indirect_dma source(%arg15 : memref<80x128xf32, #tpu.memory_space<vmem>>) target(%dma_start3A_106 : memref<10000x128xf32, #tpu.memory_space<vmem_shared>>) offsets(%dma_start3A_103 : memref<80xi32, #tpu.memory_space<vmem>>) semaphore(%arg21 : memref<!tpu.dma_semaphore, #tpu.memory_space<semaphore_mem>>) {add = true}
      %dma_start3A_107 = arith.constant 1 : i32
      %dma_start3A_108 = arith.constant 0 : i32
      %dma_start3A_109 = tpu.memref_slice %arg17[%dma_start3A_107, %dma_start3A_108] : memref<2x80xi32, #tpu.memory_space<vmem>> -> memref<1x80xi32, #tpu.memory_space<vmem>>
      %dma_start3A_110 = tpu.memref_squeeze %dma_start3A_109 : memref<1x80xi32, #tpu.memory_space<vmem>> -> memref<80xi32, #tpu.memory_space<vmem>>
      %dma_start3A_111 = arith.constant 0 : i32
      %dma_start3A_112 = arith.constant 0 : i32
      %dma_start3A_113 = tpu.memref_slice %arg19[%dma_start3A_111, %dma_start3A_112] : memref<16x128xf32, #tpu.memory_space<vmem_shared>> -> memref<16x128xf32, #tpu.memory_space<vmem_shared>>
      tpu.enqueue_indirect_dma source(%arg15 : memref<80x128xf32, #tpu.memory_space<vmem>>) target(%dma_start3A_113 : memref<16x128xf32, #tpu.memory_space<vmem_shared>>) offsets(%dma_start3A_110 : memref<80xi32, #tpu.memory_space<vmem>>) semaphore(%arg21 : memref<!tpu.dma_semaphore, #tpu.memory_space<semaphore_mem>>) {add = true}
      %dma_wait3A_114 = arith.constant 0 : i32
      %dma_wait3A_115 = tpu.memref_slice %arg9[%add3A_23, %dma_wait3A_114] : memref<320000x128xf32, #tpu.memory_space<hbm>> -> memref<80x128xf32, #tpu.memory_space<hbm>>
      %dma_wait3A_116 = arith.constant 0 : i32
      %dma_wait3A_117 = tpu.memref_slice %arg9[%add3A_23, %dma_wait3A_116] : memref<320000x128xf32, #tpu.memory_space<hbm>> -> memref<80x128xf32, #tpu.memory_space<hbm>>
      tpu.wait_dma2 semaphore(%arg20 : memref<!tpu.dma_semaphore, #tpu.memory_space<semaphore_mem>>) src(%arg15 : memref<80x128xf32, #tpu.memory_space<vmem>>) dst(%dma_wait3A_117 : memref<80x128xf32, #tpu.memory_space<hbm>>)
      %dma_wait3A_118 = arith.constant 0 : i32
      %dma_wait3A_119 = arith.constant 0 : i32
      %dma_wait3A_120 = tpu.memref_slice %arg17[%dma_wait3A_118, %dma_wait3A_119] : memref<2x80xi32, #tpu.memory_space<vmem>> -> memref<1x80xi32, #tpu.memory_space<vmem>>
      %dma_wait3A_121 = tpu.memref_squeeze %dma_wait3A_120 : memref<1x80xi32, #tpu.memory_space<vmem>> -> memref<80xi32, #tpu.memory_space<vmem>>
      %dma_wait3A_122 = arith.constant 0 : i32
      %dma_wait3A_123 = arith.constant 0 : i32
      %dma_wait3A_124 = tpu.memref_slice %arg18[%dma_wait3A_122, %dma_wait3A_123] : memref<10000x128xf32, #tpu.memory_space<vmem_shared>> -> memref<10000x128xf32, #tpu.memory_space<vmem_shared>>
      tpu.wait_indirect_dma semaphore(%arg21 : memref<!tpu.dma_semaphore, #tpu.memory_space<semaphore_mem>>) src(%arg15 : memref<80x128xf32, #tpu.memory_space<vmem>>) dst(%dma_wait3A_124 : memref<10000x128xf32, #tpu.memory_space<vmem_shared>>)
      %dma_wait3A_125 = arith.constant 1 : i32
      %dma_wait3A_126 = arith.constant 0 : i32
      %dma_wait3A_127 = tpu.memref_slice %arg17[%dma_wait3A_125, %dma_wait3A_126] : memref<2x80xi32, #tpu.memory_space<vmem>> -> memref<1x80xi32, #tpu.memory_space<vmem>>
      %dma_wait3A_128 = tpu.memref_squeeze %dma_wait3A_127 : memref<1x80xi32, #tpu.memory_space<vmem>> -> memref<80xi32, #tpu.memory_space<vmem>>
      %dma_wait3A_129 = arith.constant 0 : i32
      %dma_wait3A_130 = arith.constant 0 : i32
      %dma_wait3A_131 = tpu.memref_slice %arg19[%dma_wait3A_129, %dma_wait3A_130] : memref<16x128xf32, #tpu.memory_space<vmem_shared>> -> memref<16x128xf32, #tpu.memory_space<vmem_shared>>
      tpu.wait_indirect_dma semaphore(%arg21 : memref<!tpu.dma_semaphore, #tpu.memory_space<semaphore_mem>>) src(%arg15 : memref<80x128xf32, #tpu.memory_space<vmem>>) dst(%dma_wait3A_131 : memref<16x128xf32, #tpu.memory_space<vmem_shared>>)
    }
    %scan3A_7 = arith.constant 125 : i32
    %barrier3A_8 = arith.constant 0 : index
    tpu.barrier barrier_id(%barrier3A_8)
    %lt3A = arith.constant 10 : i32
    %lt3A_9 = arith.cmpi slt, %arg1, %lt3A : i32
    %convert_element_type3A_10 = arith.extui %lt3A_9 : i1 to i32
    %cond3A_11 = arith.constant 0 : i32
    %cond3A_12 = arith.cmpi ne, %convert_element_type3A_10, %cond3A_11 : i32
    scf.if %cond3A_12 {
      %mul3A_18 = arith.constant 1000 : i32
      %mul3A_19 = arith.muli %arg1, %mul3A_18 : i32
      %mul3A_20 = arith.constant 1000 : i32
      %mul3A_21 = arith.muli %arg1, %mul3A_20 : i32
      "tpu.region"() ({
        %run_scoped3A = tpu.sem_alloc : memref<!tpu.dma_semaphore, #tpu.memory_space<semaphore_mem>>
        %dma_start3A = arith.constant 0 : i32
        %dma_start3A_22 = tpu.memref_slice %arg10[%arg0, %mul3A_21, %dma_start3A] : memref<2x10000x128xf32, #tpu.memory_space<hbm>> -> memref<1x1000x128xf32, #tpu.memory_space<hbm>>
        %dma_start3A_23 = tpu.memref_squeeze %dma_start3A_22 : memref<1x1000x128xf32, #tpu.memory_space<hbm>> -> memref<1000x128xf32, #tpu.memory_space<hbm>>
        %dma_start3A_24 = arith.constant 0 : i32
        %dma_start3A_25 = tpu.memref_slice %arg18[%mul3A_19, %dma_start3A_24] : memref<10000x128xf32, #tpu.memory_space<vmem_shared>> -> memref<1000x128xf32, #tpu.memory_space<vmem_shared>>
        tpu.enqueue_dma source(%dma_start3A_25 : memref<1000x128xf32, #tpu.memory_space<vmem_shared>>) target(%dma_start3A_23 : memref<1000x128xf32, #tpu.memory_space<hbm>>) target_semaphore(%run_scoped3A : memref<!tpu.dma_semaphore, #tpu.memory_space<semaphore_mem>>)
        %dma_wait3A = arith.constant 0 : i32
        %dma_wait3A_26 = tpu.memref_slice %arg10[%arg0, %mul3A_21, %dma_wait3A] : memref<2x10000x128xf32, #tpu.memory_space<hbm>> -> memref<1x1000x128xf32, #tpu.memory_space<hbm>>
        %dma_wait3A_27 = tpu.memref_squeeze %dma_wait3A_26 : memref<1x1000x128xf32, #tpu.memory_space<hbm>> -> memref<1000x128xf32, #tpu.memory_space<hbm>>
        %dma_wait3A_28 = arith.constant 0 : i32
        %dma_wait3A_29 = tpu.memref_slice %arg18[%mul3A_19, %dma_wait3A_28] : memref<10000x128xf32, #tpu.memory_space<vmem_shared>> -> memref<1000x128xf32, #tpu.memory_space<vmem_shared>>
        tpu.wait_dma2 semaphore(%run_scoped3A : memref<!tpu.dma_semaphore, #tpu.memory_space<semaphore_mem>>) src(%dma_wait3A_29 : memref<1000x128xf32, #tpu.memory_space<vmem_shared>>) dst(%dma_wait3A_27 : memref<1000x128xf32, #tpu.memory_space<hbm>>)
        tpu.yield
      }) : () -> ()
    } else {
    }
    %eq3A_13 = arith.constant 0 : i32
    %eq3A_14 = arith.cmpi eq, %arg1, %eq3A_13 : i32
    %convert_element_type3A_15 = arith.extui %eq3A_14 : i1 to i32
    %cond3A_16 = arith.constant 0 : i32
    %cond3A_17 = arith.cmpi ne, %convert_element_type3A_15, %cond3A_16 : i32
    scf.if %cond3A_17 {
      "tpu.region"() ({
        %run_scoped3A = tpu.sem_alloc : memref<!tpu.dma_semaphore, #tpu.memory_space<semaphore_mem>>
        %dma_start3A = arith.constant 0 : i32
        %dma_start3A_18 = arith.constant 0 : i32
        %dma_start3A_19 = tpu.memref_slice %arg11[%arg0, %dma_start3A, %dma_start3A_18] : memref<2x16x128xf32, #tpu.memory_space<hbm>> -> memref<1x16x128xf32, #tpu.memory_space<hbm>>
        %dma_start3A_20 = tpu.memref_squeeze %dma_start3A_19 : memref<1x16x128xf32, #tpu.memory_space<hbm>> -> memref<16x128xf32, #tpu.memory_space<hbm>>
        tpu.enqueue_dma source(%arg19 : memref<16x128xf32, #tpu.memory_space<vmem_shared>>) target(%dma_start3A_20 : memref<16x128xf32, #tpu.memory_space<hbm>>) target_semaphore(%run_scoped3A : memref<!tpu.dma_semaphore, #tpu.memory_space<semaphore_mem>>)
        %dma_wait3A = arith.constant 0 : i32
        %dma_wait3A_21 = arith.constant 0 : i32
        %dma_wait3A_22 = tpu.memref_slice %arg11[%arg0, %dma_wait3A, %dma_wait3A_21] : memref<2x16x128xf32, #tpu.memory_space<hbm>> -> memref<1x16x128xf32, #tpu.memory_space<hbm>>
        %dma_wait3A_23 = tpu.memref_squeeze %dma_wait3A_22 : memref<1x16x128xf32, #tpu.memory_space<hbm>> -> memref<16x128xf32, #tpu.memory_space<hbm>>
        tpu.wait_dma2 semaphore(%run_scoped3A : memref<!tpu.dma_semaphore, #tpu.memory_space<semaphore_mem>>) src(%arg19 : memref<16x128xf32, #tpu.memory_space<vmem_shared>>) dst(%dma_wait3A_23 : memref<16x128xf32, #tpu.memory_space<hbm>>)
        tpu.yield
      }) : () -> ()
    } else {
    }
    return
  }
}

#map = affine_map<(d0, d1) -> (0, 0)>
#map1 = affine_map<(d0, d1) -> (0)>
#map2 = affine_map<(d0, d1) -> (0, 0, 0)>
module attributes {stable_mosaic.version = 14 : i64} {
  func.func @k(%arg0: i32, %arg1: i32, %arg2: memref<320000x128xf32, #tpu.memory_space<hbm>>, %arg3: memref<320000xi32, #tpu.memory_space<hbm>>, %arg4: memref<320000xi32, #tpu.memory_space<hbm>>, %arg5: memref<320000xi32, #tpu.memory_space<hbm>>, %arg6: memref<10000x128xf32, #tpu.memory_space<hbm>>, %arg7: memref<10000x128xf32, #tpu.memory_space<hbm>>, %arg8: memref<10000x128xf32, #tpu.memory_space<hbm>>, %arg9: memref<320000x128xf32, #tpu.memory_space<hbm>>, %arg10: memref<2x10000x128xf32, #tpu.memory_space<hbm>>, %arg11: memref<2x16x128xf32, #tpu.memory_space<hbm>>, %arg12: memref<80x128xf32, #tpu.memory_space<vmem>>, %arg13: memref<80x128xf32, #tpu.memory_space<vmem>>, %arg14: memref<80x128xf32, #tpu.memory_space<vmem>>, %arg15: memref<80x128xf32, #tpu.memory_space<vmem>>, %arg16: memref<80xi32, #tpu.memory_space<vmem>>, %arg17: memref<2x80xi32, #tpu.memory_space<vmem>>, %arg18: memref<10000x128xf32, #tpu.memory_space<vmem_shared>>, %arg19: memref<16x128xf32, #tpu.memory_space<vmem_shared>>, %arg20: memref<!tpu.dma_semaphore, #tpu.memory_space<semaphore_mem>>, %arg21: memref<!tpu.dma_semaphore, #tpu.memory_space<semaphore_mem>>) attributes {dimension_semantics = [#tpu.dimension_semantics<core_parallel>, #tpu.dimension_semantics<subcore_parallel>], iteration_bounds = array<i64: 2, 16>, scalar_prefetch = 0 : i64, scratch_operands = 10 : i64, tpu.core_type = #tpu.core_type<sc_vector_subcore>, window_params = [{transform_indices = #map}, {transform_indices = #map1}, {transform_indices = #map1}, {transform_indices = #map1}, {transform_indices = #map}, {transform_indices = #map}, {transform_indices = #map}, {transform_indices = #map}, {transform_indices = #map2}, {transform_indices = #map2}]} {
    %mul3A = arith.constant 2 : i32
    %mul3A_0 = arith.muli %arg1, %mul3A : i32
    %add3A = arith.addi %mul3A_0, %arg0 : i32
    %eq3A = arith.constant 0 : i32
    %eq3A_1 = arith.cmpi eq, %arg1, %eq3A : i32
    %convert_element_type3A = arith.extui %eq3A_1 : i1 to i32
    %cond3A = arith.constant 0 : i32
    %cond3A_2 = arith.cmpi ne, %convert_element_type3A, %cond3A : i32
    scf.if %cond3A_2 {
      "tpu.region"() ({
        %run_scoped3A = tpu.sem_alloc : memref<!tpu.dma_semaphore, #tpu.memory_space<semaphore_mem>>
        tpu.enqueue_dma source(%arg8 : memref<10000x128xf32, #tpu.memory_space<hbm>>) target(%arg18 : memref<10000x128xf32, #tpu.memory_space<vmem_shared>>) target_semaphore(%run_scoped3A : memref<!tpu.dma_semaphore, #tpu.memory_space<semaphore_mem>>)
        tpu.wait_dma2 semaphore(%run_scoped3A : memref<!tpu.dma_semaphore, #tpu.memory_space<semaphore_mem>>) src(%arg8 : memref<10000x128xf32, #tpu.memory_space<hbm>>) dst(%arg18 : memref<10000x128xf32, #tpu.memory_space<vmem_shared>>)
        tpu.yield
      }) : () -> ()
      "tpu.region"() ({
        %run_scoped3A = tpu.sem_alloc : memref<!tpu.dma_semaphore, #tpu.memory_space<semaphore_mem>>
        %dma_start3A = arith.constant 0 : i32
        %dma_start3A_18 = arith.constant 0 : i32
        %dma_start3A_19 = tpu.memref_slice %arg8[%dma_start3A, %dma_start3A_18] : memref<10000x128xf32, #tpu.memory_space<hbm>> -> memref<16x128xf32, #tpu.memory_space<hbm>>
        tpu.enqueue_dma source(%dma_start3A_19 : memref<16x128xf32, #tpu.memory_space<hbm>>) target(%arg19 : memref<16x128xf32, #tpu.memory_space<vmem_shared>>) target_semaphore(%run_scoped3A : memref<!tpu.dma_semaphore, #tpu.memory_space<semaphore_mem>>)
        %dma_wait3A = arith.constant 0 : i32
        %dma_wait3A_20 = arith.constant 0 : i32
        %dma_wait3A_21 = tpu.memref_slice %arg8[%dma_wait3A, %dma_wait3A_20] : memref<10000x128xf32, #tpu.memory_space<hbm>> -> memref<16x128xf32, #tpu.memory_space<hbm>>
        tpu.wait_dma2 semaphore(%run_scoped3A : memref<!tpu.dma_semaphore, #tpu.memory_space<semaphore_mem>>) src(%dma_wait3A_21 : memref<16x128xf32, #tpu.memory_space<hbm>>) dst(%arg19 : memref<16x128xf32, #tpu.memory_space<vmem_shared>>)
        tpu.yield
      }) : () -> ()
    } else {
    }
    %barrier3A = arith.constant 0 : index
    tpu.barrier barrier_id(%barrier3A)
    %scan3A = arith.constant 0 : i32
    %scan3A_3 = arith.constant 0 : i32
    %scan3A_4 = arith.constant 125 : i32
    %scan3A_5 = arith.addi %scan3A_3, %scan3A_4 : i32
    %scan3A_6 = arith.constant 1 : i32
    scf.for %scan3A_18 = %scan3A_3 to %scan3A_5 step %scan3A_6  : i32 {
      %mul3A_19 = arith.constant 10000 : i32
      %mul3A_20 = arith.muli %add3A, %mul3A_19 : i32
      %mul3A_21 = arith.constant 80 : i32
      %mul3A_22 = arith.muli %scan3A_18, %mul3A_21 : i32
      %add3A_23 = arith.addi %mul3A_20, %mul3A_22 : i32
      %dma_start3A = tpu.memref_slice %arg3[%add3A_23] : memref<320000xi32, #tpu.memory_space<hbm>> -> memref<80xi32, #tpu.memory_space<hbm>>
      %dma_start3A_24 = tpu.memref_slice %arg3[%add3A_23] : memref<320000xi32, #tpu.memory_space<hbm>> -> memref<80xi32, #tpu.memory_space<hbm>>
      tpu.enqueue_dma source(%dma_start3A_24 : memref<80xi32, #tpu.memory_space<hbm>>) target(%arg16 : memref<80xi32, #tpu.memory_space<vmem>>) target_semaphore(%arg20 : memref<!tpu.dma_semaphore, #tpu.memory_space<semaphore_mem>>)
      %dma_start3A_25 = arith.constant 0 : i32
      %dma_start3A_26 = arith.constant 0 : i32
      %dma_start3A_27 = tpu.memref_slice %arg17[%dma_start3A_25, %dma_start3A_26] : memref<2x80xi32, #tpu.memory_space<vmem>> -> memref<1x80xi32, #tpu.memory_space<vmem>>
      %dma_start3A_28 = tpu.memref_squeeze %dma_start3A_27 : memref<1x80xi32, #tpu.memory_space<vmem>> -> memref<80xi32, #tpu.memory_space<vmem>>
      %dma_start3A_29 = tpu.memref_slice %arg4[%add3A_23] : memref<320000xi32, #tpu.memory_space<hbm>> -> memref<80xi32, #tpu.memory_space<hbm>>
      %dma_start3A_30 = arith.constant 0 : i32
      %dma_start3A_31 = tpu.memref_slice %arg17[%dma_start3A_25, %dma_start3A_30] : memref<2x80xi32, #tpu.memory_space<vmem>> -> memref<1x80xi32, #tpu.memory_space<vmem>>
      %dma_start3A_32 = tpu.memref_squeeze %dma_start3A_31 : memref<1x80xi32, #tpu.memory_space<vmem>> -> memref<80xi32, #tpu.memory_space<vmem>>
      %dma_start3A_33 = tpu.memref_slice %arg4[%add3A_23] : memref<320000xi32, #tpu.memory_space<hbm>> -> memref<80xi32, #tpu.memory_space<hbm>>
      tpu.enqueue_dma source(%dma_start3A_33 : memref<80xi32, #tpu.memory_space<hbm>>) target(%dma_start3A_32 : memref<80xi32, #tpu.memory_space<vmem>>) target_semaphore(%arg20 : memref<!tpu.dma_semaphore, #tpu.memory_space<semaphore_mem>>)
      %dma_start3A_34 = arith.constant 1 : i32
      %dma_start3A_35 = arith.constant 0 : i32
      %dma_start3A_36 = tpu.memref_slice %arg17[%dma_start3A_34, %dma_start3A_35] : memref<2x80xi32, #tpu.memory_space<vmem>> -> memref<1x80xi32, #tpu.memory_space<vmem>>
      %dma_start3A_37 = tpu.memref_squeeze %dma_start3A_36 : memref<1x80xi32, #tpu.memory_space<vmem>> -> memref<80xi32, #tpu.memory_space<vmem>>
      %dma_start3A_38 = tpu.memref_slice %arg5[%add3A_23] : memref<320000xi32, #tpu.memory_space<hbm>> -> memref<80xi32, #tpu.memory_space<hbm>>
      %dma_start3A_39 = arith.constant 0 : i32
      %dma_start3A_40 = tpu.memref_slice %arg17[%dma_start3A_34, %dma_start3A_39] : memref<2x80xi32, #tpu.memory_space<vmem>> -> memref<1x80xi32, #tpu.memory_space<vmem>>
      %dma_start3A_41 = tpu.memref_squeeze %dma_start3A_40 : memref<1x80xi32, #tpu.memory_space<vmem>> -> memref<80xi32, #tpu.memory_space<vmem>>
      %dma_start3A_42 = tpu.memref_slice %arg5[%add3A_23] : memref<320000xi32, #tpu.memory_space<hbm>> -> memref<80xi32, #tpu.memory_space<hbm>>
      tpu.enqueue_dma source(%dma_start3A_42 : memref<80xi32, #tpu.memory_space<hbm>>) target(%dma_start3A_41 : memref<80xi32, #tpu.memory_space<vmem>>) target_semaphore(%arg20 : memref<!tpu.dma_semaphore, #tpu.memory_space<semaphore_mem>>)
      %dma_start3A_43 = arith.constant 0 : i32
      %dma_start3A_44 = tpu.memref_slice %arg2[%add3A_23, %dma_start3A_43] : memref<320000x128xf32, #tpu.memory_space<hbm>> -> memref<80x128xf32, #tpu.memory_space<hbm>>
      %dma_start3A_45 = arith.constant 0 : i32
      %dma_start3A_46 = tpu.memref_slice %arg2[%add3A_23, %dma_start3A_45] : memref<320000x128xf32, #tpu.memory_space<hbm>> -> memref<80x128xf32, #tpu.memory_space<hbm>>
      tpu.enqueue_dma source(%dma_start3A_46 : memref<80x128xf32, #tpu.memory_space<hbm>>) target(%arg12 : memref<80x128xf32, #tpu.memory_space<vmem>>) target_semaphore(%arg20 : memref<!tpu.dma_semaphore, #tpu.memory_space<semaphore_mem>>)
      %dma_wait3A = tpu.memref_slice %arg3[%add3A_23] : memref<320000xi32, #tpu.memory_space<hbm>> -> memref<80xi32, #tpu.memory_space<hbm>>
      %dma_wait3A_47 = tpu.memref_slice %arg3[%add3A_23] : memref<320000xi32, #tpu.memory_space<hbm>> -> memref<80xi32, #tpu.memory_space<hbm>>
      tpu.wait_dma2 semaphore(%arg20 : memref<!tpu.dma_semaphore, #tpu.memory_space<semaphore_mem>>) src(%dma_wait3A_47 : memref<80xi32, #tpu.memory_space<hbm>>) dst(%arg16 : memref<80xi32, #tpu.memory_space<vmem>>)
      %dma_wait3A_48 = arith.constant 0 : i32
      %dma_wait3A_49 = arith.constant 0 : i32
      %dma_wait3A_50 = tpu.memref_slice %arg17[%dma_wait3A_48, %dma_wait3A_49] : memref<2x80xi32, #tpu.memory_space<vmem>> -> memref<1x80xi32, #tpu.memory_space<vmem>>
      %dma_wait3A_51 = tpu.memref_squeeze %dma_wait3A_50 : memref<1x80xi32, #tpu.memory_space<vmem>> -> memref<80xi32, #tpu.memory_space<vmem>>
      %dma_wait3A_52 = tpu.memref_slice %arg4[%add3A_23] : memref<320000xi32, #tpu.memory_space<hbm>> -> memref<80xi32, #tpu.memory_space<hbm>>
      %dma_wait3A_53 = arith.constant 0 : i32
      %dma_wait3A_54 = tpu.memref_slice %arg17[%dma_wait3A_48, %dma_wait3A_53] : memref<2x80xi32, #tpu.memory_space<vmem>> -> memref<1x80xi32, #tpu.memory_space<vmem>>
      %dma_wait3A_55 = tpu.memref_squeeze %dma_wait3A_54 : memref<1x80xi32, #tpu.memory_space<vmem>> -> memref<80xi32, #tpu.memory_space<vmem>>
      %dma_wait3A_56 = tpu.memref_slice %arg4[%add3A_23] : memref<320000xi32, #tpu.memory_space<hbm>> -> memref<80xi32, #tpu.memory_space<hbm>>
      tpu.wait_dma2 semaphore(%arg20 : memref<!tpu.dma_semaphore, #tpu.memory_space<semaphore_mem>>) src(%dma_wait3A_56 : memref<80xi32, #tpu.memory_space<hbm>>) dst(%dma_wait3A_55 : memref<80xi32, #tpu.memory_space<vmem>>)
      %dma_wait3A_57 = arith.constant 1 : i32
      %dma_wait3A_58 = arith.constant 0 : i32
      %dma_wait3A_59 = tpu.memref_slice %arg17[%dma_wait3A_57, %dma_wait3A_58] : memref<2x80xi32, #tpu.memory_space<vmem>> -> memref<1x80xi32, #tpu.memory_space<vmem>>
      %dma_wait3A_60 = tpu.memref_squeeze %dma_wait3A_59 : memref<1x80xi32, #tpu.memory_space<vmem>> -> memref<80xi32, #tpu.memory_space<vmem>>
      %dma_wait3A_61 = tpu.memref_slice %arg5[%add3A_23] : memref<320000xi32, #tpu.memory_space<hbm>> -> memref<80xi32, #tpu.memory_space<hbm>>
      %dma_wait3A_62 = arith.constant 0 : i32
      %dma_wait3A_63 = tpu.memref_slice %arg17[%dma_wait3A_57, %dma_wait3A_62] : memref<2x80xi32, #tpu.memory_space<vmem>> -> memref<1x80xi32, #tpu.memory_space<vmem>>
      %dma_wait3A_64 = tpu.memref_squeeze %dma_wait3A_63 : memref<1x80xi32, #tpu.memory_space<vmem>> -> memref<80xi32, #tpu.memory_space<vmem>>
      %dma_wait3A_65 = tpu.memref_slice %arg5[%add3A_23] : memref<320000xi32, #tpu.memory_space<hbm>> -> memref<80xi32, #tpu.memory_space<hbm>>
      tpu.wait_dma2 semaphore(%arg20 : memref<!tpu.dma_semaphore, #tpu.memory_space<semaphore_mem>>) src(%dma_wait3A_65 : memref<80xi32, #tpu.memory_space<hbm>>) dst(%dma_wait3A_64 : memref<80xi32, #tpu.memory_space<vmem>>)
      %dma_wait3A_66 = arith.constant 0 : i32
      %dma_wait3A_67 = tpu.memref_slice %arg2[%add3A_23, %dma_wait3A_66] : memref<320000x128xf32, #tpu.memory_space<hbm>> -> memref<80x128xf32, #tpu.memory_space<hbm>>
      %dma_wait3A_68 = arith.constant 0 : i32
      %dma_wait3A_69 = tpu.memref_slice %arg2[%add3A_23, %dma_wait3A_68] : memref<320000x128xf32, #tpu.memory_space<hbm>> -> memref<80x128xf32, #tpu.memory_space<hbm>>
      tpu.wait_dma2 semaphore(%arg20 : memref<!tpu.dma_semaphore, #tpu.memory_space<semaphore_mem>>) src(%dma_wait3A_69 : memref<80x128xf32, #tpu.memory_space<hbm>>) dst(%arg12 : memref<80x128xf32, #tpu.memory_space<vmem>>)
      %dma_start3A_70 = arith.constant 0 : i32
      %dma_start3A_71 = arith.constant 0 : i32
      %dma_start3A_72 = tpu.memref_slice %arg6[%dma_start3A_70, %dma_start3A_71] : memref<10000x128xf32, #tpu.memory_space<hbm>> -> memref<10000x128xf32, #tpu.memory_space<hbm>>
      tpu.enqueue_indirect_dma source(%dma_start3A_72 : memref<10000x128xf32, #tpu.memory_space<hbm>>) target(%arg13 : memref<80x128xf32, #tpu.memory_space<vmem>>) offsets(%arg16 : memref<80xi32, #tpu.memory_space<vmem>>) semaphore(%arg20 : memref<!tpu.dma_semaphore, #tpu.memory_space<semaphore_mem>>)
      %dma_start3A_73 = arith.constant 0 : i32
      %dma_start3A_74 = arith.constant 0 : i32
      %dma_start3A_75 = tpu.memref_slice %arg17[%dma_start3A_73, %dma_start3A_74] : memref<2x80xi32, #tpu.memory_space<vmem>> -> memref<1x80xi32, #tpu.memory_space<vmem>>
      %dma_start3A_76 = tpu.memref_squeeze %dma_start3A_75 : memref<1x80xi32, #tpu.memory_space<vmem>> -> memref<80xi32, #tpu.memory_space<vmem>>
      %dma_start3A_77 = arith.constant 0 : i32
      %dma_start3A_78 = arith.constant 0 : i32
      %dma_start3A_79 = tpu.memref_slice %arg7[%dma_start3A_77, %dma_start3A_78] : memref<10000x128xf32, #tpu.memory_space<hbm>> -> memref<10000x128xf32, #tpu.memory_space<hbm>>
      tpu.enqueue_indirect_dma source(%dma_start3A_79 : memref<10000x128xf32, #tpu.memory_space<hbm>>) target(%arg14 : memref<80x128xf32, #tpu.memory_space<vmem>>) offsets(%dma_start3A_76 : memref<80xi32, #tpu.memory_space<vmem>>) semaphore(%arg21 : memref<!tpu.dma_semaphore, #tpu.memory_space<semaphore_mem>>)
      %dma_wait3A_80 = arith.constant 0 : i32
      %dma_wait3A_81 = arith.constant 0 : i32
      %dma_wait3A_82 = tpu.memref_slice %arg6[%dma_wait3A_80, %dma_wait3A_81] : memref<10000x128xf32, #tpu.memory_space<hbm>> -> memref<10000x128xf32, #tpu.memory_space<hbm>>
      tpu.wait_indirect_dma semaphore(%arg20 : memref<!tpu.dma_semaphore, #tpu.memory_space<semaphore_mem>>) src(%dma_wait3A_82 : memref<10000x128xf32, #tpu.memory_space<hbm>>) dst(%arg13 : memref<80x128xf32, #tpu.memory_space<vmem>>)
      %dma_wait3A_83 = arith.constant 0 : i32
      %dma_wait3A_84 = arith.constant 0 : i32
      %dma_wait3A_85 = tpu.memref_slice %arg17[%dma_wait3A_83, %dma_wait3A_84] : memref<2x80xi32, #tpu.memory_space<vmem>> -> memref<1x80xi32, #tpu.memory_space<vmem>>
      %dma_wait3A_86 = tpu.memref_squeeze %dma_wait3A_85 : memref<1x80xi32, #tpu.memory_space<vmem>> -> memref<80xi32, #tpu.memory_space<vmem>>
      %dma_wait3A_87 = arith.constant 0 : i32
      %dma_wait3A_88 = arith.constant 0 : i32
      %dma_wait3A_89 = tpu.memref_slice %arg7[%dma_wait3A_87, %dma_wait3A_88] : memref<10000x128xf32, #tpu.memory_space<hbm>> -> memref<10000x128xf32, #tpu.memory_space<hbm>>
      tpu.wait_indirect_dma semaphore(%arg21 : memref<!tpu.dma_semaphore, #tpu.memory_space<semaphore_mem>>) src(%dma_wait3A_89 : memref<10000x128xf32, #tpu.memory_space<hbm>>) dst(%arg14 : memref<80x128xf32, #tpu.memory_space<vmem>>)
      %scan3A_90 = arith.constant 0 : i32
      %scan3A_91 = arith.constant 0 : i32
      %scan3A_92 = arith.constant 80 : i32
      %scan3A_93 = arith.addi %scan3A_91, %scan3A_92 : i32
      %scan3A_94 = arith.constant 1 : i32
      scf.for %scan3A_132 = %scan3A_91 to %scan3A_93 step %scan3A_94  : i32 {
        %get3A = arith.index_cast %scan3A_132 : i32 to index
        %get3A_133 = arith.constant 0 : index
        %get3A_134 = tpu.vector_load %arg12[%get3A, %get3A_133] {strides = array<i32>} : memref<80x128xf32, #tpu.memory_space<vmem>>, vector<1x16xf32>,
        %get3A_135 = vector.shape_cast %get3A_134 : vector<1x16xf32> to vector<16xf32>
        %get3A_136 = arith.index_cast %scan3A_132 : i32 to index
        %get3A_137 = arith.constant 0 : index
        %get3A_138 = tpu.vector_load %arg13[%get3A_136, %get3A_137] {strides = array<i32>} : memref<80x128xf32, #tpu.memory_space<vmem>>, vector<1x16xf32>,
        %get3A_139 = vector.shape_cast %get3A_138 : vector<1x16xf32> to vector<16xf32>
        %add3A_140 = arith.addf %get3A_135, %get3A_139 : vector<16xf32>
        %get3A_141 = arith.index_cast %scan3A_132 : i32 to index
        %get3A_142 = arith.constant 0 : index
        %get3A_143 = tpu.vector_load %arg14[%get3A_141, %get3A_142] {strides = array<i32>} : memref<80x128xf32, #tpu.memory_space<vmem>>, vector<1x16xf32>,
        %get3A_144 = vector.shape_cast %get3A_143 : vector<1x16xf32> to vector<16xf32>
        %add3A_145 = arith.addf %add3A_140, %get3A_144 : vector<16xf32>
        %max3A = arith.constant 0.000000e+00 : f32
        %max3A_146 = vector.broadcast %max3A : f32 to vector<16xf32>
        %max3A_147 = arith.maximumf %add3A_145, %max3A_146 : vector<16xf32>
        %swap3A = arith.index_cast %scan3A_132 : i32 to index
        %swap3A_148 = arith.constant 0 : index
        %swap3A_149 = tpu.vector_load %arg15[%swap3A, %swap3A_148] {strides = array<i32>} : memref<80x128xf32, #tpu.memory_space<vmem>>, vector<1x16xf32>,
        %swap3A_150 = vector.shape_cast %swap3A_149 : vector<1x16xf32> to vector<16xf32>
        %swap3A_151 = vector.shape_cast %max3A_147 : vector<16xf32> to vector<1x16xf32>
        tpu.vector_store %arg15[%swap3A, %swap3A_148], %swap3A_151 {strides = array<i32>} : memref<80x128xf32, #tpu.memory_space<vmem>>, vector<1x16xf32>,
        %get3A_152 = arith.index_cast %scan3A_132 : i32 to index
        %get3A_153 = arith.constant 16 : index
        %get3A_154 = tpu.vector_load %arg12[%get3A_152, %get3A_153] {strides = array<i32>} : memref<80x128xf32, #tpu.memory_space<vmem>>, vector<1x16xf32>,
        %get3A_155 = vector.shape_cast %get3A_154 : vector<1x16xf32> to vector<16xf32>
        %get3A_156 = arith.index_cast %scan3A_132 : i32 to index
        %get3A_157 = arith.constant 16 : index
        %get3A_158 = tpu.vector_load %arg13[%get3A_156, %get3A_157] {strides = array<i32>} : memref<80x128xf32, #tpu.memory_space<vmem>>, vector<1x16xf32>,
        %get3A_159 = vector.shape_cast %get3A_158 : vector<1x16xf32> to vector<16xf32>
        %add3A_160 = arith.addf %get3A_155, %get3A_159 : vector<16xf32>
        %get3A_161 = arith.index_cast %scan3A_132 : i32 to index
        %get3A_162 = arith.constant 16 : index
        %get3A_163 = tpu.vector_load %arg14[%get3A_161, %get3A_162] {strides = array<i32>} : memref<80x128xf32, #tpu.memory_space<vmem>>, vector<1x16xf32>,
        %get3A_164 = vector.shape_cast %get3A_163 : vector<1x16xf32> to vector<16xf32>
        %add3A_165 = arith.addf %add3A_160, %get3A_164 : vector<16xf32>
        %max3A_166 = arith.constant 0.000000e+00 : f32
        %max3A_167 = vector.broadcast %max3A_166 : f32 to vector<16xf32>
        %max3A_168 = arith.maximumf %add3A_165, %max3A_167 : vector<16xf32>
        %swap3A_169 = arith.index_cast %scan3A_132 : i32 to index
        %swap3A_170 = arith.constant 16 : index
        %swap3A_171 = tpu.vector_load %arg15[%swap3A_169, %swap3A_170] {strides = array<i32>} : memref<80x128xf32, #tpu.memory_space<vmem>>, vector<1x16xf32>,
        %swap3A_172 = vector.shape_cast %swap3A_171 : vector<1x16xf32> to vector<16xf32>
        %swap3A_173 = vector.shape_cast %max3A_168 : vector<16xf32> to vector<1x16xf32>
        tpu.vector_store %arg15[%swap3A_169, %swap3A_170], %swap3A_173 {strides = array<i32>} : memref<80x128xf32, #tpu.memory_space<vmem>>, vector<1x16xf32>,
        %get3A_174 = arith.index_cast %scan3A_132 : i32 to index
        %get3A_175 = arith.constant 32 : index
        %get3A_176 = tpu.vector_load %arg12[%get3A_174, %get3A_175] {strides = array<i32>} : memref<80x128xf32, #tpu.memory_space<vmem>>, vector<1x16xf32>,
        %get3A_177 = vector.shape_cast %get3A_176 : vector<1x16xf32> to vector<16xf32>
        %get3A_178 = arith.index_cast %scan3A_132 : i32 to index
        %get3A_179 = arith.constant 32 : index
        %get3A_180 = tpu.vector_load %arg13[%get3A_178, %get3A_179] {strides = array<i32>} : memref<80x128xf32, #tpu.memory_space<vmem>>, vector<1x16xf32>,
        %get3A_181 = vector.shape_cast %get3A_180 : vector<1x16xf32> to vector<16xf32>
        %add3A_182 = arith.addf %get3A_177, %get3A_181 : vector<16xf32>
        %get3A_183 = arith.index_cast %scan3A_132 : i32 to index
        %get3A_184 = arith.constant 32 : index
        %get3A_185 = tpu.vector_load %arg14[%get3A_183, %get3A_184] {strides = array<i32>} : memref<80x128xf32, #tpu.memory_space<vmem>>, vector<1x16xf32>,
        %get3A_186 = vector.shape_cast %get3A_185 : vector<1x16xf32> to vector<16xf32>
        %add3A_187 = arith.addf %add3A_182, %get3A_186 : vector<16xf32>
        %max3A_188 = arith.constant 0.000000e+00 : f32
        %max3A_189 = vector.broadcast %max3A_188 : f32 to vector<16xf32>
        %max3A_190 = arith.maximumf %add3A_187, %max3A_189 : vector<16xf32>
        %swap3A_191 = arith.index_cast %scan3A_132 : i32 to index
        %swap3A_192 = arith.constant 32 : index
        %swap3A_193 = tpu.vector_load %arg15[%swap3A_191, %swap3A_192] {strides = array<i32>} : memref<80x128xf32, #tpu.memory_space<vmem>>, vector<1x16xf32>,
        %swap3A_194 = vector.shape_cast %swap3A_193 : vector<1x16xf32> to vector<16xf32>
        %swap3A_195 = vector.shape_cast %max3A_190 : vector<16xf32> to vector<1x16xf32>
        tpu.vector_store %arg15[%swap3A_191, %swap3A_192], %swap3A_195 {strides = array<i32>} : memref<80x128xf32, #tpu.memory_space<vmem>>, vector<1x16xf32>,
        %get3A_196 = arith.index_cast %scan3A_132 : i32 to index
        %get3A_197 = arith.constant 48 : index
        %get3A_198 = tpu.vector_load %arg12[%get3A_196, %get3A_197] {strides = array<i32>} : memref<80x128xf32, #tpu.memory_space<vmem>>, vector<1x16xf32>,
        %get3A_199 = vector.shape_cast %get3A_198 : vector<1x16xf32> to vector<16xf32>
        %get3A_200 = arith.index_cast %scan3A_132 : i32 to index
        %get3A_201 = arith.constant 48 : index
        %get3A_202 = tpu.vector_load %arg13[%get3A_200, %get3A_201] {strides = array<i32>} : memref<80x128xf32, #tpu.memory_space<vmem>>, vector<1x16xf32>,
        %get3A_203 = vector.shape_cast %get3A_202 : vector<1x16xf32> to vector<16xf32>
        %add3A_204 = arith.addf %get3A_199, %get3A_203 : vector<16xf32>
        %get3A_205 = arith.index_cast %scan3A_132 : i32 to index
        %get3A_206 = arith.constant 48 : index
        %get3A_207 = tpu.vector_load %arg14[%get3A_205, %get3A_206] {strides = array<i32>} : memref<80x128xf32, #tpu.memory_space<vmem>>, vector<1x16xf32>,
        %get3A_208 = vector.shape_cast %get3A_207 : vector<1x16xf32> to vector<16xf32>
        %add3A_209 = arith.addf %add3A_204, %get3A_208 : vector<16xf32>
        %max3A_210 = arith.constant 0.000000e+00 : f32
        %max3A_211 = vector.broadcast %max3A_210 : f32 to vector<16xf32>
        %max3A_212 = arith.maximumf %add3A_209, %max3A_211 : vector<16xf32>
        %swap3A_213 = arith.index_cast %scan3A_132 : i32 to index
        %swap3A_214 = arith.constant 48 : index
        %swap3A_215 = tpu.vector_load %arg15[%swap3A_213, %swap3A_214] {strides = array<i32>} : memref<80x128xf32, #tpu.memory_space<vmem>>, vector<1x16xf32>,
        %swap3A_216 = vector.shape_cast %swap3A_215 : vector<1x16xf32> to vector<16xf32>
        %swap3A_217 = vector.shape_cast %max3A_212 : vector<16xf32> to vector<1x16xf32>
        tpu.vector_store %arg15[%swap3A_213, %swap3A_214], %swap3A_217 {strides = array<i32>} : memref<80x128xf32, #tpu.memory_space<vmem>>, vector<1x16xf32>,
        %get3A_218 = arith.index_cast %scan3A_132 : i32 to index
        %get3A_219 = arith.constant 64 : index
        %get3A_220 = tpu.vector_load %arg12[%get3A_218, %get3A_219] {strides = array<i32>} : memref<80x128xf32, #tpu.memory_space<vmem>>, vector<1x16xf32>,
        %get3A_221 = vector.shape_cast %get3A_220 : vector<1x16xf32> to vector<16xf32>
        %get3A_222 = arith.index_cast %scan3A_132 : i32 to index
        %get3A_223 = arith.constant 64 : index
        %get3A_224 = tpu.vector_load %arg13[%get3A_222, %get3A_223] {strides = array<i32>} : memref<80x128xf32, #tpu.memory_space<vmem>>, vector<1x16xf32>,
        %get3A_225 = vector.shape_cast %get3A_224 : vector<1x16xf32> to vector<16xf32>
        %add3A_226 = arith.addf %get3A_221, %get3A_225 : vector<16xf32>
        %get3A_227 = arith.index_cast %scan3A_132 : i32 to index
        %get3A_228 = arith.constant 64 : index
        %get3A_229 = tpu.vector_load %arg14[%get3A_227, %get3A_228] {strides = array<i32>} : memref<80x128xf32, #tpu.memory_space<vmem>>, vector<1x16xf32>,
        %get3A_230 = vector.shape_cast %get3A_229 : vector<1x16xf32> to vector<16xf32>
        %add3A_231 = arith.addf %add3A_226, %get3A_230 : vector<16xf32>
        %max3A_232 = arith.constant 0.000000e+00 : f32
        %max3A_233 = vector.broadcast %max3A_232 : f32 to vector<16xf32>
        %max3A_234 = arith.maximumf %add3A_231, %max3A_233 : vector<16xf32>
        %swap3A_235 = arith.index_cast %scan3A_132 : i32 to index
        %swap3A_236 = arith.constant 64 : index
        %swap3A_237 = tpu.vector_load %arg15[%swap3A_235, %swap3A_236] {strides = array<i32>} : memref<80x128xf32, #tpu.memory_space<vmem>>, vector<1x16xf32>,
        %swap3A_238 = vector.shape_cast %swap3A_237 : vector<1x16xf32> to vector<16xf32>
        %swap3A_239 = vector.shape_cast %max3A_234 : vector<16xf32> to vector<1x16xf32>
        tpu.vector_store %arg15[%swap3A_235, %swap3A_236], %swap3A_239 {strides = array<i32>} : memref<80x128xf32, #tpu.memory_space<vmem>>, vector<1x16xf32>,
        %get3A_240 = arith.index_cast %scan3A_132 : i32 to index
        %get3A_241 = arith.constant 80 : index
        %get3A_242 = tpu.vector_load %arg12[%get3A_240, %get3A_241] {strides = array<i32>} : memref<80x128xf32, #tpu.memory_space<vmem>>, vector<1x16xf32>,
        %get3A_243 = vector.shape_cast %get3A_242 : vector<1x16xf32> to vector<16xf32>
        %get3A_244 = arith.index_cast %scan3A_132 : i32 to index
        %get3A_245 = arith.constant 80 : index
        %get3A_246 = tpu.vector_load %arg13[%get3A_244, %get3A_245] {strides = array<i32>} : memref<80x128xf32, #tpu.memory_space<vmem>>, vector<1x16xf32>,
        %get3A_247 = vector.shape_cast %get3A_246 : vector<1x16xf32> to vector<16xf32>
        %add3A_248 = arith.addf %get3A_243, %get3A_247 : vector<16xf32>
        %get3A_249 = arith.index_cast %scan3A_132 : i32 to index
        %get3A_250 = arith.constant 80 : index
        %get3A_251 = tpu.vector_load %arg14[%get3A_249, %get3A_250] {strides = array<i32>} : memref<80x128xf32, #tpu.memory_space<vmem>>, vector<1x16xf32>,
        %get3A_252 = vector.shape_cast %get3A_251 : vector<1x16xf32> to vector<16xf32>
        %add3A_253 = arith.addf %add3A_248, %get3A_252 : vector<16xf32>
        %max3A_254 = arith.constant 0.000000e+00 : f32
        %max3A_255 = vector.broadcast %max3A_254 : f32 to vector<16xf32>
        %max3A_256 = arith.maximumf %add3A_253, %max3A_255 : vector<16xf32>
        %swap3A_257 = arith.index_cast %scan3A_132 : i32 to index
        %swap3A_258 = arith.constant 80 : index
        %swap3A_259 = tpu.vector_load %arg15[%swap3A_257, %swap3A_258] {strides = array<i32>} : memref<80x128xf32, #tpu.memory_space<vmem>>, vector<1x16xf32>,
        %swap3A_260 = vector.shape_cast %swap3A_259 : vector<1x16xf32> to vector<16xf32>
        %swap3A_261 = vector.shape_cast %max3A_256 : vector<16xf32> to vector<1x16xf32>
        tpu.vector_store %arg15[%swap3A_257, %swap3A_258], %swap3A_261 {strides = array<i32>} : memref<80x128xf32, #tpu.memory_space<vmem>>, vector<1x16xf32>,
        %get3A_262 = arith.index_cast %scan3A_132 : i32 to index
        %get3A_263 = arith.constant 96 : index
        %get3A_264 = tpu.vector_load %arg12[%get3A_262, %get3A_263] {strides = array<i32>} : memref<80x128xf32, #tpu.memory_space<vmem>>, vector<1x16xf32>,
        %get3A_265 = vector.shape_cast %get3A_264 : vector<1x16xf32> to vector<16xf32>
        %get3A_266 = arith.index_cast %scan3A_132 : i32 to index
        %get3A_267 = arith.constant 96 : index
        %get3A_268 = tpu.vector_load %arg13[%get3A_266, %get3A_267] {strides = array<i32>} : memref<80x128xf32, #tpu.memory_space<vmem>>, vector<1x16xf32>,
        %get3A_269 = vector.shape_cast %get3A_268 : vector<1x16xf32> to vector<16xf32>
        %add3A_270 = arith.addf %get3A_265, %get3A_269 : vector<16xf32>
        %get3A_271 = arith.index_cast %scan3A_132 : i32 to index
        %get3A_272 = arith.constant 96 : index
        %get3A_273 = tpu.vector_load %arg14[%get3A_271, %get3A_272] {strides = array<i32>} : memref<80x128xf32, #tpu.memory_space<vmem>>, vector<1x16xf32>,
        %get3A_274 = vector.shape_cast %get3A_273 : vector<1x16xf32> to vector<16xf32>
        %add3A_275 = arith.addf %add3A_270, %get3A_274 : vector<16xf32>
        %max3A_276 = arith.constant 0.000000e+00 : f32
        %max3A_277 = vector.broadcast %max3A_276 : f32 to vector<16xf32>
        %max3A_278 = arith.maximumf %add3A_275, %max3A_277 : vector<16xf32>
        %swap3A_279 = arith.index_cast %scan3A_132 : i32 to index
        %swap3A_280 = arith.constant 96 : index
        %swap3A_281 = tpu.vector_load %arg15[%swap3A_279, %swap3A_280] {strides = array<i32>} : memref<80x128xf32, #tpu.memory_space<vmem>>, vector<1x16xf32>,
        %swap3A_282 = vector.shape_cast %swap3A_281 : vector<1x16xf32> to vector<16xf32>
        %swap3A_283 = vector.shape_cast %max3A_278 : vector<16xf32> to vector<1x16xf32>
        tpu.vector_store %arg15[%swap3A_279, %swap3A_280], %swap3A_283 {strides = array<i32>} : memref<80x128xf32, #tpu.memory_space<vmem>>, vector<1x16xf32>,
        %get3A_284 = arith.index_cast %scan3A_132 : i32 to index
        %get3A_285 = arith.constant 112 : index
        %get3A_286 = tpu.vector_load %arg12[%get3A_284, %get3A_285] {strides = array<i32>} : memref<80x128xf32, #tpu.memory_space<vmem>>, vector<1x16xf32>,
        %get3A_287 = vector.shape_cast %get3A_286 : vector<1x16xf32> to vector<16xf32>
        %get3A_288 = arith.index_cast %scan3A_132 : i32 to index
        %get3A_289 = arith.constant 112 : index
        %get3A_290 = tpu.vector_load %arg13[%get3A_288, %get3A_289] {strides = array<i32>} : memref<80x128xf32, #tpu.memory_space<vmem>>, vector<1x16xf32>,
        %get3A_291 = vector.shape_cast %get3A_290 : vector<1x16xf32> to vector<16xf32>
        %add3A_292 = arith.addf %get3A_287, %get3A_291 : vector<16xf32>
        %get3A_293 = arith.index_cast %scan3A_132 : i32 to index
        %get3A_294 = arith.constant 112 : index
        %get3A_295 = tpu.vector_load %arg14[%get3A_293, %get3A_294] {strides = array<i32>} : memref<80x128xf32, #tpu.memory_space<vmem>>, vector<1x16xf32>,
        %get3A_296 = vector.shape_cast %get3A_295 : vector<1x16xf32> to vector<16xf32>
        %add3A_297 = arith.addf %add3A_292, %get3A_296 : vector<16xf32>
        %max3A_298 = arith.constant 0.000000e+00 : f32
        %max3A_299 = vector.broadcast %max3A_298 : f32 to vector<16xf32>
        %max3A_300 = arith.maximumf %add3A_297, %max3A_299 : vector<16xf32>
        %swap3A_301 = arith.index_cast %scan3A_132 : i32 to index
        %swap3A_302 = arith.constant 112 : index
        %swap3A_303 = tpu.vector_load %arg15[%swap3A_301, %swap3A_302] {strides = array<i32>} : memref<80x128xf32, #tpu.memory_space<vmem>>, vector<1x16xf32>,
        %swap3A_304 = vector.shape_cast %swap3A_303 : vector<1x16xf32> to vector<16xf32>
        %swap3A_305 = vector.shape_cast %max3A_300 : vector<16xf32> to vector<1x16xf32>
        tpu.vector_store %arg15[%swap3A_301, %swap3A_302], %swap3A_305 {strides = array<i32>} : memref<80x128xf32, #tpu.memory_space<vmem>>, vector<1x16xf32>,
      }
      %scan3A_95 = arith.constant 80 : i32
      %dma_start3A_96 = arith.constant 0 : i32
      %dma_start3A_97 = tpu.memref_slice %arg9[%add3A_23, %dma_start3A_96] : memref<320000x128xf32, #tpu.memory_space<hbm>> -> memref<80x128xf32, #tpu.memory_space<hbm>>
      %dma_start3A_98 = arith.constant 0 : i32
      %dma_start3A_99 = tpu.memref_slice %arg9[%add3A_23, %dma_start3A_98] : memref<320000x128xf32, #tpu.memory_space<hbm>> -> memref<80x128xf32, #tpu.memory_space<hbm>>
      tpu.enqueue_dma source(%arg15 : memref<80x128xf32, #tpu.memory_space<vmem>>) target(%dma_start3A_99 : memref<80x128xf32, #tpu.memory_space<hbm>>) target_semaphore(%arg20 : memref<!tpu.dma_semaphore, #tpu.memory_space<semaphore_mem>>)
      %dma_start3A_100 = arith.constant 0 : i32
      %dma_start3A_101 = arith.constant 0 : i32
      %dma_start3A_102 = tpu.memref_slice %arg17[%dma_start3A_100, %dma_start3A_101] : memref<2x80xi32, #tpu.memory_space<vmem>> -> memref<1x80xi32, #tpu.memory_space<vmem>>
      %dma_start3A_103 = tpu.memref_squeeze %dma_start3A_102 : memref<1x80xi32, #tpu.memory_space<vmem>> -> memref<80xi32, #tpu.memory_space<vmem>>
      %dma_start3A_104 = arith.constant 0 : i32
      %dma_start3A_105 = arith.constant 0 : i32
      %dma_start3A_106 = tpu.memref_slice %arg18[%dma_start3A_104, %dma_start3A_105] : memref<10000x128xf32, #tpu.memory_space<vmem_shared>> -> memref<10000x128xf32, #tpu.memory_space<vmem_shared>>
      tpu.enqueue_indirect_dma source(%arg15 : memref<80x128xf32, #tpu.memory_space<vmem>>) target(%dma_start3A_106 : memref<10000x128xf32, #tpu.memory_space<vmem_shared>>) offsets(%dma_start3A_103 : memref<80xi32, #tpu.memory_space<vmem>>) semaphore(%arg21 : memref<!tpu.dma_semaphore, #tpu.memory_space<semaphore_mem>>) {add = true}
      %dma_start3A_107 = arith.constant 1 : i32
      %dma_start3A_108 = arith.constant 0 : i32
      %dma_start3A_109 = tpu.memref_slice %arg17[%dma_start3A_107, %dma_start3A_108] : memref<2x80xi32, #tpu.memory_space<vmem>> -> memref<1x80xi32, #tpu.memory_space<vmem>>
      %dma_start3A_110 = tpu.memref_squeeze %dma_start3A_109 : memref<1x80xi32, #tpu.memory_space<vmem>> -> memref<80xi32, #tpu.memory_space<vmem>>
      %dma_start3A_111 = arith.constant 0 : i32
      %dma_start3A_112 = arith.constant 0 : i32
      %dma_start3A_113 = tpu.memref_slice %arg19[%dma_start3A_111, %dma_start3A_112] : memref<16x128xf32, #tpu.memory_space<vmem_shared>> -> memref<16x128xf32, #tpu.memory_space<vmem_shared>>
      tpu.enqueue_indirect_dma source(%arg15 : memref<80x128xf32, #tpu.memory_space<vmem>>) target(%dma_start3A_113 : memref<16x128xf32, #tpu.memory_space<vmem_shared>>) offsets(%dma_start3A_110 : memref<80xi32, #tpu.memory_space<vmem>>) semaphore(%arg21 : memref<!tpu.dma_semaphore, #tpu.memory_space<semaphore_mem>>) {add = true}
      %dma_wait3A_114 = arith.constant 0 : i32
      %dma_wait3A_115 = tpu.memref_slice %arg9[%add3A_23, %dma_wait3A_114] : memref<320000x128xf32, #tpu.memory_space<hbm>> -> memref<80x128xf32, #tpu.memory_space<hbm>>
      %dma_wait3A_116 = arith.constant 0 : i32
      %dma_wait3A_117 = tpu.memref_slice %arg9[%add3A_23, %dma_wait3A_116] : memref<320000x128xf32, #tpu.memory_space<hbm>> -> memref<80x128xf32, #tpu.memory_space<hbm>>
      tpu.wait_dma2 semaphore(%arg20 : memref<!tpu.dma_semaphore, #tpu.memory_space<semaphore_mem>>) src(%arg15 : memref<80x128xf32, #tpu.memory_space<vmem>>) dst(%dma_wait3A_117 : memref<80x128xf32, #tpu.memory_space<hbm>>)
      %dma_wait3A_118 = arith.constant 0 : i32
      %dma_wait3A_119 = arith.constant 0 : i32
      %dma_wait3A_120 = tpu.memref_slice %arg17[%dma_wait3A_118, %dma_wait3A_119] : memref<2x80xi32, #tpu.memory_space<vmem>> -> memref<1x80xi32, #tpu.memory_space<vmem>>
      %dma_wait3A_121 = tpu.memref_squeeze %dma_wait3A_120 : memref<1x80xi32, #tpu.memory_space<vmem>> -> memref<80xi32, #tpu.memory_space<vmem>>
      %dma_wait3A_122 = arith.constant 0 : i32
      %dma_wait3A_123 = arith.constant 0 : i32
      %dma_wait3A_124 = tpu.memref_slice %arg18[%dma_wait3A_122, %dma_wait3A_123] : memref<10000x128xf32, #tpu.memory_space<vmem_shared>> -> memref<10000x128xf32, #tpu.memory_space<vmem_shared>>
      tpu.wait_indirect_dma semaphore(%arg21 : memref<!tpu.dma_semaphore, #tpu.memory_space<semaphore_mem>>) src(%arg15 : memref<80x128xf32, #tpu.memory_space<vmem>>) dst(%dma_wait3A_124 : memref<10000x128xf32, #tpu.memory_space<vmem_shared>>)
      %dma_wait3A_125 = arith.constant 1 : i32
      %dma_wait3A_126 = arith.constant 0 : i32
      %dma_wait3A_127 = tpu.memref_slice %arg17[%dma_wait3A_125, %dma_wait3A_126] : memref<2x80xi32, #tpu.memory_space<vmem>> -> memref<1x80xi32, #tpu.memory_space<vmem>>
      %dma_wait3A_128 = tpu.memref_squeeze %dma_wait3A_127 : memref<1x80xi32, #tpu.memory_space<vmem>> -> memref<80xi32, #tpu.memory_space<vmem>>
      %dma_wait3A_129 = arith.constant 0 : i32
      %dma_wait3A_130 = arith.constant 0 : i32
      %dma_wait3A_131 = tpu.memref_slice %arg19[%dma_wait3A_129, %dma_wait3A_130] : memref<16x128xf32, #tpu.memory_space<vmem_shared>> -> memref<16x128xf32, #tpu.memory_space<vmem_shared>>
      tpu.wait_indirect_dma semaphore(%arg21 : memref<!tpu.dma_semaphore, #tpu.memory_space<semaphore_mem>>) src(%arg15 : memref<80x128xf32, #tpu.memory_space<vmem>>) dst(%dma_wait3A_131 : memref<16x128xf32, #tpu.memory_space<vmem_shared>>)
    }
    %scan3A_7 = arith.constant 125 : i32
    %barrier3A_8 = arith.constant 0 : index
    tpu.barrier barrier_id(%barrier3A_8)
    %lt3A = arith.constant 10 : i32
    %lt3A_9 = arith.cmpi slt, %arg1, %lt3A : i32
    %convert_element_type3A_10 = arith.extui %lt3A_9 : i1 to i32
    %cond3A_11 = arith.constant 0 : i32
    %cond3A_12 = arith.cmpi ne, %convert_element_type3A_10, %cond3A_11 : i32
    scf.if %cond3A_12 {
      %mul3A_18 = arith.constant 1000 : i32
      %mul3A_19 = arith.muli %arg1, %mul3A_18 : i32
      %mul3A_20 = arith.constant 1000 : i32
      %mul3A_21 = arith.muli %arg1, %mul3A_20 : i32
      "tpu.region"() ({
        %run_scoped3A = tpu.sem_alloc : memref<!tpu.dma_semaphore, #tpu.memory_space<semaphore_mem>>
        %dma_start3A = arith.constant 0 : i32
        %dma_start3A_22 = tpu.memref_slice %arg10[%arg0, %mul3A_21, %dma_start3A] : memref<2x10000x128xf32, #tpu.memory_space<hbm>> -> memref<1x1000x128xf32, #tpu.memory_space<hbm>>
        %dma_start3A_23 = tpu.memref_squeeze %dma_start3A_22 : memref<1x1000x128xf32, #tpu.memory_space<hbm>> -> memref<1000x128xf32, #tpu.memory_space<hbm>>
        %dma_start3A_24 = arith.constant 0 : i32
        %dma_start3A_25 = tpu.memref_slice %arg18[%mul3A_19, %dma_start3A_24] : memref<10000x128xf32, #tpu.memory_space<vmem_shared>> -> memref<1000x128xf32, #tpu.memory_space<vmem_shared>>
        tpu.enqueue_dma source(%dma_start3A_25 : memref<1000x128xf32, #tpu.memory_space<vmem_shared>>) target(%dma_start3A_23 : memref<1000x128xf32, #tpu.memory_space<hbm>>) target_semaphore(%run_scoped3A : memref<!tpu.dma_semaphore, #tpu.memory_space<semaphore_mem>>)
        %dma_wait3A = arith.constant 0 : i32
        %dma_wait3A_26 = tpu.memref_slice %arg10[%arg0, %mul3A_21, %dma_wait3A] : memref<2x10000x128xf32, #tpu.memory_space<hbm>> -> memref<1x1000x128xf32, #tpu.memory_space<hbm>>
        %dma_wait3A_27 = tpu.memref_squeeze %dma_wait3A_26 : memref<1x1000x128xf32, #tpu.memory_space<hbm>> -> memref<1000x128xf32, #tpu.memory_space<hbm>>
        %dma_wait3A_28 = arith.constant 0 : i32
        %dma_wait3A_29 = tpu.memref_slice %arg18[%mul3A_19, %dma_wait3A_28] : memref<10000x128xf32, #tpu.memory_space<vmem_shared>> -> memref<1000x128xf32, #tpu.memory_space<vmem_shared>>
        tpu.wait_dma2 semaphore(%run_scoped3A : memref<!tpu.dma_semaphore, #tpu.memory_space<semaphore_mem>>) src(%dma_wait3A_29 : memref<1000x128xf32, #tpu.memory_space<vmem_shared>>) dst(%dma_wait3A_27 : memref<1000x128xf32, #tpu.memory_space<hbm>>)
        tpu.yield
      }) : () -> ()
    } else {
    }
    %eq3A_13 = arith.constant 0 : i32
    %eq3A_14 = arith.cmpi eq, %arg1, %eq3A_13 : i32
    %convert_element_type3A_15 = arith.extui %eq3A_14 : i1 to i32
    %cond3A_16 = arith.constant 0 : i32
    %cond3A_17 = arith.cmpi ne, %convert_element_type3A_15, %cond3A_16 : i32
    scf.if %cond3A_17 {
      "tpu.region"() ({
        %run_scoped3A = tpu.sem_alloc : memref<!tpu.dma_semaphore, #tpu.memory_space<semaphore_mem>>
        %dma_start3A = arith.constant 0 : i32
        %dma_start3A_18 = arith.constant 0 : i32
        %dma_start3A_19 = tpu.memref_slice %arg11[%arg0, %dma_start3A, %dma_start3A_18] : memref<2x16x128xf32, #tpu.memory_space<hbm>> -> memref<1x16x128xf32, #tpu.memory_space<hbm>>
        %dma_start3A_20 = tpu.memref_squeeze %dma_start3A_19 : memref<1x16x128xf32, #tpu.memory_space<hbm>> -> memref<16x128xf32, #tpu.memory_space<hbm>>
        tpu.enqueue_dma source(%arg19 : memref<16x128xf32, #tpu.memory_space<vmem_shared>>) target(%dma_start3A_20 : memref<16x128xf32, #tpu.memory_space<hbm>>) target_semaphore(%run_scoped3A : memref<!tpu.dma_semaphore, #tpu.memory_space<semaphore_mem>>)
        %dma_wait3A = arith.constant 0 : i32
        %dma_wait3A_21 = arith.constant 0 : i32
        %dma_wait3A_22 = tpu.memref_slice %arg11[%arg0, %dma_wait3A, %dma_wait3A_21] : memref<2x16x128xf32, #tpu.memory_space<hbm>> -> memref<1x16x128xf32, #tpu.memory_space<hbm>>
        %dma_wait3A_23 = tpu.memref_squeeze %dma_wait3A_22 : memref<1x16x128xf32, #tpu.memory_space<hbm>> -> memref<16x128xf32, #tpu.memory_space<hbm>>
        tpu.wait_dma2 semaphore(%run_scoped3A : memref<!tpu.dma_semaphore, #tpu.memory_space<semaphore_mem>>) src(%arg19 : memref<16x128xf32, #tpu.memory_space<vmem_shared>>) dst(%dma_wait3A_23 : memref<16x128xf32, #tpu.memory_space<hbm>>)
        tpu.yield
      }) : () -> ()
    } else {
    }
    return
  }
}

module attributes {stable_mosaic.version = 14 : i64} {
  func.func @_cnn_pool_body(%arg0: i32, %arg1: memref<12544x32xf32, #tpu.memory_space<vmem>>, %arg2: memref<32x16xf32, #tpu.memory_space<vmem>>, %arg3: memref<1x16xf32, #tpu.memory_space<vmem>>, %arg4: memref<1x1x16xf32, #tpu.memory_space<vmem>>) attributes {dimension_semantics = [#tpu.dimension_semantics<arbitrary>], iteration_bounds = array<i64: 16>, scalar_prefetch = 0 : i64, scratch_operands = 0 : i64, tpu.core_type = #tpu.core_type<tc>, window_params = [{transform_indices = @transform_0, window_bounds = array<i64: 12544, 32>}, {pipeline_mode = #tpu.pipeline_mode<synchronous>, transform_indices = @transform_1, window_bounds = array<i64: 32, 16>}, {pipeline_mode = #tpu.pipeline_mode<synchronous>, transform_indices = @transform_2, window_bounds = array<i64: 1, 16>}, {transform_indices = @transform_3, window_bounds = array<i64: 1, 1, 16>}]} {
    %get3A = arith.constant 0 : index
    %get3A_0 = arith.constant 0 : index
    %get3A_1 = vector.load %arg1[%get3A, %get3A_0] : memref<12544x32xf32, #tpu.memory_space<vmem>>, vector<12544x32xf32>
    %get3A_2 = arith.constant 0 : index
    %get3A_3 = arith.constant 0 : index
    %get3A_4 = vector.load %arg2[%get3A_2, %get3A_3] : memref<32x16xf32, #tpu.memory_space<vmem>>, vector<32x16xf32>
    %dot_general3A = arith.constant dense<0.000000e+00> : vector<12544x16xf32>
    %dot_general3A_5 = tpu.matmul %get3A_1, %get3A_4, %dot_general3A {dimension_numbers = #tpu.dot_dimension_numbers<[1], [0], [0], [1], [0, 0, 1, 1], [], []>, transpose_lhs_hint = false} : vector<12544x32xf32>, vector<32x16xf32>, vector<12544x16xf32> -> vector<12544x16xf32>
    %get3A_6 = arith.constant 0 : index
    %get3A_7 = arith.constant 0 : index
    %get3A_8 = vector.load %arg3[%get3A_6, %get3A_7] : memref<1x16xf32, #tpu.memory_space<vmem>>, vector<1x16xf32>
    %add3A = vector.broadcast %get3A_8 : vector<1x16xf32> to vector<12544x16xf32>
    %add3A_9 = arith.addf %dot_general3A_5, %add3A : vector<12544x16xf32>
    %max3A = arith.constant 0.000000e+00 : f32
    %max3A_10 = vector.broadcast %max3A : f32 to vector<12544x16xf32>
    %max3A_11 = arith.maximumf %add3A_9, %max3A_10 : vector<12544x16xf32>
    %reduce_sum3A = arith.constant dense<0.000000e+00> : vector<16xf32>
    %reduce_sum3A_12 = vector.multi_reduction <add>, %max3A_11, %reduce_sum3A [0] : vector<12544x16xf32> to vector<16xf32>
    %mul3A = arith.constant 7.97193861E-5 : f32
    %mul3A_13 = vector.broadcast %mul3A : f32 to vector<16xf32>
    %mul3A_14 = arith.mulf %reduce_sum3A_12, %mul3A_13 : vector<16xf32>
    %reshape3A = vector.shape_cast %mul3A_14 : vector<16xf32> to vector<1x1x16xf32>
    %swap3A = arith.constant 0 : index
    %swap3A_15 = arith.constant 0 : index
    %swap3A_16 = arith.constant 0 : index
    %swap3A_17 = vector.load %arg4[%swap3A, %swap3A_15, %swap3A_16] : memref<1x1x16xf32, #tpu.memory_space<vmem>>, vector<1x1x16xf32>
    tpu.vector_store %arg4[%swap3A, %swap3A_15, %swap3A_16], %reshape3A {strides = array<i32>} : memref<1x1x16xf32, #tpu.memory_space<vmem>>, vector<1x1x16xf32>,
    return
  }
  func.func @transform_0(%arg0: i32) -> (i32, i32) {
    %c0_i32 = arith.constant 0 : i32
    %c0_i32_0 = arith.constant 0 : i32
    return %arg0, %c0_i32 : i32, i32
  }
  func.func @transform_1(%arg0: i32) -> (i32, i32) {
    %c0_i32 = arith.constant 0 : i32
    %c0_i32_0 = arith.constant 0 : i32
    %c0_i32_1 = arith.constant 0 : i32
    return %c0_i32, %c0_i32_0 : i32, i32
  }
  func.func @transform_2(%arg0: i32) -> (i32, i32) {
    %c0_i32 = arith.constant 0 : i32
    %c0_i32_0 = arith.constant 0 : i32
    %c0_i32_1 = arith.constant 0 : i32
    return %c0_i32, %c0_i32_0 : i32, i32
  }
  func.func @transform_3(%arg0: i32) -> (i32, i32, i32) {
    %c0_i32 = arith.constant 0 : i32
    %c0_i32_0 = arith.constant 0 : i32
    %c0_i32_1 = arith.constant 0 : i32
    return %arg0, %c0_i32, %c0_i32_0 : i32, i32, i32
  }
}

module attributes {stable_mosaic.version = 14 : i64} {
  func.func @_prep0_body(%arg0: memref<16x16xf32, #tpu.memory_space<vmem>>, %arg1: memref<16x128xf32, #tpu.memory_space<vmem>>, %arg2: memref<1x128xf32, #tpu.memory_space<vmem>>, %arg3: memref<16x128xf32, #tpu.memory_space<vmem>>, %arg4: memref<32x128xf32, #tpu.memory_space<vmem>>, %arg5: memref<128x128xf32, #tpu.memory_space<vmem>>, %arg6: memref<128x128xf32, #tpu.memory_space<vmem>>, %arg7: memref<128x128xf32, #tpu.memory_space<vmem>>, %arg8: memref<128x128xf32, #tpu.memory_space<vmem>>, %arg9: memref<128x128xf32, #tpu.memory_space<vmem>>, %arg10: memref<1x128xf32, #tpu.memory_space<vmem>>, %arg11: memref<16x128xf32, #tpu.memory_space<vmem>>, %arg12: memref<256x128xf32, #tpu.memory_space<vmem>>, %arg13: memref<32x128xf32, #tpu.memory_space<vmem>>, %arg14: memref<32x128xf32, #tpu.memory_space<vmem>>, %arg15: memref<16x128xf32, #tpu.memory_space<vmem>>) attributes {dimension_semantics = [], scalar_prefetch = 0 : i64, scratch_operands = 0 : i64, tpu.core_type = #tpu.core_type<tc>} {
    %get3A = arith.constant 0 : index
    %get3A_0 = arith.constant 0 : index
    %get3A_1 = vector.load %arg0[%get3A, %get3A_0] : memref<16x16xf32, #tpu.memory_space<vmem>>, vector<16x16xf32>
    %get3A_2 = arith.constant 0 : index
    %get3A_3 = arith.constant 0 : index
    %get3A_4 = vector.load %arg1[%get3A_2, %get3A_3] : memref<16x128xf32, #tpu.memory_space<vmem>>, vector<16x128xf32>
    %dot_general3A = arith.constant dense<0.000000e+00> : vector<16x128xf32>
    %dot_general3A_5 = tpu.matmul %get3A_1, %get3A_4, %dot_general3A {dimension_numbers = #tpu.dot_dimension_numbers<[1], [0], [0], [1], [0, 0, 1, 1], [], []>, transpose_lhs_hint = false} : vector<16x16xf32>, vector<16x128xf32>, vector<16x128xf32> -> vector<16x128xf32>
    %get3A_6 = arith.constant 0 : index
    %get3A_7 = arith.constant 0 : index
    %get3A_8 = vector.load %arg2[%get3A_6, %get3A_7] : memref<1x128xf32, #tpu.memory_space<vmem>>, vector<1x128xf32>
    %add3A = vector.broadcast %get3A_8 : vector<1x128xf32> to vector<16x128xf32>
    %add3A_9 = arith.addf %dot_general3A_5, %add3A : vector<16x128xf32>
    %swap3A = arith.constant 0 : index
    %swap3A_10 = arith.constant 0 : index
    %swap3A_11 = vector.load %arg11[%swap3A, %swap3A_10] : memref<16x128xf32, #tpu.memory_space<vmem>>, vector<16x128xf32>
    tpu.vector_store %arg11[%swap3A, %swap3A_10], %add3A_9 {strides = array<i32>} : memref<16x128xf32, #tpu.memory_space<vmem>>, vector<16x128xf32>,
    %get3A_12 = arith.constant 0 : index
    %get3A_13 = arith.constant 0 : index
    %get3A_14 = vector.load %arg3[%get3A_12, %get3A_13] : memref<16x128xf32, #tpu.memory_space<vmem>>, vector<16x128xf32>
    %get3A_15 = arith.constant 0 : index
    %get3A_16 = arith.constant 0 : index
    %get3A_17 = vector.load %arg5[%get3A_15, %get3A_16] : memref<128x128xf32, #tpu.memory_space<vmem>>, vector<128x128xf32>
    %dot_general3A_18 = arith.constant dense<0.000000e+00> : vector<16x128xf32>
    %dot_general3A_19 = tpu.matmul %get3A_14, %get3A_17, %dot_general3A_18 {dimension_numbers = #tpu.dot_dimension_numbers<[1], [0], [0], [1], [0, 0, 1, 1], [], []>, transpose_lhs_hint = false} : vector<16x128xf32>, vector<128x128xf32>, vector<16x128xf32> -> vector<16x128xf32>
    %get3A_20 = arith.constant 0 : index
    %get3A_21 = arith.constant 0 : index
    %get3A_22 = vector.load %arg6[%get3A_20, %get3A_21] : memref<128x128xf32, #tpu.memory_space<vmem>>, vector<128x128xf32>
    %dot_general3A_23 = arith.constant dense<0.000000e+00> : vector<16x128xf32>
    %dot_general3A_24 = tpu.matmul %add3A_9, %get3A_22, %dot_general3A_23 {dimension_numbers = #tpu.dot_dimension_numbers<[1], [0], [0], [1], [0, 0, 1, 1], [], []>, transpose_lhs_hint = false} : vector<16x128xf32>, vector<128x128xf32>, vector<16x128xf32> -> vector<16x128xf32>
    %broadcast_in_dim3A = vector.shape_cast %dot_general3A_19 : vector<16x128xf32> to vector<16x1x128xf32>
    %broadcast_in_dim3A_25 = vector.shape_cast %dot_general3A_24 : vector<16x128xf32> to vector<1x16x128xf32>
    %add3A_26 = vector.broadcast %broadcast_in_dim3A : vector<16x1x128xf32> to vector<16x16x128xf32>
    %add3A_27 = vector.broadcast %broadcast_in_dim3A_25 : vector<1x16x128xf32> to vector<16x16x128xf32>
    %add3A_28 = arith.addf %add3A_26, %add3A_27 : vector<16x16x128xf32>
    %reshape3A = vector.shape_cast %add3A_28 : vector<16x16x128xf32> to vector<256x128xf32>
    %get3A_29 = arith.constant 0 : index
    %get3A_30 = arith.constant 0 : index
    %get3A_31 = vector.load %arg10[%get3A_29, %get3A_30] : memref<1x128xf32, #tpu.memory_space<vmem>>, vector<1x128xf32>
    %add3A_32 = vector.broadcast %get3A_31 : vector<1x128xf32> to vector<256x128xf32>
    %add3A_33 = arith.addf %reshape3A, %add3A_32 : vector<256x128xf32>
    %swap3A_34 = arith.constant 0 : index
    %swap3A_35 = arith.constant 0 : index
    %swap3A_36 = vector.load %arg12[%swap3A_34, %swap3A_35] : memref<256x128xf32, #tpu.memory_space<vmem>>, vector<256x128xf32>
    tpu.vector_store %arg12[%swap3A_34, %swap3A_35], %add3A_33 {strides = array<i32>} : memref<256x128xf32, #tpu.memory_space<vmem>>, vector<256x128xf32>,
    %get3A_37 = arith.constant 0 : index
    %get3A_38 = arith.constant 0 : index
    %get3A_39 = vector.load %arg4[%get3A_37, %get3A_38] : memref<32x128xf32, #tpu.memory_space<vmem>>, vector<32x128xf32>
    %get3A_40 = arith.constant 0 : index
    %get3A_41 = arith.constant 0 : index
    %get3A_42 = vector.load %arg8[%get3A_40, %get3A_41] : memref<128x128xf32, #tpu.memory_space<vmem>>, vector<128x128xf32>
    %dot_general3A_43 = arith.constant dense<0.000000e+00> : vector<32x128xf32>
    %dot_general3A_44 = tpu.matmul %get3A_39, %get3A_42, %dot_general3A_43 {dimension_numbers = #tpu.dot_dimension_numbers<[1], [0], [0], [1], [0, 0, 1, 1], [], []>, transpose_lhs_hint = false} : vector<32x128xf32>, vector<128x128xf32>, vector<32x128xf32> -> vector<32x128xf32>
    %swap3A_45 = arith.constant 0 : index
    %swap3A_46 = arith.constant 0 : index
    %swap3A_47 = vector.load %arg13[%swap3A_45, %swap3A_46] : memref<32x128xf32, #tpu.memory_space<vmem>>, vector<32x128xf32>
    tpu.vector_store %arg13[%swap3A_45, %swap3A_46], %dot_general3A_44 {strides = array<i32>} : memref<32x128xf32, #tpu.memory_space<vmem>>, vector<32x128xf32>,
    %get3A_48 = arith.constant 0 : index
    %get3A_49 = arith.constant 0 : index
    %get3A_50 = vector.load %arg4[%get3A_48, %get3A_49] : memref<32x128xf32, #tpu.memory_space<vmem>>, vector<32x128xf32>
    %get3A_51 = arith.constant 0 : index
    %get3A_52 = arith.constant 0 : index
    %get3A_53 = vector.load %arg9[%get3A_51, %get3A_52] : memref<128x128xf32, #tpu.memory_space<vmem>>, vector<128x128xf32>
    %dot_general3A_54 = arith.constant dense<0.000000e+00> : vector<32x128xf32>
    %dot_general3A_55 = tpu.matmul %get3A_50, %get3A_53, %dot_general3A_54 {dimension_numbers = #tpu.dot_dimension_numbers<[1], [0], [0], [1], [0, 0, 1, 1], [], []>, transpose_lhs_hint = false} : vector<32x128xf32>, vector<128x128xf32>, vector<32x128xf32> -> vector<32x128xf32>
    %swap3A_56 = arith.constant 0 : index
    %swap3A_57 = arith.constant 0 : index
    %swap3A_58 = vector.load %arg14[%swap3A_56, %swap3A_57] : memref<32x128xf32, #tpu.memory_space<vmem>>, vector<32x128xf32>
    tpu.vector_store %arg14[%swap3A_56, %swap3A_57], %dot_general3A_55 {strides = array<i32>} : memref<32x128xf32, #tpu.memory_space<vmem>>, vector<32x128xf32>,
    %get3A_59 = arith.constant 0 : index
    %get3A_60 = arith.constant 0 : index
    %get3A_61 = vector.load %arg7[%get3A_59, %get3A_60] : memref<128x128xf32, #tpu.memory_space<vmem>>, vector<128x128xf32>
    %dot_general3A_62 = arith.constant dense<0.000000e+00> : vector<16x128xf32>
    %dot_general3A_63 = tpu.matmul %add3A_9, %get3A_61, %dot_general3A_62 {dimension_numbers = #tpu.dot_dimension_numbers<[1], [0], [0], [1], [0, 0, 1, 1], [], []>, transpose_lhs_hint = false} : vector<16x128xf32>, vector<128x128xf32>, vector<16x128xf32> -> vector<16x128xf32>
    %swap3A_64 = arith.constant 0 : index
    %swap3A_65 = arith.constant 0 : index
    %swap3A_66 = vector.load %arg15[%swap3A_64, %swap3A_65] : memref<16x128xf32, #tpu.memory_space<vmem>>, vector<16x128xf32>
    tpu.vector_store %arg15[%swap3A_64, %swap3A_65], %dot_general3A_63 {strides = array<i32>} : memref<16x128xf32, #tpu.memory_space<vmem>>, vector<16x128xf32>,
    return
  }
}

module attributes {stable_mosaic.version = 14 : i64} {
  func.func @_nv_body(%arg0: i32, %arg1: memref<1000x128xf32, #tpu.memory_space<vmem>>, %arg2: memref<1000x128xf32, #tpu.memory_space<vmem>>, %arg3: memref<1000x128xf32, #tpu.memory_space<vmem>>, %arg4: memref<1x1x1000xi32, #tpu.memory_space<vmem>>, %arg5: memref<128x128xf32, #tpu.memory_space<vmem>>, %arg6: memref<128x128xf32, #tpu.memory_space<vmem>>, %arg7: memref<16x128xf32, #tpu.memory_space<vmem>>, %arg8: memref<1x128xf32, #tpu.memory_space<vmem>>, %arg9: memref<1000x128xf32, #tpu.memory_space<vmem>>, %arg10: memref<16x128xf32, #tpu.memory_space<vmem>>) attributes {dimension_semantics = [#tpu.dimension_semantics<arbitrary>], iteration_bounds = array<i64: 10>, scalar_prefetch = 0 : i64, scratch_operands = 0 : i64, tpu.core_type = #tpu.core_type<tc>, window_params = [{transform_indices = @transform_0, window_bounds = array<i64: 1000, 128>}, {transform_indices = @transform_1, window_bounds = array<i64: 1000, 128>}, {transform_indices = @transform_2, window_bounds = array<i64: 1000, 128>}, {transform_indices = @transform_3, window_bounds = array<i64: 1, 1, 1000>}, {pipeline_mode = #tpu.pipeline_mode<synchronous>, transform_indices = @transform_4, window_bounds = array<i64: 128, 128>}, {pipeline_mode = #tpu.pipeline_mode<synchronous>, transform_indices = @transform_5, window_bounds = array<i64: 128, 128>}, {pipeline_mode = #tpu.pipeline_mode<synchronous>, transform_indices = @transform_6, window_bounds = array<i64: 16, 128>}, {pipeline_mode = #tpu.pipeline_mode<synchronous>, transform_indices = @transform_7, window_bounds = array<i64: 1, 128>}, {transform_indices = @transform_8, window_bounds = array<i64: 1000, 128>}, {pipeline_mode = #tpu.pipeline_mode<synchronous>, transform_indices = @transform_9, window_bounds = array<i64: 16, 128>}]} {
    %get3A = arith.constant 0 : index
    %get3A_0 = arith.constant 0 : index
    %get3A_1 = arith.constant 0 : index
    %get3A_2 = vector.load %arg4[%get3A, %get3A_0, %get3A_1] : memref<1x1x1000xi32, #tpu.memory_space<vmem>>, vector<1x1x1000xi32>
    %get3A_3 = vector.shape_cast %get3A_2 : vector<1x1x1000xi32> to vector<1000xi32>
    %broadcast_in_dim3A = vector.shape_cast %get3A_3 : vector<1000xi32> to vector<1000x1xi32>
    %iota3A = tpu.iota {dimensions = array<i32: 1>} : vector<1000x16xi32>
    %eq3A = vector.broadcast %broadcast_in_dim3A : vector<1000x1xi32> to vector<1000x16xi32>
    %eq3A_4 = arith.cmpi eq, %eq3A, %iota3A : vector<1000x16xi32>
    %convert_element_type3A = arith.extui %eq3A_4 : vector<1000x16xi1> to vector<1000x16xi32>
    %convert_element_type3A_5 = arith.sitofp %convert_element_type3A : vector<1000x16xi32> to vector<1000x16xf32>
    %get3A_6 = arith.constant 0 : index
    %get3A_7 = arith.constant 0 : index
    %get3A_8 = vector.load %arg1[%get3A_6, %get3A_7] : memref<1000x128xf32, #tpu.memory_space<vmem>>, vector<1000x128xf32>
    %get3A_9 = arith.constant 0 : index
    %get3A_10 = arith.constant 0 : index
    %get3A_11 = vector.load %arg5[%get3A_9, %get3A_10] : memref<128x128xf32, #tpu.memory_space<vmem>>, vector<128x128xf32>
    %dot_general3A = arith.constant dense<0.000000e+00> : vector<1000x128xf32>
    %dot_general3A_12 = tpu.matmul %get3A_8, %get3A_11, %dot_general3A {dimension_numbers = #tpu.dot_dimension_numbers<[1], [0], [0], [1], [0, 0, 1, 1], [], []>, transpose_lhs_hint = false} : vector<1000x128xf32>, vector<128x128xf32>, vector<1000x128xf32> -> vector<1000x128xf32>
    %get3A_13 = arith.constant 0 : index
    %get3A_14 = arith.constant 0 : index
    %get3A_15 = vector.load %arg2[%get3A_13, %get3A_14] : memref<1000x128xf32, #tpu.memory_space<vmem>>, vector<1000x128xf32>
    %get3A_16 = arith.constant 0 : index
    %get3A_17 = arith.constant 0 : index
    %get3A_18 = vector.load %arg3[%get3A_16, %get3A_17] : memref<1000x128xf32, #tpu.memory_space<vmem>>, vector<1000x128xf32>
    %add3A = arith.addf %get3A_15, %get3A_18 : vector<1000x128xf32>
    %get3A_19 = arith.constant 0 : index
    %get3A_20 = arith.constant 0 : index
    %get3A_21 = vector.load %arg6[%get3A_19, %get3A_20] : memref<128x128xf32, #tpu.memory_space<vmem>>, vector<128x128xf32>
    %dot_general3A_22 = arith.constant dense<0.000000e+00> : vector<1000x128xf32>
    %dot_general3A_23 = tpu.matmul %add3A, %get3A_21, %dot_general3A_22 {dimension_numbers = #tpu.dot_dimension_numbers<[1], [0], [0], [1], [0, 0, 1, 1], [], []>, transpose_lhs_hint = false} : vector<1000x128xf32>, vector<128x128xf32>, vector<1000x128xf32> -> vector<1000x128xf32>
    %add3A_24 = arith.addf %dot_general3A_12, %dot_general3A_23 : vector<1000x128xf32>
    %get3A_25 = arith.constant 0 : index
    %get3A_26 = arith.constant 0 : index
    %get3A_27 = vector.load %arg7[%get3A_25, %get3A_26] : memref<16x128xf32, #tpu.memory_space<vmem>>, vector<16x128xf32>
    %dot_general3A_28 = arith.constant dense<0.000000e+00> : vector<1000x128xf32>
    %dot_general3A_29 = tpu.matmul %convert_element_type3A_5, %get3A_27, %dot_general3A_28 {dimension_numbers = #tpu.dot_dimension_numbers<[1], [0], [0], [1], [0, 0, 1, 1], [], []>, transpose_lhs_hint = false} : vector<1000x16xf32>, vector<16x128xf32>, vector<1000x128xf32> -> vector<1000x128xf32>
    %add3A_30 = arith.addf %add3A_24, %dot_general3A_29 : vector<1000x128xf32>
    %get3A_31 = arith.constant 0 : index
    %get3A_32 = arith.constant 0 : index
    %get3A_33 = vector.load %arg8[%get3A_31, %get3A_32] : memref<1x128xf32, #tpu.memory_space<vmem>>, vector<1x128xf32>
    %add3A_34 = vector.broadcast %get3A_33 : vector<1x128xf32> to vector<1000x128xf32>
    %add3A_35 = arith.addf %add3A_30, %add3A_34 : vector<1000x128xf32>
    %max3A = arith.constant 0.000000e+00 : f32
    %max3A_36 = vector.broadcast %max3A : f32 to vector<1000x128xf32>
    %max3A_37 = arith.maximumf %add3A_35, %max3A_36 : vector<1000x128xf32>
    %swap3A = arith.constant 0 : index
    %swap3A_38 = arith.constant 0 : index
    %swap3A_39 = vector.load %arg9[%swap3A, %swap3A_38] : memref<1000x128xf32, #tpu.memory_space<vmem>>, vector<1000x128xf32>
    tpu.vector_store %arg9[%swap3A, %swap3A_38], %max3A_37 {strides = array<i32>} : memref<1000x128xf32, #tpu.memory_space<vmem>>, vector<1000x128xf32>,
    %eq3A_40 = arith.constant 0 : i32
    %eq3A_41 = arith.cmpi eq, %arg0, %eq3A_40 : i32
    %convert_element_type3A_42 = arith.extui %eq3A_41 : i1 to i32
    %cond3A = arith.constant 0 : i32
    %cond3A_43 = arith.cmpi ne, %convert_element_type3A_42, %cond3A : i32
    scf.if %cond3A_43 {
      %broadcast_in_dim3A_53 = arith.constant 0.000000e+00 : f32
      %broadcast_in_dim3A_54 = vector.broadcast %broadcast_in_dim3A_53 : f32 to vector<16x128xf32>
      %swap3A_55 = arith.constant 0 : index
      %swap3A_56 = arith.constant 0 : index
      %swap3A_57 = vector.load %arg10[%swap3A_55, %swap3A_56] : memref<16x128xf32, #tpu.memory_space<vmem>>, vector<16x128xf32>
      tpu.vector_store %arg10[%swap3A_55, %swap3A_56], %broadcast_in_dim3A_54 {strides = array<i32>} : memref<16x128xf32, #tpu.memory_space<vmem>>, vector<16x128xf32>,
    } else {
    }
    %get3A_44 = arith.constant 0 : index
    %get3A_45 = arith.constant 0 : index
    %get3A_46 = vector.load %arg10[%get3A_44, %get3A_45] : memref<16x128xf32, #tpu.memory_space<vmem>>, vector<16x128xf32>
    %dot_general3A_47 = arith.constant dense<0.000000e+00> : vector<16x128xf32>
    %dot_general3A_48 = tpu.matmul %convert_element_type3A_5, %max3A_37, %dot_general3A_47 {dimension_numbers = #tpu.dot_dimension_numbers<[0], [0], [1], [1], [0, 1, 1, 1], [], []>, transpose_lhs_hint = false} : vector<1000x16xf32>, vector<1000x128xf32>, vector<16x128xf32> -> vector<16x128xf32>
    %add3A_49 = arith.addf %get3A_46, %dot_general3A_48 : vector<16x128xf32>
    %swap3A_50 = arith.constant 0 : index
    %swap3A_51 = arith.constant 0 : index
    %swap3A_52 = vector.load %arg10[%swap3A_50, %swap3A_51] : memref<16x128xf32, #tpu.memory_space<vmem>>, vector<16x128xf32>
    tpu.vector_store %arg10[%swap3A_50, %swap3A_51], %add3A_49 {strides = array<i32>} : memref<16x128xf32, #tpu.memory_space<vmem>>, vector<16x128xf32>,
    return
  }
  func.func @transform_0(%arg0: i32) -> (i32, i32) {
    %c0_i32 = arith.constant 0 : i32
    %c0_i32_0 = arith.constant 0 : i32
    return %arg0, %c0_i32 : i32, i32
  }
  func.func @transform_1(%arg0: i32) -> (i32, i32) {
    %c0_i32 = arith.constant 0 : i32
    %c0_i32_0 = arith.constant 0 : i32
    return %arg0, %c0_i32 : i32, i32
  }
  func.func @transform_2(%arg0: i32) -> (i32, i32) {
    %c0_i32 = arith.constant 0 : i32
    %c0_i32_0 = arith.constant 0 : i32
    return %arg0, %c0_i32 : i32, i32
  }
  func.func @transform_3(%arg0: i32) -> (i32, i32, i32) {
    %c0_i32 = arith.constant 0 : i32
    %c0_i32_0 = arith.constant 0 : i32
    %c0_i32_1 = arith.constant 0 : i32
    return %arg0, %c0_i32, %c0_i32_0 : i32, i32, i32
  }
  func.func @transform_4(%arg0: i32) -> (i32, i32) {
    %c0_i32 = arith.constant 0 : i32
    %c0_i32_0 = arith.constant 0 : i32
    %c0_i32_1 = arith.constant 0 : i32
    return %c0_i32, %c0_i32_0 : i32, i32
  }
  func.func @transform_5(%arg0: i32) -> (i32, i32) {
    %c0_i32 = arith.constant 0 : i32
    %c0_i32_0 = arith.constant 0 : i32
    %c0_i32_1 = arith.constant 0 : i32
    return %c0_i32, %c0_i32_0 : i32, i32
  }
  func.func @transform_6(%arg0: i32) -> (i32, i32) {
    %c0_i32 = arith.constant 0 : i32
    %c0_i32_0 = arith.constant 0 : i32
    %c0_i32_1 = arith.constant 0 : i32
    return %c0_i32, %c0_i32_0 : i32, i32
  }
  func.func @transform_7(%arg0: i32) -> (i32, i32) {
    %c0_i32 = arith.constant 0 : i32
    %c0_i32_0 = arith.constant 0 : i32
    %c0_i32_1 = arith.constant 0 : i32
    return %c0_i32, %c0_i32_0 : i32, i32
  }
  func.func @transform_8(%arg0: i32) -> (i32, i32) {
    %c0_i32 = arith.constant 0 : i32
    %c0_i32_0 = arith.constant 0 : i32
    return %arg0, %c0_i32 : i32, i32
  }
  func.func @transform_9(%arg0: i32) -> (i32, i32) {
    %c0_i32 = arith.constant 0 : i32
    %c0_i32_0 = arith.constant 0 : i32
    %c0_i32_1 = arith.constant 0 : i32
    return %c0_i32, %c0_i32_0 : i32, i32
  }
}

module attributes {stable_mosaic.version = 14 : i64} {
  func.func @_gv_body(%arg0: memref<16x128xf32, #tpu.memory_space<vmem>>, %arg1: memref<16x128xf32, #tpu.memory_space<vmem>>, %arg2: memref<16x128xf32, #tpu.memory_space<vmem>>, %arg3: memref<16x128xf32, #tpu.memory_space<vmem>>, %arg4: memref<384x128xf32, #tpu.memory_space<vmem>>, %arg5: memref<1x128xf32, #tpu.memory_space<vmem>>, %arg6: memref<16x128xf32, #tpu.memory_space<vmem>>) attributes {dimension_semantics = [], scalar_prefetch = 0 : i64, scratch_operands = 0 : i64, tpu.core_type = #tpu.core_type<tc>} {
    %get3A = arith.constant 0 : index
    %get3A_0 = arith.constant 0 : index
    %get3A_1 = vector.load %arg0[%get3A, %get3A_0] : memref<16x128xf32, #tpu.memory_space<vmem>>, vector<16x128xf32>
    %get3A_2 = arith.constant 0 : index
    %get3A_3 = arith.constant 0 : index
    %get3A_4 = vector.load %arg1[%get3A_2, %get3A_3] : memref<16x128xf32, #tpu.memory_space<vmem>>, vector<16x128xf32>
    %get3A_5 = arith.constant 0 : index
    %get3A_6 = arith.constant 0 : index
    %get3A_7 = vector.load %arg2[%get3A_5, %get3A_6] : memref<16x128xf32, #tpu.memory_space<vmem>>, vector<16x128xf32>
    %get3A_8 = arith.constant 0 : index
    %get3A_9 = arith.constant 0 : index
    %get3A_10 = vector.load %arg3[%get3A_8, %get3A_9] : memref<16x128xf32, #tpu.memory_space<vmem>>, vector<16x128xf32>
    %add3A = arith.addf %get3A_7, %get3A_10 : vector<16x128xf32>
    %concatenate3A = tpu.concatenate %get3A_1, %get3A_4, %add3A in 1 : vector<16x128xf32>, vector<16x128xf32>, vector<16x128xf32> -> vector<16x384xf32>
    %get3A_11 = arith.constant 0 : index
    %get3A_12 = arith.constant 0 : index
    %get3A_13 = vector.load %arg4[%get3A_11, %get3A_12] : memref<384x128xf32, #tpu.memory_space<vmem>>, vector<384x128xf32>
    %dot_general3A = arith.constant dense<0.000000e+00> : vector<16x128xf32>
    %dot_general3A_14 = tpu.matmul %concatenate3A, %get3A_13, %dot_general3A {dimension_numbers = #tpu.dot_dimension_numbers<[1], [0], [0], [1], [0, 0, 1, 1], [], []>, transpose_lhs_hint = false} : vector<16x384xf32>, vector<384x128xf32>, vector<16x128xf32> -> vector<16x128xf32>
    %get3A_15 = arith.constant 0 : index
    %get3A_16 = arith.constant 0 : index
    %get3A_17 = vector.load %arg5[%get3A_15, %get3A_16] : memref<1x128xf32, #tpu.memory_space<vmem>>, vector<1x128xf32>
    %add3A_18 = vector.broadcast %get3A_17 : vector<1x128xf32> to vector<16x128xf32>
    %add3A_19 = arith.addf %dot_general3A_14, %add3A_18 : vector<16x128xf32>
    %max3A = arith.constant 0.000000e+00 : f32
    %max3A_20 = vector.broadcast %max3A : f32 to vector<16x128xf32>
    %max3A_21 = arith.maximumf %add3A_19, %max3A_20 : vector<16x128xf32>
    %swap3A = arith.constant 0 : index
    %swap3A_22 = arith.constant 0 : index
    %swap3A_23 = vector.load %arg6[%swap3A, %swap3A_22] : memref<16x128xf32, #tpu.memory_space<vmem>>, vector<16x128xf32>
    tpu.vector_store %arg6[%swap3A, %swap3A_22], %max3A_21 {strides = array<i32>} : memref<16x128xf32, #tpu.memory_space<vmem>>, vector<16x128xf32>,
    return
  }
}

module attributes {stable_mosaic.version = 14 : i64} {
  func.func @_gprep_body(%arg0: memref<16x128xf32, #tpu.memory_space<vmem>>, %arg1: memref<128x128xf32, #tpu.memory_space<vmem>>, %arg2: memref<128x128xf32, #tpu.memory_space<vmem>>, %arg3: memref<16x128xf32, #tpu.memory_space<vmem>>, %arg4: memref<16x128xf32, #tpu.memory_space<vmem>>) attributes {dimension_semantics = [], scalar_prefetch = 0 : i64, scratch_operands = 0 : i64, tpu.core_type = #tpu.core_type<tc>} {
    %get3A = arith.constant 0 : index
    %get3A_0 = arith.constant 0 : index
    %get3A_1 = vector.load %arg0[%get3A, %get3A_0] : memref<16x128xf32, #tpu.memory_space<vmem>>, vector<16x128xf32>
    %get3A_2 = arith.constant 0 : index
    %get3A_3 = arith.constant 0 : index
    %get3A_4 = vector.load %arg1[%get3A_2, %get3A_3] : memref<128x128xf32, #tpu.memory_space<vmem>>, vector<128x128xf32>
    %dot_general3A = arith.constant dense<0.000000e+00> : vector<16x128xf32>
    %dot_general3A_5 = tpu.matmul %get3A_1, %get3A_4, %dot_general3A {dimension_numbers = #tpu.dot_dimension_numbers<[1], [0], [0], [1], [0, 0, 1, 1], [], []>, transpose_lhs_hint = false} : vector<16x128xf32>, vector<128x128xf32>, vector<16x128xf32> -> vector<16x128xf32>
    %swap3A = arith.constant 0 : index
    %swap3A_6 = arith.constant 0 : index
    %swap3A_7 = vector.load %arg3[%swap3A, %swap3A_6] : memref<16x128xf32, #tpu.memory_space<vmem>>, vector<16x128xf32>
    tpu.vector_store %arg3[%swap3A, %swap3A_6], %dot_general3A_5 {strides = array<i32>} : memref<16x128xf32, #tpu.memory_space<vmem>>, vector<16x128xf32>,
    %get3A_8 = arith.constant 0 : index
    %get3A_9 = arith.constant 0 : index
    %get3A_10 = vector.load %arg0[%get3A_8, %get3A_9] : memref<16x128xf32, #tpu.memory_space<vmem>>, vector<16x128xf32>
    %get3A_11 = arith.constant 0 : index
    %get3A_12 = arith.constant 0 : index
    %get3A_13 = vector.load %arg2[%get3A_11, %get3A_12] : memref<128x128xf32, #tpu.memory_space<vmem>>, vector<128x128xf32>
    %dot_general3A_14 = arith.constant dense<0.000000e+00> : vector<16x128xf32>
    %dot_general3A_15 = tpu.matmul %get3A_10, %get3A_13, %dot_general3A_14 {dimension_numbers = #tpu.dot_dimension_numbers<[1], [0], [0], [1], [0, 0, 1, 1], [], []>, transpose_lhs_hint = false} : vector<16x128xf32>, vector<128x128xf32>, vector<16x128xf32> -> vector<16x128xf32>
    %swap3A_16 = arith.constant 0 : index
    %swap3A_17 = arith.constant 0 : index
    %swap3A_18 = vector.load %arg4[%swap3A_16, %swap3A_17] : memref<16x128xf32, #tpu.memory_space<vmem>>, vector<16x128xf32>
    tpu.vector_store %arg4[%swap3A_16, %swap3A_17], %dot_general3A_15 {strides = array<i32>} : memref<16x128xf32, #tpu.memory_space<vmem>>, vector<16x128xf32>,
    return
  }
}

module attributes {stable_mosaic.version = 14 : i64} {
  func.func @_nprep_body(%arg0: i32, %arg1: memref<1000x128xf32, #tpu.memory_space<vmem>>, %arg2: memref<128x128xf32, #tpu.memory_space<vmem>>, %arg3: memref<128x128xf32, #tpu.memory_space<vmem>>, %arg4: memref<1000x128xf32, #tpu.memory_space<vmem>>, %arg5: memref<1000x128xf32, #tpu.memory_space<vmem>>) attributes {dimension_semantics = [#tpu.dimension_semantics<arbitrary>], iteration_bounds = array<i64: 10>, scalar_prefetch = 0 : i64, scratch_operands = 0 : i64, tpu.core_type = #tpu.core_type<tc>, window_params = [{transform_indices = @transform_0, window_bounds = array<i64: 1000, 128>}, {pipeline_mode = #tpu.pipeline_mode<synchronous>, transform_indices = @transform_1, window_bounds = array<i64: 128, 128>}, {pipeline_mode = #tpu.pipeline_mode<synchronous>, transform_indices = @transform_2, window_bounds = array<i64: 128, 128>}, {transform_indices = @transform_3, window_bounds = array<i64: 1000, 128>}, {transform_indices = @transform_4, window_bounds = array<i64: 1000, 128>}]} {
    %get3A = arith.constant 0 : index
    %get3A_0 = arith.constant 0 : index
    %get3A_1 = vector.load %arg1[%get3A, %get3A_0] : memref<1000x128xf32, #tpu.memory_space<vmem>>, vector<1000x128xf32>
    %get3A_2 = arith.constant 0 : index
    %get3A_3 = arith.constant 0 : index
    %get3A_4 = vector.load %arg2[%get3A_2, %get3A_3] : memref<128x128xf32, #tpu.memory_space<vmem>>, vector<128x128xf32>
    %dot_general3A = arith.constant dense<0.000000e+00> : vector<1000x128xf32>
    %dot_general3A_5 = tpu.matmul %get3A_1, %get3A_4, %dot_general3A {dimension_numbers = #tpu.dot_dimension_numbers<[1], [0], [0], [1], [0, 0, 1, 1], [], []>, transpose_lhs_hint = false} : vector<1000x128xf32>, vector<128x128xf32>, vector<1000x128xf32> -> vector<1000x128xf32>
    %swap3A = arith.constant 0 : index
    %swap3A_6 = arith.constant 0 : index
    %swap3A_7 = vector.load %arg4[%swap3A, %swap3A_6] : memref<1000x128xf32, #tpu.memory_space<vmem>>, vector<1000x128xf32>
    tpu.vector_store %arg4[%swap3A, %swap3A_6], %dot_general3A_5 {strides = array<i32>} : memref<1000x128xf32, #tpu.memory_space<vmem>>, vector<1000x128xf32>,
    %get3A_8 = arith.constant 0 : index
    %get3A_9 = arith.constant 0 : index
    %get3A_10 = vector.load %arg1[%get3A_8, %get3A_9] : memref<1000x128xf32, #tpu.memory_space<vmem>>, vector<1000x128xf32>
    %get3A_11 = arith.constant 0 : index
    %get3A_12 = arith.constant 0 : index
    %get3A_13 = vector.load %arg3[%get3A_11, %get3A_12] : memref<128x128xf32, #tpu.memory_space<vmem>>, vector<128x128xf32>
    %dot_general3A_14 = arith.constant dense<0.000000e+00> : vector<1000x128xf32>
    %dot_general3A_15 = tpu.matmul %get3A_10, %get3A_13, %dot_general3A_14 {dimension_numbers = #tpu.dot_dimension_numbers<[1], [0], [0], [1], [0, 0, 1, 1], [], []>, transpose_lhs_hint = false} : vector<1000x128xf32>, vector<128x128xf32>, vector<1000x128xf32> -> vector<1000x128xf32>
    %swap3A_16 = arith.constant 0 : index
    %swap3A_17 = arith.constant 0 : index
    %swap3A_18 = vector.load %arg5[%swap3A_16, %swap3A_17] : memref<1000x128xf32, #tpu.memory_space<vmem>>, vector<1000x128xf32>
    tpu.vector_store %arg5[%swap3A_16, %swap3A_17], %dot_general3A_15 {strides = array<i32>} : memref<1000x128xf32, #tpu.memory_space<vmem>>, vector<1000x128xf32>,
    return
  }
  func.func @transform_0(%arg0: i32) -> (i32, i32) {
    %c0_i32 = arith.constant 0 : i32
    %c0_i32_0 = arith.constant 0 : i32
    return %arg0, %c0_i32 : i32, i32
  }
  func.func @transform_1(%arg0: i32) -> (i32, i32) {
    %c0_i32 = arith.constant 0 : i32
    %c0_i32_0 = arith.constant 0 : i32
    %c0_i32_1 = arith.constant 0 : i32
    return %c0_i32, %c0_i32_0 : i32, i32
  }
  func.func @transform_2(%arg0: i32) -> (i32, i32) {
    %c0_i32 = arith.constant 0 : i32
    %c0_i32_0 = arith.constant 0 : i32
    %c0_i32_1 = arith.constant 0 : i32
    return %c0_i32, %c0_i32_0 : i32, i32
  }
  func.func @transform_3(%arg0: i32) -> (i32, i32) {
    %c0_i32 = arith.constant 0 : i32
    %c0_i32_0 = arith.constant 0 : i32
    return %arg0, %c0_i32 : i32, i32
  }
  func.func @transform_4(%arg0: i32) -> (i32, i32) {
    %c0_i32 = arith.constant 0 : i32
    %c0_i32_0 = arith.constant 0 : i32
    return %arg0, %c0_i32 : i32, i32
  }
}

module attributes {stable_mosaic.version = 14 : i64} {
  func.func @_ea_body(%arg0: i32, %arg1: memref<1000x128xf32, #tpu.memory_space<vmem>>, %arg2: memref<1x1x1000xi32, #tpu.memory_space<vmem>>, %arg3: memref<144x128xf32, #tpu.memory_space<vmem>>, %arg4: memref<1x128xf32, #tpu.memory_space<vmem>>, %arg5: memref<1000x128xf32, #tpu.memory_space<vmem>>) attributes {dimension_semantics = [#tpu.dimension_semantics<arbitrary>], iteration_bounds = array<i64: 320>, scalar_prefetch = 0 : i64, scratch_operands = 0 : i64, tpu.core_type = #tpu.core_type<tc>, window_params = [{transform_indices = @transform_0, window_bounds = array<i64: 1000, 128>}, {transform_indices = @transform_1, window_bounds = array<i64: 1, 1, 1000>}, {pipeline_mode = #tpu.pipeline_mode<synchronous>, transform_indices = @transform_2, window_bounds = array<i64: 144, 128>}, {pipeline_mode = #tpu.pipeline_mode<synchronous>, transform_indices = @transform_3, window_bounds = array<i64: 1, 128>}, {transform_indices = @transform_4, window_bounds = array<i64: 1000, 128>}]} {
    %get3A = arith.constant 0 : index
    %get3A_0 = arith.constant 0 : index
    %get3A_1 = arith.constant 0 : index
    %get3A_2 = vector.load %arg2[%get3A, %get3A_0, %get3A_1] : memref<1x1x1000xi32, #tpu.memory_space<vmem>>, vector<1x1x1000xi32>
    %get3A_3 = vector.shape_cast %get3A_2 : vector<1x1x1000xi32> to vector<1000xi32>
    %broadcast_in_dim3A = vector.shape_cast %get3A_3 : vector<1000xi32> to vector<1000x1xi32>
    %iota3A = tpu.iota {dimensions = array<i32: 1>} : vector<1000x16xi32>
    %eq3A = vector.broadcast %broadcast_in_dim3A : vector<1000x1xi32> to vector<1000x16xi32>
    %eq3A_4 = arith.cmpi eq, %eq3A, %iota3A : vector<1000x16xi32>
    %convert_element_type3A = arith.extui %eq3A_4 : vector<1000x16xi1> to vector<1000x16xi32>
    %convert_element_type3A_5 = arith.sitofp %convert_element_type3A : vector<1000x16xi32> to vector<1000x16xf32>
    %get3A_6 = arith.constant 0 : index
    %get3A_7 = arith.constant 0 : index
    %get3A_8 = vector.load %arg1[%get3A_6, %get3A_7] : memref<1000x128xf32, #tpu.memory_space<vmem>>, vector<1000x128xf32>
    %concatenate3A = tpu.concatenate %get3A_8, %convert_element_type3A_5 in 1 : vector<1000x128xf32>, vector<1000x16xf32> -> vector<1000x144xf32>
    %get3A_9 = arith.constant 0 : index
    %get3A_10 = arith.constant 0 : index
    %get3A_11 = vector.load %arg3[%get3A_9, %get3A_10] : memref<144x128xf32, #tpu.memory_space<vmem>>, vector<144x128xf32>
    %dot_general3A = arith.constant dense<0.000000e+00> : vector<1000x128xf32>
    %dot_general3A_12 = tpu.matmul %concatenate3A, %get3A_11, %dot_general3A {dimension_numbers = #tpu.dot_dimension_numbers<[1], [0], [0], [1], [0, 0, 1, 1], [], []>, transpose_lhs_hint = false} : vector<1000x144xf32>, vector<144x128xf32>, vector<1000x128xf32> -> vector<1000x128xf32>
    %get3A_13 = arith.constant 0 : index
    %get3A_14 = arith.constant 0 : index
    %get3A_15 = vector.load %arg4[%get3A_13, %get3A_14] : memref<1x128xf32, #tpu.memory_space<vmem>>, vector<1x128xf32>
    %add3A = vector.broadcast %get3A_15 : vector<1x128xf32> to vector<1000x128xf32>
    %add3A_16 = arith.addf %dot_general3A_12, %add3A : vector<1000x128xf32>
    %swap3A = arith.constant 0 : index
    %swap3A_17 = arith.constant 0 : index
    %swap3A_18 = vector.load %arg5[%swap3A, %swap3A_17] : memref<1000x128xf32, #tpu.memory_space<vmem>>, vector<1000x128xf32>
    tpu.vector_store %arg5[%swap3A, %swap3A_17], %add3A_16 {strides = array<i32>} : memref<1000x128xf32, #tpu.memory_space<vmem>>, vector<1000x128xf32>,
    return
  }
  func.func @transform_0(%arg0: i32) -> (i32, i32) {
    %c0_i32 = arith.constant 0 : i32
    %c0_i32_0 = arith.constant 0 : i32
    return %arg0, %c0_i32 : i32, i32
  }
  func.func @transform_1(%arg0: i32) -> (i32, i32, i32) {
    %c0_i32 = arith.constant 0 : i32
    %c0_i32_0 = arith.constant 0 : i32
    %c0_i32_1 = arith.constant 0 : i32
    return %arg0, %c0_i32, %c0_i32_0 : i32, i32, i32
  }
  func.func @transform_2(%arg0: i32) -> (i32, i32) {
    %c0_i32 = arith.constant 0 : i32
    %c0_i32_0 = arith.constant 0 : i32
    %c0_i32_1 = arith.constant 0 : i32
    return %c0_i32, %c0_i32_0 : i32, i32
  }
  func.func @transform_3(%arg0: i32) -> (i32, i32) {
    %c0_i32 = arith.constant 0 : i32
    %c0_i32_0 = arith.constant 0 : i32
    %c0_i32_1 = arith.constant 0 : i32
    return %c0_i32, %c0_i32_0 : i32, i32
  }
  func.func @transform_4(%arg0: i32) -> (i32, i32) {
    %c0_i32 = arith.constant 0 : i32
    %c0_i32_0 = arith.constant 0 : i32
    return %arg0, %c0_i32 : i32, i32
  }
}

module attributes {stable_mosaic.version = 14 : i64} {
  func.func @_gv_body(%arg0: memref<16x128xf32, #tpu.memory_space<vmem>>, %arg1: memref<16x128xf32, #tpu.memory_space<vmem>>, %arg2: memref<16x128xf32, #tpu.memory_space<vmem>>, %arg3: memref<16x128xf32, #tpu.memory_space<vmem>>, %arg4: memref<384x128xf32, #tpu.memory_space<vmem>>, %arg5: memref<1x128xf32, #tpu.memory_space<vmem>>, %arg6: memref<16x128xf32, #tpu.memory_space<vmem>>) attributes {dimension_semantics = [], scalar_prefetch = 0 : i64, scratch_operands = 0 : i64, tpu.core_type = #tpu.core_type<tc>} {
    %get3A = arith.constant 0 : index
    %get3A_0 = arith.constant 0 : index
    %get3A_1 = vector.load %arg0[%get3A, %get3A_0] : memref<16x128xf32, #tpu.memory_space<vmem>>, vector<16x128xf32>
    %get3A_2 = arith.constant 0 : index
    %get3A_3 = arith.constant 0 : index
    %get3A_4 = vector.load %arg1[%get3A_2, %get3A_3] : memref<16x128xf32, #tpu.memory_space<vmem>>, vector<16x128xf32>
    %get3A_5 = arith.constant 0 : index
    %get3A_6 = arith.constant 0 : index
    %get3A_7 = vector.load %arg2[%get3A_5, %get3A_6] : memref<16x128xf32, #tpu.memory_space<vmem>>, vector<16x128xf32>
    %get3A_8 = arith.constant 0 : index
    %get3A_9 = arith.constant 0 : index
    %get3A_10 = vector.load %arg3[%get3A_8, %get3A_9] : memref<16x128xf32, #tpu.memory_space<vmem>>, vector<16x128xf32>
    %add3A = arith.addf %get3A_7, %get3A_10 : vector<16x128xf32>
    %concatenate3A = tpu.concatenate %get3A_1, %get3A_4, %add3A in 1 : vector<16x128xf32>, vector<16x128xf32>, vector<16x128xf32> -> vector<16x384xf32>
    %get3A_11 = arith.constant 0 : index
    %get3A_12 = arith.constant 0 : index
    %get3A_13 = vector.load %arg4[%get3A_11, %get3A_12] : memref<384x128xf32, #tpu.memory_space<vmem>>, vector<384x128xf32>
    %dot_general3A = arith.constant dense<0.000000e+00> : vector<16x128xf32>
    %dot_general3A_14 = tpu.matmul %concatenate3A, %get3A_13, %dot_general3A {dimension_numbers = #tpu.dot_dimension_numbers<[1], [0], [0], [1], [0, 0, 1, 1], [], []>, transpose_lhs_hint = false} : vector<16x384xf32>, vector<384x128xf32>, vector<16x128xf32> -> vector<16x128xf32>
    %get3A_15 = arith.constant 0 : index
    %get3A_16 = arith.constant 0 : index
    %get3A_17 = vector.load %arg5[%get3A_15, %get3A_16] : memref<1x128xf32, #tpu.memory_space<vmem>>, vector<1x128xf32>
    %add3A_18 = vector.broadcast %get3A_17 : vector<1x128xf32> to vector<16x128xf32>
    %add3A_19 = arith.addf %dot_general3A_14, %add3A_18 : vector<16x128xf32>
    %max3A = arith.constant 0.000000e+00 : f32
    %max3A_20 = vector.broadcast %max3A : f32 to vector<16x128xf32>
    %max3A_21 = arith.maximumf %add3A_19, %max3A_20 : vector<16x128xf32>
    %swap3A = arith.constant 0 : index
    %swap3A_22 = arith.constant 0 : index
    %swap3A_23 = vector.load %arg6[%swap3A, %swap3A_22] : memref<16x128xf32, #tpu.memory_space<vmem>>, vector<16x128xf32>
    tpu.vector_store %arg6[%swap3A, %swap3A_22], %max3A_21 {strides = array<i32>} : memref<16x128xf32, #tpu.memory_space<vmem>>, vector<16x128xf32>,
    return
  }
}

</mosaic_0001>

<sc_bundles>
// kernel: kernel.23.cloned.1.call-start
scs
__scs_entry_jumppad:
0x0: {  	(pc) =	sbr.rel $0x88, $3  }
0x1: {  	(tag) =	ssettag $0x0;
	lr =	simm.s32 $0x1  }
0x2: {  	[smem:$0x3F83] =	sst lr;
	_ =	strace $0xD0000000  }
0x3: {  	_ = 	snop  }
0x4: {  	_ = 	snop  }
0x5: {  	_ = 	snop  }
0x6: {  	_ = 	snop  }
0x7: {  	_ = 	snop  }
__scs_overlays_trampoline_lowered:
0x8: {  	[smem:$0x3F92] =	sst s0  }
0x9: {  	[smem:$0x3F93] =	sst s1  }
0xa: {  	[smem:$0x3F94] =	sst s2  }
0xb: {  	[smem:$0x3F95] =	sst s3  }
0xc: {  	[smem:$0x3F96] =	sst s4  }
0xd: {  	[smem:$0x3F97] =	sst s5  }
0xe: {  	[smem:$0x3F98] =	sst s6  }
0xf: {  	[smem:$0x3F99] =	sst s7  }
0x10: {  	[smem:$0x3F9A] =	sst s8  }
0x11: {  	[smem:$0x3F9B] =	sst s9;
	s0 =	simm.s32 @!p0 $0x0  }
0x12: {  	s1 =	sld [smem:$0x3F81];
	s0 =	simm.s32 @p0 $0x1  }
0x13: {  	[smem:$0x3F9C] =	sst s0;
	s0 =	simm.s32 @!p1 $0x0  }
0x14: {  	s2 =	sld [smem:$0x3F80];
	s0 =	simm.s32 @p1 $0x1  }
0x15: {  	[smem:$0x3F9D] =	sst s0;
	s0 =	simm.s32 @!p2 $0x0  }
0x16: {  	s3 =	sld [smem:$0x3FDB];
	s0 =	simm.s32 @p2 $0x1  }
0x17: {  	s4 =	simm.s32 $0x1BF5;
	[smem:$0x3F9F] =	sst s0  }
0x18: {  	s0 =	sld [smem:$0x3F82];
	_ =	swait.ge [sflag:s4], $0x0  }
0x19: {  	s7 =	sld [smem:$0x3F83]  }
0x1a: {  	s8 =	sadd.s32 $0xFFFFE003, lr  }
0x1b: {  	s9 =	sadd.s32 $0xFFFFFEF7, lr;
	s5 =	simm.s32 $0xFFFFFFFF;
	p2 =	slt.u32 s8, $0xFFFFF086  }
0x1c: {  	p1 =	slt.u32 s9, $0xF7A;
	s5 =	simm.s32 @!p2 $0x0  }
0x1d: {  	s5 =	simm.s32 @p1 $0x1;
	p0 =	seq.s32 s7, s2  }
0x1e: {  	s7 =	smul.u32 @!p0 $0xF7A, s2;
	p2 =	seq.s32 @!p0 s5, $0x0  }
0x1f: {  	s9 =	smul.u32 $0xF7A, s1;
	s8 =	simm.s32 @!p0 $0x1BF5;
	p2 =	por !p2, p0  }
0x20: {  	[sflag:s8] =	ssyncset.s32 @!p0 $0xFFFFF086;
	s6 =	sadd.s32 @!p0 s3, s7;
	s7 =	simm.s32 @!p0 $0x108  }
0x21: {  	s3 =	sadd.s32 s3, s9;
	s6 =	sadd.s32 @!p0 $0x88, s6;
	s7 =	simm.s32 @p2 $0x1082  }
0x22: {  	[simem:s7], [sflag:s8] =	dma.local @!p0 [hbm:s6], $0xF7A  }
0x23: {  	s9 =	sor.u32 $0xD0000000, s2;
	s6 =	simm.s32 $0x108;
	_ =	swait.ge @!p0 [sflag:s8], $0x0  }
0x24: {  	s3 =	sadd.s32 $0x88, s3;
	s6 =	simm.s32 @!p1 $0x1082;
	[sflag:s4] =	ssyncset.s32 $0xFFFFF086  }
0x25: {  	[simem:s6], [sflag:s4] =	dma.local [hbm:s3], $0xF7A  }
0x26: {  	[smem:$0x3F83] =	sst s1;
	(tag) =	ssettag s2;
	_ =	strace s9  }
0x27: {  	s1 =	sld [smem:$0x3F93]  }
0x28: {  	s2 =	sld [smem:$0x3F94]  }
0x29: {  	s4 =	sld [smem:$0x3F96]  }
0x2a: {  	p0 =	seq.s32 s5, $0x0;
	s5 =	sld [smem:$0x3F97]  }
0x2b: {  	s6 =	sld [smem:$0x3F98]  }
0x2c: {  	s7 =	sld [smem:$0x3F99]  }
0x2d: {  	s3 =	simm.s32 $0x108;
	s8 =	sld [smem:$0x3F9A]  }
0x2e: {  	s3 =	simm.s32 @!p0 $0x1082;
	s9 =	sld [smem:$0x3F9B]  }
0x2f: {  	lr =	sadd.s32 s0, s3;
	s0 =	sld [smem:$0x3F92]  }
0x30: {  	s3 =	sld [smem:$0x3F95]  }
0x31: {  	[smem:$0x3F9E] =	sst s10  }
0x32: {  	s10 =	sld [smem:$0x3F9C];
	_ =	sdelay $0x3  }
0x33: {  	p0 =	seq.s32 s10, $0x1;
	s10 =	sld [smem:$0x3F9E];
	_ =	sdelay $0x3  }
0x34: {  	[smem:$0x3F9E] =	sst s10  }
0x35: {  	s10 =	sld [smem:$0x3F9D];
	_ =	sdelay $0x3  }
0x36: {  	p1 =	seq.s32 s10, $0x1;
	s10 =	sld [smem:$0x3F9E];
	_ =	sdelay $0x3  }
0x37: {  	[smem:$0x3F9E] =	sst s10  }
0x38: {  	s10 =	sld [smem:$0x3F9F]  }
0x39: {  	_ = 	snop;
	(pc) =	sbr.ind lr, $3  }
0x3a: {  	_ = 	snop  }
0x3b: {  	_ = 	snop  }
0x3c: {  	p2 =	seq.s32 s10, $0x1;
	s10 =	sld [smem:$0x3F9E]  }
0x3d: {  	_ =	shalt  }
0x3e: {  	_ =	shalt  }
0x3f: {  	_ =	shalt  }
0x40: {  	_ =	shalt  }
0x41: {  	_ =	shalt  }
0x42: {  	_ =	shalt  }
0x43: {  	_ =	shalt  }
0x44: {  	_ =	shalt  }
0x45: {  	_ =	shalt  }
0x46: {  	_ =	shalt  }
0x47: {  	_ =	shalt  }
0x48: {  	_ =	shalt  }
0x49: {  	_ =	shalt  }
0x4a: {  	_ =	shalt  }
0x4b: {  	_ =	shalt  }
0x4c: {  	_ =	shalt  }
0x4d: {  	_ =	shalt  }
0x4e: {  	_ =	shalt  }
0x4f: {  	_ =	shalt  }
0x50: {  	_ =	shalt  }
0x51: {  	_ =	shalt  }
0x52: {  	_ =	shalt  }
0x53: {  	_ =	shalt  }
0x54: {  	_ =	shalt  }
0x55: {  	_ =	shalt  }
0x56: {  	_ =	shalt  }
0x57: {  	_ =	shalt  }
0x58: {  	_ =	shalt  }
0x59: {  	_ =	shalt  }
0x5a: {  	_ =	shalt  }
0x5b: {  	_ =	shalt  }
0x5c: {  	_ =	shalt  }
0x5d: {  	_ =	shalt  }
0x5e: {  	_ =	shalt  }
0x5f: {  	_ =	shalt  }
0x60: {  	_ =	shalt  }
0x61: {  	_ =	shalt  }
0x62: {  	_ =	shalt  }
0x63: {  	_ =	shalt  }
0x64: {  	_ =	shalt  }
0x65: {  	_ =	shalt  }
0x66: {  	_ =	shalt  }
0x67: {  	_ =	shalt  }
0x68: {  	_ =	shalt  }
0x69: {  	_ =	shalt  }
0x6a: {  	_ =	shalt  }
0x6b: {  	_ =	shalt  }
0x6c: {  	_ =	shalt  }
0x6d: {  	_ =	shalt  }
0x6e: {  	_ =	shalt  }
0x6f: {  	_ =	shalt  }
0x70: {  	_ =	shalt  }
0x71: {  	_ =	shalt  }
0x72: {  	_ =	shalt  }
0x73: {  	_ =	shalt  }
0x74: {  	_ =	shalt  }
0x75: {  	_ =	shalt  }
0x76: {  	_ =	shalt  }
0x77: {  	_ =	shalt  }
0x78: {  	_ =	shalt  }
0x79: {  	_ =	shalt  }
0x7a: {  	_ =	shalt  }
0x7b: {  	_ =	shalt  }
0x7c: {  	_ =	shalt  }
0x7d: {  	_ =	shalt  }
0x7e: {  	_ =	shalt  }
0x7f: {  	_ =	shalt  }
0x80: {  	_ =	shalt  }
0x81: {  	_ =	shalt  }
0x82: {  	_ =	shalt  }
0x83: {  	_ =	shalt  }
0x84: {  	_ =	shalt  }
0x85: {  	_ =	shalt  }
0x86: {  	_ =	shalt  }
0x87: {  	_ =	shalt  }
.Lfunc_end0:
.L_simem_size_0:
called_computation_lowered:
.L_overlay_start_0:
0x88: {  	s2 =	sld [smem:$0x3FD9]  }
0x89: {  	s3 =	sld [smem:$0x3FFE];
	_ =	sdelay $0x1  }
0x8a: {  	s1 =	srdreg.scid  }
0x8b: {  	s0 =	sand.u32 $0x1, s1  }
0x8c: {  	s15 =	sshll.u32 s0, $0xA;
	s2 =	sadd.s32 s3, s2  }
0x8d: {  	s2 =	sadd.s32 s2, s15  }
0x8e: {  	[smem:$0x3FAA] =	sst s2  }
0x8f: {  	_ = 	snop  }
0x90: {  	s2 =	sld [smem:$0x3FD0];
	_ =	sdelay $0x2  }
0x91: {  	s16 =	simm.s32 $0xD;
	s4 =	simm.s32 $0x10  }
0x92: {  	[smem:s4], [sflag:s16] =	dma.local [hbm:s2], $0x1  }
0x93: {  	_ =	swait.eq [sflag:s16], $0x1  }
0x94: {  	[sflag:s16] =	ssyncset.done $0x0  }
0x95: {  	[sflag:s16] =	ssyncadd.s32 $0xFFFFFFFF  }
0x96: {  	s17 =	sld [smem:$0x12];
	(tm) =	ssettm $0x1  }
0x97: {  	s18 =	sld [smem:$0x3FFB];
	_ =	sdelay $0x3  }
0x98: {  	_ =	strace s18  }
0x99: {  	s2 =	sld [smem:$0x3FFC];
	_ =	sdelay $0x3  }
0x9a: {  	_ =	strace s2  }
0x9b: {  	s2 =	sld [smem:$0x3FFD];
	_ =	sdelay $0x3  }
0x9c: {  	_ =	strace s2  }
0x9d: {  	_ =	strace $0x8FFFFFFF  }
0x9e: {  	s19 =	sld [smem:$0x3FDB];
	_ =	sdelay $0x1  }
0x9f: {  	s20 =	simm.s32 $_scs_section_size  }
0xa0: {  	s5 =	simm.s32 $_size__tile_overlayer_lowered;
	s6 =	simm.s32 $_tile_overlayer_lowered  }
0xa1: {  	s7 =	simm.s32 $0x1BFF;
	s21 =	sshll.u32 s6, $0x1;
	s4 =	sadd.s32 s20, s19  }
0xa2: {  	s22 =	simm.s32 $0x0;
	s5 =	sshll.u32 s5, $0x1;
	s6 =	sadd.s32 s21, s4  }
0xa3: {  	[timem:s22], [sflag:s7] =	dma.local [hbm:s6], s5  }
0xa4: {  	_ =	swait.ge [sflag:s7], s5  }
0xa5: {  	s5 =	ssub.s32 $0x0, s5;
	[sflag:s7] =	ssyncset.done $0x0  }
0xa6: {  	[sflag:s7] =	ssyncadd.s32 s5;
	_ =	sdelay $0x1  }
0xa7: {  	s23 =	simm.s32 $0x1B8B  }
0xa8: {  	_ =	swait.ge [sflag:s23], $0x1  }
0xa9: {  	[sflag:s23] =	ssyncset.done $0x0  }
0xaa: {  	[sflag:s23] =	ssyncadd.s32 $0xFFFFFFFF  }
0xab: {  	s5 =	sld [smem:$0x0]  }
0xac: {  	s6 =	sand.u32 $0xFFFFFFFE, s1  }
0xad: {  	p0 =	sne.s32 s1, s6  }
0xae: {  	s6 =	sshll.u32 @p0 s6, $0xE  }
0xaf: {  	s6 =	sadd.s32 @p0 $0x11B8D, s6;
	s7 =	sshll.u32 @p0 s5, $0x11  }
0xb0: {  	s6 =	sor.u32 @p0 s7, s6  }
0xb1: {  	[sflag:s6] =	ssyncadd.remote.s32 @p0 $0x1;
	_ =	sdelay $0x1  }
0xb2: {  	s6 =	simm.s32 @p0 $0x1B8D  }
0xb3: {  	_ =	swait.eq @p0 [sflag:s6], $0x1  }
0xb4: {  	[sflag:s6] =	ssyncadd.s32 @p0 $0xFFFFFFFF  }
0xb5: {  	s7 =	sshll.u32 @!p0 s1, $0xE  }
0xb6: {  	s7 =	sor.u32 @!p0 $0x4000, s7;
	s6 =	simm.s32 @!p0 $0x1B8D  }
0xb7: {  	s5 =	sshll.u32 @!p0 s5, $0x11;
	s7 =	sadd.s32 @!p0 $0x11B8D, s7;
	_ =	swait.eq @!p0 [sflag:s6], $0x1  }
0xb8: {  	s5 =	sor.u32 @!p0 s5, s7;
	[sflag:s6] =	ssyncadd.s32 @!p0 $0xFFFFFFFF  }
0xb9: {  	s25 =	simm.s32 $0x1B8E;
	s24 =	sld [smem:$0x3FFE];
	[sflag:s5] =	ssyncadd.remote.s32 @!p0 $0x1  }
0xba: {  	s26 =	simm.s32 $execute0_lowered;
	[smem:$0x3FD2] =	sst s25  }
0xbb: {  	s6 =	sshll.u32 s26, $0x1;
	_ =	strace $0x8000004C;
	[dreg:$0x1] =	wrdreg $0xFFFFFFFF  }
0xbc: {  	s28 =	simm.s32 $_size_execute0_lowered;
	s4 =	sadd.s32 s4, s6;
	[dreg:$0x0] =	wrdreg $0x0  }
0xbd: {  	s6 =	sshll.u32 s28, $0x1;
	[dreg:$0x2] =	wrdreg s4  }
0xbe: {  	[dreg:$0x3] =	wrdreg s6  }
0xbf: {  	[dreg:$0x4] =	wrdreg $0xC0  }
0xc0: {  	_ =	task [dreg:s22], $0x5FFFF  }
0xc1: {  	[dreg:$0x1] =	wrdreg $0xFFFFFFFF  }
0xc2: {  	[dreg:$0x0] =	wrdreg $0x60  }
0xc3: {  	[dreg:$0x2] =	wrdreg s17  }
0xc4: {  	[dreg:$0x3] =	wrdreg s24  }
0xc5: {  	[dreg:$0x4] =	wrdreg $0xA  }
0xc6: {  	_ =	task.clear_ibuf [dreg:s22], $0x5FFFF;
	_ =	strace $0x9000004C  }
0xc7: {  	s29 =	simm.s32 $0xA;
	_ =	strace $0x8000004E  }
0xc8: {  	_ =	swait.ge [sflag:s29], $0x1  }
0xc9: {  	[sflag:s29] =	ssyncadd.s32 $0xFFFFFFFF  }
0xca: {  	_ =	strace $0x9000004E  }
0xcb: {  	_ =	sfence  }
0xcc: {  	s30 =	sld [smem:$0x0];
	_ =	sdelay $0x2  }
0xcd: {  	s31 =	sshll.u32 s1, $0xD;
	s1 =	sshrl.u32 s1, $0x2  }
0xce: {  	s4 =	sand.u32 $0x4000, s31;
	s1 =	sadd.s32 s1, s30  }
0xcf: {  	s0 =	sor.u32 s4, s0;
	s1 =	sshll.u32 s1, $0x11  }
0xd0: {  	s0 =	sor.u32 s1, s0  }
0xd1: {  	s0 =	sadd.s32 $0x8F2B, s0  }
0xd2: {  	[sflag:s0] =	ssyncadd.remote.s32 $0x1  }
0xd3: {  	_ =	sfence.sel $0xFFFF  }
0xd4: {  	[dreg:$0x0] =	wrdreg $0xFFFFFFFF;
	(pc) =	sbr.abs _section_cstart, $3  }
0xd5: {  	[dreg:$0x1] =	wrdreg $0xFFFFFFFF  }
0xd6: {  	_ =	task.clear_ibuf [dreg:s22], $0x2FFFF;
	_ =	strace $0x9FFFFFFF  }
0xd7: {  	(tm) =	ssettm $0x7FFFFFFF  }
tec
execute0_lowered:
.L_overlay_start_1:
0x0: {  	(tag) =	ssettag $0x1  }
0x1: {  	s2 =	rddreg [dreg:$0x0];
	s1 =	srdreg.scid  }
0x2: {  	s0 =	stileid.u32;
	s4 =	rddreg [dreg:$0x1];
	s3 =	simm.s32 $0x0  }
0x3: {  	s10 =	simm.s32 $0x1;
	s11 =	simm.s32 $0x0;
	s6 =	smul.u32 $0x4E20, s0  }
0x4: {  	s5 =	sand.u32 $0x1, s1;
	s1 =	rddreg [dreg:$0x2];
	s8 =	smul.u32 $0x4E200, s0  }
0x5: {  	[smem:$0x7FF] =	sst s3;
	s7 =	smul.u32 $0x2710, s5;
	s9 =	ssub.s32 $0x2, s5  }
0x6: {  	_ =	strace $0x8000004D;
	s5 =	smul.u32 $0x27100, s5;
	s31 =	sshrl.u32 s9, $0x1  }
0x7: {  	s30 =	sadd.s32 s8, s4;
	s6 =	sadd.s32 s7, s6;
	s8 =	ssub.s32 s9, s31  }
0x8: {  	s5 =	sadd.s32 s5, s30;
	s7 =	simm.s32 $0x2;
	s6 =	sshrl.u32 s6, $0x3  }
0x9: {  	s9 =	simm.s32 $0x80;
	s5 =	sadd.s32 $0x69000, s5;
	s6 =	sadd.s32 s6, s4  }
0xa: {  	s4 =	smax.u32 s8, $0x1;
	s8 =	simm.s32 $0x50;
	s6 =	sadd.s32 $0x5F200, s6  }
.LBB2_1:
0xb: {  	s12 =	sadd.s32 $0x0, s6  }
0xc: {  	[tilespmem:s3], [sflag:$0x2] =	stream.linear.gather [hbm4b:s12+s3], $0x50, $0x38;
	[tilespmem:$0x2880] =	vst v63  }
0xd: {  	_ =	swait.ge [sflag:s7], $0x50  }
0xe: {  	[sflag:s7] =	ssyncset.done $0x0  }
0xf: {  	[sflag:s7] =	ssyncadd.s32 $0xFFFFFFB0  }
0x10: {  	[tilespmem:s9], [sflag:$0x1] =	stream.indirect.gather [hbm4b:s2+s8], $0x80, s3, s8, $0xb8;
	[tilespmem:$0x2880] =	vst v63  }
0x11: {  	_ =	swait.ge [sflag:s10], $0x2800  }
0x12: {  	[sflag:s10] =	ssyncset.done $0x0  }
0x13: {  	[sflag:s10] =	ssyncadd.s32 $0xFFFFD800  }
0x14: {  	[hbm4b:s5+s3] =	stream.linear.scatter [tilespmem:s9], [sflag:$0x2], $0x2800, $0x38;
	[tilespmem:$0x2880] =	vst v63  }
0x15: {  	s13 =	simm.s32 $0xA;
	_ =	swait.ge [sflag:s7], $0x2800  }
0x16: {  	s14 =	simm.s32 $0x14;
	s12 =	sadd.s32 $0x500, s5;
	[sflag:s7] =	ssyncset.done $0x0  }
.LBB2_2:
0x17: {  	s15 =	sadd.s32 s13, s6  }
0x18: {  	[sflag:s7] =	ssyncadd.s32 $0xFFFFD800;
	s13 =	smov.u32 s14;
	s16 =	sadd.s32 $0xA, s14  }
0x19: {  	[tilespmem:s3], [sflag:$0x2] =	stream.linear.gather [hbm4b:s15+s3], $0x50, $0x38;
	[tilespmem:$0x2880] =	vst v63  }
0x1a: {  	p0 =	sne.s32 s14, $0x4D8;
	_ =	swait.ge [sflag:s7], $0x50  }
0x1b: {  	[sflag:s7] =	ssyncset.done $0x0  }
0x1c: {  	[sflag:s7] =	ssyncadd.s32 $0xFFFFFFB0  }
0x1d: {  	[tilespmem:s9], [sflag:$0x1] =	stream.indirect.gather [hbm4b:s2+s8], $0x80, s3, s8, $0xb8;
	[tilespmem:$0x2880] =	vst v63  }
0x1e: {  	_ =	swait.ge [sflag:s10], $0x2800  }
.Ltmp0:
0x1f: {  	[sflag:s10] =	ssyncset.done $0x0;
	(pc) =	sbr.rel @p0 .LBB2_2-.Ltmp0, $4  }
0x20: {  	[sflag:s10] =	ssyncadd.s32 $0xFFFFD800  }
0x21: {  	[hbm4b:s12+s3] =	stream.linear.scatter [tilespmem:s9], [sflag:$0x2], $0x2800, $0x38;
	[tilespmem:$0x2880] =	vst v63  }
0x22: {  	_ =	swait.ge [sflag:s7], $0x2800  }
0x23: {  	s14 =	smov.u32 s16;
	s12 =	sadd.s32 $0x500, s12;
	[sflag:s7] =	ssyncset.done $0x0  }
0x24: {  	s13 =	sadd.s32 s13, s6;
	[sflag:s7] =	ssyncadd.s32 $0xFFFFD800  }
0x25: {  	[tilespmem:s3], [sflag:$0x2] =	stream.linear.gather [hbm4b:s13+s3], $0x50, $0x38;
	[tilespmem:$0x2880] =	vst v63  }
0x26: {  	_ =	swait.ge [sflag:s7], $0x50  }
0x27: {  	[sflag:s7] =	ssyncset.done $0x0  }
0x28: {  	[sflag:s7] =	ssyncadd.s32 $0xFFFFFFB0  }
0x29: {  	[tilespmem:s9], [sflag:$0x1] =	stream.indirect.gather [hbm4b:s2+s8], $0x80, s3, s8, $0xb8;
	[tilespmem:$0x2880] =	vst v63  }
0x2a: {  	s11 =	sadd.s32 $0x1, s11;
	_ =	swait.ge [sflag:s10], $0x2800  }
0x2b: {  	p0 =	sne.s32 s11, s4;
	[sflag:s10] =	ssyncset.done $0x0  }
.Ltmp1:
0x2c: {  	[sflag:s10] =	ssyncadd.s32 $0xFFFFD800;
	(pc) =	sbr.rel @p0 .LBB2_1-.Ltmp1, $4  }
0x2d: {  	[hbm4b:s12+s3] =	stream.linear.scatter [tilespmem:s9], [sflag:$0x2], $0x2800, $0x38;
	[tilespmem:$0x2880] =	vst v63  }
0x2e: {  	_ =	swait.ge [sflag:s7], $0x2800  }
0x2f: {  	[sflag:s7] =	ssyncset.done $0x0  }
0x30: {  	[sflag:s7] =	ssyncadd.s32 $0xFFFFD800  }
0x31: {  	_ =	sfence.sel $0x180000  }
0x32: {  	[bflag:$0x0] =	sbarrier.arrive $0xFFFF  }
0x33: {  	p0 =	sne.s32 s0, $0x0;
	_ =	strace $0x9000004D  }
0x34: {  	s0 =	sadd.s32 @!p0 $0x100000, s1;
	[bflag:$0x2] =	sbarrier.arrive $0xFFFF  }
0x35: {  	[sflag:s0] =	ssyncadd.tile.s32 @!p0 $0x1;
	_ =	shalt  }
.Lfunc_end2:
_tile_overlayer_lowered:
.L_overlay_start_2:
0x36: {  	(tag) =	ssettag $0x2  }
0x37: {  	s0 =	rddreg [dreg:$0x0];
	s2 =	stileid.u32  }
0x38: {  	s1 =	rddreg [dreg:$0x1];
	p0 =	sne.s32 s2, $0x0  }
0x39: {  	s3 =	rddreg [dreg:$0x2];
	[bflag:$0x3] =	sbarrier.arrive $0xFFFF;
	s2 =	simm.s32 @!p0 $0x1C02  }
0x3a: {  	[timem:s3], [sflag:s2] =	dma.local @!p0 [hbm:s0], s1  }
0x3b: {  	s0 =	simm.s32 @!p0 $0x2  }
0x3c: {  	_ =	swait.ge @!p0 [sflag:s0], s1  }
0x3d: {  	s1 =	ssub.s32 @!p0 $0x0, s1;
	[sflag:s0] =	ssyncset.done @!p0 $0x0  }
0x3e: {  	[sflag:s0] =	ssyncadd.s32 @!p0 s1  }
0x3f: {  	[bflag:$0x3] =	sbarrier.arrive $0xFFFF  }
0x40: {  	_ =	shalt  }

// kernel: kernel.26.cloned.1.call-start
scs
__scs_entry_jumppad:
0x0: {  	(pc) =	sbr.rel $0x88, $3  }
0x1: {  	(tag) =	ssettag $0x0;
	lr =	simm.s32 $0x1  }
0x2: {  	[smem:$0x3F83] =	sst lr;
	_ =	strace $0xD0000000  }
0x3: {  	_ = 	snop  }
0x4: {  	_ = 	snop  }
0x5: {  	_ = 	snop  }
0x6: {  	_ = 	snop  }
0x7: {  	_ = 	snop  }
__scs_overlays_trampoline_lowered:
0x8: {  	[smem:$0x3F92] =	sst s0  }
0x9: {  	[smem:$0x3F93] =	sst s1  }
0xa: {  	[smem:$0x3F94] =	sst s2  }
0xb: {  	[smem:$0x3F95] =	sst s3  }
0xc: {  	[smem:$0x3F96] =	sst s4  }
0xd: {  	[smem:$0x3F97] =	sst s5  }
0xe: {  	[smem:$0x3F98] =	sst s6  }
0xf: {  	[smem:$0x3F99] =	sst s7  }
0x10: {  	[smem:$0x3F9A] =	sst s8  }
0x11: {  	[smem:$0x3F9B] =	sst s9;
	s0 =	simm.s32 @!p0 $0x0  }
0x12: {  	s1 =	sld [smem:$0x3F81];
	s0 =	simm.s32 @p0 $0x1  }
0x13: {  	[smem:$0x3F9C] =	sst s0;
	s0 =	simm.s32 @!p1 $0x0  }
0x14: {  	s2 =	sld [smem:$0x3F80];
	s0 =	simm.s32 @p1 $0x1  }
0x15: {  	[smem:$0x3F9D] =	sst s0;
	s0 =	simm.s32 @!p2 $0x0  }
0x16: {  	s3 =	sld [smem:$0x3FDB];
	s0 =	simm.s32 @p2 $0x1  }
0x17: {  	s4 =	simm.s32 $0x1BF5;
	[smem:$0x3F9F] =	sst s0  }
0x18: {  	s0 =	sld [smem:$0x3F82];
	_ =	swait.ge [sflag:s4], $0x0  }
0x19: {  	s7 =	sld [smem:$0x3F83]  }
0x1a: {  	s8 =	sadd.s32 $0xFFFFE003, lr  }
0x1b: {  	s9 =	sadd.s32 $0xFFFFFEF7, lr;
	s5 =	simm.s32 $0xFFFFFFFF;
	p2 =	slt.u32 s8, $0xFFFFF086  }
0x1c: {  	p1 =	slt.u32 s9, $0xF7A;
	s5 =	simm.s32 @!p2 $0x0  }
0x1d: {  	s5 =	simm.s32 @p1 $0x1;
	p0 =	seq.s32 s7, s2  }
0x1e: {  	s7 =	smul.u32 @!p0 $0xF7A, s2;
	p2 =	seq.s32 @!p0 s5, $0x0  }
0x1f: {  	s9 =	smul.u32 $0xF7A, s1;
	s8 =	simm.s32 @!p0 $0x1BF5;
	p2 =	por !p2, p0  }
0x20: {  	[sflag:s8] =	ssyncset.s32 @!p0 $0xFFFFF086;
	s6 =	sadd.s32 @!p0 s3, s7;
	s7 =	simm.s32 @!p0 $0x108  }
0x21: {  	s3 =	sadd.s32 s3, s9;
	s6 =	sadd.s32 @!p0 $0x88, s6;
	s7 =	simm.s32 @p2 $0x1082  }
0x22: {  	[simem:s7], [sflag:s8] =	dma.local @!p0 [hbm:s6], $0xF7A  }
0x23: {  	s9 =	sor.u32 $0xD0000000, s2;
	s6 =	simm.s32 $0x108;
	_ =	swait.ge @!p0 [sflag:s8], $0x0  }
0x24: {  	s3 =	sadd.s32 $0x88, s3;
	s6 =	simm.s32 @!p1 $0x1082;
	[sflag:s4] =	ssyncset.s32 $0xFFFFF086  }
0x25: {  	[simem:s6], [sflag:s4] =	dma.local [hbm:s3], $0xF7A  }
0x26: {  	[smem:$0x3F83] =	sst s1;
	(tag) =	ssettag s2;
	_ =	strace s9  }
0x27: {  	s1 =	sld [smem:$0x3F93]  }
0x28: {  	s2 =	sld [smem:$0x3F94]  }
0x29: {  	s4 =	sld [smem:$0x3F96]  }
0x2a: {  	p0 =	seq.s32 s5, $0x0;
	s5 =	sld [smem:$0x3F97]  }
0x2b: {  	s6 =	sld [smem:$0x3F98]  }
0x2c: {  	s7 =	sld [smem:$0x3F99]  }
0x2d: {  	s3 =	simm.s32 $0x108;
	s8 =	sld [smem:$0x3F9A]  }
0x2e: {  	s3 =	simm.s32 @!p0 $0x1082;
	s9 =	sld [smem:$0x3F9B]  }
0x2f: {  	lr =	sadd.s32 s0, s3;
	s0 =	sld [smem:$0x3F92]  }
0x30: {  	s3 =	sld [smem:$0x3F95]  }
0x31: {  	[smem:$0x3F9E] =	sst s10  }
0x32: {  	s10 =	sld [smem:$0x3F9C];
	_ =	sdelay $0x3  }
0x33: {  	p0 =	seq.s32 s10, $0x1;
	s10 =	sld [smem:$0x3F9E];
	_ =	sdelay $0x3  }
0x34: {  	[smem:$0x3F9E] =	sst s10  }
0x35: {  	s10 =	sld [smem:$0x3F9D];
	_ =	sdelay $0x3  }
0x36: {  	p1 =	seq.s32 s10, $0x1;
	s10 =	sld [smem:$0x3F9E];
	_ =	sdelay $0x3  }
0x37: {  	[smem:$0x3F9E] =	sst s10  }
0x38: {  	s10 =	sld [smem:$0x3F9F]  }
0x39: {  	_ = 	snop;
	(pc) =	sbr.ind lr, $3  }
0x3a: {  	_ = 	snop  }
0x3b: {  	_ = 	snop  }
0x3c: {  	p2 =	seq.s32 s10, $0x1;
	s10 =	sld [smem:$0x3F9E]  }
0x3d: {  	_ =	shalt  }
0x3e: {  	_ =	shalt  }
0x3f: {  	_ =	shalt  }
0x40: {  	_ =	shalt  }
0x41: {  	_ =	shalt  }
0x42: {  	_ =	shalt  }
0x43: {  	_ =	shalt  }
0x44: {  	_ =	shalt  }
0x45: {  	_ =	shalt  }
0x46: {  	_ =	shalt  }
0x47: {  	_ =	shalt  }
0x48: {  	_ =	shalt  }
0x49: {  	_ =	shalt  }
0x4a: {  	_ =	shalt  }
0x4b: {  	_ =	shalt  }
0x4c: {  	_ =	shalt  }
0x4d: {  	_ =	shalt  }
0x4e: {  	_ =	shalt  }
0x4f: {  	_ =	shalt  }
0x50: {  	_ =	shalt  }
0x51: {  	_ =	shalt  }
0x52: {  	_ =	shalt  }
0x53: {  	_ =	shalt  }
0x54: {  	_ =	shalt  }
0x55: {  	_ =	shalt  }
0x56: {  	_ =	shalt  }
0x57: {  	_ =	shalt  }
0x58: {  	_ =	shalt  }
0x59: {  	_ =	shalt  }
0x5a: {  	_ =	shalt  }
0x5b: {  	_ =	shalt  }
0x5c: {  	_ =	shalt  }
0x5d: {  	_ =	shalt  }
0x5e: {  	_ =	shalt  }
0x5f: {  	_ =	shalt  }
0x60: {  	_ =	shalt  }
0x61: {  	_ =	shalt  }
0x62: {  	_ =	shalt  }
0x63: {  	_ =	shalt  }
0x64: {  	_ =	shalt  }
0x65: {  	_ =	shalt  }
0x66: {  	_ =	shalt  }
0x67: {  	_ =	shalt  }
0x68: {  	_ =	shalt  }
0x69: {  	_ =	shalt  }
0x6a: {  	_ =	shalt  }
0x6b: {  	_ =	shalt  }
0x6c: {  	_ =	shalt  }
0x6d: {  	_ =	shalt  }
0x6e: {  	_ =	shalt  }
0x6f: {  	_ =	shalt  }
0x70: {  	_ =	shalt  }
0x71: {  	_ =	shalt  }
0x72: {  	_ =	shalt  }
0x73: {  	_ =	shalt  }
0x74: {  	_ =	shalt  }
0x75: {  	_ =	shalt  }
0x76: {  	_ =	shalt  }
0x77: {  	_ =	shalt  }
0x78: {  	_ =	shalt  }
0x79: {  	_ =	shalt  }
0x7a: {  	_ =	shalt  }
0x7b: {  	_ =	shalt  }
0x7c: {  	_ =	shalt  }
0x7d: {  	_ =	shalt  }
0x7e: {  	_ =	shalt  }
0x7f: {  	_ =	shalt  }
0x80: {  	_ =	shalt  }
0x81: {  	_ =	shalt  }
0x82: {  	_ =	shalt  }
0x83: {  	_ =	shalt  }
0x84: {  	_ =	shalt  }
0x85: {  	_ =	shalt  }
0x86: {  	_ =	shalt  }
0x87: {  	_ =	shalt  }
.Lfunc_end0:
.L_simem_size_0:
called_computation.1_lowered:
.L_overlay_start_0:
0x88: {  	s2 =	sld [smem:$0x3FD9]  }
0x89: {  	s3 =	sld [smem:$0x3FFE];
	_ =	sdelay $0x1  }
0x8a: {  	s1 =	srdreg.scid  }
0x8b: {  	s0 =	sand.u32 $0x1, s1  }
0x8c: {  	s14 =	sshll.u32 s0, $0xA;
	s2 =	sadd.s32 s3, s2  }
0x8d: {  	s2 =	sadd.s32 s2, s14  }
0x8e: {  	[smem:$0x3FAA] =	sst s2  }
0x8f: {  	_ = 	snop  }
0x90: {  	s2 =	sld [smem:$0x3FD0];
	_ =	sdelay $0x2  }
0x91: {  	s15 =	simm.s32 $0xD;
	s4 =	simm.s32 $0x10  }
0x92: {  	[smem:s4], [sflag:s15] =	dma.local [hbm:s2], $0x1  }
0x93: {  	_ =	swait.eq [sflag:s15], $0x1  }
0x94: {  	[sflag:s15] =	ssyncset.done $0x0  }
0x95: {  	[sflag:s15] =	ssyncadd.s32 $0xFFFFFFFF  }
0x96: {  	s16 =	sld [smem:$0x11];
	(tm) =	ssettm $0x1  }
0x97: {  	s17 =	sld [smem:$0x3FFB];
	_ =	sdelay $0x3  }
0x98: {  	_ =	strace s17  }
0x99: {  	s3 =	sld [smem:$0x3FFC];
	_ =	sdelay $0x3  }
0x9a: {  	_ =	strace s3  }
0x9b: {  	s3 =	sld [smem:$0x3FFD];
	_ =	sdelay $0x3  }
0x9c: {  	_ =	strace s3  }
0x9d: {  	_ =	strace $0x8FFFFFFF  }
0x9e: {  	s18 =	sld [smem:$0x3FDB];
	_ =	sdelay $0x1  }
0x9f: {  	s19 =	simm.s32 $_scs_section_size  }
0xa0: {  	s5 =	simm.s32 $_size__tile_overlayer_lowered;
	s6 =	simm.s32 $_tile_overlayer_lowered  }
0xa1: {  	s22 =	simm.s32 $0x1BFF;
	s21 =	sshll.u32 s6, $0x1;
	s3 =	sadd.s32 s19, s18  }
0xa2: {  	s7 =	simm.s32 $0x0;
	s20 =	sshll.u32 s5, $0x1;
	s5 =	sadd.s32 s21, s3  }
0xa3: {  	[timem:s7], [sflag:s22] =	dma.local [hbm:s5], s20  }
0xa4: {  	_ =	swait.ge [sflag:s22], s20  }
0xa5: {  	s4 =	ssub.s32 $0x0, s20;
	[sflag:s22] =	ssyncset.done $0x0  }
0xa6: {  	[sflag:s22] =	ssyncadd.s32 s4;
	_ =	sdelay $0x1  }
0xa7: {  	s23 =	simm.s32 $0x1B8B  }
0xa8: {  	_ =	swait.ge [sflag:s23], $0x1  }
0xa9: {  	[sflag:s23] =	ssyncset.done $0x0  }
0xaa: {  	s25 =	simm.s32 $0x1B8E;
	s24 =	sld [smem:$0x3FFE];
	[sflag:s23] =	ssyncadd.s32 $0xFFFFFFFF  }
0xab: {  	s26 =	simm.s32 $execute0_lowered;
	[smem:$0x3FD2] =	sst s25  }
0xac: {  	s5 =	sshll.u32 s26, $0x1;
	_ =	strace $0x80000046;
	[dreg:$0x1] =	wrdreg $0xFFFFFFFF  }
0xad: {  	s28 =	simm.s32 $_size_execute0_lowered;
	s3 =	sadd.s32 s3, s5;
	[dreg:$0x0] =	wrdreg $0x0  }
0xae: {  	s5 =	sshll.u32 s28, $0x1;
	[dreg:$0x2] =	wrdreg s3  }
0xaf: {  	[dreg:$0x3] =	wrdreg s5  }
0xb0: {  	[dreg:$0x4] =	wrdreg $0xC0  }
0xb1: {  	_ =	task [dreg:s7], $0x5FFFF  }
0xb2: {  	[dreg:$0x1] =	wrdreg $0xFFFFFFFF  }
0xb3: {  	[dreg:$0x0] =	wrdreg $0x60  }
0xb4: {  	[dreg:$0x2] =	wrdreg s16  }
0xb5: {  	[dreg:$0x3] =	wrdreg s24  }
0xb6: {  	[dreg:$0x4] =	wrdreg $0xB  }
0xb7: {  	_ =	task.clear_ibuf [dreg:s7], $0x5FFFF;
	_ =	strace $0x90000046  }
0xb8: {  	s29 =	simm.s32 $0xB;
	_ =	strace $0x80000048  }
0xb9: {  	_ =	swait.ge [sflag:s29], $0x1  }
0xba: {  	[sflag:s29] =	ssyncadd.s32 $0xFFFFFFFF  }
0xbb: {  	_ =	strace $0x90000048  }
0xbc: {  	_ =	sfence  }
0xbd: {  	s30 =	sld [smem:$0x0];
	_ =	sdelay $0x2  }
0xbe: {  	s31 =	sshll.u32 s1, $0xD;
	s1 =	sshrl.u32 s1, $0x2  }
0xbf: {  	s3 =	sand.u32 $0x4000, s31;
	s1 =	sadd.s32 s1, s30  }
0xc0: {  	s0 =	sor.u32 s3, s0;
	s1 =	sshll.u32 s1, $0x11  }
0xc1: {  	s0 =	sor.u32 s1, s0  }
0xc2: {  	s0 =	sadd.s32 $0x8F2B, s0  }
0xc3: {  	[sflag:s0] =	ssyncadd.remote.s32 $0x1  }
0xc4: {  	_ =	sfence.sel $0xFFFF  }
0xc5: {  	[dreg:$0x0] =	wrdreg $0xFFFFFFFF;
	(pc) =	sbr.abs _section_cstart, $3  }
0xc6: {  	[dreg:$0x1] =	wrdreg $0xFFFFFFFF  }
0xc7: {  	_ =	task.clear_ibuf [dreg:s7], $0x2FFFF;
	_ =	strace $0x9FFFFFFF  }
0xc8: {  	(tm) =	ssettm $0x7FFFFFFF  }
0xc9: {  	_ =	shalt  }
tec
execute0_lowered:
.L_overlay_start_1:
0x0: {  	(tag) =	ssettag $0x1  }
0x1: {  	s1 =	srdreg.scid;
	s0 =	stileid.u32  }
0x2: {  	s15 =	sand.u32 $0x1, s1;
	s28 =	sshll.u32 s0, $0x1  }
0x3: {  	s2 =	rddreg [dreg:$0x0];
	s9 =	sor.u32 s15, s28  }
0x4: {  	s10 =	rddreg [dreg:$0x1];
	s14 =	smul.u32 $0x140, s9  }
0x5: {  	s3 =	simm.s32 $0x0;
	s1 =	rddreg [dreg:$0x2]  }
0x6: {  	[smem:$0x7FF] =	sst s3;
	s16 =	sadd.s32 $0xE800, s10;
	s4 =	sshrl.u32 s14, $0x3  }
0x7: {  	_ =	strace $0x80000047;
	s5 =	sadd.s32 s16, s4;
	s4 =	simm.s32 $0x2  }
0x8: {  	[tilespmem:s3], [sflag:$0x2] =	stream.linear.gather [hbm4b:s5+s3], $0x50, $0x38;
	[tilespmem:$0x2880] =	vst v63  }
0x9: {  	_ =	swait.ge [sflag:s4], $0x50  }
0xa: {  	s6 =	simm.s32 $0x50;
	[sflag:s4] =	ssyncset.done $0x0  }
0xb: {  	s7 =	simm.s32 $0x80;
	s8 =	simm.s32 $0x1;
	[sflag:s4] =	ssyncadd.s32 $0xFFFFFFB0  }
0xc: {  	[tilespmem:s7], [sflag:$0x1] =	stream.indirect.gather [hbm4b:s2+s6], $0x80, s3, s6, $0xb8;
	[tilespmem:$0x2880] =	vst v63  }
0xd: {  	s9 =	smul.u32 $0x1400, s9;
	_ =	swait.ge [sflag:s8], $0x2800  }
0xe: {  	s17 =	sadd.s32 $0xF200, s10;
	[sflag:s8] =	ssyncset.done $0x0  }
0xf: {  	s9 =	sadd.s32 s17, s9;
	[sflag:s8] =	ssyncadd.s32 $0xFFFFD800  }
0x10: {  	[hbm4b:s9+s3] =	stream.linear.scatter [tilespmem:s7], [sflag:$0x2], $0x2800, $0x38;
	[tilespmem:$0x2880] =	vst v63  }
0x11: {  	s11 =	sadd.s32 $0x50, s14;
	_ =	swait.ge [sflag:s4], $0x2800  }
0x12: {  	s29 =	sshrl.u32 s11, $0x3;
	[sflag:s4] =	ssyncset.done $0x0  }
0x13: {  	s10 =	sadd.s32 s16, s29;
	[sflag:s4] =	ssyncadd.s32 $0xFFFFD800  }
0x14: {  	[tilespmem:s3], [sflag:$0x2] =	stream.linear.gather [hbm4b:s10+s3], $0x50, $0x38;
	[tilespmem:$0x2880] =	vst v63  }
0x15: {  	_ =	swait.ge [sflag:s4], $0x50  }
0x16: {  	[sflag:s4] =	ssyncset.done $0x0  }
0x17: {  	[sflag:s4] =	ssyncadd.s32 $0xFFFFFFB0  }
0x18: {  	[tilespmem:s7], [sflag:$0x1] =	stream.indirect.gather [hbm4b:s2+s6], $0x80, s3, s6, $0xb8;
	[tilespmem:$0x2880] =	vst v63  }
0x19: {  	_ =	swait.ge [sflag:s8], $0x2800  }
0x1a: {  	s11 =	sshll.u32 s11, $0x4;
	[sflag:s8] =	ssyncset.done $0x0  }
0x1b: {  	s11 =	sadd.s32 s17, s11;
	[sflag:s8] =	ssyncadd.s32 $0xFFFFD800  }
0x1c: {  	[hbm4b:s11+s3] =	stream.linear.scatter [tilespmem:s7], [sflag:$0x2], $0x2800, $0x38;
	[tilespmem:$0x2880] =	vst v63  }
0x1d: {  	s13 =	sadd.s32 $0xA0, s14;
	_ =	swait.ge [sflag:s4], $0x2800  }
0x1e: {  	s12 =	sshrl.u32 s13, $0x3;
	[sflag:s4] =	ssyncset.done $0x0  }
0x1f: {  	s12 =	sadd.s32 s16, s12;
	[sflag:s4] =	ssyncadd.s32 $0xFFFFD800  }
0x20: {  	[tilespmem:s3], [sflag:$0x2] =	stream.linear.gather [hbm4b:s12+s3], $0x50, $0x38;
	[tilespmem:$0x2880] =	vst v63  }
0x21: {  	_ =	swait.ge [sflag:s4], $0x50  }
0x22: {  	[sflag:s4] =	ssyncset.done $0x0  }
0x23: {  	[sflag:s4] =	ssyncadd.s32 $0xFFFFFFB0  }
0x24: {  	[tilespmem:s7], [sflag:$0x1] =	stream.indirect.gather [hbm4b:s2+s6], $0x80, s3, s6, $0xb8;
	[tilespmem:$0x2880] =	vst v63  }
0x25: {  	_ =	swait.ge [sflag:s8], $0x2800  }
0x26: {  	s13 =	sshll.u32 s13, $0x4;
	[sflag:s8] =	ssyncset.done $0x0  }
0x27: {  	s13 =	sadd.s32 s17, s13;
	[sflag:s8] =	ssyncadd.s32 $0xFFFFD800  }
0x28: {  	[hbm4b:s13+s3] =	stream.linear.scatter [tilespmem:s7], [sflag:$0x2], $0x2800, $0x38;
	[tilespmem:$0x2880] =	vst v63  }
0x29: {  	s18 =	sadd.s32 $0xF0, s14;
	_ =	swait.ge [sflag:s4], $0x2800  }
0x2a: {  	s14 =	sshrl.u32 s18, $0x3;
	[sflag:s4] =	ssyncset.done $0x0  }
0x2b: {  	s15 =	ssub.s32 $0x2, s15;
	s14 =	sadd.s32 s16, s14;
	[sflag:s4] =	ssyncadd.s32 $0xFFFFD800  }
0x2c: {  	[tilespmem:s3], [sflag:$0x2] =	stream.linear.gather [hbm4b:s14+s3], $0x50, $0x38;
	[tilespmem:$0x2880] =	vst v63  }
0x2d: {  	s30 =	sshrl.u32 s15, $0x1;
	_ =	swait.ge [sflag:s4], $0x50  }
0x2e: {  	s16 =	ssub.s32 s15, s30;
	[sflag:s4] =	ssyncset.done $0x0  }
0x2f: {  	s16 =	smax.u32 s16, $0x1;
	[sflag:s4] =	ssyncadd.s32 $0xFFFFFFB0  }
0x30: {  	[tilespmem:s7], [sflag:$0x1] =	stream.indirect.gather [hbm4b:s2+s6], $0x80, s3, s6, $0xb8;
	[tilespmem:$0x2880] =	vst v63  }
0x31: {  	p0 =	sne.s32 s16, $0x1;
	_ =	swait.ge [sflag:s8], $0x2800  }
.Ltmp0:
0x32: {  	s31 =	sshll.u32 s18, $0x4;
	[sflag:s8] =	ssyncset.done $0x0;
	(pc) =	sbr.rel @!p0 .LBB2_2-.Ltmp0, $4  }
0x33: {  	s15 =	sadd.s32 s17, s31;
	[sflag:s8] =	ssyncadd.s32 $0xFFFFD800  }
0x34: {  	[hbm4b:s15+s3] =	stream.linear.scatter [tilespmem:s7], [sflag:$0x2], $0x2800, $0x38;
	[tilespmem:$0x2880] =	vst v63  }
0x35: {  	_ =	swait.ge [sflag:s4], $0x2800  }
0x36: {  	s16 =	sadd.s32 $0xFFFFFFFF, s16;
	[sflag:s4] =	ssyncset.done $0x0  }
.LBB2_1:
0x37: {  	p0 =	sne.s32 s16, $0x1;
	s16 =	sadd.s32 $0xFFFFFFFF, s16;
	[sflag:s4] =	ssyncadd.s32 $0xFFFFD800  }
0x38: {  	[tilespmem:s3], [sflag:$0x2] =	stream.linear.gather [hbm4b:s5+s3], $0x50, $0x38;
	[tilespmem:$0x2880] =	vst v63  }
0x39: {  	_ =	swait.ge [sflag:s4], $0x50  }
0x3a: {  	[sflag:s4] =	ssyncset.done $0x0  }
0x3b: {  	[sflag:s4] =	ssyncadd.s32 $0xFFFFFFB0  }
0x3c: {  	[tilespmem:s7], [sflag:$0x1] =	stream.indirect.gather [hbm4b:s2+s6], $0x80, s3, s6, $0xb8;
	[tilespmem:$0x2880] =	vst v63  }
0x3d: {  	_ =	swait.ge [sflag:s8], $0x2800  }
0x3e: {  	[sflag:s8] =	ssyncset.done $0x0  }
0x3f: {  	[sflag:s8] =	ssyncadd.s32 $0xFFFFD800  }
0x40: {  	[hbm4b:s9+s3] =	stream.linear.scatter [tilespmem:s7], [sflag:$0x2], $0x2800, $0x38;
	[tilespmem:$0x2880] =	vst v63  }
0x41: {  	_ =	swait.ge [sflag:s4], $0x2800  }
0x42: {  	[sflag:s4] =	ssyncset.done $0x0  }
0x43: {  	[sflag:s4] =	ssyncadd.s32 $0xFFFFD800  }
0x44: {  	[tilespmem:s3], [sflag:$0x2] =	stream.linear.gather [hbm4b:s10+s3], $0x50, $0x38;
	[tilespmem:$0x2880] =	vst v63  }
0x45: {  	_ =	swait.ge [sflag:s4], $0x50  }
0x46: {  	[sflag:s4] =	ssyncset.done $0x0  }
0x47: {  	[sflag:s4] =	ssyncadd.s32 $0xFFFFFFB0  }
0x48: {  	[tilespmem:s7], [sflag:$0x1] =	stream.indirect.gather [hbm4b:s2+s6], $0x80, s3, s6, $0xb8;
	[tilespmem:$0x2880] =	vst v63  }
0x49: {  	_ =	swait.ge [sflag:s8], $0x2800  }
0x4a: {  	[sflag:s8] =	ssyncset.done $0x0  }
0x4b: {  	[sflag:s8] =	ssyncadd.s32 $0xFFFFD800  }
0x4c: {  	[hbm4b:s11+s3] =	stream.linear.scatter [tilespmem:s7], [sflag:$0x2], $0x2800, $0x38;
	[tilespmem:$0x2880] =	vst v63  }
0x4d: {  	_ =	swait.ge [sflag:s4], $0x2800  }
0x4e: {  	[sflag:s4] =	ssyncset.done $0x0  }
0x4f: {  	[sflag:s4] =	ssyncadd.s32 $0xFFFFD800  }
0x50: {  	[tilespmem:s3], [sflag:$0x2] =	stream.linear.gather [hbm4b:s12+s3], $0x50, $0x38;
	[tilespmem:$0x2880] =	vst v63  }
0x51: {  	_ =	swait.ge [sflag:s4], $0x50  }
0x52: {  	[sflag:s4] =	ssyncset.done $0x0  }
0x53: {  	[sflag:s4] =	ssyncadd.s32 $0xFFFFFFB0  }
0x54: {  	[tilespmem:s7], [sflag:$0x1] =	stream.indirect.gather [hbm4b:s2+s6], $0x80, s3, s6, $0xb8;
	[tilespmem:$0x2880] =	vst v63  }
0x55: {  	_ =	swait.ge [sflag:s8], $0x2800  }
0x56: {  	[sflag:s8] =	ssyncset.done $0x0  }
0x57: {  	[sflag:s8] =	ssyncadd.s32 $0xFFFFD800  }
0x58: {  	[hbm4b:s13+s3] =	stream.linear.scatter [tilespmem:s7], [sflag:$0x2], $0x2800, $0x38;
	[tilespmem:$0x2880] =	vst v63  }
0x59: {  	_ =	swait.ge [sflag:s4], $0x2800  }
0x5a: {  	[sflag:s4] =	ssyncset.done $0x0  }
0x5b: {  	[sflag:s4] =	ssyncadd.s32 $0xFFFFD800  }
0x5c: {  	[tilespmem:s3], [sflag:$0x2] =	stream.linear.gather [hbm4b:s14+s3], $0x50, $0x38;
	[tilespmem:$0x2880] =	vst v63  }
0x5d: {  	_ =	swait.ge [sflag:s4], $0x50  }
0x5e: {  	[sflag:s4] =	ssyncset.done $0x0  }
0x5f: {  	[sflag:s4] =	ssyncadd.s32 $0xFFFFFFB0  }
0x60: {  	[tilespmem:s7], [sflag:$0x1] =	stream.indirect.gather [hbm4b:s2+s6], $0x80, s3, s6, $0xb8;
	[tilespmem:$0x2880] =	vst v63  }
0x61: {  	_ =	swait.ge [sflag:s8], $0x2800  }
.Ltmp1:
0x62: {  	[sflag:s8] =	ssyncset.done $0x0;
	(pc) =	sbr.rel @p0 .LBB2_1-.Ltmp1, $4  }
0x63: {  	[sflag:s8] =	ssyncadd.s32 $0xFFFFD800  }
0x64: {  	[hbm4b:s15+s3] =	stream.linear.scatter [tilespmem:s7], [sflag:$0x2], $0x2800, $0x38;
	[tilespmem:$0x2880] =	vst v63  }
0x65: {  	_ =	swait.ge [sflag:s4], $0x2800  }
0x66: {  	[sflag:s4] =	ssyncset.done $0x0  }
.LBB2_2:
0x67: {  	[sflag:s4] =	ssyncadd.s32 $0xFFFFD800  }
0x68: {  	_ =	sfence.sel $0x180000  }
0x69: {  	[bflag:$0x0] =	sbarrier.arrive $0xFFFF  }
0x6a: {  	p0 =	sne.s32 s0, $0x0;
	_ =	strace $0x90000047  }
0x6b: {  	s0 =	sadd.s32 @!p0 $0x100000, s1;
	[bflag:$0x2] =	sbarrier.arrive $0xFFFF  }
0x6c: {  	[sflag:s0] =	ssyncadd.tile.s32 @!p0 $0x1;
	_ =	shalt  }
.Lfunc_end2:
_tile_overlayer_lowered:
.L_overlay_start_2:
0x6d: {  	(tag) =	ssettag $0x2  }
0x6e: {  	s0 =	rddreg [dreg:$0x0];
	s2 =	stileid.u32  }
0x6f: {  	s1 =	rddreg [dreg:$0x1];
	p0 =	sne.s32 s2, $0x0  }
0x70: {  	s3 =	rddreg [dreg:$0x2];
	[bflag:$0x3] =	sbarrier.arrive $0xFFFF;
	s2 =	simm.s32 @!p0 $0x1C02  }
0x71: {  	[timem:s3], [sflag:s2] =	dma.local @!p0 [hbm:s0], s1  }
0x72: {  	s0 =	simm.s32 @!p0 $0x2  }
0x73: {  	_ =	swait.ge @!p0 [sflag:s0], s1  }
0x74: {  	s1 =	ssub.s32 @!p0 $0x0, s1;
	[sflag:s0] =	ssyncset.done @!p0 $0x0  }
0x75: {  	[sflag:s0] =	ssyncadd.s32 @!p0 s1  }
0x76: {  	[bflag:$0x3] =	sbarrier.arrive $0xFFFF  }
0x77: {  	_ =	shalt  }

// kernel: kernel.29.cloned.1.call-start
scs
__scs_entry_jumppad:
0x0: {  	(pc) =	sbr.rel $0x88, $3  }
0x1: {  	(tag) =	ssettag $0x0;
	lr =	simm.s32 $0x1  }
0x2: {  	[smem:$0x3F83] =	sst lr;
	_ =	strace $0xD0000000  }
0x3: {  	_ = 	snop  }
0x4: {  	_ = 	snop  }
0x5: {  	_ = 	snop  }
0x6: {  	_ = 	snop  }
0x7: {  	_ = 	snop  }
__scs_overlays_trampoline_lowered:
0x8: {  	[smem:$0x3F92] =	sst s0  }
0x9: {  	[smem:$0x3F93] =	sst s1  }
0xa: {  	[smem:$0x3F94] =	sst s2  }
0xb: {  	[smem:$0x3F95] =	sst s3  }
0xc: {  	[smem:$0x3F96] =	sst s4  }
0xd: {  	[smem:$0x3F97] =	sst s5  }
0xe: {  	[smem:$0x3F98] =	sst s6  }
0xf: {  	[smem:$0x3F99] =	sst s7  }
0x10: {  	[smem:$0x3F9A] =	sst s8  }
0x11: {  	[smem:$0x3F9B] =	sst s9;
	s0 =	simm.s32 @!p0 $0x0  }
0x12: {  	s1 =	sld [smem:$0x3F81];
	s0 =	simm.s32 @p0 $0x1  }
0x13: {  	[smem:$0x3F9C] =	sst s0;
	s0 =	simm.s32 @!p1 $0x0  }
0x14: {  	s2 =	sld [smem:$0x3F80];
	s0 =	simm.s32 @p1 $0x1  }
0x15: {  	[smem:$0x3F9D] =	sst s0;
	s0 =	simm.s32 @!p2 $0x0  }
0x16: {  	s3 =	sld [smem:$0x3FDB];
	s0 =	simm.s32 @p2 $0x1  }
0x17: {  	s4 =	simm.s32 $0x1BF5;
	[smem:$0x3F9F] =	sst s0  }
0x18: {  	s0 =	sld [smem:$0x3F82];
	_ =	swait.ge [sflag:s4], $0x0  }
0x19: {  	s7 =	sld [smem:$0x3F83]  }
0x1a: {  	s8 =	sadd.s32 $0xFFFFE003, lr  }
0x1b: {  	s9 =	sadd.s32 $0xFFFFFEF7, lr;
	s5 =	simm.s32 $0xFFFFFFFF;
	p2 =	slt.u32 s8, $0xFFFFF086  }
0x1c: {  	p1 =	slt.u32 s9, $0xF7A;
	s5 =	simm.s32 @!p2 $0x0  }
0x1d: {  	s5 =	simm.s32 @p1 $0x1;
	p0 =	seq.s32 s7, s2  }
0x1e: {  	s7 =	smul.u32 @!p0 $0xF7A, s2;
	p2 =	seq.s32 @!p0 s5, $0x0  }
0x1f: {  	s9 =	smul.u32 $0xF7A, s1;
	s8 =	simm.s32 @!p0 $0x1BF5;
	p2 =	por !p2, p0  }
0x20: {  	[sflag:s8] =	ssyncset.s32 @!p0 $0xFFFFF086;
	s6 =	sadd.s32 @!p0 s3, s7;
	s7 =	simm.s32 @!p0 $0x108  }
0x21: {  	s3 =	sadd.s32 s3, s9;
	s6 =	sadd.s32 @!p0 $0x88, s6;
	s7 =	simm.s32 @p2 $0x1082  }
0x22: {  	[simem:s7], [sflag:s8] =	dma.local @!p0 [hbm:s6], $0xF7A  }
0x23: {  	s9 =	sor.u32 $0xD0000000, s2;
	s6 =	simm.s32 $0x108;
	_ =	swait.ge @!p0 [sflag:s8], $0x0  }
0x24: {  	s3 =	sadd.s32 $0x88, s3;
	s6 =	simm.s32 @!p1 $0x1082;
	[sflag:s4] =	ssyncset.s32 $0xFFFFF086  }
0x25: {  	[simem:s6], [sflag:s4] =	dma.local [hbm:s3], $0xF7A  }
0x26: {  	[smem:$0x3F83] =	sst s1;
	(tag) =	ssettag s2;
	_ =	strace s9  }
0x27: {  	s1 =	sld [smem:$0x3F93]  }
0x28: {  	s2 =	sld [smem:$0x3F94]  }
0x29: {  	s4 =	sld [smem:$0x3F96]  }
0x2a: {  	p0 =	seq.s32 s5, $0x0;
	s5 =	sld [smem:$0x3F97]  }
0x2b: {  	s6 =	sld [smem:$0x3F98]  }
0x2c: {  	s7 =	sld [smem:$0x3F99]  }
0x2d: {  	s3 =	simm.s32 $0x108;
	s8 =	sld [smem:$0x3F9A]  }
0x2e: {  	s3 =	simm.s32 @!p0 $0x1082;
	s9 =	sld [smem:$0x3F9B]  }
0x2f: {  	lr =	sadd.s32 s0, s3;
	s0 =	sld [smem:$0x3F92]  }
0x30: {  	s3 =	sld [smem:$0x3F95]  }
0x31: {  	[smem:$0x3F9E] =	sst s10  }
0x32: {  	s10 =	sld [smem:$0x3F9C];
	_ =	sdelay $0x3  }
0x33: {  	p0 =	seq.s32 s10, $0x1;
	s10 =	sld [smem:$0x3F9E];
	_ =	sdelay $0x3  }
0x34: {  	[smem:$0x3F9E] =	sst s10  }
0x35: {  	s10 =	sld [smem:$0x3F9D];
	_ =	sdelay $0x3  }
0x36: {  	p1 =	seq.s32 s10, $0x1;
	s10 =	sld [smem:$0x3F9E];
	_ =	sdelay $0x3  }
0x37: {  	[smem:$0x3F9E] =	sst s10  }
0x38: {  	s10 =	sld [smem:$0x3F9F]  }
0x39: {  	_ = 	snop;
	(pc) =	sbr.ind lr, $3  }
0x3a: {  	_ = 	snop  }
0x3b: {  	_ = 	snop  }
0x3c: {  	p2 =	seq.s32 s10, $0x1;
	s10 =	sld [smem:$0x3F9E]  }
0x3d: {  	_ =	shalt  }
0x3e: {  	_ =	shalt  }
0x3f: {  	_ =	shalt  }
0x40: {  	_ =	shalt  }
0x41: {  	_ =	shalt  }
0x42: {  	_ =	shalt  }
0x43: {  	_ =	shalt  }
0x44: {  	_ =	shalt  }
0x45: {  	_ =	shalt  }
0x46: {  	_ =	shalt  }
0x47: {  	_ =	shalt  }
0x48: {  	_ =	shalt  }
0x49: {  	_ =	shalt  }
0x4a: {  	_ =	shalt  }
0x4b: {  	_ =	shalt  }
0x4c: {  	_ =	shalt  }
0x4d: {  	_ =	shalt  }
0x4e: {  	_ =	shalt  }
0x4f: {  	_ =	shalt  }
0x50: {  	_ =	shalt  }
0x51: {  	_ =	shalt  }
0x52: {  	_ =	shalt  }
0x53: {  	_ =	shalt  }
0x54: {  	_ =	shalt  }
0x55: {  	_ =	shalt  }
0x56: {  	_ =	shalt  }
0x57: {  	_ =	shalt  }
0x58: {  	_ =	shalt  }
0x59: {  	_ =	shalt  }
0x5a: {  	_ =	shalt  }
0x5b: {  	_ =	shalt  }
0x5c: {  	_ =	shalt  }
0x5d: {  	_ =	shalt  }
0x5e: {  	_ =	shalt  }
0x5f: {  	_ =	shalt  }
0x60: {  	_ =	shalt  }
0x61: {  	_ =	shalt  }
0x62: {  	_ =	shalt  }
0x63: {  	_ =	shalt  }
0x64: {  	_ =	shalt  }
0x65: {  	_ =	shalt  }
0x66: {  	_ =	shalt  }
0x67: {  	_ =	shalt  }
0x68: {  	_ =	shalt  }
0x69: {  	_ =	shalt  }
0x6a: {  	_ =	shalt  }
0x6b: {  	_ =	shalt  }
0x6c: {  	_ =	shalt  }
0x6d: {  	_ =	shalt  }
0x6e: {  	_ =	shalt  }
0x6f: {  	_ =	shalt  }
0x70: {  	_ =	shalt  }
0x71: {  	_ =	shalt  }
0x72: {  	_ =	shalt  }
0x73: {  	_ =	shalt  }
0x74: {  	_ =	shalt  }
0x75: {  	_ =	shalt  }
0x76: {  	_ =	shalt  }
0x77: {  	_ =	shalt  }
0x78: {  	_ =	shalt  }
0x79: {  	_ =	shalt  }
0x7a: {  	_ =	shalt  }
0x7b: {  	_ =	shalt  }
0x7c: {  	_ =	shalt  }
0x7d: {  	_ =	shalt  }
0x7e: {  	_ =	shalt  }
0x7f: {  	_ =	shalt  }
0x80: {  	_ =	shalt  }
0x81: {  	_ =	shalt  }
0x82: {  	_ =	shalt  }
0x83: {  	_ =	shalt  }
0x84: {  	_ =	shalt  }
0x85: {  	_ =	shalt  }
0x86: {  	_ =	shalt  }
0x87: {  	_ =	shalt  }
.Lfunc_end0:
.L_simem_size_0:
called_computation.2_lowered:
.L_overlay_start_0:
0x88: {  	s2 =	sld [smem:$0x3FD9]  }
0x89: {  	s3 =	sld [smem:$0x3FFE];
	_ =	sdelay $0x1  }
0x8a: {  	s1 =	srdreg.scid  }
0x8b: {  	s0 =	sand.u32 $0x1, s1  }
0x8c: {  	s17 =	sshll.u32 s0, $0xA;
	s2 =	sadd.s32 s3, s2  }
0x8d: {  	s2 =	sadd.s32 s2, s17  }
0x8e: {  	[smem:$0x3FAA] =	sst s2  }
0x8f: {  	_ = 	snop  }
0x90: {  	(tm) =	ssettm $0x1  }
0x91: {  	s18 =	sld [smem:$0x3FFB];
	_ =	sdelay $0x3  }
0x92: {  	_ =	strace s18  }
0x93: {  	s2 =	sld [smem:$0x3FFC];
	_ =	sdelay $0x3  }
0x94: {  	_ =	strace s2  }
0x95: {  	s2 =	sld [smem:$0x3FFD];
	_ =	sdelay $0x3  }
0x96: {  	_ =	strace s2  }
0x97: {  	_ =	strace $0x8FFFFFFF  }
0x98: {  	s19 =	sld [smem:$0x3FDB];
	_ =	sdelay $0x1  }
0x99: {  	s20 =	simm.s32 $_scs_section_size  }
0x9a: {  	s4 =	simm.s32 $_size__tile_overlayer_lowered;
	s5 =	simm.s32 $_tile_overlayer_lowered  }
0x9b: {  	s6 =	simm.s32 $0x1BFF;
	s21 =	sshll.u32 s5, $0x1;
	s3 =	sadd.s32 s20, s19  }
0x9c: {  	s22 =	simm.s32 $0x0;
	s4 =	sshll.u32 s4, $0x1;
	s5 =	sadd.s32 s21, s3  }
0x9d: {  	[timem:s22], [sflag:s6] =	dma.local [hbm:s5], s4  }
0x9e: {  	_ =	swait.ge [sflag:s6], s4  }
0x9f: {  	s4 =	ssub.s32 $0x0, s4;
	[sflag:s6] =	ssyncset.done $0x0  }
0xa0: {  	[sflag:s6] =	ssyncadd.s32 s4;
	_ =	sdelay $0x1  }
0xa1: {  	s23 =	simm.s32 $0x1B8B  }
0xa2: {  	_ =	swait.ge [sflag:s23], $0x1  }
0xa3: {  	[sflag:s23] =	ssyncset.done $0x0  }
0xa4: {  	[sflag:s23] =	ssyncadd.s32 $0xFFFFFFFF  }
0xa5: {  	s4 =	sld [smem:$0x0]  }
0xa6: {  	s5 =	sand.u32 $0xFFFFFFFE, s1  }
0xa7: {  	p0 =	sne.s32 s1, s5  }
0xa8: {  	s5 =	sshll.u32 @p0 s5, $0xE  }
0xa9: {  	s5 =	sadd.s32 @p0 $0x11B8D, s5;
	s6 =	sshll.u32 @p0 s4, $0x11  }
0xaa: {  	s5 =	sor.u32 @p0 s6, s5  }
0xab: {  	[sflag:s5] =	ssyncadd.remote.s32 @p0 $0x1;
	_ =	sdelay $0x1  }
0xac: {  	s5 =	simm.s32 @p0 $0x1B8D  }
0xad: {  	_ =	swait.eq @p0 [sflag:s5], $0x1  }
0xae: {  	[sflag:s5] =	ssyncadd.s32 @p0 $0xFFFFFFFF  }
0xaf: {  	s6 =	sshll.u32 @!p0 s1, $0xE  }
0xb0: {  	s6 =	sor.u32 @!p0 $0x4000, s6;
	s5 =	simm.s32 @!p0 $0x1B8D  }
0xb1: {  	s4 =	sshll.u32 @!p0 s4, $0x11;
	s6 =	sadd.s32 @!p0 $0x11B8D, s6;
	_ =	swait.eq @!p0 [sflag:s5], $0x1  }
0xb2: {  	s4 =	sor.u32 @!p0 s4, s6;
	[sflag:s5] =	ssyncadd.s32 @!p0 $0xFFFFFFFF  }
0xb3: {  	s25 =	simm.s32 $0x1B8E;
	s24 =	sld [smem:$0x3FFE];
	[sflag:s4] =	ssyncadd.remote.s32 @!p0 $0x1  }
0xb4: {  	s26 =	simm.s32 $execute0_lowered;
	[smem:$0x3FD2] =	sst s25  }
0xb5: {  	s5 =	sshll.u32 s26, $0x1;
	_ =	strace $0x80000049;
	[dreg:$0x1] =	wrdreg $0xFFFFFFFF  }
0xb6: {  	s28 =	simm.s32 $_size_execute0_lowered;
	s3 =	sadd.s32 s3, s5;
	[dreg:$0x0] =	wrdreg $0x0  }
0xb7: {  	s5 =	sshll.u32 s28, $0x1;
	[dreg:$0x2] =	wrdreg s3  }
0xb8: {  	[dreg:$0x3] =	wrdreg s5  }
0xb9: {  	[dreg:$0x4] =	wrdreg $0xC0  }
0xba: {  	_ =	task [dreg:s22], $0x5FFFF  }
0xbb: {  	[dreg:$0x1] =	wrdreg $0xFFFFFFFF  }
0xbc: {  	[dreg:$0x0] =	wrdreg $0x60  }
0xbd: {  	[dreg:$0x2] =	wrdreg s24  }
0xbe: {  	[dreg:$0x3] =	wrdreg $0xC  }
0xbf: {  	_ =	task.clear_ibuf [dreg:s22], $0x4FFFF;
	_ =	strace $0x90000049  }
0xc0: {  	s29 =	simm.s32 $0xC;
	_ =	strace $0x8000004B  }
0xc1: {  	_ =	swait.ge [sflag:s29], $0x1  }
0xc2: {  	[sflag:s29] =	ssyncadd.s32 $0xFFFFFFFF  }
0xc3: {  	_ =	strace $0x9000004B  }
0xc4: {  	_ =	sfence  }
0xc5: {  	s30 =	sld [smem:$0x0];
	_ =	sdelay $0x2  }
0xc6: {  	s31 =	sshll.u32 s1, $0xD;
	s1 =	sshrl.u32 s1, $0x2  }
0xc7: {  	s4 =	sand.u32 $0x4000, s31;
	s1 =	sadd.s32 s1, s30  }
0xc8: {  	s0 =	sor.u32 s4, s0;
	s1 =	sshll.u32 s1, $0x11  }
0xc9: {  	s0 =	sor.u32 s1, s0  }
0xca: {  	s0 =	sadd.s32 $0x8F2B, s0  }
0xcb: {  	[sflag:s0] =	ssyncadd.remote.s32 $0x1  }
0xcc: {  	_ =	sfence.sel $0xFFFF  }
0xcd: {  	[dreg:$0x0] =	wrdreg $0xFFFFFFFF;
	(pc) =	sbr.abs _section_cstart, $3  }
0xce: {  	[dreg:$0x1] =	wrdreg $0xFFFFFFFF  }
0xcf: {  	_ =	task.clear_ibuf [dreg:s22], $0x2FFFF;
	_ =	strace $0x9FFFFFFF  }
0xd0: {  	(tm) =	ssettm $0x7FFFFFFF  }
0xd1: {  	_ =	shalt  }
tec
execute0_lowered:
.L_overlay_start_1:
0x0: {  	(tag) =	ssettag $0x1  }
0x1: {  	s1 =	srdreg.scid;
	s0 =	stileid.u32  }
0x2: {  	s15 =	sand.u32 $0x1, s1;
	s28 =	sshll.u32 s0, $0x1  }
0x3: {  	s9 =	sor.u32 s15, s28  }
0x4: {  	s10 =	rddreg [dreg:$0x0];
	s14 =	smul.u32 $0x140, s9  }
0x5: {  	s2 =	simm.s32 $0x0;
	s1 =	rddreg [dreg:$0x1]  }
0x6: {  	[smem:$0x7FF] =	sst s2;
	s16 =	sadd.s32 $0xE800, s10;
	s3 =	sshrl.u32 s14, $0x3  }
0x7: {  	_ =	strace $0x8000004A;
	s4 =	sadd.s32 s16, s3;
	s3 =	simm.s32 $0x2  }
0x8: {  	[tilespmem:s2], [sflag:$0x2] =	stream.linear.gather [hbm4b:s4+s2], $0x50, $0x38;
	[tilespmem:$0x2880] =	vst v63  }
0x9: {  	_ =	swait.ge [sflag:s3], $0x50  }
0xa: {  	s6 =	simm.s32 $0x50;
	s7 =	simm.s32 $0x80;
	[sflag:s3] =	ssyncset.done $0x0  }
0xb: {  	s8 =	simm.s32 $0x1;
	s5 =	sadd.s32 $0xEE00, s10;
	[sflag:s3] =	ssyncadd.s32 $0xFFFFFFB0  }
0xc: {  	[tilespmem:s7], [sflag:$0x1] =	stream.indirect.gather [hbm4b:s5+s6], $0x80, s2, s6, $0xb8;
	[tilespmem:$0x2880] =	vst v63  }
0xd: {  	s9 =	smul.u32 $0x1400, s9;
	_ =	swait.ge [sflag:s8], $0x2800  }
0xe: {  	s17 =	sadd.s32 $0x37200, s10;
	[sflag:s8] =	ssyncset.done $0x0  }
0xf: {  	s9 =	sadd.s32 s17, s9;
	[sflag:s8] =	ssyncadd.s32 $0xFFFFD800  }
0x10: {  	[hbm4b:s9+s2] =	stream.linear.scatter [tilespmem:s7], [sflag:$0x2], $0x2800, $0x38;
	[tilespmem:$0x2880] =	vst v63  }
0x11: {  	s11 =	sadd.s32 $0x50, s14;
	_ =	swait.ge [sflag:s3], $0x2800  }
0x12: {  	s29 =	sshrl.u32 s11, $0x3;
	[sflag:s3] =	ssyncset.done $0x0  }
0x13: {  	s10 =	sadd.s32 s16, s29;
	[sflag:s3] =	ssyncadd.s32 $0xFFFFD800  }
0x14: {  	[tilespmem:s2], [sflag:$0x2] =	stream.linear.gather [hbm4b:s10+s2], $0x50, $0x38;
	[tilespmem:$0x2880] =	vst v63  }
0x15: {  	_ =	swait.ge [sflag:s3], $0x50  }
0x16: {  	[sflag:s3] =	ssyncset.done $0x0  }
0x17: {  	[sflag:s3] =	ssyncadd.s32 $0xFFFFFFB0  }
0x18: {  	[tilespmem:s7], [sflag:$0x1] =	stream.indirect.gather [hbm4b:s5+s6], $0x80, s2, s6, $0xb8;
	[tilespmem:$0x2880] =	vst v63  }
0x19: {  	_ =	swait.ge [sflag:s8], $0x2800  }
0x1a: {  	s11 =	sshll.u32 s11, $0x4;
	[sflag:s8] =	ssyncset.done $0x0  }
0x1b: {  	s11 =	sadd.s32 s17, s11;
	[sflag:s8] =	ssyncadd.s32 $0xFFFFD800  }
0x1c: {  	[hbm4b:s11+s2] =	stream.linear.scatter [tilespmem:s7], [sflag:$0x2], $0x2800, $0x38;
	[tilespmem:$0x2880] =	vst v63  }
0x1d: {  	s13 =	sadd.s32 $0xA0, s14;
	_ =	swait.ge [sflag:s3], $0x2800  }
0x1e: {  	s12 =	sshrl.u32 s13, $0x3;
	[sflag:s3] =	ssyncset.done $0x0  }
0x1f: {  	s12 =	sadd.s32 s16, s12;
	[sflag:s3] =	ssyncadd.s32 $0xFFFFD800  }
0x20: {  	[tilespmem:s2], [sflag:$0x2] =	stream.linear.gather [hbm4b:s12+s2], $0x50, $0x38;
	[tilespmem:$0x2880] =	vst v63  }
0x21: {  	_ =	swait.ge [sflag:s3], $0x50  }
0x22: {  	[sflag:s3] =	ssyncset.done $0x0  }
0x23: {  	[sflag:s3] =	ssyncadd.s32 $0xFFFFFFB0  }
0x24: {  	[tilespmem:s7], [sflag:$0x1] =	stream.indirect.gather [hbm4b:s5+s6], $0x80, s2, s6, $0xb8;
	[tilespmem:$0x2880] =	vst v63  }
0x25: {  	_ =	swait.ge [sflag:s8], $0x2800  }
0x26: {  	s13 =	sshll.u32 s13, $0x4;
	[sflag:s8] =	ssyncset.done $0x0  }
0x27: {  	s13 =	sadd.s32 s17, s13;
	[sflag:s8] =	ssyncadd.s32 $0xFFFFD800  }
0x28: {  	[hbm4b:s13+s2] =	stream.linear.scatter [tilespmem:s7], [sflag:$0x2], $0x2800, $0x38;
	[tilespmem:$0x2880] =	vst v63  }
0x29: {  	s18 =	sadd.s32 $0xF0, s14;
	_ =	swait.ge [sflag:s3], $0x2800  }
0x2a: {  	s14 =	sshrl.u32 s18, $0x3;
	[sflag:s3] =	ssyncset.done $0x0  }
0x2b: {  	s15 =	ssub.s32 $0x2, s15;
	s14 =	sadd.s32 s16, s14;
	[sflag:s3] =	ssyncadd.s32 $0xFFFFD800  }
0x2c: {  	[tilespmem:s2], [sflag:$0x2] =	stream.linear.gather [hbm4b:s14+s2], $0x50, $0x38;
	[tilespmem:$0x2880] =	vst v63  }
0x2d: {  	s30 =	sshrl.u32 s15, $0x1;
	_ =	swait.ge [sflag:s3], $0x50  }
0x2e: {  	s16 =	ssub.s32 s15, s30;
	[sflag:s3] =	ssyncset.done $0x0  }
0x2f: {  	s16 =	smax.u32 s16, $0x1;
	[sflag:s3] =	ssyncadd.s32 $0xFFFFFFB0  }
0x30: {  	[tilespmem:s7], [sflag:$0x1] =	stream.indirect.gather [hbm4b:s5+s6], $0x80, s2, s6, $0xb8;
	[tilespmem:$0x2880] =	vst v63  }
0x31: {  	p0 =	sne.s32 s16, $0x1;
	_ =	swait.ge [sflag:s8], $0x2800  }
.Ltmp0:
0x32: {  	s31 =	sshll.u32 s18, $0x4;
	[sflag:s8] =	ssyncset.done $0x0;
	(pc) =	sbr.rel @!p0 .LBB2_2-.Ltmp0, $4  }
0x33: {  	s15 =	sadd.s32 s17, s31;
	[sflag:s8] =	ssyncadd.s32 $0xFFFFD800  }
0x34: {  	[hbm4b:s15+s2] =	stream.linear.scatter [tilespmem:s7], [sflag:$0x2], $0x2800, $0x38;
	[tilespmem:$0x2880] =	vst v63  }
0x35: {  	_ =	swait.ge [sflag:s3], $0x2800  }
0x36: {  	s16 =	sadd.s32 $0xFFFFFFFF, s16;
	[sflag:s3] =	ssyncset.done $0x0  }
.LBB2_1:
0x37: {  	p0 =	sne.s32 s16, $0x1;
	s16 =	sadd.s32 $0xFFFFFFFF, s16;
	[sflag:s3] =	ssyncadd.s32 $0xFFFFD800  }
0x38: {  	[tilespmem:s2], [sflag:$0x2] =	stream.linear.gather [hbm4b:s4+s2], $0x50, $0x38;
	[tilespmem:$0x2880] =	vst v63  }
0x39: {  	_ =	swait.ge [sflag:s3], $0x50  }
0x3a: {  	[sflag:s3] =	ssyncset.done $0x0  }
0x3b: {  	[sflag:s3] =	ssyncadd.s32 $0xFFFFFFB0  }
0x3c: {  	[tilespmem:s7], [sflag:$0x1] =	stream.indirect.gather [hbm4b:s5+s6], $0x80, s2, s6, $0xb8;
	[tilespmem:$0x2880] =	vst v63  }
0x3d: {  	_ =	swait.ge [sflag:s8], $0x2800  }
0x3e: {  	[sflag:s8] =	ssyncset.done $0x0  }
0x3f: {  	[sflag:s8] =	ssyncadd.s32 $0xFFFFD800  }
0x40: {  	[hbm4b:s9+s2] =	stream.linear.scatter [tilespmem:s7], [sflag:$0x2], $0x2800, $0x38;
	[tilespmem:$0x2880] =	vst v63  }
0x41: {  	_ =	swait.ge [sflag:s3], $0x2800  }
0x42: {  	[sflag:s3] =	ssyncset.done $0x0  }
0x43: {  	[sflag:s3] =	ssyncadd.s32 $0xFFFFD800  }
0x44: {  	[tilespmem:s2], [sflag:$0x2] =	stream.linear.gather [hbm4b:s10+s2], $0x50, $0x38;
	[tilespmem:$0x2880] =	vst v63  }
0x45: {  	_ =	swait.ge [sflag:s3], $0x50  }
0x46: {  	[sflag:s3] =	ssyncset.done $0x0  }
0x47: {  	[sflag:s3] =	ssyncadd.s32 $0xFFFFFFB0  }
0x48: {  	[tilespmem:s7], [sflag:$0x1] =	stream.indirect.gather [hbm4b:s5+s6], $0x80, s2, s6, $0xb8;
	[tilespmem:$0x2880] =	vst v63  }
0x49: {  	_ =	swait.ge [sflag:s8], $0x2800  }
0x4a: {  	[sflag:s8] =	ssyncset.done $0x0  }
0x4b: {  	[sflag:s8] =	ssyncadd.s32 $0xFFFFD800  }
0x4c: {  	[hbm4b:s11+s2] =	stream.linear.scatter [tilespmem:s7], [sflag:$0x2], $0x2800, $0x38;
	[tilespmem:$0x2880] =	vst v63  }
0x4d: {  	_ =	swait.ge [sflag:s3], $0x2800  }
0x4e: {  	[sflag:s3] =	ssyncset.done $0x0  }
0x4f: {  	[sflag:s3] =	ssyncadd.s32 $0xFFFFD800  }
0x50: {  	[tilespmem:s2], [sflag:$0x2] =	stream.linear.gather [hbm4b:s12+s2], $0x50, $0x38;
	[tilespmem:$0x2880] =	vst v63  }
0x51: {  	_ =	swait.ge [sflag:s3], $0x50  }
0x52: {  	[sflag:s3] =	ssyncset.done $0x0  }
0x53: {  	[sflag:s3] =	ssyncadd.s32 $0xFFFFFFB0  }
0x54: {  	[tilespmem:s7], [sflag:$0x1] =	stream.indirect.gather [hbm4b:s5+s6], $0x80, s2, s6, $0xb8;
	[tilespmem:$0x2880] =	vst v63  }
0x55: {  	_ =	swait.ge [sflag:s8], $0x2800  }
0x56: {  	[sflag:s8] =	ssyncset.done $0x0  }
0x57: {  	[sflag:s8] =	ssyncadd.s32 $0xFFFFD800  }
0x58: {  	[hbm4b:s13+s2] =	stream.linear.scatter [tilespmem:s7], [sflag:$0x2], $0x2800, $0x38;
	[tilespmem:$0x2880] =	vst v63  }
0x59: {  	_ =	swait.ge [sflag:s3], $0x2800  }
0x5a: {  	[sflag:s3] =	ssyncset.done $0x0  }
0x5b: {  	[sflag:s3] =	ssyncadd.s32 $0xFFFFD800  }
0x5c: {  	[tilespmem:s2], [sflag:$0x2] =	stream.linear.gather [hbm4b:s14+s2], $0x50, $0x38;
	[tilespmem:$0x2880] =	vst v63  }
0x5d: {  	_ =	swait.ge [sflag:s3], $0x50  }
0x5e: {  	[sflag:s3] =	ssyncset.done $0x0  }
0x5f: {  	[sflag:s3] =	ssyncadd.s32 $0xFFFFFFB0  }
0x60: {  	[tilespmem:s7], [sflag:$0x1] =	stream.indirect.gather [hbm4b:s5+s6], $0x80, s2, s6, $0xb8;
	[tilespmem:$0x2880] =	vst v63  }
0x61: {  	_ =	swait.ge [sflag:s8], $0x2800  }
.Ltmp1:
0x62: {  	[sflag:s8] =	ssyncset.done $0x0;
	(pc) =	sbr.rel @p0 .LBB2_1-.Ltmp1, $4  }
0x63: {  	[sflag:s8] =	ssyncadd.s32 $0xFFFFD800  }
0x64: {  	[hbm4b:s15+s2] =	stream.linear.scatter [tilespmem:s7], [sflag:$0x2], $0x2800, $0x38;
	[tilespmem:$0x2880] =	vst v63  }
0x65: {  	_ =	swait.ge [sflag:s3], $0x2800  }
0x66: {  	[sflag:s3] =	ssyncset.done $0x0  }
.LBB2_2:
0x67: {  	[sflag:s3] =	ssyncadd.s32 $0xFFFFD800  }
0x68: {  	_ =	sfence.sel $0x180000  }
0x69: {  	[bflag:$0x0] =	sbarrier.arrive $0xFFFF  }
0x6a: {  	p0 =	sne.s32 s0, $0x0;
	_ =	strace $0x9000004A  }
0x6b: {  	s0 =	sadd.s32 @!p0 $0x100000, s1;
	[bflag:$0x2] =	sbarrier.arrive $0xFFFF  }
0x6c: {  	[sflag:s0] =	ssyncadd.tile.s32 @!p0 $0x1;
	_ =	shalt  }
.Lfunc_end2:
_tile_overlayer_lowered:
.L_overlay_start_2:
0x6d: {  	(tag) =	ssettag $0x2  }
0x6e: {  	s0 =	rddreg [dreg:$0x0];
	s2 =	stileid.u32  }
0x6f: {  	s1 =	rddreg [dreg:$0x1];
	p0 =	sne.s32 s2, $0x0  }
0x70: {  	s3 =	rddreg [dreg:$0x2];
	[bflag:$0x3] =	sbarrier.arrive $0xFFFF;
	s2 =	simm.s32 @!p0 $0x1C02  }
0x71: {  	[timem:s3], [sflag:s2] =	dma.local @!p0 [hbm:s0], s1  }
0x72: {  	s0 =	simm.s32 @!p0 $0x2  }
0x73: {  	_ =	swait.ge @!p0 [sflag:s0], s1  }
0x74: {  	s1 =	ssub.s32 @!p0 $0x0, s1;
	[sflag:s0] =	ssyncset.done @!p0 $0x0  }
0x75: {  	[sflag:s0] =	ssyncadd.s32 @!p0 s1  }
0x76: {  	[bflag:$0x3] =	sbarrier.arrive $0xFFFF  }
0x77: {  	_ =	shalt  }

// kernel: kernel.32.cloned.1.call-start
scs
__scs_entry_jumppad:
0x0: {  	(pc) =	sbr.rel $0x88, $3  }
0x1: {  	(tag) =	ssettag $0x0;
	lr =	simm.s32 $0x1  }
0x2: {  	[smem:$0x3F83] =	sst lr;
	_ =	strace $0xD0000000  }
0x3: {  	_ = 	snop  }
0x4: {  	_ = 	snop  }
0x5: {  	_ = 	snop  }
0x6: {  	_ = 	snop  }
0x7: {  	_ = 	snop  }
__scs_overlays_trampoline_lowered:
0x8: {  	[smem:$0x3F92] =	sst s0  }
0x9: {  	[smem:$0x3F93] =	sst s1  }
0xa: {  	[smem:$0x3F94] =	sst s2  }
0xb: {  	[smem:$0x3F95] =	sst s3  }
0xc: {  	[smem:$0x3F96] =	sst s4  }
0xd: {  	[smem:$0x3F97] =	sst s5  }
0xe: {  	[smem:$0x3F98] =	sst s6  }
0xf: {  	[smem:$0x3F99] =	sst s7  }
0x10: {  	[smem:$0x3F9A] =	sst s8  }
0x11: {  	[smem:$0x3F9B] =	sst s9;
	s0 =	simm.s32 @!p0 $0x0  }
0x12: {  	s1 =	sld [smem:$0x3F81];
	s0 =	simm.s32 @p0 $0x1  }
0x13: {  	[smem:$0x3F9C] =	sst s0;
	s0 =	simm.s32 @!p1 $0x0  }
0x14: {  	s2 =	sld [smem:$0x3F80];
	s0 =	simm.s32 @p1 $0x1  }
0x15: {  	[smem:$0x3F9D] =	sst s0;
	s0 =	simm.s32 @!p2 $0x0  }
0x16: {  	s3 =	sld [smem:$0x3FDB];
	s0 =	simm.s32 @p2 $0x1  }
0x17: {  	s4 =	simm.s32 $0x1BF5;
	[smem:$0x3F9F] =	sst s0  }
0x18: {  	s0 =	sld [smem:$0x3F82];
	_ =	swait.ge [sflag:s4], $0x0  }
0x19: {  	s7 =	sld [smem:$0x3F83]  }
0x1a: {  	s8 =	sadd.s32 $0xFFFFE003, lr  }
0x1b: {  	s9 =	sadd.s32 $0xFFFFFEF7, lr;
	s5 =	simm.s32 $0xFFFFFFFF;
	p2 =	slt.u32 s8, $0xFFFFF086  }
0x1c: {  	p1 =	slt.u32 s9, $0xF7A;
	s5 =	simm.s32 @!p2 $0x0  }
0x1d: {  	s5 =	simm.s32 @p1 $0x1;
	p0 =	seq.s32 s7, s2  }
0x1e: {  	s7 =	smul.u32 @!p0 $0xF7A, s2;
	p2 =	seq.s32 @!p0 s5, $0x0  }
0x1f: {  	s9 =	smul.u32 $0xF7A, s1;
	s8 =	simm.s32 @!p0 $0x1BF5;
	p2 =	por !p2, p0  }
0x20: {  	[sflag:s8] =	ssyncset.s32 @!p0 $0xFFFFF086;
	s6 =	sadd.s32 @!p0 s3, s7;
	s7 =	simm.s32 @!p0 $0x108  }
0x21: {  	s3 =	sadd.s32 s3, s9;
	s6 =	sadd.s32 @!p0 $0x88, s6;
	s7 =	simm.s32 @p2 $0x1082  }
0x22: {  	[simem:s7], [sflag:s8] =	dma.local @!p0 [hbm:s6], $0xF7A  }
0x23: {  	s9 =	sor.u32 $0xD0000000, s2;
	s6 =	simm.s32 $0x108;
	_ =	swait.ge @!p0 [sflag:s8], $0x0  }
0x24: {  	s3 =	sadd.s32 $0x88, s3;
	s6 =	simm.s32 @!p1 $0x1082;
	[sflag:s4] =	ssyncset.s32 $0xFFFFF086  }
0x25: {  	[simem:s6], [sflag:s4] =	dma.local [hbm:s3], $0xF7A  }
0x26: {  	[smem:$0x3F83] =	sst s1;
	(tag) =	ssettag s2;
	_ =	strace s9  }
0x27: {  	s1 =	sld [smem:$0x3F93]  }
0x28: {  	s2 =	sld [smem:$0x3F94]  }
0x29: {  	s4 =	sld [smem:$0x3F96]  }
0x2a: {  	p0 =	seq.s32 s5, $0x0;
	s5 =	sld [smem:$0x3F97]  }
0x2b: {  	s6 =	sld [smem:$0x3F98]  }
0x2c: {  	s7 =	sld [smem:$0x3F99]  }
0x2d: {  	s3 =	simm.s32 $0x108;
	s8 =	sld [smem:$0x3F9A]  }
0x2e: {  	s3 =	simm.s32 @!p0 $0x1082;
	s9 =	sld [smem:$0x3F9B]  }
0x2f: {  	lr =	sadd.s32 s0, s3;
	s0 =	sld [smem:$0x3F92]  }
0x30: {  	s3 =	sld [smem:$0x3F95]  }
0x31: {  	[smem:$0x3F9E] =	sst s10  }
0x32: {  	s10 =	sld [smem:$0x3F9C];
	_ =	sdelay $0x3  }
0x33: {  	p0 =	seq.s32 s10, $0x1;
	s10 =	sld [smem:$0x3F9E];
	_ =	sdelay $0x3  }
0x34: {  	[smem:$0x3F9E] =	sst s10  }
0x35: {  	s10 =	sld [smem:$0x3F9D];
	_ =	sdelay $0x3  }
0x36: {  	p1 =	seq.s32 s10, $0x1;
	s10 =	sld [smem:$0x3F9E];
	_ =	sdelay $0x3  }
0x37: {  	[smem:$0x3F9E] =	sst s10  }
0x38: {  	s10 =	sld [smem:$0x3F9F]  }
0x39: {  	_ = 	snop;
	(pc) =	sbr.ind lr, $3  }
0x3a: {  	_ = 	snop  }
0x3b: {  	_ = 	snop  }
0x3c: {  	p2 =	seq.s32 s10, $0x1;
	s10 =	sld [smem:$0x3F9E]  }
0x3d: {  	_ =	shalt  }
0x3e: {  	_ =	shalt  }
0x3f: {  	_ =	shalt  }
0x40: {  	_ =	shalt  }
0x41: {  	_ =	shalt  }
0x42: {  	_ =	shalt  }
0x43: {  	_ =	shalt  }
0x44: {  	_ =	shalt  }
0x45: {  	_ =	shalt  }
0x46: {  	_ =	shalt  }
0x47: {  	_ =	shalt  }
0x48: {  	_ =	shalt  }
0x49: {  	_ =	shalt  }
0x4a: {  	_ =	shalt  }
0x4b: {  	_ =	shalt  }
0x4c: {  	_ =	shalt  }
0x4d: {  	_ =	shalt  }
0x4e: {  	_ =	shalt  }
0x4f: {  	_ =	shalt  }
0x50: {  	_ =	shalt  }
0x51: {  	_ =	shalt  }
0x52: {  	_ =	shalt  }
0x53: {  	_ =	shalt  }
0x54: {  	_ =	shalt  }
0x55: {  	_ =	shalt  }
0x56: {  	_ =	shalt  }
0x57: {  	_ =	shalt  }
0x58: {  	_ =	shalt  }
0x59: {  	_ =	shalt  }
0x5a: {  	_ =	shalt  }
0x5b: {  	_ =	shalt  }
0x5c: {  	_ =	shalt  }
0x5d: {  	_ =	shalt  }
0x5e: {  	_ =	shalt  }
0x5f: {  	_ =	shalt  }
0x60: {  	_ =	shalt  }
0x61: {  	_ =	shalt  }
0x62: {  	_ =	shalt  }
0x63: {  	_ =	shalt  }
0x64: {  	_ =	shalt  }
0x65: {  	_ =	shalt  }
0x66: {  	_ =	shalt  }
0x67: {  	_ =	shalt  }
0x68: {  	_ =	shalt  }
0x69: {  	_ =	shalt  }
0x6a: {  	_ =	shalt  }
0x6b: {  	_ =	shalt  }
0x6c: {  	_ =	shalt  }
0x6d: {  	_ =	shalt  }
0x6e: {  	_ =	shalt  }
0x6f: {  	_ =	shalt  }
0x70: {  	_ =	shalt  }
0x71: {  	_ =	shalt  }
0x72: {  	_ =	shalt  }
0x73: {  	_ =	shalt  }
0x74: {  	_ =	shalt  }
0x75: {  	_ =	shalt  }
0x76: {  	_ =	shalt  }
0x77: {  	_ =	shalt  }
0x78: {  	_ =	shalt  }
0x79: {  	_ =	shalt  }
0x7a: {  	_ =	shalt  }
0x7b: {  	_ =	shalt  }
0x7c: {  	_ =	shalt  }
0x7d: {  	_ =	shalt  }
0x7e: {  	_ =	shalt  }
0x7f: {  	_ =	shalt  }
0x80: {  	_ =	shalt  }
0x81: {  	_ =	shalt  }
0x82: {  	_ =	shalt  }
0x83: {  	_ =	shalt  }
0x84: {  	_ =	shalt  }
0x85: {  	_ =	shalt  }
0x86: {  	_ =	shalt  }
0x87: {  	_ =	shalt  }
.Lfunc_end0:
.L_simem_size_0:
called_computation.3_lowered:
.L_overlay_start_0:
0x88: {  	s2 =	sld [smem:$0x3FD9]  }
0x89: {  	s3 =	sld [smem:$0x3FFE];
	_ =	sdelay $0x1  }
0x8a: {  	s1 =	srdreg.scid  }
0x8b: {  	s0 =	sand.u32 $0x1, s1  }
0x8c: {  	s17 =	sshll.u32 s0, $0xA;
	s2 =	sadd.s32 s3, s2  }
0x8d: {  	s2 =	sadd.s32 s2, s17  }
0x8e: {  	[smem:$0x3FAA] =	sst s2  }
0x8f: {  	_ = 	snop  }
0x90: {  	s18 =	sld [smem:$0x3FC3];
	(tm) =	ssettm $0x1  }
0x91: {  	s19 =	sld [smem:$0x3FFB];
	_ =	sdelay $0x3  }
0x92: {  	_ =	strace s19  }
0x93: {  	s2 =	sld [smem:$0x3FFC];
	_ =	sdelay $0x3  }
0x94: {  	_ =	strace s2  }
0x95: {  	s2 =	sld [smem:$0x3FFD];
	_ =	sdelay $0x3  }
0x96: {  	_ =	strace s2  }
0x97: {  	_ =	strace $0x8FFFFFFF  }
0x98: {  	s20 =	sld [smem:$0x3FDB];
	_ =	sdelay $0x1  }
0x99: {  	s4 =	simm.s32 $_scs_section_size  }
0x9a: {  	s5 =	simm.s32 $_size__tile_overlayer_lowered;
	s6 =	simm.s32 $_tile_overlayer_lowered  }
0x9b: {  	s7 =	simm.s32 $0x1BFF;
	s21 =	sshll.u32 s6, $0x1;
	s4 =	sadd.s32 s4, s20  }
0x9c: {  	s22 =	simm.s32 $0x0;
	s5 =	sshll.u32 s5, $0x1;
	s6 =	sadd.s32 s21, s4  }
0x9d: {  	[timem:s22], [sflag:s7] =	dma.local [hbm:s6], s5  }
0x9e: {  	_ =	swait.ge [sflag:s7], s5  }
0x9f: {  	s5 =	ssub.s32 $0x0, s5;
	[sflag:s7] =	ssyncset.done $0x0  }
0xa0: {  	[sflag:s7] =	ssyncadd.s32 s5;
	_ =	sdelay $0x1  }
0xa1: {  	s23 =	simm.s32 $0x1B8B  }
0xa2: {  	_ =	swait.ge [sflag:s23], $0x1  }
0xa3: {  	[sflag:s23] =	ssyncset.done $0x0  }
0xa4: {  	[sflag:s23] =	ssyncadd.s32 $0xFFFFFFFF  }
0xa5: {  	s5 =	sld [smem:$0x0]  }
0xa6: {  	s6 =	sand.u32 $0xFFFFFFFE, s1  }
0xa7: {  	p0 =	sne.s32 s1, s6  }
0xa8: {  	s6 =	sshll.u32 @p0 s6, $0xE  }
0xa9: {  	s6 =	sadd.s32 @p0 $0x11B8D, s6;
	s7 =	sshll.u32 @p0 s5, $0x11  }
0xaa: {  	s6 =	sor.u32 @p0 s7, s6  }
0xab: {  	[sflag:s6] =	ssyncadd.remote.s32 @p0 $0x1;
	_ =	sdelay $0x1  }
0xac: {  	s6 =	simm.s32 @p0 $0x1B8D  }
0xad: {  	_ =	swait.eq @p0 [sflag:s6], $0x1  }
0xae: {  	[sflag:s6] =	ssyncadd.s32 @p0 $0xFFFFFFFF  }
0xaf: {  	s7 =	sshll.u32 @!p0 s1, $0xE  }
0xb0: {  	s7 =	sor.u32 @!p0 $0x4000, s7;
	s6 =	simm.s32 @!p0 $0x1B8D  }
0xb1: {  	s5 =	sshll.u32 @!p0 s5, $0x11;
	s7 =	sadd.s32 @!p0 $0x11B8D, s7;
	_ =	swait.eq @!p0 [sflag:s6], $0x1  }
0xb2: {  	s5 =	sor.u32 @!p0 s5, s7;
	[sflag:s6] =	ssyncadd.s32 @!p0 $0xFFFFFFFF  }
0xb3: {  	s25 =	simm.s32 $0x1B8E;
	s24 =	sld [smem:$0x3FFE];
	[sflag:s5] =	ssyncadd.remote.s32 @!p0 $0x1  }
0xb4: {  	s26 =	simm.s32 $execute0_lowered;
	[smem:$0x3FD2] =	sst s25  }
0xb5: {  	s6 =	sshll.u32 s26, $0x1;
	_ =	strace $0x8000004F;
	[dreg:$0x1] =	wrdreg $0xFFFFFFFF  }
0xb6: {  	s28 =	simm.s32 $_size_execute0_lowered;
	s4 =	sadd.s32 s4, s6;
	[dreg:$0x0] =	wrdreg $0x0  }
0xb7: {  	s6 =	sshll.u32 s28, $0x1;
	[dreg:$0x2] =	wrdreg s4  }
0xb8: {  	[dreg:$0x3] =	wrdreg s6  }
0xb9: {  	[dreg:$0x4] =	wrdreg $0xC0  }
0xba: {  	_ =	task [dreg:s22], $0x5FFFF  }
0xbb: {  	[dreg:$0x1] =	wrdreg $0xFFFFFFFF  }
0xbc: {  	[dreg:$0x0] =	wrdreg $0x60  }
0xbd: {  	[dreg:$0x2] =	wrdreg s18  }
0xbe: {  	[dreg:$0x3] =	wrdreg s24  }
0xbf: {  	[dreg:$0x4] =	wrdreg $0x9  }
0xc0: {  	_ =	task.clear_ibuf [dreg:s22], $0x5FFFF;
	_ =	strace $0x9000004F  }
0xc1: {  	s29 =	simm.s32 $0x9;
	_ =	strace $0x80000051  }
0xc2: {  	_ =	swait.ge [sflag:s29], $0x1  }
0xc3: {  	[sflag:s29] =	ssyncadd.s32 $0xFFFFFFFF  }
0xc4: {  	_ =	strace $0x90000051  }
0xc5: {  	_ =	sfence  }
0xc6: {  	s30 =	sld [smem:$0x0];
	_ =	sdelay $0x2  }
0xc7: {  	s31 =	sshll.u32 s1, $0xD;
	s1 =	sshrl.u32 s1, $0x2  }
0xc8: {  	s4 =	sand.u32 $0x4000, s31;
	s1 =	sadd.s32 s1, s30  }
0xc9: {  	s0 =	sor.u32 s4, s0;
	s1 =	sshll.u32 s1, $0x11  }
0xca: {  	s0 =	sor.u32 s1, s0  }
0xcb: {  	s0 =	sadd.s32 $0x8F2B, s0  }
0xcc: {  	[sflag:s0] =	ssyncadd.remote.s32 $0x1  }
0xcd: {  	_ =	sfence.sel $0xFFFF  }
0xce: {  	[dreg:$0x0] =	wrdreg $0xFFFFFFFF;
	(pc) =	sbr.abs _section_cstart, $3  }
0xcf: {  	[dreg:$0x1] =	wrdreg $0xFFFFFFFF  }
0xd0: {  	_ =	task.clear_ibuf [dreg:s22], $0x2FFFF;
	_ =	strace $0x9FFFFFFF  }
0xd1: {  	(tm) =	ssettm $0x7FFFFFFF  }
tec
execute0_lowered:
.L_overlay_start_1:
0x0: {  	(tag) =	ssettag $0x1  }
0x1: {  	s1 =	srdreg.scid;
	s0 =	stileid.u32  }
0x2: {  	s15 =	sand.u32 $0x1, s1;
	s28 =	sshll.u32 s0, $0x1  }
0x3: {  	s2 =	rddreg [dreg:$0x0];
	s9 =	sor.u32 s15, s28  }
0x4: {  	s10 =	rddreg [dreg:$0x1];
	s14 =	smul.u32 $0x140, s9  }
0x5: {  	s3 =	simm.s32 $0x0;
	s1 =	rddreg [dreg:$0x2]  }
0x6: {  	[smem:$0x7FF] =	sst s3;
	s16 =	sadd.s32 $0xE800, s10;
	s4 =	sshrl.u32 s14, $0x3  }
0x7: {  	_ =	strace $0x80000050;
	s5 =	sadd.s32 s16, s4;
	s4 =	simm.s32 $0x2  }
0x8: {  	[tilespmem:s3], [sflag:$0x2] =	stream.linear.gather [hbm4b:s5+s3], $0x50, $0x38;
	[tilespmem:$0x2880] =	vst v63  }
0x9: {  	_ =	swait.ge [sflag:s4], $0x50  }
0xa: {  	s6 =	simm.s32 $0x50;
	[sflag:s4] =	ssyncset.done $0x0  }
0xb: {  	s7 =	simm.s32 $0x80;
	s8 =	simm.s32 $0x1;
	[sflag:s4] =	ssyncadd.s32 $0xFFFFFFB0  }
0xc: {  	[tilespmem:s7], [sflag:$0x1] =	stream.indirect.gather [hbm4b:s2+s6], $0x80, s3, s6, $0xb8;
	[tilespmem:$0x2880] =	vst v63  }
0xd: {  	s9 =	smul.u32 $0x1400, s9;
	_ =	swait.ge [sflag:s8], $0x2800  }
0xe: {  	s17 =	sadd.s32 $0x54B000, s10;
	[sflag:s8] =	ssyncset.done $0x0  }
0xf: {  	s9 =	sadd.s32 s17, s9;
	[sflag:s8] =	ssyncadd.s32 $0xFFFFD800  }
0x10: {  	[hbm4b:s9+s3] =	stream.linear.scatter [tilespmem:s7], [sflag:$0x2], $0x2800, $0x38;
	[tilespmem:$0x2880] =	vst v63  }
0x11: {  	s11 =	sadd.s32 $0x50, s14;
	_ =	swait.ge [sflag:s4], $0x2800  }
0x12: {  	s29 =	sshrl.u32 s11, $0x3;
	[sflag:s4] =	ssyncset.done $0x0  }
0x13: {  	s10 =	sadd.s32 s16, s29;
	[sflag:s4] =	ssyncadd.s32 $0xFFFFD800  }
0x14: {  	[tilespmem:s3], [sflag:$0x2] =	stream.linear.gather [hbm4b:s10+s3], $0x50, $0x38;
	[tilespmem:$0x2880] =	vst v63  }
0x15: {  	_ =	swait.ge [sflag:s4], $0x50  }
0x16: {  	[sflag:s4] =	ssyncset.done $0x0  }
0x17: {  	[sflag:s4] =	ssyncadd.s32 $0xFFFFFFB0  }
0x18: {  	[tilespmem:s7], [sflag:$0x1] =	stream.indirect.gather [hbm4b:s2+s6], $0x80, s3, s6, $0xb8;
	[tilespmem:$0x2880] =	vst v63  }
0x19: {  	_ =	swait.ge [sflag:s8], $0x2800  }
0x1a: {  	s11 =	sshll.u32 s11, $0x4;
	[sflag:s8] =	ssyncset.done $0x0  }
0x1b: {  	s11 =	sadd.s32 s17, s11;
	[sflag:s8] =	ssyncadd.s32 $0xFFFFD800  }
0x1c: {  	[hbm4b:s11+s3] =	stream.linear.scatter [tilespmem:s7], [sflag:$0x2], $0x2800, $0x38;
	[tilespmem:$0x2880] =	vst v63  }
0x1d: {  	s13 =	sadd.s32 $0xA0, s14;
	_ =	swait.ge [sflag:s4], $0x2800  }
0x1e: {  	s12 =	sshrl.u32 s13, $0x3;
	[sflag:s4] =	ssyncset.done $0x0  }
0x1f: {  	s12 =	sadd.s32 s16, s12;
	[sflag:s4] =	ssyncadd.s32 $0xFFFFD800  }
0x20: {  	[tilespmem:s3], [sflag:$0x2] =	stream.linear.gather [hbm4b:s12+s3], $0x50, $0x38;
	[tilespmem:$0x2880] =	vst v63  }
0x21: {  	_ =	swait.ge [sflag:s4], $0x50  }
0x22: {  	[sflag:s4] =	ssyncset.done $0x0  }
0x23: {  	[sflag:s4] =	ssyncadd.s32 $0xFFFFFFB0  }
0x24: {  	[tilespmem:s7], [sflag:$0x1] =	stream.indirect.gather [hbm4b:s2+s6], $0x80, s3, s6, $0xb8;
	[tilespmem:$0x2880] =	vst v63  }
0x25: {  	_ =	swait.ge [sflag:s8], $0x2800  }
0x26: {  	s13 =	sshll.u32 s13, $0x4;
	[sflag:s8] =	ssyncset.done $0x0  }
0x27: {  	s13 =	sadd.s32 s17, s13;
	[sflag:s8] =	ssyncadd.s32 $0xFFFFD800  }
0x28: {  	[hbm4b:s13+s3] =	stream.linear.scatter [tilespmem:s7], [sflag:$0x2], $0x2800, $0x38;
	[tilespmem:$0x2880] =	vst v63  }
0x29: {  	s18 =	sadd.s32 $0xF0, s14;
	_ =	swait.ge [sflag:s4], $0x2800  }
0x2a: {  	s14 =	sshrl.u32 s18, $0x3;
	[sflag:s4] =	ssyncset.done $0x0  }
0x2b: {  	s15 =	ssub.s32 $0x2, s15;
	s14 =	sadd.s32 s16, s14;
	[sflag:s4] =	ssyncadd.s32 $0xFFFFD800  }
0x2c: {  	[tilespmem:s3], [sflag:$0x2] =	stream.linear.gather [hbm4b:s14+s3], $0x50, $0x38;
	[tilespmem:$0x2880] =	vst v63  }
0x2d: {  	s30 =	sshrl.u32 s15, $0x1;
	_ =	swait.ge [sflag:s4], $0x50  }
0x2e: {  	s16 =	ssub.s32 s15, s30;
	[sflag:s4] =	ssyncset.done $0x0  }
0x2f: {  	s16 =	smax.u32 s16, $0x1;
	[sflag:s4] =	ssyncadd.s32 $0xFFFFFFB0  }
0x30: {  	[tilespmem:s7], [sflag:$0x1] =	stream.indirect.gather [hbm4b:s2+s6], $0x80, s3, s6, $0xb8;
	[tilespmem:$0x2880] =	vst v63  }
0x31: {  	p0 =	sne.s32 s16, $0x1;
	_ =	swait.ge [sflag:s8], $0x2800  }
.Ltmp0:
0x32: {  	s31 =	sshll.u32 s18, $0x4;
	[sflag:s8] =	ssyncset.done $0x0;
	(pc) =	sbr.rel @!p0 .LBB2_2-.Ltmp0, $4  }
0x33: {  	s15 =	sadd.s32 s17, s31;
	[sflag:s8] =	ssyncadd.s32 $0xFFFFD800  }
0x34: {  	[hbm4b:s15+s3] =	stream.linear.scatter [tilespmem:s7], [sflag:$0x2], $0x2800, $0x38;
	[tilespmem:$0x2880] =	vst v63  }
0x35: {  	_ =	swait.ge [sflag:s4], $0x2800  }
0x36: {  	s16 =	sadd.s32 $0xFFFFFFFF, s16;
	[sflag:s4] =	ssyncset.done $0x0  }
.LBB2_1:
0x37: {  	p0 =	sne.s32 s16, $0x1;
	s16 =	sadd.s32 $0xFFFFFFFF, s16;
	[sflag:s4] =	ssyncadd.s32 $0xFFFFD800  }
0x38: {  	[tilespmem:s3], [sflag:$0x2] =	stream.linear.gather [hbm4b:s5+s3], $0x50, $0x38;
	[tilespmem:$0x2880] =	vst v63  }
0x39: {  	_ =	swait.ge [sflag:s4], $0x50  }
0x3a: {  	[sflag:s4] =	ssyncset.done $0x0  }
0x3b: {  	[sflag:s4] =	ssyncadd.s32 $0xFFFFFFB0  }
0x3c: {  	[tilespmem:s7], [sflag:$0x1] =	stream.indirect.gather [hbm4b:s2+s6], $0x80, s3, s6, $0xb8;
	[tilespmem:$0x2880] =	vst v63  }
0x3d: {  	_ =	swait.ge [sflag:s8], $0x2800  }
0x3e: {  	[sflag:s8] =	ssyncset.done $0x0  }
0x3f: {  	[sflag:s8] =	ssyncadd.s32 $0xFFFFD800  }
0x40: {  	[hbm4b:s9+s3] =	stream.linear.scatter [tilespmem:s7], [sflag:$0x2], $0x2800, $0x38;
	[tilespmem:$0x2880] =	vst v63  }
0x41: {  	_ =	swait.ge [sflag:s4], $0x2800  }
0x42: {  	[sflag:s4] =	ssyncset.done $0x0  }
0x43: {  	[sflag:s4] =	ssyncadd.s32 $0xFFFFD800  }
0x44: {  	[tilespmem:s3], [sflag:$0x2] =	stream.linear.gather [hbm4b:s10+s3], $0x50, $0x38;
	[tilespmem:$0x2880] =	vst v63  }
0x45: {  	_ =	swait.ge [sflag:s4], $0x50  }
0x46: {  	[sflag:s4] =	ssyncset.done $0x0  }
0x47: {  	[sflag:s4] =	ssyncadd.s32 $0xFFFFFFB0  }
0x48: {  	[tilespmem:s7], [sflag:$0x1] =	stream.indirect.gather [hbm4b:s2+s6], $0x80, s3, s6, $0xb8;
	[tilespmem:$0x2880] =	vst v63  }
0x49: {  	_ =	swait.ge [sflag:s8], $0x2800  }
0x4a: {  	[sflag:s8] =	ssyncset.done $0x0  }
0x4b: {  	[sflag:s8] =	ssyncadd.s32 $0xFFFFD800  }
0x4c: {  	[hbm4b:s11+s3] =	stream.linear.scatter [tilespmem:s7], [sflag:$0x2], $0x2800, $0x38;
	[tilespmem:$0x2880] =	vst v63  }
0x4d: {  	_ =	swait.ge [sflag:s4], $0x2800  }
0x4e: {  	[sflag:s4] =	ssyncset.done $0x0  }
0x4f: {  	[sflag:s4] =	ssyncadd.s32 $0xFFFFD800  }
0x50: {  	[tilespmem:s3], [sflag:$0x2] =	stream.linear.gather [hbm4b:s12+s3], $0x50, $0x38;
	[tilespmem:$0x2880] =	vst v63  }
0x51: {  	_ =	swait.ge [sflag:s4], $0x50  }
0x52: {  	[sflag:s4] =	ssyncset.done $0x0  }
0x53: {  	[sflag:s4] =	ssyncadd.s32 $0xFFFFFFB0  }
0x54: {  	[tilespmem:s7], [sflag:$0x1] =	stream.indirect.gather [hbm4b:s2+s6], $0x80, s3, s6, $0xb8;
	[tilespmem:$0x2880] =	vst v63  }
0x55: {  	_ =	swait.ge [sflag:s8], $0x2800  }
0x56: {  	[sflag:s8] =	ssyncset.done $0x0  }
0x57: {  	[sflag:s8] =	ssyncadd.s32 $0xFFFFD800  }
0x58: {  	[hbm4b:s13+s3] =	stream.linear.scatter [tilespmem:s7], [sflag:$0x2], $0x2800, $0x38;
	[tilespmem:$0x2880] =	vst v63  }
0x59: {  	_ =	swait.ge [sflag:s4], $0x2800  }
0x5a: {  	[sflag:s4] =	ssyncset.done $0x0  }
0x5b: {  	[sflag:s4] =	ssyncadd.s32 $0xFFFFD800  }
0x5c: {  	[tilespmem:s3], [sflag:$0x2] =	stream.linear.gather [hbm4b:s14+s3], $0x50, $0x38;
	[tilespmem:$0x2880] =	vst v63  }
0x5d: {  	_ =	swait.ge [sflag:s4], $0x50  }
0x5e: {  	[sflag:s4] =	ssyncset.done $0x0  }
0x5f: {  	[sflag:s4] =	ssyncadd.s32 $0xFFFFFFB0  }
0x60: {  	[tilespmem:s7], [sflag:$0x1] =	stream.indirect.gather [hbm4b:s2+s6], $0x80, s3, s6, $0xb8;
	[tilespmem:$0x2880] =	vst v63  }
0x61: {  	_ =	swait.ge [sflag:s8], $0x2800  }
.Ltmp1:
0x62: {  	[sflag:s8] =	ssyncset.done $0x0;
	(pc) =	sbr.rel @p0 .LBB2_1-.Ltmp1, $4  }
0x63: {  	[sflag:s8] =	ssyncadd.s32 $0xFFFFD800  }
0x64: {  	[hbm4b:s15+s3] =	stream.linear.scatter [tilespmem:s7], [sflag:$0x2], $0x2800, $0x38;
	[tilespmem:$0x2880] =	vst v63  }
0x65: {  	_ =	swait.ge [sflag:s4], $0x2800  }
0x66: {  	[sflag:s4] =	ssyncset.done $0x0  }
.LBB2_2:
0x67: {  	[sflag:s4] =	ssyncadd.s32 $0xFFFFD800  }
0x68: {  	_ =	sfence.sel $0x180000  }
0x69: {  	[bflag:$0x0] =	sbarrier.arrive $0xFFFF  }
0x6a: {  	p0 =	sne.s32 s0, $0x0;
	_ =	strace $0x90000050  }
0x6b: {  	s0 =	sadd.s32 @!p0 $0x100000, s1;
	[bflag:$0x2] =	sbarrier.arrive $0xFFFF  }
0x6c: {  	[sflag:s0] =	ssyncadd.tile.s32 @!p0 $0x1;
	_ =	shalt  }
.Lfunc_end2:
_tile_overlayer_lowered:
.L_overlay_start_2:
0x6d: {  	(tag) =	ssettag $0x2  }
0x6e: {  	s0 =	rddreg [dreg:$0x0];
	s2 =	stileid.u32  }
0x6f: {  	s1 =	rddreg [dreg:$0x1];
	p0 =	sne.s32 s2, $0x0  }
0x70: {  	s3 =	rddreg [dreg:$0x2];
	[bflag:$0x3] =	sbarrier.arrive $0xFFFF;
	s2 =	simm.s32 @!p0 $0x1C02  }
0x71: {  	[timem:s3], [sflag:s2] =	dma.local @!p0 [hbm:s0], s1  }
0x72: {  	s0 =	simm.s32 @!p0 $0x2  }
0x73: {  	_ =	swait.ge @!p0 [sflag:s0], s1  }
0x74: {  	s1 =	ssub.s32 @!p0 $0x0, s1;
	[sflag:s0] =	ssyncset.done @!p0 $0x0  }
0x75: {  	[sflag:s0] =	ssyncadd.s32 @!p0 s1  }
0x76: {  	[bflag:$0x3] =	sbarrier.arrive $0xFFFF  }
0x77: {  	_ =	shalt  }

// kernel: kernel.35.cloned.1.call-start
scs
__scs_entry_jumppad:
0x0: {  	(pc) =	sbr.rel $0x88, $3  }
0x1: {  	(tag) =	ssettag $0x0;
	lr =	simm.s32 $0x1  }
0x2: {  	[smem:$0x3F83] =	sst lr;
	_ =	strace $0xD0000000  }
0x3: {  	_ = 	snop  }
0x4: {  	_ = 	snop  }
0x5: {  	_ = 	snop  }
0x6: {  	_ = 	snop  }
0x7: {  	_ = 	snop  }
__scs_overlays_trampoline_lowered:
0x8: {  	[smem:$0x3F92] =	sst s0  }
0x9: {  	[smem:$0x3F93] =	sst s1  }
0xa: {  	[smem:$0x3F94] =	sst s2  }
0xb: {  	[smem:$0x3F95] =	sst s3  }
0xc: {  	[smem:$0x3F96] =	sst s4  }
0xd: {  	[smem:$0x3F97] =	sst s5  }
0xe: {  	[smem:$0x3F98] =	sst s6  }
0xf: {  	[smem:$0x3F99] =	sst s7  }
0x10: {  	[smem:$0x3F9A] =	sst s8  }
0x11: {  	[smem:$0x3F9B] =	sst s9;
	s0 =	simm.s32 @!p0 $0x0  }
0x12: {  	s1 =	sld [smem:$0x3F81];
	s0 =	simm.s32 @p0 $0x1  }
0x13: {  	[smem:$0x3F9C] =	sst s0;
	s0 =	simm.s32 @!p1 $0x0  }
0x14: {  	s2 =	sld [smem:$0x3F80];
	s0 =	simm.s32 @p1 $0x1  }
0x15: {  	[smem:$0x3F9D] =	sst s0;
	s0 =	simm.s32 @!p2 $0x0  }
0x16: {  	s3 =	sld [smem:$0x3FDB];
	s0 =	simm.s32 @p2 $0x1  }
0x17: {  	s4 =	simm.s32 $0x1BF5;
	[smem:$0x3F9F] =	sst s0  }
0x18: {  	s0 =	sld [smem:$0x3F82];
	_ =	swait.ge [sflag:s4], $0x0  }
0x19: {  	s7 =	sld [smem:$0x3F83]  }
0x1a: {  	s8 =	sadd.s32 $0xFFFFE003, lr  }
0x1b: {  	s9 =	sadd.s32 $0xFFFFFEF7, lr;
	s5 =	simm.s32 $0xFFFFFFFF;
	p2 =	slt.u32 s8, $0xFFFFF086  }
0x1c: {  	p1 =	slt.u32 s9, $0xF7A;
	s5 =	simm.s32 @!p2 $0x0  }
0x1d: {  	s5 =	simm.s32 @p1 $0x1;
	p0 =	seq.s32 s7, s2  }
0x1e: {  	s7 =	smul.u32 @!p0 $0xF7A, s2;
	p2 =	seq.s32 @!p0 s5, $0x0  }
0x1f: {  	s9 =	smul.u32 $0xF7A, s1;
	s8 =	simm.s32 @!p0 $0x1BF5;
	p2 =	por !p2, p0  }
0x20: {  	[sflag:s8] =	ssyncset.s32 @!p0 $0xFFFFF086;
	s6 =	sadd.s32 @!p0 s3, s7;
	s7 =	simm.s32 @!p0 $0x108  }
0x21: {  	s3 =	sadd.s32 s3, s9;
	s6 =	sadd.s32 @!p0 $0x88, s6;
	s7 =	simm.s32 @p2 $0x1082  }
0x22: {  	[simem:s7], [sflag:s8] =	dma.local @!p0 [hbm:s6], $0xF7A  }
0x23: {  	s9 =	sor.u32 $0xD0000000, s2;
	s6 =	simm.s32 $0x108;
	_ =	swait.ge @!p0 [sflag:s8], $0x0  }
0x24: {  	s3 =	sadd.s32 $0x88, s3;
	s6 =	simm.s32 @!p1 $0x1082;
	[sflag:s4] =	ssyncset.s32 $0xFFFFF086  }
0x25: {  	[simem:s6], [sflag:s4] =	dma.local [hbm:s3], $0xF7A  }
0x26: {  	[smem:$0x3F83] =	sst s1;
	(tag) =	ssettag s2;
	_ =	strace s9  }
0x27: {  	s1 =	sld [smem:$0x3F93]  }
0x28: {  	s2 =	sld [smem:$0x3F94]  }
0x29: {  	s4 =	sld [smem:$0x3F96]  }
0x2a: {  	p0 =	seq.s32 s5, $0x0;
	s5 =	sld [smem:$0x3F97]  }
0x2b: {  	s6 =	sld [smem:$0x3F98]  }
0x2c: {  	s7 =	sld [smem:$0x3F99]  }
0x2d: {  	s3 =	simm.s32 $0x108;
	s8 =	sld [smem:$0x3F9A]  }
0x2e: {  	s3 =	simm.s32 @!p0 $0x1082;
	s9 =	sld [smem:$0x3F9B]  }
0x2f: {  	lr =	sadd.s32 s0, s3;
	s0 =	sld [smem:$0x3F92]  }
0x30: {  	s3 =	sld [smem:$0x3F95]  }
0x31: {  	[smem:$0x3F9E] =	sst s10  }
0x32: {  	s10 =	sld [smem:$0x3F9C];
	_ =	sdelay $0x3  }
0x33: {  	p0 =	seq.s32 s10, $0x1;
	s10 =	sld [smem:$0x3F9E];
	_ =	sdelay $0x3  }
0x34: {  	[smem:$0x3F9E] =	sst s10  }
0x35: {  	s10 =	sld [smem:$0x3F9D];
	_ =	sdelay $0x3  }
0x36: {  	p1 =	seq.s32 s10, $0x1;
	s10 =	sld [smem:$0x3F9E];
	_ =	sdelay $0x3  }
0x37: {  	[smem:$0x3F9E] =	sst s10  }
0x38: {  	s10 =	sld [smem:$0x3F9F]  }
0x39: {  	_ = 	snop;
	(pc) =	sbr.ind lr, $3  }
0x3a: {  	_ = 	snop  }
0x3b: {  	_ = 	snop  }
0x3c: {  	p2 =	seq.s32 s10, $0x1;
	s10 =	sld [smem:$0x3F9E]  }
0x3d: {  	_ =	shalt  }
0x3e: {  	_ =	shalt  }
0x3f: {  	_ =	shalt  }
0x40: {  	_ =	shalt  }
0x41: {  	_ =	shalt  }
0x42: {  	_ =	shalt  }
0x43: {  	_ =	shalt  }
0x44: {  	_ =	shalt  }
0x45: {  	_ =	shalt  }
0x46: {  	_ =	shalt  }
0x47: {  	_ =	shalt  }
0x48: {  	_ =	shalt  }
0x49: {  	_ =	shalt  }
0x4a: {  	_ =	shalt  }
0x4b: {  	_ =	shalt  }
0x4c: {  	_ =	shalt  }
0x4d: {  	_ =	shalt  }
0x4e: {  	_ =	shalt  }
0x4f: {  	_ =	shalt  }
0x50: {  	_ =	shalt  }
0x51: {  	_ =	shalt  }
0x52: {  	_ =	shalt  }
0x53: {  	_ =	shalt  }
0x54: {  	_ =	shalt  }
0x55: {  	_ =	shalt  }
0x56: {  	_ =	shalt  }
0x57: {  	_ =	shalt  }
0x58: {  	_ =	shalt  }
0x59: {  	_ =	shalt  }
0x5a: {  	_ =	shalt  }
0x5b: {  	_ =	shalt  }
0x5c: {  	_ =	shalt  }
0x5d: {  	_ =	shalt  }
0x5e: {  	_ =	shalt  }
0x5f: {  	_ =	shalt  }
0x60: {  	_ =	shalt  }
0x61: {  	_ =	shalt  }
0x62: {  	_ =	shalt  }
0x63: {  	_ =	shalt  }
0x64: {  	_ =	shalt  }
0x65: {  	_ =	shalt  }
0x66: {  	_ =	shalt  }
0x67: {  	_ =	shalt  }
0x68: {  	_ =	shalt  }
0x69: {  	_ =	shalt  }
0x6a: {  	_ =	shalt  }
0x6b: {  	_ =	shalt  }
0x6c: {  	_ =	shalt  }
0x6d: {  	_ =	shalt  }
0x6e: {  	_ =	shalt  }
0x6f: {  	_ =	shalt  }
0x70: {  	_ =	shalt  }
0x71: {  	_ =	shalt  }
0x72: {  	_ =	shalt  }
0x73: {  	_ =	shalt  }
0x74: {  	_ =	shalt  }
0x75: {  	_ =	shalt  }
0x76: {  	_ =	shalt  }
0x77: {  	_ =	shalt  }
0x78: {  	_ =	shalt  }
0x79: {  	_ =	shalt  }
0x7a: {  	_ =	shalt  }
0x7b: {  	_ =	shalt  }
0x7c: {  	_ =	shalt  }
0x7d: {  	_ =	shalt  }
0x7e: {  	_ =	shalt  }
0x7f: {  	_ =	shalt  }
0x80: {  	_ =	shalt  }
0x81: {  	_ =	shalt  }
0x82: {  	_ =	shalt  }
0x83: {  	_ =	shalt  }
0x84: {  	_ =	shalt  }
0x85: {  	_ =	shalt  }
0x86: {  	_ =	shalt  }
0x87: {  	_ =	shalt  }
.Lfunc_end0:
.L_simem_size_0:
called_computation.4_lowered:
.L_overlay_start_0:
0x88: {  	s2 =	sld [smem:$0x3FD9]  }
0x89: {  	s3 =	sld [smem:$0x3FFE];
	_ =	sdelay $0x1  }
0x8a: {  	s1 =	srdreg.scid  }
0x8b: {  	s0 =	sand.u32 $0x1, s1  }
0x8c: {  	s15 =	sshll.u32 s0, $0xA;
	s2 =	sadd.s32 s3, s2  }
0x8d: {  	s2 =	sadd.s32 s2, s15  }
0x8e: {  	[smem:$0x3FAA] =	sst s2  }
0x8f: {  	_ = 	snop  }
0x90: {  	s2 =	sld [smem:$0x3FD0];
	_ =	sdelay $0x2  }
0x91: {  	s4 =	simm.s32 $0xD;
	s5 =	simm.s32 $0x10;
	s16 =	sld [smem:$0x3FC4]  }
0x92: {  	[smem:s5], [sflag:s4] =	dma.local [hbm:s2], $0x1  }
0x93: {  	_ =	swait.eq [sflag:s4], $0x1  }
0x94: {  	[sflag:s4] =	ssyncset.done $0x0  }
0x95: {  	[sflag:s4] =	ssyncadd.s32 $0xFFFFFFFF  }
0x96: {  	s17 =	sld [smem:$0x11];
	(tm) =	ssettm $0x1  }
0x97: {  	s18 =	sld [smem:$0x3FFB];
	_ =	sdelay $0x3  }
0x98: {  	_ =	strace s18  }
0x99: {  	s2 =	sld [smem:$0x3FFC];
	_ =	sdelay $0x3  }
0x9a: {  	_ =	strace s2  }
0x9b: {  	s2 =	sld [smem:$0x3FFD];
	_ =	sdelay $0x3  }
0x9c: {  	_ =	strace s2  }
0x9d: {  	_ =	strace $0x8FFFFFFF  }
0x9e: {  	s19 =	sld [smem:$0x3FDB];
	_ =	sdelay $0x1  }
0x9f: {  	s20 =	simm.s32 $_scs_section_size  }
0xa0: {  	s6 =	simm.s32 $_size__tile_overlayer_lowered;
	s7 =	simm.s32 $_tile_overlayer_lowered  }
0xa1: {  	s8 =	simm.s32 $0x1BFF;
	s21 =	sshll.u32 s7, $0x1;
	s5 =	sadd.s32 s20, s19  }
0xa2: {  	s22 =	simm.s32 $0x0;
	s6 =	sshll.u32 s6, $0x1;
	s7 =	sadd.s32 s21, s5  }
0xa3: {  	[timem:s22], [sflag:s8] =	dma.local [hbm:s7], s6  }
0xa4: {  	_ =	swait.ge [sflag:s8], s6  }
0xa5: {  	s6 =	ssub.s32 $0x0, s6;
	[sflag:s8] =	ssyncset.done $0x0  }
0xa6: {  	[sflag:s8] =	ssyncadd.s32 s6;
	_ =	sdelay $0x1  }
0xa7: {  	s23 =	simm.s32 $0x1B8B  }
0xa8: {  	_ =	swait.ge [sflag:s23], $0x1  }
0xa9: {  	[sflag:s23] =	ssyncset.done $0x0  }
0xaa: {  	[sflag:s23] =	ssyncadd.s32 $0xFFFFFFFF  }
0xab: {  	s6 =	sld [smem:$0x0]  }
0xac: {  	s7 =	sand.u32 $0xFFFFFFFE, s1  }
0xad: {  	p0 =	sne.s32 s1, s7  }
0xae: {  	s7 =	sshll.u32 @p0 s7, $0xE  }
0xaf: {  	s7 =	sadd.s32 @p0 $0x11B8D, s7;
	s8 =	sshll.u32 @p0 s6, $0x11  }
0xb0: {  	s7 =	sor.u32 @p0 s8, s7  }
0xb1: {  	[sflag:s7] =	ssyncadd.remote.s32 @p0 $0x1;
	_ =	sdelay $0x1  }
0xb2: {  	s7 =	simm.s32 @p0 $0x1B8D  }
0xb3: {  	_ =	swait.eq @p0 [sflag:s7], $0x1  }
0xb4: {  	[sflag:s7] =	ssyncadd.s32 @p0 $0xFFFFFFFF  }
0xb5: {  	s8 =	sshll.u32 @!p0 s1, $0xE  }
0xb6: {  	s8 =	sor.u32 @!p0 $0x4000, s8;
	s7 =	simm.s32 @!p0 $0x1B8D  }
0xb7: {  	s6 =	sshll.u32 @!p0 s6, $0x11;
	s8 =	sadd.s32 @!p0 $0x11B8D, s8;
	_ =	swait.eq @!p0 [sflag:s7], $0x1  }
0xb8: {  	s6 =	sor.u32 @!p0 s6, s8;
	[sflag:s7] =	ssyncadd.s32 @!p0 $0xFFFFFFFF  }
0xb9: {  	s25 =	simm.s32 $0x1B8E;
	s24 =	sld [smem:$0x3FFE];
	[sflag:s6] =	ssyncadd.remote.s32 @!p0 $0x1  }
0xba: {  	s26 =	simm.s32 $execute0_lowered;
	[smem:$0x3FD2] =	sst s25  }
0xbb: {  	s7 =	sshll.u32 s26, $0x1;
	_ =	strace $0x80000052;
	[dreg:$0x1] =	wrdreg $0xFFFFFFFF  }
0xbc: {  	s28 =	simm.s32 $_size_execute0_lowered;
	s5 =	sadd.s32 s5, s7;
	[dreg:$0x0] =	wrdreg $0x0  }
0xbd: {  	s7 =	sshll.u32 s28, $0x1;
	[dreg:$0x2] =	wrdreg s5  }
0xbe: {  	[dreg:$0x3] =	wrdreg s7  }
0xbf: {  	[dreg:$0x4] =	wrdreg $0xC0  }
0xc0: {  	_ =	task [dreg:s22], $0x5FFFF  }
0xc1: {  	[dreg:$0x1] =	wrdreg $0xFFFFFFFF  }
0xc2: {  	[dreg:$0x0] =	wrdreg $0x60  }
0xc3: {  	[dreg:$0x2] =	wrdreg s24  }
0xc4: {  	[dreg:$0x3] =	wrdreg s16  }
0xc5: {  	[dreg:$0x4] =	wrdreg s17  }
0xc6: {  	[dreg:$0x5] =	wrdreg $0xA1800  }
0xc7: {  	[dreg:$0x6] =	wrdreg $0x1DA000  }
0xc8: {  	[dreg:$0x7] =	wrdreg $0xA  }
0xc9: {  	_ =	task.clear_ibuf [dreg:s22], $0x8FFFF;
	_ =	strace $0x90000052  }
0xca: {  	s29 =	simm.s32 $0xA;
	_ =	strace $0x80000054  }
0xcb: {  	_ =	swait.ge [sflag:s29], $0x1  }
0xcc: {  	[sflag:s29] =	ssyncadd.s32 $0xFFFFFFFF  }
0xcd: {  	_ =	strace $0x90000054  }
0xce: {  	_ =	sfence  }
0xcf: {  	s30 =	sld [smem:$0x0];
	_ =	sdelay $0x2  }
0xd0: {  	s31 =	sshll.u32 s1, $0xD;
	s1 =	sshrl.u32 s1, $0x2  }
0xd1: {  	s4 =	sand.u32 $0x4000, s31;
	s1 =	sadd.s32 s1, s30  }
0xd2: {  	s0 =	sor.u32 s4, s0;
	s1 =	sshll.u32 s1, $0x11  }
0xd3: {  	s0 =	sor.u32 s1, s0  }
0xd4: {  	s0 =	sadd.s32 $0x8F2B, s0  }
0xd5: {  	[sflag:s0] =	ssyncadd.remote.s32 $0x1  }
0xd6: {  	_ =	sfence.sel $0xFFFF  }
0xd7: {  	[dreg:$0x0] =	wrdreg $0xFFFFFFFF;
	(pc) =	sbr.abs _section_cstart, $3  }
0xd8: {  	[dreg:$0x1] =	wrdreg $0xFFFFFFFF  }
0xd9: {  	_ =	task.clear_ibuf [dreg:s22], $0x2FFFF;
	_ =	strace $0x9FFFFFFF  }
0xda: {  	(tm) =	ssettm $0x7FFFFFFF  }
0xdb: {  	_ =	shalt  }
tec
execute0_lowered:
.L_overlay_start_1:
0x0: {  	(tag) =	ssettag $0x1  }
0x1: {  	s0 =	rddreg [dreg:$0x0]  }
0x2: {  	s1 =	rddreg [dreg:$0x1]  }
0x3: {  	s5 =	rddreg [dreg:$0x2]  }
0x4: {  	s2 =	rddreg [dreg:$0x3]  }
0x5: {  	s3 =	rddreg [dreg:$0x4];
	s4 =	simm.s32 $0x0;
	s6 =	srdreg.scid  }
0x6: {  	s25 =	stileid.u32;
	s19 =	simm.s32 $0xA000;
	s20 =	simm.s32 $0xA080  }
0x7: {  	s21 =	simm.s32 $0xA100;
	s22 =	simm.s32 $0x1;
	s23 =	simm.s32 $0x50  }
0x8: {  	s24 =	simm.s32 $0x2800;
	s28 =	simm.s32 $0x2;
	s29 =	simm.s32 $0x7800  }
0x9: {  	s30 =	simm.s32 $0x0;
	[smem:$0x7FF] =	sst s4;
	s14 =	sand.u32 $0x1, s6  }
0xa: {  	s6 =	sadd.s32 $0x69000, s0;
	s13 =	smul.u32 $0x1F400, s25;
	s7 =	sadd.s32 $0x57CE00, s0  }
0xb: {  	s8 =	sadd.s32 $0x573000, s0;
	s9 =	sadd.s32 $0xF200, s0;
	s10 =	sadd.s32 $0x37200, s0  }
0xc: {  	s11 =	sadd.s32 $0x586C00, s0;
	s17 =	sshll.u32 s25, $0x1;
	s18 =	smul.u32 $0x7D000, s25  }
0xd: {  	p0 =	sne.s32 s25, $0x0;
	p1 =	sgt.u32 s25, $0x9;
	s12 =	smul.u32 $0x138800, s14  }
0xe: {  	_ =	strace $0x80000053;
	s15 =	ssub.s32 $0x2, s14;
	s26 =	sor.u32 s14, s17  }
0xf: {  	s14 =	sshll.u32 s14, $0x8;
	s17 =	sshrl.u32 @!p0 s2, $0x3;
	p2 =	sne.s32 @!p1 s25, $0x0  }
0x10: {  	s16 =	sshrl.u32 s15, $0x1;
	s31 =	sshrl.u32 s18, $0x2;
	s13 =	sadd.s32 s13, s12  }
0x11: {  	s5 =	sadd.s32 s5, s14;
	s18 =	sshrl.u32 @!p0 s3, $0x3;
	s13 =	sshrl.u32 s13, $0x3  }
0x12: {  	p2 =	por p2, p1;
	s12 =	sadd.s32 $0x5FC000, s0;
	s0 =	sadd.s32 s13, s0  }
0x13: {  	s15 =	ssub.s32 s15, s16;
	[dreg:$0x7] =	wrdreg s5;
	s0 =	sadd.s32 $0x5ADE00, s0  }
0x14: {  	s16 =	smax.u32 s15, $0x1;
	[dreg:$0x6] =	wrdreg s0;
	s0 =	sadd.s32 s31, s2  }
0x15: {  	s13 =	smul.u32 $0x2710, s26;
	s26 =	simm.s32 $0x5000;
	s25 =	sshrl.u32 @!p1 s0, $0x3  }
.LBB2_1:
0x16: {  	s0 =	simm.s32 @!p0 $0x1C03;
	s5 =	simm.s32 @!p0 $0x3  }
0x17: {  	[spmem:s17], [sflag:s0] =	dma.local @!p0 [hbm:s11], $0x27100  }
0x18: {  	_ =	swait.ge @!p0 [sflag:s5], $0x27100  }
0x19: {  	[sflag:s5] =	ssyncset.done @!p0 $0x0  }
0x1a: {  	[sflag:s5] =	ssyncadd.s32 @!p0 $0xFFFD8F00  }
0x1b: {  	[spmem:s18], [sflag:s0] =	dma.local @!p0 [hbm:s11], $0x100  }
0x1c: {  	_ =	swait.ge @!p0 [sflag:s5], $0x100  }
0x1d: {  	[sflag:s5] =	ssyncset.done @!p0 $0x0  }
0x1e: {  	[sflag:s5] =	ssyncadd.s32 @!p0 $0xFFFFFF00  }
0x1f: {  	s31 =	simm.s32 $0x0;
	[bflag:$0x0] =	sbarrier.arrive $0xFFFF  }
.LBB2_2:
0x20: {  	s0 =	smul.u32 $0x50, s31;
	_ =	sdelay $0x1  }
0x21: {  	s0 =	sadd.s32 s13, s0  }
0x22: {  	s5 =	sshrl.u32 s0, $0x3  }
0x23: {  	s15 =	simm.s32 $0x0;
	s14 =	sadd.s32 s7, s5  }
0x24: {  	[tilespmem:s19], [sflag:$0x1] =	stream.linear.gather [hbm4b:s14+s15], $0x50, $0x38;
	[tilespmem:$0x1DA80] =	vst v63  }
0x25: {  	s14 =	sadd.s32 s8, s5  }
0x26: {  	[tilespmem:s20], [sflag:$0x1] =	stream.linear.gather [hbm4b:s14+s15], $0x50, $0x38;
	[tilespmem:$0x1DA80] =	vst v63  }
0x27: {  	s0 =	sshll.u32 s0, $0x4;
	s5 =	sadd.s32 s1, s5  }
0x28: {  	[tilespmem:s21], [sflag:$0x1] =	stream.linear.gather [hbm4b:s5+s15], $0x50, $0x38;
	[tilespmem:$0x1DA80] =	vst v63  }
0x29: {  	s14 =	sadd.s32 s6, s0  }
0x2a: {  	[tilespmem:s15], [sflag:$0x1] =	stream.linear.gather [hbm4b:s14+s15], $0x2800, $0x38;
	[tilespmem:$0x1DA80] =	vst v63  }
0x2b: {  	_ =	swait.ge [sflag:s22], $0x50  }
0x2c: {  	[sflag:s22] =	ssyncset.done $0x0  }
0x2d: {  	[sflag:s22] =	ssyncadd.s32 $0xFFFFFFB0  }
0x2e: {  	_ =	swait.ge [sflag:s22], $0x50  }
0x2f: {  	[sflag:s22] =	ssyncset.done $0x0  }
0x30: {  	[sflag:s22] =	ssyncadd.s32 $0xFFFFFFB0  }
0x31: {  	_ =	swait.ge [sflag:s22], $0x50  }
0x32: {  	[sflag:s22] =	ssyncset.done $0x0  }
0x33: {  	[sflag:s22] =	ssyncadd.s32 $0xFFFFFFB0  }
0x34: {  	_ =	swait.ge [sflag:s22], $0x2800  }
0x35: {  	[sflag:s22] =	ssyncset.done $0x0  }
0x36: {  	[sflag:s22] =	ssyncadd.s32 $0xFFFFD800  }
0x37: {  	[tilespmem:s24], [sflag:$0x1] =	stream.indirect.gather [hbm4b:s9+s23], $0x80, s19, s23, $0xb8;
	[tilespmem:$0x1DA80] =	vst v63  }
0x38: {  	_ = 	snop  }
0x39: {  	[tilespmem:s26], [sflag:$0x2] =	stream.indirect.gather [hbm4b:s10+s23], $0x80, s20, s23, $0xb8;
	[tilespmem:$0x1DA80] =	vst v63  }
0x3a: {  	_ =	swait.ge [sflag:s22], $0x2800  }
0x3b: {  	[sflag:s22] =	ssyncset.done $0x0  }
0x3c: {  	[sflag:s22] =	ssyncadd.s32 $0xFFFFD800  }
0x3d: {  	_ =	swait.ge [sflag:s28], $0x2800  }
0x3e: {  	[sflag:s28] =	ssyncset.done $0x0  }
0x3f: {  	s5 =	simm.s32 $0x0;
	[sflag:s28] =	ssyncadd.s32 $0xFFFFD800  }
0x40: {  	v0 =	vld [tilespmem:s5+$0x70]  }
0x41: {  	v1 =	vld [tilespmem:s5+$0x2870]  }
0x42: {  	v2 =	vld [tilespmem:s5+$0x0]  }
0x43: {  	v3 =	vld [tilespmem:s5+$0x5070]  }
0x44: {  	v4 =	vld [tilespmem:s5+$0x2800]  }
0x45: {  	v5 =	vld [tilespmem:s5+$0x10]  }
0x46: {  	v6 =	vld [tilespmem:s5+$0x2810]  }
0x47: {  	v7 =	vld [tilespmem:s5+$0x2820]  }
0x48: {  	v9 =	vld [tilespmem:s5+$0x2830]  }
0x49: {  	v10 =	vld [tilespmem:s5+$0x40]  }
0x4a: {  	v11 =	vld [tilespmem:s5+$0x50]  }
0x4b: {  	v12 =	vld [tilespmem:s5+$0x2850]  }
0x4c: {  	v13 =	vld [tilespmem:s5+$0x60];
	v0 =	vadd.f32 v1, v0  }
0x4d: {  	v14 =	vld [tilespmem:s5+$0x2860]  }
0x4e: {  	v15 =	vld [tilespmem:s5+$0x5000];
	v0 =	vadd.f32 v3, v0  }
0x4f: {  	v1 =	vld [tilespmem:s5+$0x20]  }
0x50: {  	v3 =	vld [tilespmem:s5+$0x30];
	v0 =	vmax.f32 v0, $0.0e+00  }
0x51: {  	[tilespmem:s5+$0x7870] =	vst v0;
	v0 =	vld [tilespmem:s5+$0x2840]  }
0x52: {  	v16 =	vld [tilespmem:s5+$0x5010]  }
0x53: {  	v17 =	vld [tilespmem:s5+$0x5020]  }
0x54: {  	v8 =	vld [tilespmem:s5+$0x5030];
	v2 =	vadd.f32 v4, v2;
	v18 =	vadd.f32 v6, v5  }
0x55: {  	v19 =	vadd.f32 v7, v1;
	v7 =	vld [tilespmem:s5+$0x5040];
	v4 =	vadd.f32 v9, v3  }
0x56: {  	v6 =	vld [tilespmem:s5+$0x5050];
	v3 =	vadd.f32 v0, v10;
	v10 =	vadd.f32 v15, v2  }
0x57: {  	s14 =	simm.s32 $0x80;
	v5 =	vld [tilespmem:s5+$0x5060];
	v9 =	vadd.f32 v16, v18;
	v2 =	vadd.f32 v12, v11  }
0x58: {  	s15 =	simm.s32 $0x400;
	v1 =	vld [tilespmem:s14+$0x70];
	v0 =	vadd.f32 v14, v13;
	v11 =	vmax.f32 v10, $0.0e+00;
	v10 =	vadd.f32 v17, v19  }
.LBB2_3:
0x59: {  	p3 =	sne.s32 s15, $0x9E00;
	v12 =	vld [tilespmem:s14+$0x2870];
	[tilespmem:s5+$0x7800] =	vst v11;
	v9 =	vmax.f32 v9, $0.0e+00;
	v4 =	vadd.f32 v8, v4  }
0x5a: {  	v8 =	vld [tilespmem:s14+$0x0];
	[tilespmem:s5+$0x7810] =	vst v9;
	v9 =	vmax.f32 v10, $0.0e+00;
	v3 =	vadd.f32 v7, v3  }
0x5b: {  	v7 =	vld [tilespmem:s14+$0x5070];
	[tilespmem:s5+$0x7820] =	vst v9;
	v4 =	vmax.f32 v4, $0.0e+00;
	v2 =	vadd.f32 v6, v2  }
0x5c: {  	v6 =	vld [tilespmem:s14+$0x2800];
	[tilespmem:s5+$0x7830] =	vst v4;
	v3 =	vmax.f32 v3, $0.0e+00;
	v0 =	vadd.f32 v5, v0  }
0x5d: {  	v4 =	vld [tilespmem:s14+$0x10];
	[tilespmem:s5+$0x7840] =	vst v3;
	v2 =	vmax.f32 v2, $0.0e+00  }
0x5e: {  	v3 =	vld [tilespmem:s14+$0x2810];
	v1 =	vadd.f32 v12, v1;
	[tilespmem:s5+$0x7850] =	vst v2;
	v0 =	vmax.f32 v0, $0.0e+00  }
0x5f: {  	v2 =	vld [tilespmem:s14+$0x20];
	[tilespmem:s5+$0x7860] =	vst v0;
	s5 =	smov.u32 s14  }
0x60: {  	v0 =	vld [tilespmem:s5+$0x2820];
	v1 =	vadd.f32 v7, v1  }
0x61: {  	v5 =	vadd.f32 v6, v8;
	v6 =	vld [tilespmem:s5+$0x30]  }
0x62: {  	v7 =	vld [tilespmem:s5+$0x2830];
	v1 =	vmax.f32 v1, $0.0e+00  }
0x63: {  	v9 =	vadd.f32 v3, v4;
	v3 =	vld [tilespmem:s5+$0x40];
	[tilespmem:s5+$0x7870] =	vst v1  }
0x64: {  	v1 =	vld [tilespmem:s5+$0x2840]  }
0x65: {  	v10 =	vadd.f32 v0, v2;
	v0 =	vld [tilespmem:s5+$0x50]  }
0x66: {  	v2 =	vld [tilespmem:s5+$0x2850]  }
0x67: {  	v4 =	vadd.f32 v7, v6;
	v6 =	vld [tilespmem:s5+$0x60]  }
0x68: {  	v11 =	vld [tilespmem:s5+$0x2860]  }
0x69: {  	v12 =	vld [tilespmem:s5+$0x5000];
	v3 =	vadd.f32 v1, v3  }
0x6a: {  	v1 =	vld [tilespmem:s5+$0x5010]  }
0x6b: {  	v13 =	vld [tilespmem:s5+$0x5020];
	v2 =	vadd.f32 v2, v0  }
.Ltmp0:
0x6c: {  	v8 =	vld [tilespmem:s5+$0x5030];
	(pc) =	sbr.rel @p3 .LBB2_3-.Ltmp0, $4  }
0x6d: {  	v7 =	vld [tilespmem:s5+$0x5040];
	v0 =	vadd.f32 v11, v6  }
0x6e: {  	v11 =	vadd.f32 v12, v5;
	v6 =	vld [tilespmem:s5+$0x5050]  }
0x6f: {  	s14 =	sshra.s32 s15, $0x2;
	v9 =	vadd.f32 v1, v9;
	v5 =	vld [tilespmem:s5+$0x5060]  }
0x70: {  	s15 =	sadd.s32 $0x200, s15;
	v1 =	vld [tilespmem:s14+$0x70];
	v11 =	vmax.f32 v11, $0.0e+00;
	v10 =	vadd.f32 v13, v10  }
0x71: {  	v12 =	vld [tilespmem:s14+$0x2870];
	[tilespmem:s5+$0x7800] =	vst v11;
	v9 =	vmax.f32 v9, $0.0e+00;
	v4 =	vadd.f32 v8, v4  }
0x72: {  	v11 =	vld [tilespmem:s14+$0x0];
	[tilespmem:s5+$0x7810] =	vst v9;
	v41 =	vmax.f32 v10, $0.0e+00;
	v3 =	vadd.f32 v7, v3  }
0x73: {  	v9 =	vld [tilespmem:s14+$0x5070];
	[tilespmem:s5+$0x7820] =	vst v41;
	v4 =	vmax.f32 v4, $0.0e+00;
	v2 =	vadd.f32 v6, v2  }
0x74: {  	v42 =	vld [tilespmem:s14+$0x2800];
	[tilespmem:s5+$0x7830] =	vst v4;
	v3 =	vmax.f32 v3, $0.0e+00;
	v0 =	vadd.f32 v5, v0  }
0x75: {  	v4 =	vld [tilespmem:s14+$0x10];
	[tilespmem:s5+$0x7840] =	vst v3;
	v2 =	vmax.f32 v2, $0.0e+00  }
0x76: {  	v3 =	vld [tilespmem:s14+$0x2810];
	[tilespmem:s5+$0x7850] =	vst v2;
	v0 =	vmax.f32 v0, $0.0e+00  }
0x77: {  	v2 =	vld [tilespmem:s14+$0x20];
	[tilespmem:s5+$0x7860] =	vst v0  }
0x78: {  	v0 =	vld [tilespmem:s14+$0x2820]  }
0x79: {  	v43 =	vld [tilespmem:s14+$0x30]  }
0x7a: {  	v44 =	vld [tilespmem:s14+$0x2830]  }
0x7b: {  	v8 =	vld [tilespmem:s14+$0x40]  }
0x7c: {  	v45 =	vld [tilespmem:s14+$0x2840]  }
0x7d: {  	v46 =	vld [tilespmem:s14+$0x50]  }
0x7e: {  	v47 =	vld [tilespmem:s14+$0x2850]  }
0x7f: {  	v48 =	vld [tilespmem:s14+$0x60]  }
0x80: {  	v13 =	vld [tilespmem:s14+$0x2860]  }
0x81: {  	v14 =	vld [tilespmem:s14+$0x5000]  }
0x82: {  	v15 =	vld [tilespmem:s14+$0x5010]  }
0x83: {  	v1 =	vadd.f32 v12, v1;
	v16 =	vld [tilespmem:s14+$0x5020]  }
0x84: {  	v49 =	vld [tilespmem:s14+$0x5030];
	v7 =	vadd.f32 v42, v11  }
0x85: {  	v1 =	vadd.f32 v9, v1;
	v50 =	vld [tilespmem:s14+$0x5040];
	v3 =	vadd.f32 v3, v4  }
0x86: {  	v52 =	vld [tilespmem:s14+$0x5050];
	v0 =	vadd.f32 v0, v2;
	v51 =	vadd.f32 v14, v7  }
0x87: {  	v53 =	vld [tilespmem:s14+$0x5060];
	v1 =	vmax.f32 v1, $0.0e+00;
	v5 =	vadd.f32 v44, v43;
	v3 =	vadd.f32 v15, v3  }
0x88: {  	[tilespmem:s14+$0x7870] =	vst v1;
	v1 =	vadd.f32 v45, v8;
	v0 =	vadd.f32 v16, v0;
	v2 =	vmax.f32 v51, $0.0e+00  }
0x89: {  	v54 =	vadd.f32 v47, v46;
	v55 =	vmax.f32 v3, $0.0e+00;
	v56 =	vadd.f32 v49, v5;
	[tilespmem:s14+$0x7800] =	vst v2  }
0x8a: {  	v57 =	vadd.f32 v13, v48;
	v1 =	vadd.f32 v50, v1;
	[tilespmem:s14+$0x7810] =	vst v55;
	v0 =	vmax.f32 v0, $0.0e+00  }
0x8b: {  	v59 =	vadd.f32 v52, v54;
	v58 =	vmax.f32 v56, $0.0e+00;
	[tilespmem:s14+$0x7820] =	vst v0  }
0x8c: {  	v61 =	vadd.f32 v53, v57;
	v60 =	vmax.f32 v1, $0.0e+00;
	[tilespmem:s14+$0x7830] =	vst v58  }
0x8d: {  	v62 =	vmax.f32 v59, $0.0e+00;
	[tilespmem:s14+$0x7840] =	vst v60  }
0x8e: {  	v63 =	vmax.f32 v61, $0.0e+00;
	[tilespmem:s14+$0x7850] =	vst v62  }
0x8f: {  	s0 =	sadd.s32 s12, s0;
	[tilespmem:s14+$0x7860] =	vst v63  }
0x90: {  	[hbm4b:s0+s4] =	stream.linear.scatter [tilespmem:s29], [sflag:$0x1], $0x2800, $0x38;
	[tilespmem:$0x1DA80] =	vst v63  }
0x91: {  	_ = 	snop  }
0x92: {  	[spmem:s2] =	stream.indirect.scatter.add.f32 [tilespmem:s29], [sflag:$0x2], $0x80, s20, s23, $0xb8;
	[tilespmem:$0x1DA80] =	vst v63  }
0x93: {  	_ = 	snop  }
0x94: {  	[spmem:s3] =	stream.indirect.scatter.add.f32 [tilespmem:s29], [sflag:$0x2], $0x80, s21, s23, $0xb8;
	[tilespmem:$0x1DA80] =	vst v63  }
0x95: {  	_ =	swait.ge [sflag:s22], $0x2800  }
0x96: {  	[sflag:s22] =	ssyncset.done $0x0  }
0x97: {  	s31 =	sadd.s32 $0x1, s31;
	[sflag:s22] =	ssyncadd.s32 $0xFFFFD800  }
0x98: {  	p3 =	sne.s32 s31, $0x7D;
	_ =	swait.ge [sflag:s28], $0x2800  }
.Ltmp1:
0x99: {  	[sflag:s28] =	ssyncset.done $0x0;
	(pc) =	sbr.rel @p3 .LBB2_2-.Ltmp1, $4  }
0x9a: {  	[sflag:s28] =	ssyncadd.s32 $0xFFFFD800  }
0x9b: {  	_ =	swait.ge [sflag:s28], $0x2800  }
0x9c: {  	[sflag:s28] =	ssyncset.done $0x0  }
0x9d: {  	[sflag:s28] =	ssyncadd.s32 $0xFFFFD800  }
0x9e: {  	s0 =	stileid.u32  }
0x9f: {  	[bflag:$0x0] =	sbarrier.arrive $0xFFFF;
	s0 =	sshll.u32 @!p1 s0, $0x6  }
0xa0: {  	s5 =	rddreg [dreg:$0x6];
	s0 =	sor.u32 @!p1 $0x1C03, s0  }
0xa1: {  	[hbm:s5], [sflag:s0] =	dma.local @!p1 [spmem:s25], $0x3E80  }
0xa2: {  	s0 =	simm.s32 @!p1 $0x3  }
0xa3: {  	s30 =	sadd.s32 $0x1, s30;
	_ =	swait.ge @!p1 [sflag:s0], $0x3E80  }
0xa4: {  	p3 =	sne.s32 s30, s16;
	s5 =	simm.s32 @!p2 $0x1C03;
	[sflag:s0] =	ssyncset.done @!p1 $0x0  }
0xa5: {  	s14 =	rddreg [dreg:$0x7];
	[sflag:s0] =	ssyncadd.s32 @!p1 $0xFFFFC180;
	s0 =	sshrl.u32 @!p2 s3, $0x3  }
0xa6: {  	[hbm:s14], [sflag:s5] =	dma.local @!p2 [spmem:s0], $0x100  }
.Ltmp2:
0xa7: {  	_ = 	snop;
	(pc) =	sbr.rel @p3 .LBB2_1-.Ltmp2, $4  }
0xa8: {  	s0 =	simm.s32 @!p2 $0x3  }
0xa9: {  	_ =	swait.ge @!p2 [sflag:s0], $0x100  }
0xaa: {  	[sflag:s0] =	ssyncset.done @!p2 $0x0  }
0xab: {  	[sflag:s0] =	ssyncadd.s32 @!p2 $0xFFFFFF00  }
0xac: {  	_ =	sfence.sel $0x180000  }
0xad: {  	[bflag:$0x0] =	sbarrier.arrive $0xFFFF  }
0xae: {  	_ =	strace $0x90000053  }
0xaf: {  	[bflag:$0x2] =	sbarrier.arrive $0xFFFF  }
0xb0: {  	s0 =	rddreg [dreg:$0x5]  }
0xb1: {  	s0 =	sadd.s32 @!p0 $0x100000, s0  }
0xb2: {  	[sflag:s0] =	ssyncadd.tile.s32 @!p0 $0x1;
	_ =	shalt  }
.Lfunc_end2:
_tile_overlayer_lowered:
.L_overlay_start_2:
0xb3: {  	(tag) =	ssettag $0x2  }
0xb4: {  	s0 =	rddreg [dreg:$0x0];
	s2 =	stileid.u32  }
0xb5: {  	s1 =	rddreg [dreg:$0x1];
	p0 =	sne.s32 s2, $0x0  }
0xb6: {  	s3 =	rddreg [dreg:$0x2];
	[bflag:$0x3] =	sbarrier.arrive $0xFFFF;
	s2 =	simm.s32 @!p0 $0x1C03  }
0xb7: {  	[timem:s3], [sflag:s2] =	dma.local @!p0 [hbm:s0], s1  }
0xb8: {  	s0 =	simm.s32 @!p0 $0x3  }
0xb9: {  	_ =	swait.ge @!p0 [sflag:s0], s1  }
0xba: {  	s1 =	ssub.s32 @!p0 $0x0, s1;
	[sflag:s0] =	ssyncset.done @!p0 $0x0  }
0xbb: {  	[sflag:s0] =	ssyncadd.s32 @!p0 s1  }
0xbc: {  	[bflag:$0x3] =	sbarrier.arrive $0xFFFF  }
0xbd: {  	_ =	shalt  }

// kernel: kernel.38.cloned.1.call-start
scs
__scs_entry_jumppad:
0x0: {  	(pc) =	sbr.rel $0x88, $3  }
0x1: {  	(tag) =	ssettag $0x0;
	lr =	simm.s32 $0x1  }
0x2: {  	[smem:$0x3F83] =	sst lr;
	_ =	strace $0xD0000000  }
0x3: {  	_ = 	snop  }
0x4: {  	_ = 	snop  }
0x5: {  	_ = 	snop  }
0x6: {  	_ = 	snop  }
0x7: {  	_ = 	snop  }
__scs_overlays_trampoline_lowered:
0x8: {  	[smem:$0x3F92] =	sst s0  }
0x9: {  	[smem:$0x3F93] =	sst s1  }
0xa: {  	[smem:$0x3F94] =	sst s2  }
0xb: {  	[smem:$0x3F95] =	sst s3  }
0xc: {  	[smem:$0x3F96] =	sst s4  }
0xd: {  	[smem:$0x3F97] =	sst s5  }
0xe: {  	[smem:$0x3F98] =	sst s6  }
0xf: {  	[smem:$0x3F99] =	sst s7  }
0x10: {  	[smem:$0x3F9A] =	sst s8  }
0x11: {  	[smem:$0x3F9B] =	sst s9;
	s0 =	simm.s32 @!p0 $0x0  }
0x12: {  	s1 =	sld [smem:$0x3F81];
	s0 =	simm.s32 @p0 $0x1  }
0x13: {  	[smem:$0x3F9C] =	sst s0;
	s0 =	simm.s32 @!p1 $0x0  }
0x14: {  	s2 =	sld [smem:$0x3F80];
	s0 =	simm.s32 @p1 $0x1  }
0x15: {  	[smem:$0x3F9D] =	sst s0;
	s0 =	simm.s32 @!p2 $0x0  }
0x16: {  	s3 =	sld [smem:$0x3FDB];
	s0 =	simm.s32 @p2 $0x1  }
0x17: {  	s4 =	simm.s32 $0x1BF5;
	[smem:$0x3F9F] =	sst s0  }
0x18: {  	s0 =	sld [smem:$0x3F82];
	_ =	swait.ge [sflag:s4], $0x0  }
0x19: {  	s7 =	sld [smem:$0x3F83]  }
0x1a: {  	s8 =	sadd.s32 $0xFFFFE003, lr  }
0x1b: {  	s9 =	sadd.s32 $0xFFFFFEF7, lr;
	s5 =	simm.s32 $0xFFFFFFFF;
	p2 =	slt.u32 s8, $0xFFFFF086  }
0x1c: {  	p1 =	slt.u32 s9, $0xF7A;
	s5 =	simm.s32 @!p2 $0x0  }
0x1d: {  	s5 =	simm.s32 @p1 $0x1;
	p0 =	seq.s32 s7, s2  }
0x1e: {  	s7 =	smul.u32 @!p0 $0xF7A, s2;
	p2 =	seq.s32 @!p0 s5, $0x0  }
0x1f: {  	s9 =	smul.u32 $0xF7A, s1;
	s8 =	simm.s32 @!p0 $0x1BF5;
	p2 =	por !p2, p0  }
0x20: {  	[sflag:s8] =	ssyncset.s32 @!p0 $0xFFFFF086;
	s6 =	sadd.s32 @!p0 s3, s7;
	s7 =	simm.s32 @!p0 $0x108  }
0x21: {  	s3 =	sadd.s32 s3, s9;
	s6 =	sadd.s32 @!p0 $0x88, s6;
	s7 =	simm.s32 @p2 $0x1082  }
0x22: {  	[simem:s7], [sflag:s8] =	dma.local @!p0 [hbm:s6], $0xF7A  }
0x23: {  	s9 =	sor.u32 $0xD0000000, s2;
	s6 =	simm.s32 $0x108;
	_ =	swait.ge @!p0 [sflag:s8], $0x0  }
0x24: {  	s3 =	sadd.s32 $0x88, s3;
	s6 =	simm.s32 @!p1 $0x1082;
	[sflag:s4] =	ssyncset.s32 $0xFFFFF086  }
0x25: {  	[simem:s6], [sflag:s4] =	dma.local [hbm:s3], $0xF7A  }
0x26: {  	[smem:$0x3F83] =	sst s1;
	(tag) =	ssettag s2;
	_ =	strace s9  }
0x27: {  	s1 =	sld [smem:$0x3F93]  }
0x28: {  	s2 =	sld [smem:$0x3F94]  }
0x29: {  	s4 =	sld [smem:$0x3F96]  }
0x2a: {  	p0 =	seq.s32 s5, $0x0;
	s5 =	sld [smem:$0x3F97]  }
0x2b: {  	s6 =	sld [smem:$0x3F98]  }
0x2c: {  	s7 =	sld [smem:$0x3F99]  }
0x2d: {  	s3 =	simm.s32 $0x108;
	s8 =	sld [smem:$0x3F9A]  }
0x2e: {  	s3 =	simm.s32 @!p0 $0x1082;
	s9 =	sld [smem:$0x3F9B]  }
0x2f: {  	lr =	sadd.s32 s0, s3;
	s0 =	sld [smem:$0x3F92]  }
0x30: {  	s3 =	sld [smem:$0x3F95]  }
0x31: {  	[smem:$0x3F9E] =	sst s10  }
0x32: {  	s10 =	sld [smem:$0x3F9C];
	_ =	sdelay $0x3  }
0x33: {  	p0 =	seq.s32 s10, $0x1;
	s10 =	sld [smem:$0x3F9E];
	_ =	sdelay $0x3  }
0x34: {  	[smem:$0x3F9E] =	sst s10  }
0x35: {  	s10 =	sld [smem:$0x3F9D];
	_ =	sdelay $0x3  }
0x36: {  	p1 =	seq.s32 s10, $0x1;
	s10 =	sld [smem:$0x3F9E];
	_ =	sdelay $0x3  }
0x37: {  	[smem:$0x3F9E] =	sst s10  }
0x38: {  	s10 =	sld [smem:$0x3F9F]  }
0x39: {  	_ = 	snop;
	(pc) =	sbr.ind lr, $3  }
0x3a: {  	_ = 	snop  }
0x3b: {  	_ = 	snop  }
0x3c: {  	p2 =	seq.s32 s10, $0x1;
	s10 =	sld [smem:$0x3F9E]  }
0x3d: {  	_ =	shalt  }
0x3e: {  	_ =	shalt  }
0x3f: {  	_ =	shalt  }
0x40: {  	_ =	shalt  }
0x41: {  	_ =	shalt  }
0x42: {  	_ =	shalt  }
0x43: {  	_ =	shalt  }
0x44: {  	_ =	shalt  }
0x45: {  	_ =	shalt  }
0x46: {  	_ =	shalt  }
0x47: {  	_ =	shalt  }
0x48: {  	_ =	shalt  }
0x49: {  	_ =	shalt  }
0x4a: {  	_ =	shalt  }
0x4b: {  	_ =	shalt  }
0x4c: {  	_ =	shalt  }
0x4d: {  	_ =	shalt  }
0x4e: {  	_ =	shalt  }
0x4f: {  	_ =	shalt  }
0x50: {  	_ =	shalt  }
0x51: {  	_ =	shalt  }
0x52: {  	_ =	shalt  }
0x53: {  	_ =	shalt  }
0x54: {  	_ =	shalt  }
0x55: {  	_ =	shalt  }
0x56: {  	_ =	shalt  }
0x57: {  	_ =	shalt  }
0x58: {  	_ =	shalt  }
0x59: {  	_ =	shalt  }
0x5a: {  	_ =	shalt  }
0x5b: {  	_ =	shalt  }
0x5c: {  	_ =	shalt  }
0x5d: {  	_ =	shalt  }
0x5e: {  	_ =	shalt  }
0x5f: {  	_ =	shalt  }
0x60: {  	_ =	shalt  }
0x61: {  	_ =	shalt  }
0x62: {  	_ =	shalt  }
0x63: {  	_ =	shalt  }
0x64: {  	_ =	shalt  }
0x65: {  	_ =	shalt  }
0x66: {  	_ =	shalt  }
0x67: {  	_ =	shalt  }
0x68: {  	_ =	shalt  }
0x69: {  	_ =	shalt  }
0x6a: {  	_ =	shalt  }
0x6b: {  	_ =	shalt  }
0x6c: {  	_ =	shalt  }
0x6d: {  	_ =	shalt  }
0x6e: {  	_ =	shalt  }
0x6f: {  	_ =	shalt  }
0x70: {  	_ =	shalt  }
0x71: {  	_ =	shalt  }
0x72: {  	_ =	shalt  }
0x73: {  	_ =	shalt  }
0x74: {  	_ =	shalt  }
0x75: {  	_ =	shalt  }
0x76: {  	_ =	shalt  }
0x77: {  	_ =	shalt  }
0x78: {  	_ =	shalt  }
0x79: {  	_ =	shalt  }
0x7a: {  	_ =	shalt  }
0x7b: {  	_ =	shalt  }
0x7c: {  	_ =	shalt  }
0x7d: {  	_ =	shalt  }
0x7e: {  	_ =	shalt  }
0x7f: {  	_ =	shalt  }
0x80: {  	_ =	shalt  }
0x81: {  	_ =	shalt  }
0x82: {  	_ =	shalt  }
0x83: {  	_ =	shalt  }
0x84: {  	_ =	shalt  }
0x85: {  	_ =	shalt  }
0x86: {  	_ =	shalt  }
0x87: {  	_ =	shalt  }
.Lfunc_end0:
.L_simem_size_0:
called_computation.5_lowered:
.L_overlay_start_0:
0x88: {  	s2 =	sld [smem:$0x3FD9]  }
0x89: {  	s3 =	sld [smem:$0x3FFE];
	_ =	sdelay $0x1  }
0x8a: {  	s1 =	srdreg.scid  }
0x8b: {  	s0 =	sand.u32 $0x1, s1  }
0x8c: {  	s14 =	sshll.u32 s0, $0xA;
	s2 =	sadd.s32 s3, s2  }
0x8d: {  	s2 =	sadd.s32 s2, s14  }
0x8e: {  	[smem:$0x3FAA] =	sst s2  }
0x8f: {  	_ = 	snop  }
0x90: {  	s2 =	sld [smem:$0x3FD0];
	_ =	sdelay $0x2  }
0x91: {  	s4 =	simm.s32 $0xD;
	s5 =	simm.s32 $0x10;
	s15 =	sld [smem:$0x3FC4]  }
0x92: {  	[smem:s5], [sflag:s4] =	dma.local [hbm:s2], $0x1  }
0x93: {  	_ =	swait.eq [sflag:s4], $0x1  }
0x94: {  	[sflag:s4] =	ssyncset.done $0x0  }
0x95: {  	[sflag:s4] =	ssyncadd.s32 $0xFFFFFFFF  }
0x96: {  	s16 =	sld [smem:$0x11];
	(tm) =	ssettm $0x1  }
0x97: {  	s17 =	sld [smem:$0x3FFB];
	_ =	sdelay $0x3  }
0x98: {  	_ =	strace s17  }
0x99: {  	s4 =	sld [smem:$0x3FFC];
	_ =	sdelay $0x3  }
0x9a: {  	_ =	strace s4  }
0x9b: {  	s4 =	sld [smem:$0x3FFD];
	_ =	sdelay $0x3  }
0x9c: {  	_ =	strace s4  }
0x9d: {  	_ =	strace $0x8FFFFFFF  }
0x9e: {  	s18 =	sld [smem:$0x3FDB];
	_ =	sdelay $0x1  }
0x9f: {  	s19 =	simm.s32 $_scs_section_size  }
0xa0: {  	s6 =	simm.s32 $_size__tile_overlayer_lowered;
	s7 =	simm.s32 $_tile_overlayer_lowered  }
0xa1: {  	s22 =	simm.s32 $0x1BFF;
	s21 =	sshll.u32 s7, $0x1;
	s4 =	sadd.s32 s19, s18  }
0xa2: {  	s8 =	simm.s32 $0x0;
	s20 =	sshll.u32 s6, $0x1;
	s6 =	sadd.s32 s21, s4  }
0xa3: {  	[timem:s8], [sflag:s22] =	dma.local [hbm:s6], s20  }
0xa4: {  	_ =	swait.ge [sflag:s22], s20  }
0xa5: {  	s5 =	ssub.s32 $0x0, s20;
	[sflag:s22] =	ssyncset.done $0x0  }
0xa6: {  	[sflag:s22] =	ssyncadd.s32 s5;
	_ =	sdelay $0x1  }
0xa7: {  	s23 =	simm.s32 $0x1B8B  }
0xa8: {  	_ =	swait.ge [sflag:s23], $0x1  }
0xa9: {  	[sflag:s23] =	ssyncset.done $0x0  }
0xaa: {  	s25 =	simm.s32 $0x1B8E;
	s24 =	sld [smem:$0x3FFE];
	[sflag:s23] =	ssyncadd.s32 $0xFFFFFFFF  }
0xab: {  	s26 =	simm.s32 $execute0_lowered;
	[smem:$0x3FD2] =	sst s25  }
0xac: {  	s6 =	sshll.u32 s26, $0x1;
	_ =	strace $0x80000055;
	[dreg:$0x1] =	wrdreg $0xFFFFFFFF  }
0xad: {  	s28 =	simm.s32 $_size_execute0_lowered;
	s4 =	sadd.s32 s4, s6;
	[dreg:$0x0] =	wrdreg $0x0  }
0xae: {  	s6 =	sshll.u32 s28, $0x1;
	[dreg:$0x2] =	wrdreg s4  }
0xaf: {  	[dreg:$0x3] =	wrdreg s6  }
0xb0: {  	[dreg:$0x4] =	wrdreg $0xC0  }
0xb1: {  	_ =	task [dreg:s8], $0x5FFFF  }
0xb2: {  	[dreg:$0x1] =	wrdreg $0xFFFFFFFF  }
0xb3: {  	[dreg:$0x0] =	wrdreg $0x60  }
0xb4: {  	[dreg:$0x2] =	wrdreg s24  }
0xb5: {  	[dreg:$0x3] =	wrdreg s15  }
0xb6: {  	[dreg:$0x4] =	wrdreg s16  }
0xb7: {  	[dreg:$0x5] =	wrdreg $0xA1800  }
0xb8: {  	[dreg:$0x6] =	wrdreg $0x1DA000  }
0xb9: {  	[dreg:$0x7] =	wrdreg $0x9  }
0xba: {  	_ =	task.clear_ibuf [dreg:s8], $0x8FFFF;
	_ =	strace $0x90000055  }
0xbb: {  	s29 =	simm.s32 $0x9;
	_ =	strace $0x80000057  }
0xbc: {  	_ =	swait.ge [sflag:s29], $0x1  }
0xbd: {  	[sflag:s29] =	ssyncadd.s32 $0xFFFFFFFF  }
0xbe: {  	_ =	strace $0x90000057  }
0xbf: {  	_ =	sfence  }
0xc0: {  	s30 =	sld [smem:$0x0];
	_ =	sdelay $0x2  }
0xc1: {  	s31 =	sshll.u32 s1, $0xD;
	s1 =	sshrl.u32 s1, $0x2  }
0xc2: {  	s3 =	sand.u32 $0x4000, s31;
	s1 =	sadd.s32 s1, s30  }
0xc3: {  	s0 =	sor.u32 s3, s0;
	s1 =	sshll.u32 s1, $0x11  }
0xc4: {  	s0 =	sor.u32 s1, s0  }
0xc5: {  	s0 =	sadd.s32 $0x8F2B, s0  }
0xc6: {  	[sflag:s0] =	ssyncadd.remote.s32 $0x1  }
0xc7: {  	_ =	sfence.sel $0xFFFF  }
0xc8: {  	[dreg:$0x0] =	wrdreg $0xFFFFFFFF;
	(pc) =	sbr.abs _section_cstart, $3  }
0xc9: {  	[dreg:$0x1] =	wrdreg $0xFFFFFFFF  }
0xca: {  	_ =	task.clear_ibuf [dreg:s8], $0x2FFFF;
	_ =	strace $0x9FFFFFFF  }
0xcb: {  	(tm) =	ssettm $0x7FFFFFFF  }
tec
execute0_lowered:
.L_overlay_start_1:
0x0: {  	(tag) =	ssettag $0x1  }
0x1: {  	s0 =	rddreg [dreg:$0x0]  }
0x2: {  	s1 =	rddreg [dreg:$0x1]  }
0x3: {  	s5 =	rddreg [dreg:$0x2]  }
0x4: {  	s2 =	rddreg [dreg:$0x3]  }
0x5: {  	s3 =	rddreg [dreg:$0x4];
	s4 =	simm.s32 $0x0;
	s6 =	srdreg.scid  }
0x6: {  	s25 =	stileid.u32;
	s19 =	simm.s32 $0xA000;
	s20 =	simm.s32 $0xA080  }
0x7: {  	s21 =	simm.s32 $0xA100;
	s22 =	simm.s32 $0x1;
	s23 =	simm.s32 $0x50  }
0x8: {  	s24 =	simm.s32 $0x2800;
	s28 =	simm.s32 $0x2;
	s29 =	simm.s32 $0x7800  }
0x9: {  	s30 =	simm.s32 $0x0;
	[smem:$0x7FF] =	sst s4;
	s14 =	sand.u32 $0x1, s6  }
0xa: {  	s6 =	sadd.s32 $0x60000, s0;
	s13 =	smul.u32 $0x1F400, s25;
	s7 =	sadd.s32 $0x57CE00, s0  }
0xb: {  	s8 =	sadd.s32 $0x573000, s0;
	s9 =	sadd.s32 $0xD800, s0;
	s10 =	sadd.s32 $0x34A00, s0  }
0xc: {  	s11 =	sadd.s32 $0x586C00, s0;
	s17 =	sshll.u32 s25, $0x1;
	s18 =	smul.u32 $0x7D000, s25  }
0xd: {  	p0 =	sne.s32 s25, $0x0;
	p1 =	sgt.u32 s25, $0x9;
	s12 =	smul.u32 $0x138800, s14  }
0xe: {  	_ =	strace $0x80000056;
	s15 =	ssub.s32 $0x2, s14;
	s26 =	sor.u32 s14, s17  }
0xf: {  	s14 =	sshll.u32 s14, $0x8;
	s17 =	sshrl.u32 @!p0 s2, $0x3;
	p2 =	sne.s32 @!p1 s25, $0x0  }
0x10: {  	s16 =	sshrl.u32 s15, $0x1;
	s31 =	sshrl.u32 s18, $0x2;
	s13 =	sadd.s32 s13, s12  }
0x11: {  	s5 =	sadd.s32 s5, s14;
	s18 =	sshrl.u32 @!p0 s3, $0x3;
	s13 =	sshrl.u32 s13, $0x3  }
0x12: {  	p2 =	por p2, p1;
	s12 =	sadd.s32 $0xAE8000, s0;
	s0 =	sadd.s32 s13, s0  }
0x13: {  	s15 =	ssub.s32 s15, s16;
	[dreg:$0x7] =	wrdreg s5;
	s0 =	sadd.s32 $0x5D5200, s0  }
0x14: {  	s16 =	smax.u32 s15, $0x1;
	[dreg:$0x6] =	wrdreg s0;
	s0 =	sadd.s32 s31, s2  }
0x15: {  	s13 =	smul.u32 $0x2710, s26;
	s26 =	simm.s32 $0x5000;
	s25 =	sshrl.u32 @!p1 s0, $0x3  }
.LBB2_1:
0x16: {  	s0 =	simm.s32 @!p0 $0x1C03;
	s5 =	simm.s32 @!p0 $0x3  }
0x17: {  	[spmem:s17], [sflag:s0] =	dma.local @!p0 [hbm:s11], $0x27100  }
0x18: {  	_ =	swait.ge @!p0 [sflag:s5], $0x27100  }
0x19: {  	[sflag:s5] =	ssyncset.done @!p0 $0x0  }
0x1a: {  	[sflag:s5] =	ssyncadd.s32 @!p0 $0xFFFD8F00  }
0x1b: {  	[spmem:s18], [sflag:s0] =	dma.local @!p0 [hbm:s11], $0x100  }
0x1c: {  	_ =	swait.ge @!p0 [sflag:s5], $0x100  }
0x1d: {  	[sflag:s5] =	ssyncset.done @!p0 $0x0  }
0x1e: {  	[sflag:s5] =	ssyncadd.s32 @!p0 $0xFFFFFF00  }
0x1f: {  	s31 =	simm.s32 $0x0;
	[bflag:$0x0] =	sbarrier.arrive $0xFFFF  }
.LBB2_2:
0x20: {  	s0 =	smul.u32 $0x50, s31;
	_ =	sdelay $0x1  }
0x21: {  	s0 =	sadd.s32 s13, s0  }
0x22: {  	s5 =	sshrl.u32 s0, $0x3  }
0x23: {  	s15 =	simm.s32 $0x0;
	s14 =	sadd.s32 s7, s5  }
0x24: {  	[tilespmem:s19], [sflag:$0x1] =	stream.linear.gather [hbm4b:s14+s15], $0x50, $0x38;
	[tilespmem:$0x1DA80] =	vst v63  }
0x25: {  	s14 =	sadd.s32 s8, s5  }
0x26: {  	[tilespmem:s20], [sflag:$0x1] =	stream.linear.gather [hbm4b:s14+s15], $0x50, $0x38;
	[tilespmem:$0x1DA80] =	vst v63  }
0x27: {  	s0 =	sshll.u32 s0, $0x4;
	s5 =	sadd.s32 s1, s5  }
0x28: {  	[tilespmem:s21], [sflag:$0x1] =	stream.linear.gather [hbm4b:s5+s15], $0x50, $0x38;
	[tilespmem:$0x1DA80] =	vst v63  }
0x29: {  	s14 =	sadd.s32 s6, s0  }
0x2a: {  	[tilespmem:s15], [sflag:$0x1] =	stream.linear.gather [hbm4b:s14+s15], $0x2800, $0x38;
	[tilespmem:$0x1DA80] =	vst v63  }
0x2b: {  	_ =	swait.ge [sflag:s22], $0x50  }
0x2c: {  	[sflag:s22] =	ssyncset.done $0x0  }
0x2d: {  	[sflag:s22] =	ssyncadd.s32 $0xFFFFFFB0  }
0x2e: {  	_ =	swait.ge [sflag:s22], $0x50  }
0x2f: {  	[sflag:s22] =	ssyncset.done $0x0  }
0x30: {  	[sflag:s22] =	ssyncadd.s32 $0xFFFFFFB0  }
0x31: {  	_ =	swait.ge [sflag:s22], $0x50  }
0x32: {  	[sflag:s22] =	ssyncset.done $0x0  }
0x33: {  	[sflag:s22] =	ssyncadd.s32 $0xFFFFFFB0  }
0x34: {  	_ =	swait.ge [sflag:s22], $0x2800  }
0x35: {  	[sflag:s22] =	ssyncset.done $0x0  }
0x36: {  	[sflag:s22] =	ssyncadd.s32 $0xFFFFD800  }
0x37: {  	[tilespmem:s24], [sflag:$0x1] =	stream.indirect.gather [hbm4b:s9+s23], $0x80, s19, s23, $0xb8;
	[tilespmem:$0x1DA80] =	vst v63  }
0x38: {  	_ = 	snop  }
0x39: {  	[tilespmem:s26], [sflag:$0x2] =	stream.indirect.gather [hbm4b:s10+s23], $0x80, s20, s23, $0xb8;
	[tilespmem:$0x1DA80] =	vst v63  }
0x3a: {  	_ =	swait.ge [sflag:s22], $0x2800  }
0x3b: {  	[sflag:s22] =	ssyncset.done $0x0  }
0x3c: {  	[sflag:s22] =	ssyncadd.s32 $0xFFFFD800  }
0x3d: {  	_ =	swait.ge [sflag:s28], $0x2800  }
0x3e: {  	[sflag:s28] =	ssyncset.done $0x0  }
0x3f: {  	s5 =	simm.s32 $0x0;
	[sflag:s28] =	ssyncadd.s32 $0xFFFFD800  }
0x40: {  	v0 =	vld [tilespmem:s5+$0x70]  }
0x41: {  	v1 =	vld [tilespmem:s5+$0x2870]  }
0x42: {  	v2 =	vld [tilespmem:s5+$0x0]  }
0x43: {  	v3 =	vld [tilespmem:s5+$0x5070]  }
0x44: {  	v4 =	vld [tilespmem:s5+$0x2800]  }
0x45: {  	v5 =	vld [tilespmem:s5+$0x10]  }
0x46: {  	v6 =	vld [tilespmem:s5+$0x2810]  }
0x47: {  	v7 =	vld [tilespmem:s5+$0x2820]  }
0x48: {  	v9 =	vld [tilespmem:s5+$0x2830]  }
0x49: {  	v10 =	vld [tilespmem:s5+$0x40]  }
0x4a: {  	v11 =	vld [tilespmem:s5+$0x50]  }
0x4b: {  	v12 =	vld [tilespmem:s5+$0x2850]  }
0x4c: {  	v13 =	vld [tilespmem:s5+$0x60];
	v0 =	vadd.f32 v1, v0  }
0x4d: {  	v14 =	vld [tilespmem:s5+$0x2860]  }
0x4e: {  	v15 =	vld [tilespmem:s5+$0x5000];
	v0 =	vadd.f32 v3, v0  }
0x4f: {  	v1 =	vld [tilespmem:s5+$0x20]  }
0x50: {  	v3 =	vld [tilespmem:s5+$0x30];
	v0 =	vmax.f32 v0, $0.0e+00  }
0x51: {  	[tilespmem:s5+$0x7870] =	vst v0;
	v0 =	vld [tilespmem:s5+$0x2840]  }
0x52: {  	v16 =	vld [tilespmem:s5+$0x5010]  }
0x53: {  	v17 =	vld [tilespmem:s5+$0x5020]  }
0x54: {  	v8 =	vld [tilespmem:s5+$0x5030];
	v2 =	vadd.f32 v4, v2;
	v18 =	vadd.f32 v6, v5  }
0x55: {  	v19 =	vadd.f32 v7, v1;
	v7 =	vld [tilespmem:s5+$0x5040];
	v4 =	vadd.f32 v9, v3  }
0x56: {  	v6 =	vld [tilespmem:s5+$0x5050];
	v3 =	vadd.f32 v0, v10;
	v10 =	vadd.f32 v15, v2  }
0x57: {  	s14 =	simm.s32 $0x80;
	v5 =	vld [tilespmem:s5+$0x5060];
	v9 =	vadd.f32 v16, v18;
	v2 =	vadd.f32 v12, v11  }
0x58: {  	s15 =	simm.s32 $0x400;
	v1 =	vld [tilespmem:s14+$0x70];
	v0 =	vadd.f32 v14, v13;
	v11 =	vmax.f32 v10, $0.0e+00;
	v10 =	vadd.f32 v17, v19  }
.LBB2_3:
0x59: {  	p3 =	sne.s32 s15, $0x9E00;
	v12 =	vld [tilespmem:s14+$0x2870];
	[tilespmem:s5+$0x7800] =	vst v11;
	v9 =	vmax.f32 v9, $0.0e+00;
	v4 =	vadd.f32 v8, v4  }
0x5a: {  	v8 =	vld [tilespmem:s14+$0x0];
	[tilespmem:s5+$0x7810] =	vst v9;
	v9 =	vmax.f32 v10, $0.0e+00;
	v3 =	vadd.f32 v7, v3  }
0x5b: {  	v7 =	vld [tilespmem:s14+$0x5070];
	[tilespmem:s5+$0x7820] =	vst v9;
	v4 =	vmax.f32 v4, $0.0e+00;
	v2 =	vadd.f32 v6, v2  }
0x5c: {  	v6 =	vld [tilespmem:s14+$0x2800];
	[tilespmem:s5+$0x7830] =	vst v4;
	v3 =	vmax.f32 v3, $0.0e+00;
	v0 =	vadd.f32 v5, v0  }
0x5d: {  	v4 =	vld [tilespmem:s14+$0x10];
	[tilespmem:s5+$0x7840] =	vst v3;
	v2 =	vmax.f32 v2, $0.0e+00  }
0x5e: {  	v3 =	vld [tilespmem:s14+$0x2810];
	v1 =	vadd.f32 v12, v1;
	[tilespmem:s5+$0x7850] =	vst v2;
	v0 =	vmax.f32 v0, $0.0e+00  }
0x5f: {  	v2 =	vld [tilespmem:s14+$0x20];
	[tilespmem:s5+$0x7860] =	vst v0;
	s5 =	smov.u32 s14  }
0x60: {  	v0 =	vld [tilespmem:s5+$0x2820];
	v1 =	vadd.f32 v7, v1  }
0x61: {  	v5 =	vadd.f32 v6, v8;
	v6 =	vld [tilespmem:s5+$0x30]  }
0x62: {  	v7 =	vld [tilespmem:s5+$0x2830];
	v1 =	vmax.f32 v1, $0.0e+00  }
0x63: {  	v9 =	vadd.f32 v3, v4;
	v3 =	vld [tilespmem:s5+$0x40];
	[tilespmem:s5+$0x7870] =	vst v1  }
0x64: {  	v1 =	vld [tilespmem:s5+$0x2840]  }
0x65: {  	v10 =	vadd.f32 v0, v2;
	v0 =	vld [tilespmem:s5+$0x50]  }
0x66: {  	v2 =	vld [tilespmem:s5+$0x2850]  }
0x67: {  	v4 =	vadd.f32 v7, v6;
	v6 =	vld [tilespmem:s5+$0x60]  }
0x68: {  	v11 =	vld [tilespmem:s5+$0x2860]  }
0x69: {  	v12 =	vld [tilespmem:s5+$0x5000];
	v3 =	vadd.f32 v1, v3  }
0x6a: {  	v1 =	vld [tilespmem:s5+$0x5010]  }
0x6b: {  	v13 =	vld [tilespmem:s5+$0x5020];
	v2 =	vadd.f32 v2, v0  }
.Ltmp0:
0x6c: {  	v8 =	vld [tilespmem:s5+$0x5030];
	(pc) =	sbr.rel @p3 .LBB2_3-.Ltmp0, $4  }
0x6d: {  	v7 =	vld [tilespmem:s5+$0x5040];
	v0 =	vadd.f32 v11, v6  }
0x6e: {  	v11 =	vadd.f32 v12, v5;
	v6 =	vld [tilespmem:s5+$0x5050]  }
0x6f: {  	s14 =	sshra.s32 s15, $0x2;
	v9 =	vadd.f32 v1, v9;
	v5 =	vld [tilespmem:s5+$0x5060]  }
0x70: {  	s15 =	sadd.s32 $0x200, s15;
	v1 =	vld [tilespmem:s14+$0x70];
	v11 =	vmax.f32 v11, $0.0e+00;
	v10 =	vadd.f32 v13, v10  }
0x71: {  	v12 =	vld [tilespmem:s14+$0x2870];
	[tilespmem:s5+$0x7800] =	vst v11;
	v9 =	vmax.f32 v9, $0.0e+00;
	v4 =	vadd.f32 v8, v4  }
0x72: {  	v11 =	vld [tilespmem:s14+$0x0];
	[tilespmem:s5+$0x7810] =	vst v9;
	v41 =	vmax.f32 v10, $0.0e+00;
	v3 =	vadd.f32 v7, v3  }
0x73: {  	v9 =	vld [tilespmem:s14+$0x5070];
	[tilespmem:s5+$0x7820] =	vst v41;
	v4 =	vmax.f32 v4, $0.0e+00;
	v2 =	vadd.f32 v6, v2  }
0x74: {  	v42 =	vld [tilespmem:s14+$0x2800];
	[tilespmem:s5+$0x7830] =	vst v4;
	v3 =	vmax.f32 v3, $0.0e+00;
	v0 =	vadd.f32 v5, v0  }
0x75: {  	v4 =	vld [tilespmem:s14+$0x10];
	[tilespmem:s5+$0x7840] =	vst v3;
	v2 =	vmax.f32 v2, $0.0e+00  }
0x76: {  	v3 =	vld [tilespmem:s14+$0x2810];
	[tilespmem:s5+$0x7850] =	vst v2;
	v0 =	vmax.f32 v0, $0.0e+00  }
0x77: {  	v2 =	vld [tilespmem:s14+$0x20];
	[tilespmem:s5+$0x7860] =	vst v0  }
0x78: {  	v0 =	vld [tilespmem:s14+$0x2820]  }
0x79: {  	v43 =	vld [tilespmem:s14+$0x30]  }
0x7a: {  	v44 =	vld [tilespmem:s14+$0x2830]  }
0x7b: {  	v8 =	vld [tilespmem:s14+$0x40]  }
0x7c: {  	v45 =	vld [tilespmem:s14+$0x2840]  }
0x7d: {  	v46 =	vld [tilespmem:s14+$0x50]  }
0x7e: {  	v47 =	vld [tilespmem:s14+$0x2850]  }
0x7f: {  	v48 =	vld [tilespmem:s14+$0x60]  }
0x80: {  	v13 =	vld [tilespmem:s14+$0x2860]  }
0x81: {  	v14 =	vld [tilespmem:s14+$0x5000]  }
0x82: {  	v15 =	vld [tilespmem:s14+$0x5010]  }
0x83: {  	v1 =	vadd.f32 v12, v1;
	v16 =	vld [tilespmem:s14+$0x5020]  }
0x84: {  	v49 =	vld [tilespmem:s14+$0x5030];
	v7 =	vadd.f32 v42, v11  }
0x85: {  	v1 =	vadd.f32 v9, v1;
	v50 =	vld [tilespmem:s14+$0x5040];
	v3 =	vadd.f32 v3, v4  }
0x86: {  	v52 =	vld [tilespmem:s14+$0x5050];
	v0 =	vadd.f32 v0, v2;
	v51 =	vadd.f32 v14, v7  }
0x87: {  	v53 =	vld [tilespmem:s14+$0x5060];
	v1 =	vmax.f32 v1, $0.0e+00;
	v5 =	vadd.f32 v44, v43;
	v3 =	vadd.f32 v15, v3  }
0x88: {  	[tilespmem:s14+$0x7870] =	vst v1;
	v1 =	vadd.f32 v45, v8;
	v0 =	vadd.f32 v16, v0;
	v2 =	vmax.f32 v51, $0.0e+00  }
0x89: {  	v54 =	vadd.f32 v47, v46;
	v55 =	vmax.f32 v3, $0.0e+00;
	v56 =	vadd.f32 v49, v5;
	[tilespmem:s14+$0x7800] =	vst v2  }
0x8a: {  	v57 =	vadd.f32 v13, v48;
	v1 =	vadd.f32 v50, v1;
	[tilespmem:s14+$0x7810] =	vst v55;
	v0 =	vmax.f32 v0, $0.0e+00  }
0x8b: {  	v59 =	vadd.f32 v52, v54;
	v58 =	vmax.f32 v56, $0.0e+00;
	[tilespmem:s14+$0x7820] =	vst v0  }
0x8c: {  	v61 =	vadd.f32 v53, v57;
	v60 =	vmax.f32 v1, $0.0e+00;
	[tilespmem:s14+$0x7830] =	vst v58  }
0x8d: {  	v62 =	vmax.f32 v59, $0.0e+00;
	[tilespmem:s14+$0x7840] =	vst v60  }
0x8e: {  	v63 =	vmax.f32 v61, $0.0e+00;
	[tilespmem:s14+$0x7850] =	vst v62  }
0x8f: {  	s0 =	sadd.s32 s12, s0;
	[tilespmem:s14+$0x7860] =	vst v63  }
0x90: {  	[hbm4b:s0+s4] =	stream.linear.scatter [tilespmem:s29], [sflag:$0x1], $0x2800, $0x38;
	[tilespmem:$0x1DA80] =	vst v63  }
0x91: {  	_ = 	snop  }
0x92: {  	[spmem:s2] =	stream.indirect.scatter.add.f32 [tilespmem:s29], [sflag:$0x2], $0x80, s20, s23, $0xb8;
	[tilespmem:$0x1DA80] =	vst v63  }
0x93: {  	_ = 	snop  }
0x94: {  	[spmem:s3] =	stream.indirect.scatter.add.f32 [tilespmem:s29], [sflag:$0x2], $0x80, s21, s23, $0xb8;
	[tilespmem:$0x1DA80] =	vst v63  }
0x95: {  	_ =	swait.ge [sflag:s22], $0x2800  }
0x96: {  	[sflag:s22] =	ssyncset.done $0x0  }
0x97: {  	s31 =	sadd.s32 $0x1, s31;
	[sflag:s22] =	ssyncadd.s32 $0xFFFFD800  }
0x98: {  	p3 =	sne.s32 s31, $0x7D;
	_ =	swait.ge [sflag:s28], $0x2800  }
.Ltmp1:
0x99: {  	[sflag:s28] =	ssyncset.done $0x0;
	(pc) =	sbr.rel @p3 .LBB2_2-.Ltmp1, $4  }
0x9a: {  	[sflag:s28] =	ssyncadd.s32 $0xFFFFD800  }
0x9b: {  	_ =	swait.ge [sflag:s28], $0x2800  }
0x9c: {  	[sflag:s28] =	ssyncset.done $0x0  }
0x9d: {  	[sflag:s28] =	ssyncadd.s32 $0xFFFFD800  }
0x9e: {  	s0 =	stileid.u32  }
0x9f: {  	[bflag:$0x0] =	sbarrier.arrive $0xFFFF;
	s0 =	sshll.u32 @!p1 s0, $0x6  }
0xa0: {  	s5 =	rddreg [dreg:$0x6];
	s0 =	sor.u32 @!p1 $0x1C03, s0  }
0xa1: {  	[hbm:s5], [sflag:s0] =	dma.local @!p1 [spmem:s25], $0x3E80  }
0xa2: {  	s0 =	simm.s32 @!p1 $0x3  }
0xa3: {  	s30 =	sadd.s32 $0x1, s30;
	_ =	swait.ge @!p1 [sflag:s0], $0x3E80  }
0xa4: {  	p3 =	sne.s32 s30, s16;
	s5 =	simm.s32 @!p2 $0x1C03;
	[sflag:s0] =	ssyncset.done @!p1 $0x0  }
0xa5: {  	s14 =	rddreg [dreg:$0x7];
	[sflag:s0] =	ssyncadd.s32 @!p1 $0xFFFFC180;
	s0 =	sshrl.u32 @!p2 s3, $0x3  }
0xa6: {  	[hbm:s14], [sflag:s5] =	dma.local @!p2 [spmem:s0], $0x100  }
.Ltmp2:
0xa7: {  	_ = 	snop;
	(pc) =	sbr.rel @p3 .LBB2_1-.Ltmp2, $4  }
0xa8: {  	s0 =	simm.s32 @!p2 $0x3  }
0xa9: {  	_ =	swait.ge @!p2 [sflag:s0], $0x100  }
0xaa: {  	[sflag:s0] =	ssyncset.done @!p2 $0x0  }
0xab: {  	[sflag:s0] =	ssyncadd.s32 @!p2 $0xFFFFFF00  }
0xac: {  	_ =	sfence.sel $0x180000  }
0xad: {  	[bflag:$0x0] =	sbarrier.arrive $0xFFFF  }
0xae: {  	_ =	strace $0x90000056  }
0xaf: {  	[bflag:$0x2] =	sbarrier.arrive $0xFFFF  }
0xb0: {  	s0 =	rddreg [dreg:$0x5]  }
0xb1: {  	s0 =	sadd.s32 @!p0 $0x100000, s0  }
0xb2: {  	[sflag:s0] =	ssyncadd.tile.s32 @!p0 $0x1;
	_ =	shalt  }
.Lfunc_end2:
_tile_overlayer_lowered:
.L_overlay_start_2:
0xb3: {  	(tag) =	ssettag $0x2  }
0xb4: {  	s0 =	rddreg [dreg:$0x0];
	s2 =	stileid.u32  }
0xb5: {  	s1 =	rddreg [dreg:$0x1];
	p0 =	sne.s32 s2, $0x0  }
0xb6: {  	s3 =	rddreg [dreg:$0x2];
	[bflag:$0x3] =	sbarrier.arrive $0xFFFF;
	s2 =	simm.s32 @!p0 $0x1C03  }
0xb7: {  	[timem:s3], [sflag:s2] =	dma.local @!p0 [hbm:s0], s1  }
0xb8: {  	s0 =	simm.s32 @!p0 $0x3  }
0xb9: {  	_ =	swait.ge @!p0 [sflag:s0], s1  }
0xba: {  	s1 =	ssub.s32 @!p0 $0x0, s1;
	[sflag:s0] =	ssyncset.done @!p0 $0x0  }
0xbb: {  	[sflag:s0] =	ssyncadd.s32 @!p0 s1  }
0xbc: {  	[bflag:$0x3] =	sbarrier.arrive $0xFFFF  }
0xbd: {  	_ =	shalt  }

// kernel: kernel.41.cloned.1.call-start
scs
__scs_entry_jumppad:
0x0: {  	(pc) =	sbr.rel $0x88, $3  }
0x1: {  	(tag) =	ssettag $0x0;
	lr =	simm.s32 $0x1  }
0x2: {  	[smem:$0x3F83] =	sst lr;
	_ =	strace $0xD0000000  }
0x3: {  	_ = 	snop  }
0x4: {  	_ = 	snop  }
0x5: {  	_ = 	snop  }
0x6: {  	_ = 	snop  }
0x7: {  	_ = 	snop  }
__scs_overlays_trampoline_lowered:
0x8: {  	[smem:$0x3F92] =	sst s0  }
0x9: {  	[smem:$0x3F93] =	sst s1  }
0xa: {  	[smem:$0x3F94] =	sst s2  }
0xb: {  	[smem:$0x3F95] =	sst s3  }
0xc: {  	[smem:$0x3F96] =	sst s4  }
0xd: {  	[smem:$0x3F97] =	sst s5  }
0xe: {  	[smem:$0x3F98] =	sst s6  }
0xf: {  	[smem:$0x3F99] =	sst s7  }
0x10: {  	[smem:$0x3F9A] =	sst s8  }
0x11: {  	[smem:$0x3F9B] =	sst s9;
	s0 =	simm.s32 @!p0 $0x0  }
0x12: {  	s1 =	sld [smem:$0x3F81];
	s0 =	simm.s32 @p0 $0x1  }
0x13: {  	[smem:$0x3F9C] =	sst s0;
	s0 =	simm.s32 @!p1 $0x0  }
0x14: {  	s2 =	sld [smem:$0x3F80];
	s0 =	simm.s32 @p1 $0x1  }
0x15: {  	[smem:$0x3F9D] =	sst s0;
	s0 =	simm.s32 @!p2 $0x0  }
0x16: {  	s3 =	sld [smem:$0x3FDB];
	s0 =	simm.s32 @p2 $0x1  }
0x17: {  	s4 =	simm.s32 $0x1BF5;
	[smem:$0x3F9F] =	sst s0  }
0x18: {  	s0 =	sld [smem:$0x3F82];
	_ =	swait.ge [sflag:s4], $0x0  }
0x19: {  	s7 =	sld [smem:$0x3F83]  }
0x1a: {  	s8 =	sadd.s32 $0xFFFFE003, lr  }
0x1b: {  	s9 =	sadd.s32 $0xFFFFFEF7, lr;
	s5 =	simm.s32 $0xFFFFFFFF;
	p2 =	slt.u32 s8, $0xFFFFF086  }
0x1c: {  	p1 =	slt.u32 s9, $0xF7A;
	s5 =	simm.s32 @!p2 $0x0  }
0x1d: {  	s5 =	simm.s32 @p1 $0x1;
	p0 =	seq.s32 s7, s2  }
0x1e: {  	s7 =	smul.u32 @!p0 $0xF7A, s2;
	p2 =	seq.s32 @!p0 s5, $0x0  }
0x1f: {  	s9 =	smul.u32 $0xF7A, s1;
	s8 =	simm.s32 @!p0 $0x1BF5;
	p2 =	por !p2, p0  }
0x20: {  	[sflag:s8] =	ssyncset.s32 @!p0 $0xFFFFF086;
	s6 =	sadd.s32 @!p0 s3, s7;
	s7 =	simm.s32 @!p0 $0x108  }
0x21: {  	s3 =	sadd.s32 s3, s9;
	s6 =	sadd.s32 @!p0 $0x88, s6;
	s7 =	simm.s32 @p2 $0x1082  }
0x22: {  	[simem:s7], [sflag:s8] =	dma.local @!p0 [hbm:s6], $0xF7A  }
0x23: {  	s9 =	sor.u32 $0xD0000000, s2;
	s6 =	simm.s32 $0x108;
	_ =	swait.ge @!p0 [sflag:s8], $0x0  }
0x24: {  	s3 =	sadd.s32 $0x88, s3;
	s6 =	simm.s32 @!p1 $0x1082;
	[sflag:s4] =	ssyncset.s32 $0xFFFFF086  }
0x25: {  	[simem:s6], [sflag:s4] =	dma.local [hbm:s3], $0xF7A  }
0x26: {  	[smem:$0x3F83] =	sst s1;
	(tag) =	ssettag s2;
	_ =	strace s9  }
0x27: {  	s1 =	sld [smem:$0x3F93]  }
0x28: {  	s2 =	sld [smem:$0x3F94]  }
0x29: {  	s4 =	sld [smem:$0x3F96]  }
0x2a: {  	p0 =	seq.s32 s5, $0x0;
	s5 =	sld [smem:$0x3F97]  }
0x2b: {  	s6 =	sld [smem:$0x3F98]  }
0x2c: {  	s7 =	sld [smem:$0x3F99]  }
0x2d: {  	s3 =	simm.s32 $0x108;
	s8 =	sld [smem:$0x3F9A]  }
0x2e: {  	s3 =	simm.s32 @!p0 $0x1082;
	s9 =	sld [smem:$0x3F9B]  }
0x2f: {  	lr =	sadd.s32 s0, s3;
	s0 =	sld [smem:$0x3F92]  }
0x30: {  	s3 =	sld [smem:$0x3F95]  }
0x31: {  	[smem:$0x3F9E] =	sst s10  }
0x32: {  	s10 =	sld [smem:$0x3F9C];
	_ =	sdelay $0x3  }
0x33: {  	p0 =	seq.s32 s10, $0x1;
	s10 =	sld [smem:$0x3F9E];
	_ =	sdelay $0x3  }
0x34: {  	[smem:$0x3F9E] =	sst s10  }
0x35: {  	s10 =	sld [smem:$0x3F9D];
	_ =	sdelay $0x3  }
0x36: {  	p1 =	seq.s32 s10, $0x1;
	s10 =	sld [smem:$0x3F9E];
	_ =	sdelay $0x3  }
0x37: {  	[smem:$0x3F9E] =	sst s10  }
0x38: {  	s10 =	sld [smem:$0x3F9F]  }
0x39: {  	_ = 	snop;
	(pc) =	sbr.ind lr, $3  }
0x3a: {  	_ = 	snop  }
0x3b: {  	_ = 	snop  }
0x3c: {  	p2 =	seq.s32 s10, $0x1;
	s10 =	sld [smem:$0x3F9E]  }
0x3d: {  	_ =	shalt  }
0x3e: {  	_ =	shalt  }
0x3f: {  	_ =	shalt  }
0x40: {  	_ =	shalt  }
0x41: {  	_ =	shalt  }
0x42: {  	_ =	shalt  }
0x43: {  	_ =	shalt  }
0x44: {  	_ =	shalt  }
0x45: {  	_ =	shalt  }
0x46: {  	_ =	shalt  }
0x47: {  	_ =	shalt  }
0x48: {  	_ =	shalt  }
0x49: {  	_ =	shalt  }
0x4a: {  	_ =	shalt  }
0x4b: {  	_ =	shalt  }
0x4c: {  	_ =	shalt  }
0x4d: {  	_ =	shalt  }
0x4e: {  	_ =	shalt  }
0x4f: {  	_ =	shalt  }
0x50: {  	_ =	shalt  }
0x51: {  	_ =	shalt  }
0x52: {  	_ =	shalt  }
0x53: {  	_ =	shalt  }
0x54: {  	_ =	shalt  }
0x55: {  	_ =	shalt  }
0x56: {  	_ =	shalt  }
0x57: {  	_ =	shalt  }
0x58: {  	_ =	shalt  }
0x59: {  	_ =	shalt  }
0x5a: {  	_ =	shalt  }
0x5b: {  	_ =	shalt  }
0x5c: {  	_ =	shalt  }
0x5d: {  	_ =	shalt  }
0x5e: {  	_ =	shalt  }
0x5f: {  	_ =	shalt  }
0x60: {  	_ =	shalt  }
0x61: {  	_ =	shalt  }
0x62: {  	_ =	shalt  }
0x63: {  	_ =	shalt  }
0x64: {  	_ =	shalt  }
0x65: {  	_ =	shalt  }
0x66: {  	_ =	shalt  }
0x67: {  	_ =	shalt  }
0x68: {  	_ =	shalt  }
0x69: {  	_ =	shalt  }
0x6a: {  	_ =	shalt  }
0x6b: {  	_ =	shalt  }
0x6c: {  	_ =	shalt  }
0x6d: {  	_ =	shalt  }
0x6e: {  	_ =	shalt  }
0x6f: {  	_ =	shalt  }
0x70: {  	_ =	shalt  }
0x71: {  	_ =	shalt  }
0x72: {  	_ =	shalt  }
0x73: {  	_ =	shalt  }
0x74: {  	_ =	shalt  }
0x75: {  	_ =	shalt  }
0x76: {  	_ =	shalt  }
0x77: {  	_ =	shalt  }
0x78: {  	_ =	shalt  }
0x79: {  	_ =	shalt  }
0x7a: {  	_ =	shalt  }
0x7b: {  	_ =	shalt  }
0x7c: {  	_ =	shalt  }
0x7d: {  	_ =	shalt  }
0x7e: {  	_ =	shalt  }
0x7f: {  	_ =	shalt  }
0x80: {  	_ =	shalt  }
0x81: {  	_ =	shalt  }
0x82: {  	_ =	shalt  }
0x83: {  	_ =	shalt  }
0x84: {  	_ =	shalt  }
0x85: {  	_ =	shalt  }
0x86: {  	_ =	shalt  }
0x87: {  	_ =	shalt  }
.Lfunc_end0:
.L_simem_size_0:
called_computation.6_lowered:
.L_overlay_start_0:
0x88: {  	s2 =	sld [smem:$0x3FD9]  }
0x89: {  	s3 =	sld [smem:$0x3FFE];
	_ =	sdelay $0x1  }
0x8a: {  	s1 =	srdreg.scid  }
0x8b: {  	s0 =	sand.u32 $0x1, s1  }
0x8c: {  	s14 =	sshll.u32 s0, $0xA;
	s2 =	sadd.s32 s3, s2  }
0x8d: {  	s2 =	sadd.s32 s2, s14  }
0x8e: {  	[smem:$0x3FAA] =	sst s2  }
0x8f: {  	_ = 	snop  }
0x90: {  	s2 =	sld [smem:$0x3FD0];
	_ =	sdelay $0x2  }
0x91: {  	s4 =	simm.s32 $0xD;
	s5 =	simm.s32 $0x10;
	s15 =	sld [smem:$0x3FC4]  }
0x92: {  	[smem:s5], [sflag:s4] =	dma.local [hbm:s2], $0x1  }
0x93: {  	_ =	swait.eq [sflag:s4], $0x1  }
0x94: {  	[sflag:s4] =	ssyncset.done $0x0  }
0x95: {  	[sflag:s4] =	ssyncadd.s32 $0xFFFFFFFF  }
0x96: {  	s16 =	sld [smem:$0x11];
	(tm) =	ssettm $0x1  }
0x97: {  	s17 =	sld [smem:$0x3FFB];
	_ =	sdelay $0x3  }
0x98: {  	_ =	strace s17  }
0x99: {  	s4 =	sld [smem:$0x3FFC];
	_ =	sdelay $0x3  }
0x9a: {  	_ =	strace s4  }
0x9b: {  	s4 =	sld [smem:$0x3FFD];
	_ =	sdelay $0x3  }
0x9c: {  	_ =	strace s4  }
0x9d: {  	_ =	strace $0x8FFFFFFF  }
0x9e: {  	s18 =	sld [smem:$0x3FDB];
	_ =	sdelay $0x1  }
0x9f: {  	s19 =	simm.s32 $_scs_section_size  }
0xa0: {  	s6 =	simm.s32 $_size__tile_overlayer_lowered;
	s7 =	simm.s32 $_tile_overlayer_lowered  }
0xa1: {  	s22 =	simm.s32 $0x1BFF;
	s21 =	sshll.u32 s7, $0x1;
	s4 =	sadd.s32 s19, s18  }
0xa2: {  	s8 =	simm.s32 $0x0;
	s20 =	sshll.u32 s6, $0x1;
	s6 =	sadd.s32 s21, s4  }
0xa3: {  	[timem:s8], [sflag:s22] =	dma.local [hbm:s6], s20  }
0xa4: {  	_ =	swait.ge [sflag:s22], s20  }
0xa5: {  	s5 =	ssub.s32 $0x0, s20;
	[sflag:s22] =	ssyncset.done $0x0  }
0xa6: {  	[sflag:s22] =	ssyncadd.s32 s5;
	_ =	sdelay $0x1  }
0xa7: {  	s23 =	simm.s32 $0x1B8B  }
0xa8: {  	_ =	swait.ge [sflag:s23], $0x1  }
0xa9: {  	[sflag:s23] =	ssyncset.done $0x0  }
0xaa: {  	s25 =	simm.s32 $0x1B8E;
	s24 =	sld [smem:$0x3FFE];
	[sflag:s23] =	ssyncadd.s32 $0xFFFFFFFF  }
0xab: {  	s26 =	simm.s32 $execute0_lowered;
	[smem:$0x3FD2] =	sst s25  }
0xac: {  	s6 =	sshll.u32 s26, $0x1;
	_ =	strace $0x80000058;
	[dreg:$0x1] =	wrdreg $0xFFFFFFFF  }
0xad: {  	s28 =	simm.s32 $_size_execute0_lowered;
	s4 =	sadd.s32 s4, s6;
	[dreg:$0x0] =	wrdreg $0x0  }
0xae: {  	s6 =	sshll.u32 s28, $0x1;
	[dreg:$0x2] =	wrdreg s4  }
0xaf: {  	[dreg:$0x3] =	wrdreg s6  }
0xb0: {  	[dreg:$0x4] =	wrdreg $0xC0  }
0xb1: {  	_ =	task [dreg:s8], $0x5FFFF  }
0xb2: {  	[dreg:$0x1] =	wrdreg $0xFFFFFFFF  }
0xb3: {  	[dreg:$0x0] =	wrdreg $0x60  }
0xb4: {  	[dreg:$0x2] =	wrdreg s24  }
0xb5: {  	[dreg:$0x3] =	wrdreg s15  }
0xb6: {  	[dreg:$0x4] =	wrdreg s16  }
0xb7: {  	[dreg:$0x5] =	wrdreg $0xA1800  }
0xb8: {  	[dreg:$0x6] =	wrdreg $0x1DA000  }
0xb9: {  	[dreg:$0x7] =	wrdreg $0x9  }
0xba: {  	_ =	task.clear_ibuf [dreg:s8], $0x8FFFF;
	_ =	strace $0x90000058  }
0xbb: {  	s29 =	simm.s32 $0x9;
	_ =	strace $0x8000005A  }
0xbc: {  	_ =	swait.ge [sflag:s29], $0x1  }
0xbd: {  	[sflag:s29] =	ssyncadd.s32 $0xFFFFFFFF  }
0xbe: {  	_ =	strace $0x9000005A  }
0xbf: {  	_ =	sfence  }
0xc0: {  	s30 =	sld [smem:$0x0];
	_ =	sdelay $0x2  }
0xc1: {  	s31 =	sshll.u32 s1, $0xD;
	s1 =	sshrl.u32 s1, $0x2  }
0xc2: {  	s3 =	sand.u32 $0x4000, s31;
	s1 =	sadd.s32 s1, s30  }
0xc3: {  	s0 =	sor.u32 s3, s0;
	s1 =	sshll.u32 s1, $0x11  }
0xc4: {  	s0 =	sor.u32 s1, s0  }
0xc5: {  	s0 =	sadd.s32 $0x8F2B, s0  }
0xc6: {  	[sflag:s0] =	ssyncadd.remote.s32 $0x1  }
0xc7: {  	_ =	sfence.sel $0xFFFF  }
0xc8: {  	[dreg:$0x0] =	wrdreg $0xFFFFFFFF;
	(pc) =	sbr.abs _section_cstart, $3  }
0xc9: {  	[dreg:$0x1] =	wrdreg $0xFFFFFFFF  }
0xca: {  	_ =	task.clear_ibuf [dreg:s8], $0x2FFFF;
	_ =	strace $0x9FFFFFFF  }
0xcb: {  	(tm) =	ssettm $0x7FFFFFFF  }
tec
execute0_lowered:
.L_overlay_start_1:
0x0: {  	(tag) =	ssettag $0x1  }
0x1: {  	s0 =	rddreg [dreg:$0x0]  }
0x2: {  	s1 =	rddreg [dreg:$0x1]  }
0x3: {  	s5 =	rddreg [dreg:$0x2]  }
0x4: {  	s2 =	rddreg [dreg:$0x3]  }
0x5: {  	s3 =	rddreg [dreg:$0x4];
	s4 =	simm.s32 $0x0;
	s6 =	srdreg.scid  }
0x6: {  	s25 =	stileid.u32;
	s19 =	simm.s32 $0xA000;
	s20 =	simm.s32 $0xA080  }
0x7: {  	s21 =	simm.s32 $0xA100;
	s22 =	simm.s32 $0x1;
	s23 =	simm.s32 $0x50  }
0x8: {  	s24 =	simm.s32 $0x2800;
	s28 =	simm.s32 $0x2;
	s29 =	simm.s32 $0x7800  }
0x9: {  	s30 =	simm.s32 $0x0;
	[smem:$0x7FF] =	sst s4;
	s14 =	sand.u32 $0x1, s6  }
0xa: {  	s6 =	sadd.s32 $0x5F800, s0;
	s13 =	smul.u32 $0x1F400, s25;
	s7 =	sadd.s32 $0x57CE00, s0  }
0xb: {  	s8 =	sadd.s32 $0x573000, s0;
	s9 =	sadd.s32 $0x34A00, s0;
	s10 =	sadd.s32 $0x541800, s0  }
0xc: {  	s11 =	sadd.s32 $0x586C00, s0;
	s17 =	sshll.u32 s25, $0x1;
	s18 =	smul.u32 $0x7D000, s25  }
0xd: {  	p0 =	sne.s32 s25, $0x0;
	p1 =	sgt.u32 s25, $0x9;
	s12 =	smul.u32 $0x138800, s14  }
0xe: {  	_ =	strace $0x80000059;
	s15 =	ssub.s32 $0x2, s14;
	s26 =	sor.u32 s14, s17  }
0xf: {  	s14 =	sshll.u32 s14, $0x8;
	s17 =	sshrl.u32 @!p0 s2, $0x3;
	p2 =	sne.s32 @!p1 s25, $0x0  }
0x10: {  	s16 =	sshrl.u32 s15, $0x1;
	s31 =	sshrl.u32 s18, $0x2;
	s13 =	sadd.s32 s13, s12  }
0x11: {  	s5 =	sadd.s32 s5, s14;
	s18 =	sshrl.u32 @!p0 s3, $0x3;
	s13 =	sshrl.u32 s13, $0x3  }
0x12: {  	p2 =	por p2, p1;
	s12 =	sadd.s32 $0x5FC000, s0;
	s0 =	sadd.s32 s13, s0  }
0x13: {  	s15 =	ssub.s32 s15, s16;
	[dreg:$0x7] =	wrdreg s5;
	s0 =	sadd.s32 $0x5ADE00, s0  }
0x14: {  	s16 =	smax.u32 s15, $0x1;
	[dreg:$0x6] =	wrdreg s0;
	s0 =	sadd.s32 s31, s2  }
0x15: {  	s13 =	smul.u32 $0x2710, s26;
	s26 =	simm.s32 $0x5000;
	s25 =	sshrl.u32 @!p1 s0, $0x3  }
.LBB2_1:
0x16: {  	s0 =	simm.s32 @!p0 $0x1C03;
	s5 =	simm.s32 @!p0 $0x3  }
0x17: {  	[spmem:s17], [sflag:s0] =	dma.local @!p0 [hbm:s11], $0x27100  }
0x18: {  	_ =	swait.ge @!p0 [sflag:s5], $0x27100  }
0x19: {  	[sflag:s5] =	ssyncset.done @!p0 $0x0  }
0x1a: {  	[sflag:s5] =	ssyncadd.s32 @!p0 $0xFFFD8F00  }
0x1b: {  	[spmem:s18], [sflag:s0] =	dma.local @!p0 [hbm:s11], $0x100  }
0x1c: {  	_ =	swait.ge @!p0 [sflag:s5], $0x100  }
0x1d: {  	[sflag:s5] =	ssyncset.done @!p0 $0x0  }
0x1e: {  	[sflag:s5] =	ssyncadd.s32 @!p0 $0xFFFFFF00  }
0x1f: {  	s31 =	simm.s32 $0x0;
	[bflag:$0x0] =	sbarrier.arrive $0xFFFF  }
.LBB2_2:
0x20: {  	s0 =	smul.u32 $0x50, s31;
	_ =	sdelay $0x1  }
0x21: {  	s0 =	sadd.s32 s13, s0  }
0x22: {  	s5 =	sshrl.u32 s0, $0x3  }
0x23: {  	s15 =	simm.s32 $0x0;
	s14 =	sadd.s32 s7, s5  }
0x24: {  	[tilespmem:s19], [sflag:$0x1] =	stream.linear.gather [hbm4b:s14+s15], $0x50, $0x38;
	[tilespmem:$0x1DA80] =	vst v63  }
0x25: {  	s14 =	sadd.s32 s8, s5  }
0x26: {  	[tilespmem:s20], [sflag:$0x1] =	stream.linear.gather [hbm4b:s14+s15], $0x50, $0x38;
	[tilespmem:$0x1DA80] =	vst v63  }
0x27: {  	s0 =	sshll.u32 s0, $0x4;
	s5 =	sadd.s32 s1, s5  }
0x28: {  	[tilespmem:s21], [sflag:$0x1] =	stream.linear.gather [hbm4b:s5+s15], $0x50, $0x38;
	[tilespmem:$0x1DA80] =	vst v63  }
0x29: {  	s14 =	sadd.s32 s6, s0  }
0x2a: {  	[tilespmem:s15], [sflag:$0x1] =	stream.linear.gather [hbm4b:s14+s15], $0x2800, $0x38;
	[tilespmem:$0x1DA80] =	vst v63  }
0x2b: {  	_ =	swait.ge [sflag:s22], $0x50  }
0x2c: {  	[sflag:s22] =	ssyncset.done $0x0  }
0x2d: {  	[sflag:s22] =	ssyncadd.s32 $0xFFFFFFB0  }
0x2e: {  	_ =	swait.ge [sflag:s22], $0x50  }
0x2f: {  	[sflag:s22] =	ssyncset.done $0x0  }
0x30: {  	[sflag:s22] =	ssyncadd.s32 $0xFFFFFFB0  }
0x31: {  	_ =	swait.ge [sflag:s22], $0x50  }
0x32: {  	[sflag:s22] =	ssyncset.done $0x0  }
0x33: {  	[sflag:s22] =	ssyncadd.s32 $0xFFFFFFB0  }
0x34: {  	_ =	swait.ge [sflag:s22], $0x2800  }
0x35: {  	[sflag:s22] =	ssyncset.done $0x0  }
0x36: {  	[sflag:s22] =	ssyncadd.s32 $0xFFFFD800  }
0x37: {  	[tilespmem:s24], [sflag:$0x1] =	stream.indirect.gather [hbm4b:s9+s23], $0x80, s19, s23, $0xb8;
	[tilespmem:$0x1DA80] =	vst v63  }
0x38: {  	_ = 	snop  }
0x39: {  	[tilespmem:s26], [sflag:$0x2] =	stream.indirect.gather [hbm4b:s10+s23], $0x80, s20, s23, $0xb8;
	[tilespmem:$0x1DA80] =	vst v63  }
0x3a: {  	_ =	swait.ge [sflag:s22], $0x2800  }
0x3b: {  	[sflag:s22] =	ssyncset.done $0x0  }
0x3c: {  	[sflag:s22] =	ssyncadd.s32 $0xFFFFD800  }
0x3d: {  	_ =	swait.ge [sflag:s28], $0x2800  }
0x3e: {  	[sflag:s28] =	ssyncset.done $0x0  }
0x3f: {  	s5 =	simm.s32 $0x0;
	[sflag:s28] =	ssyncadd.s32 $0xFFFFD800  }
0x40: {  	v0 =	vld [tilespmem:s5+$0x70]  }
0x41: {  	v1 =	vld [tilespmem:s5+$0x2870]  }
0x42: {  	v2 =	vld [tilespmem:s5+$0x0]  }
0x43: {  	v3 =	vld [tilespmem:s5+$0x5070]  }
0x44: {  	v4 =	vld [tilespmem:s5+$0x2800]  }
0x45: {  	v5 =	vld [tilespmem:s5+$0x10]  }
0x46: {  	v6 =	vld [tilespmem:s5+$0x2810]  }
0x47: {  	v7 =	vld [tilespmem:s5+$0x2820]  }
0x48: {  	v9 =	vld [tilespmem:s5+$0x2830]  }
0x49: {  	v10 =	vld [tilespmem:s5+$0x40]  }
0x4a: {  	v11 =	vld [tilespmem:s5+$0x50]  }
0x4b: {  	v12 =	vld [tilespmem:s5+$0x2850]  }
0x4c: {  	v13 =	vld [tilespmem:s5+$0x60];
	v0 =	vadd.f32 v1, v0  }
0x4d: {  	v14 =	vld [tilespmem:s5+$0x2860]  }
0x4e: {  	v15 =	vld [tilespmem:s5+$0x5000];
	v0 =	vadd.f32 v3, v0  }
0x4f: {  	v1 =	vld [tilespmem:s5+$0x20]  }
0x50: {  	v3 =	vld [tilespmem:s5+$0x30];
	v0 =	vmax.f32 v0, $0.0e+00  }
0x51: {  	[tilespmem:s5+$0x7870] =	vst v0;
	v0 =	vld [tilespmem:s5+$0x2840]  }
0x52: {  	v16 =	vld [tilespmem:s5+$0x5010]  }
0x53: {  	v17 =	vld [tilespmem:s5+$0x5020]  }
0x54: {  	v8 =	vld [tilespmem:s5+$0x5030];
	v2 =	vadd.f32 v4, v2;
	v18 =	vadd.f32 v6, v5  }
0x55: {  	v19 =	vadd.f32 v7, v1;
	v7 =	vld [tilespmem:s5+$0x5040];
	v4 =	vadd.f32 v9, v3  }
0x56: {  	v6 =	vld [tilespmem:s5+$0x5050];
	v3 =	vadd.f32 v0, v10;
	v10 =	vadd.f32 v15, v2  }
0x57: {  	s14 =	simm.s32 $0x80;
	v5 =	vld [tilespmem:s5+$0x5060];
	v9 =	vadd.f32 v16, v18;
	v2 =	vadd.f32 v12, v11  }
0x58: {  	s15 =	simm.s32 $0x400;
	v1 =	vld [tilespmem:s14+$0x70];
	v0 =	vadd.f32 v14, v13;
	v11 =	vmax.f32 v10, $0.0e+00;
	v10 =	vadd.f32 v17, v19  }
.LBB2_3:
0x59: {  	p3 =	sne.s32 s15, $0x9E00;
	v12 =	vld [tilespmem:s14+$0x2870];
	[tilespmem:s5+$0x7800] =	vst v11;
	v9 =	vmax.f32 v9, $0.0e+00;
	v4 =	vadd.f32 v8, v4  }
0x5a: {  	v8 =	vld [tilespmem:s14+$0x0];
	[tilespmem:s5+$0x7810] =	vst v9;
	v9 =	vmax.f32 v10, $0.0e+00;
	v3 =	vadd.f32 v7, v3  }
0x5b: {  	v7 =	vld [tilespmem:s14+$0x5070];
	[tilespmem:s5+$0x7820] =	vst v9;
	v4 =	vmax.f32 v4, $0.0e+00;
	v2 =	vadd.f32 v6, v2  }
0x5c: {  	v6 =	vld [tilespmem:s14+$0x2800];
	[tilespmem:s5+$0x7830] =	vst v4;
	v3 =	vmax.f32 v3, $0.0e+00;
	v0 =	vadd.f32 v5, v0  }
0x5d: {  	v4 =	vld [tilespmem:s14+$0x10];
	[tilespmem:s5+$0x7840] =	vst v3;
	v2 =	vmax.f32 v2, $0.0e+00  }
0x5e: {  	v3 =	vld [tilespmem:s14+$0x2810];
	v1 =	vadd.f32 v12, v1;
	[tilespmem:s5+$0x7850] =	vst v2;
	v0 =	vmax.f32 v0, $0.0e+00  }
0x5f: {  	v2 =	vld [tilespmem:s14+$0x20];
	[tilespmem:s5+$0x7860] =	vst v0;
	s5 =	smov.u32 s14  }
0x60: {  	v0 =	vld [tilespmem:s5+$0x2820];
	v1 =	vadd.f32 v7, v1  }
0x61: {  	v5 =	vadd.f32 v6, v8;
	v6 =	vld [tilespmem:s5+$0x30]  }
0x62: {  	v7 =	vld [tilespmem:s5+$0x2830];
	v1 =	vmax.f32 v1, $0.0e+00  }
0x63: {  	v9 =	vadd.f32 v3, v4;
	v3 =	vld [tilespmem:s5+$0x40];
	[tilespmem:s5+$0x7870] =	vst v1  }
0x64: {  	v1 =	vld [tilespmem:s5+$0x2840]  }
0x65: {  	v10 =	vadd.f32 v0, v2;
	v0 =	vld [tilespmem:s5+$0x50]  }
0x66: {  	v2 =	vld [tilespmem:s5+$0x2850]  }
0x67: {  	v4 =	vadd.f32 v7, v6;
	v6 =	vld [tilespmem:s5+$0x60]  }
0x68: {  	v11 =	vld [tilespmem:s5+$0x2860]  }
0x69: {  	v12 =	vld [tilespmem:s5+$0x5000];
	v3 =	vadd.f32 v1, v3  }
0x6a: {  	v1 =	vld [tilespmem:s5+$0x5010]  }
0x6b: {  	v13 =	vld [tilespmem:s5+$0x5020];
	v2 =	vadd.f32 v2, v0  }
.Ltmp0:
0x6c: {  	v8 =	vld [tilespmem:s5+$0x5030];
	(pc) =	sbr.rel @p3 .LBB2_3-.Ltmp0, $4  }
0x6d: {  	v7 =	vld [tilespmem:s5+$0x5040];
	v0 =	vadd.f32 v11, v6  }
0x6e: {  	v11 =	vadd.f32 v12, v5;
	v6 =	vld [tilespmem:s5+$0x5050]  }
0x6f: {  	s14 =	sshra.s32 s15, $0x2;
	v9 =	vadd.f32 v1, v9;
	v5 =	vld [tilespmem:s5+$0x5060]  }
0x70: {  	s15 =	sadd.s32 $0x200, s15;
	v1 =	vld [tilespmem:s14+$0x70];
	v11 =	vmax.f32 v11, $0.0e+00;
	v10 =	vadd.f32 v13, v10  }
0x71: {  	v12 =	vld [tilespmem:s14+$0x2870];
	[tilespmem:s5+$0x7800] =	vst v11;
	v9 =	vmax.f32 v9, $0.0e+00;
	v4 =	vadd.f32 v8, v4  }
0x72: {  	v11 =	vld [tilespmem:s14+$0x0];
	[tilespmem:s5+$0x7810] =	vst v9;
	v41 =	vmax.f32 v10, $0.0e+00;
	v3 =	vadd.f32 v7, v3  }
0x73: {  	v9 =	vld [tilespmem:s14+$0x5070];
	[tilespmem:s5+$0x7820] =	vst v41;
	v4 =	vmax.f32 v4, $0.0e+00;
	v2 =	vadd.f32 v6, v2  }
0x74: {  	v42 =	vld [tilespmem:s14+$0x2800];
	[tilespmem:s5+$0x7830] =	vst v4;
	v3 =	vmax.f32 v3, $0.0e+00;
	v0 =	vadd.f32 v5, v0  }
0x75: {  	v4 =	vld [tilespmem:s14+$0x10];
	[tilespmem:s5+$0x7840] =	vst v3;
	v2 =	vmax.f32 v2, $0.0e+00  }
0x76: {  	v3 =	vld [tilespmem:s14+$0x2810];
	[tilespmem:s5+$0x7850] =	vst v2;
	v0 =	vmax.f32 v0, $0.0e+00  }
0x77: {  	v2 =	vld [tilespmem:s14+$0x20];
	[tilespmem:s5+$0x7860] =	vst v0  }
0x78: {  	v0 =	vld [tilespmem:s14+$0x2820]  }
0x79: {  	v43 =	vld [tilespmem:s14+$0x30]  }
0x7a: {  	v44 =	vld [tilespmem:s14+$0x2830]  }
0x7b: {  	v8 =	vld [tilespmem:s14+$0x40]  }
0x7c: {  	v45 =	vld [tilespmem:s14+$0x2840]  }
0x7d: {  	v46 =	vld [tilespmem:s14+$0x50]  }
0x7e: {  	v47 =	vld [tilespmem:s14+$0x2850]  }
0x7f: {  	v48 =	vld [tilespmem:s14+$0x60]  }
0x80: {  	v13 =	vld [tilespmem:s14+$0x2860]  }
0x81: {  	v14 =	vld [tilespmem:s14+$0x5000]  }
0x82: {  	v15 =	vld [tilespmem:s14+$0x5010]  }
0x83: {  	v1 =	vadd.f32 v12, v1;
	v16 =	vld [tilespmem:s14+$0x5020]  }
0x84: {  	v49 =	vld [tilespmem:s14+$0x5030];
	v7 =	vadd.f32 v42, v11  }
0x85: {  	v1 =	vadd.f32 v9, v1;
	v50 =	vld [tilespmem:s14+$0x5040];
	v3 =	vadd.f32 v3, v4  }
0x86: {  	v52 =	vld [tilespmem:s14+$0x5050];
	v0 =	vadd.f32 v0, v2;
	v51 =	vadd.f32 v14, v7  }
0x87: {  	v53 =	vld [tilespmem:s14+$0x5060];
	v1 =	vmax.f32 v1, $0.0e+00;
	v5 =	vadd.f32 v44, v43;
	v3 =	vadd.f32 v15, v3  }
0x88: {  	[tilespmem:s14+$0x7870] =	vst v1;
	v1 =	vadd.f32 v45, v8;
	v0 =	vadd.f32 v16, v0;
	v2 =	vmax.f32 v51, $0.0e+00  }
0x89: {  	v54 =	vadd.f32 v47, v46;
	v55 =	vmax.f32 v3, $0.0e+00;
	v56 =	vadd.f32 v49, v5;
	[tilespmem:s14+$0x7800] =	vst v2  }
0x8a: {  	v57 =	vadd.f32 v13, v48;
	v1 =	vadd.f32 v50, v1;
	[tilespmem:s14+$0x7810] =	vst v55;
	v0 =	vmax.f32 v0, $0.0e+00  }
0x8b: {  	v59 =	vadd.f32 v52, v54;
	v58 =	vmax.f32 v56, $0.0e+00;
	[tilespmem:s14+$0x7820] =	vst v0  }
0x8c: {  	v61 =	vadd.f32 v53, v57;
	v60 =	vmax.f32 v1, $0.0e+00;
	[tilespmem:s14+$0x7830] =	vst v58  }
0x8d: {  	v62 =	vmax.f32 v59, $0.0e+00;
	[tilespmem:s14+$0x7840] =	vst v60  }
0x8e: {  	v63 =	vmax.f32 v61, $0.0e+00;
	[tilespmem:s14+$0x7850] =	vst v62  }
0x8f: {  	s0 =	sadd.s32 s12, s0;
	[tilespmem:s14+$0x7860] =	vst v63  }
0x90: {  	[hbm4b:s0+s4] =	stream.linear.scatter [tilespmem:s29], [sflag:$0x1], $0x2800, $0x38;
	[tilespmem:$0x1DA80] =	vst v63  }
0x91: {  	_ = 	snop  }
0x92: {  	[spmem:s2] =	stream.indirect.scatter.add.f32 [tilespmem:s29], [sflag:$0x2], $0x80, s20, s23, $0xb8;
	[tilespmem:$0x1DA80] =	vst v63  }
0x93: {  	_ = 	snop  }
0x94: {  	[spmem:s3] =	stream.indirect.scatter.add.f32 [tilespmem:s29], [sflag:$0x2], $0x80, s21, s23, $0xb8;
	[tilespmem:$0x1DA80] =	vst v63  }
0x95: {  	_ =	swait.ge [sflag:s22], $0x2800  }
0x96: {  	[sflag:s22] =	ssyncset.done $0x0  }
0x97: {  	s31 =	sadd.s32 $0x1, s31;
	[sflag:s22] =	ssyncadd.s32 $0xFFFFD800  }
0x98: {  	p3 =	sne.s32 s31, $0x7D;
	_ =	swait.ge [sflag:s28], $0x2800  }
.Ltmp1:
0x99: {  	[sflag:s28] =	ssyncset.done $0x0;
	(pc) =	sbr.rel @p3 .LBB2_2-.Ltmp1, $4  }
0x9a: {  	[sflag:s28] =	ssyncadd.s32 $0xFFFFD800  }
0x9b: {  	_ =	swait.ge [sflag:s28], $0x2800  }
0x9c: {  	[sflag:s28] =	ssyncset.done $0x0  }
0x9d: {  	[sflag:s28] =	ssyncadd.s32 $0xFFFFD800  }
0x9e: {  	s0 =	stileid.u32  }
0x9f: {  	[bflag:$0x0] =	sbarrier.arrive $0xFFFF;
	s0 =	sshll.u32 @!p1 s0, $0x6  }
0xa0: {  	s5 =	rddreg [dreg:$0x6];
	s0 =	sor.u32 @!p1 $0x1C03, s0  }
0xa1: {  	[hbm:s5], [sflag:s0] =	dma.local @!p1 [spmem:s25], $0x3E80  }
0xa2: {  	s0 =	simm.s32 @!p1 $0x3  }
0xa3: {  	s30 =	sadd.s32 $0x1, s30;
	_ =	swait.ge @!p1 [sflag:s0], $0x3E80  }
0xa4: {  	p3 =	sne.s32 s30, s16;
	s5 =	simm.s32 @!p2 $0x1C03;
	[sflag:s0] =	ssyncset.done @!p1 $0x0  }
0xa5: {  	s14 =	rddreg [dreg:$0x7];
	[sflag:s0] =	ssyncadd.s32 @!p1 $0xFFFFC180;
	s0 =	sshrl.u32 @!p2 s3, $0x3  }
0xa6: {  	[hbm:s14], [sflag:s5] =	dma.local @!p2 [spmem:s0], $0x100  }
.Ltmp2:
0xa7: {  	_ = 	snop;
	(pc) =	sbr.rel @p3 .LBB2_1-.Ltmp2, $4  }
0xa8: {  	s0 =	simm.s32 @!p2 $0x3  }
0xa9: {  	_ =	swait.ge @!p2 [sflag:s0], $0x100  }
0xaa: {  	[sflag:s0] =	ssyncset.done @!p2 $0x0  }
0xab: {  	[sflag:s0] =	ssyncadd.s32 @!p2 $0xFFFFFF00  }
0xac: {  	_ =	sfence.sel $0x180000  }
0xad: {  	[bflag:$0x0] =	sbarrier.arrive $0xFFFF  }
0xae: {  	_ =	strace $0x90000059  }
0xaf: {  	[bflag:$0x2] =	sbarrier.arrive $0xFFFF  }
0xb0: {  	s0 =	rddreg [dreg:$0x5]  }
0xb1: {  	s0 =	sadd.s32 @!p0 $0x100000, s0  }
0xb2: {  	[sflag:s0] =	ssyncadd.tile.s32 @!p0 $0x1;
	_ =	shalt  }
.Lfunc_end2:
_tile_overlayer_lowered:
.L_overlay_start_2:
0xb3: {  	(tag) =	ssettag $0x2  }
0xb4: {  	s0 =	rddreg [dreg:$0x0];
	s2 =	stileid.u32  }
0xb5: {  	s1 =	rddreg [dreg:$0x1];
	p0 =	sne.s32 s2, $0x0  }
0xb6: {  	s3 =	rddreg [dreg:$0x2];
	[bflag:$0x3] =	sbarrier.arrive $0xFFFF;
	s2 =	simm.s32 @!p0 $0x1C03  }
0xb7: {  	[timem:s3], [sflag:s2] =	dma.local @!p0 [hbm:s0], s1  }
0xb8: {  	s0 =	simm.s32 @!p0 $0x3  }
0xb9: {  	_ =	swait.ge @!p0 [sflag:s0], s1  }
0xba: {  	s1 =	ssub.s32 @!p0 $0x0, s1;
	[sflag:s0] =	ssyncset.done @!p0 $0x0  }
0xbb: {  	[sflag:s0] =	ssyncadd.s32 @!p0 s1  }
0xbc: {  	[bflag:$0x3] =	sbarrier.arrive $0xFFFF  }
0xbd: {  	_ =	shalt  }

</sc_bundles>
